<compile_context>
chip_gen: v7x
topology: tpu7x:2x2x1
jax: 0.10.2.dev20260603
libtpu: 0.0.44.dev20260713+nightly
codegen_flags: <defaults>
</compile_context>

<pallas_src>
import functools

import jax
import jax.numpy as jnp
from jax import lax
from jax.experimental import pallas as pl
from jax.experimental.pallas import tpu as pltpu
from jax.experimental.pallas import tpu_sc as plsc

N = 10000
E = 320000
DIM = 128
G = 16
C = 16

NC = 2
NS = 16
NW = NC * NS
EPT = E // NW
CH = 128
NCH = 2 * (-(-EPT // (2 * CH)))
EPT_PAD = NCH * CH
NPAD = 112
NROW = N + NPAD
ZR = NROW // NS
OA = 624

_mesh = plsc.VectorSubcoreMesh(core_axis_name="c", subcore_axis_name="s")


@functools.partial(
    pl.kernel,
    mesh=_mesh,
    out_type=jax.ShapeDtypeStruct((NC, N, DIM), jnp.float32),
    scratch_types=[
        pltpu.VMEM((NCH // 2, CH), jnp.int32),
        pltpu.VMEM((NCH // 2, CH), jnp.int32),
        pltpu.VMEM((CH, DIM), jnp.float32),
        pltpu.VMEM((CH, DIM), jnp.float32),
        pltpu.VMEM_SHARED((NROW, DIM), jnp.float32),
        pltpu.SemaphoreType.DMA,
        pltpu.SemaphoreType.DMA,
    ],
)
def _segsum_sc(h_hbm, src_hbm, dst_hbm, zero_hbm, out_hbm,
               sidx, didx, rows0, rows1, agg, sg0, sg1):
    c = lax.axis_index("c")
    s = lax.axis_index("s")
    wid = c * NS + s
    zoff = pl.multiple_of(s * ZR, 8)
    pltpu.sync_copy(zero_hbm.at[pl.ds(zoff, ZR)], agg.at[pl.ds(zoff, ZR)])
    plsc.subcore_barrier()
    HNCH = NCH // 2

    def _pass(base):
        pltpu.sync_copy(src_hbm.at[wid, pl.ds(base, HNCH)], sidx)
        pltpu.sync_copy(dst_hbm.at[wid, pl.ds(base, HNCH)], didx)
        pltpu.async_copy(h_hbm.at[sidx.at[0]], rows0, sg0)
        pltpu.async_copy(h_hbm.at[sidx.at[1]], rows1, sg1)

        def body(j2, _):
            j = j2 * 2
            pltpu.make_async_copy(h_hbm.at[sidx.at[j]], rows0, sg0).wait()
            pltpu.sync_copy(rows0, agg.at[didx.at[j]], add=True)

            @pl.when(j + 2 < HNCH)
            def _():
                pltpu.async_copy(h_hbm.at[sidx.at[j + 2]], rows0, sg0)

            pltpu.make_async_copy(h_hbm.at[sidx.at[j + 1]], rows1, sg1).wait()
            pltpu.sync_copy(rows1, agg.at[didx.at[j + 1]], add=True)

            @pl.when(j + 3 < HNCH)
            def _():
                pltpu.async_copy(h_hbm.at[sidx.at[j + 3]], rows1, sg1)

            return ()

        lax.fori_loop(0, HNCH // 2, body, (), unroll=False)

    _pass(0)
    _pass(HNCH)
    plsc.subcore_barrier()
    ooff = pl.multiple_of(s * OA, 8)

    @pl.when(s < NS - 1)
    def _():
        pltpu.sync_copy(agg.at[pl.ds(ooff, OA)],
                        out_hbm.at[c, pl.ds(ooff, OA)])

    @pl.when(s == NS - 1)
    def _():
        pltpu.sync_copy(agg.at[pl.ds((NS - 1) * OA, N - (NS - 1) * OA)],
                        out_hbm.at[c, pl.ds((NS - 1) * OA, N - (NS - 1) * OA)])


def _dense_body(h_ref, p_ref, wa_ref, ba_ref, wb_ref, bb_ref, g_ref, be_ref,
                o_ref):
    z = h_ref[...] + p_ref[0] + p_ref[1]
    z = lax.dot_general(z, wa_ref[...], (((1,), (0,)), ((), ())),
                        preferred_element_type=jnp.float32,
                        precision=lax.Precision.HIGHEST)
    z = jnp.maximum(z + ba_ref[...], 0.0)
    z = lax.dot_general(z, wb_ref[...], (((1,), (0,)), ((), ())),
                        preferred_element_type=jnp.float32,
                        precision=lax.Precision.HIGHEST)
    z = jnp.maximum(z + bb_ref[...], 0.0)
    mu = jnp.mean(z, axis=0, keepdims=True)
    d = z - mu
    var = jnp.mean(d * d, axis=0, keepdims=True)
    o_ref[...] = g_ref[...] * d * lax.rsqrt(var + 1e-5) + be_ref[...]


_dense = pl.pallas_call(
    _dense_body,
    out_shape=jax.ShapeDtypeStruct((N, DIM), jnp.float32),
)


def _head_body(h_ref, b_ref, w1_ref, b1_ref, w2_ref, b2_ref, o_ref):
    oh = (b_ref[...] == lax.broadcasted_iota(jnp.int32, (1, G), 1)
          ).astype(jnp.float32)
    sums = lax.dot_general(oh, h_ref[...], (((0,), (0,)), ((), ())),
                           preferred_element_type=jnp.float32,
                           precision=lax.Precision.HIGHEST)
    ones = jnp.full((N, 1), 1.0, jnp.float32)
    cnt = lax.dot_general(oh, ones, (((0,), (0,)), ((), ())),
                          preferred_element_type=jnp.float32,
                          precision=lax.Precision.HIGHEST)
    p = sums / jnp.maximum(cnt, 1.0)
    p = lax.dot_general(p, w1_ref[...], (((1,), (0,)), ((), ())),
                        preferred_element_type=jnp.float32,
                        precision=lax.Precision.HIGHEST)
    p = jnp.maximum(p + b1_ref[...], 0.0)
    p = lax.dot_general(p, w2_ref[...], (((1,), (0,)), ((), ())),
                        preferred_element_type=jnp.float32,
                        precision=lax.Precision.HIGHEST)
    p = p + b2_ref[...]
    m = jnp.max(p, axis=1, keepdims=True)
    lse = m + jnp.log(jnp.sum(jnp.exp(p - m), axis=1, keepdims=True))
    o_ref[...] = p - lse


_head = pl.pallas_call(
    _head_body,
    out_shape=jax.ShapeDtypeStruct((G, C), jnp.float32),
)


def kernel(x, edge_index, batch,
           W1a, b1a, W1b, b1b, g1, be1,
           W2a, b2a, W2b, b2b, g2, be2,
           W3a, b3a, W3b, b3b, g3, be3,
           W4a, b4a, W4b, b4b, g4, be4,
           W5a, b5a, W5b, b5b, g5, be5,
           fc1_W, fc1_b, fc2_W, fc2_b):
    layers = [(W1a, b1a, W1b, b1b, g1, be1),
              (W2a, b2a, W2b, b2b, g2, be2),
              (W3a, b3a, W3b, b3b, g3, be3),
              (W4a, b4a, W4b, b4b, g4, be4),
              (W5a, b5a, W5b, b5b, g5, be5)]
    src = edge_index[0].reshape(NW, EPT)
    dst = edge_index[1].reshape(NW, EPT)
    pad = EPT_PAD - EPT
    pad_src = (jnp.arange(NW, dtype=jnp.int32)[:, None] * 997
               + jnp.arange(pad, dtype=jnp.int32)[None, :] * 31) % N
    srcp = jnp.concatenate([src, pad_src], axis=1).reshape(NW, NCH, CH)
    pad_dst = jnp.broadcast_to(N + (jnp.arange(pad, dtype=jnp.int32) % NPAD),
                               (NW, pad))
    dstp = jnp.concatenate([dst, pad_dst], axis=1).reshape(NW, NCH, CH)
    zero = jnp.zeros((NROW, DIM), jnp.float32)
    h = x
    for (wa, ba, wb, bb, gg, be) in layers:
        p = _segsum_sc(h, srcp, dstp, zero)
        h = _dense(h, p, wa, ba.reshape(1, DIM), wb, bb.reshape(1, DIM),
                   gg.reshape(1, DIM), be.reshape(1, DIM))
    return _head(h, batch.reshape(N, 1), fc1_W, fc1_b.reshape(1, DIM),
                 fc2_W, fc2_b.reshape(1, C))

# --- scband reference (transcript-rebuilt; emitter-appended) ---
"""Pipeline reference for scband-gin-60919816126945 (READ-ONLY COPY).

The authoritative reference and input builder live on the scoring server;
editing this copy changes nothing except your own understanding.
"""

import jax, jax.numpy as jnp
import numpy as np

N = 10000
E = 320000
F_IN = 128
DIM = 128
C = 16
G = 16


def setup_inputs(seed: int = 0) -> dict:
    key = jax.random.key(seed)
    ks = jax.random.split(key, 64)
    inp = {}
    inp["x"] = jax.random.normal(ks[0], (N, F_IN), dtype=jnp.float32)
    inp["edge_index"] = jax.random.randint(ks[1], (2, E), 0, N, dtype=jnp.int32)
    inp["batch"] = jnp.sort(jax.random.randint(ks[2], (N,), 0, G, dtype=jnp.int32))
    kidx = 3
    dims = [(F_IN, DIM)] + [(DIM, DIM)] * 4
    for i, (din, dout) in enumerate(dims, 1):
        inp[f"W{i}a"] = jax.random.normal(ks[kidx], (din, DIM), dtype=jnp.float32) * 0.05; kidx += 1
        inp[f"b{i}a"] = jnp.zeros((DIM,), dtype=jnp.float32)
        inp[f"W{i}b"] = jax.random.normal(ks[kidx], (DIM, DIM), dtype=jnp.float32) * 0.05; kidx += 1
        inp[f"b{i}b"] = jnp.zeros((DIM,), dtype=jnp.float32)
        inp[f"g{i}"] = jnp.ones((DIM,), dtype=jnp.float32)
        inp[f"be{i}"] = jnp.zeros((DIM,), dtype=jnp.float32)
    inp["fc1_W"] = jax.random.normal(ks[kidx], (DIM, DIM), dtype=jnp.float32) * 0.05; kidx += 1
    inp["fc1_b"] = jnp.zeros((DIM,), dtype=jnp.float32)
    inp["fc2_W"] = jax.random.normal(ks[kidx], (DIM, C), dtype=jnp.float32) * 0.05; kidx += 1
    inp["fc2_b"] = jnp.zeros((C,), dtype=jnp.float32)
    return inp


def reference(x, edge_index, batch,
              W1a, b1a, W1b, b1b, g1, be1,
              W2a, b2a, W2b, b2b, g2, be2,
              W3a, b3a, W3b, b3b, g3, be3,
              W4a, b4a, W4b, b4b, g4, be4,
              W5a, b5a, W5b, b5b, g5, be5,
              fc1_W, fc1_b, fc2_W, fc2_b):
    kw = dict(locals())
    x = kw["x"]
    ei = kw["edge_index"]
    batch = kw["batch"]
    src, dst = ei[0], ei[1]
    h = x
    for i in range(1, 6):
        # GINConv: mlp((1+eps)*x + sum_{j in N(i)} x_j), eps=0
        agg = jax.ops.segment_sum(h[src], dst, num_segments=N)
        z = h + agg
        z = jax.nn.relu(z @ kw[f"W{i}a"] + kw[f"b{i}a"])
        z = z @ kw[f"W{i}b"] + kw[f"b{i}b"]
        # F.relu after conv
        z = jax.nn.relu(z)
        # BatchNorm1d (training mode: batch stats, biased variance)
        mu = jnp.mean(z, axis=0)
        var = jnp.mean((z - mu) ** 2, axis=0)
        h = kw[f"g{i}"] * (z - mu) / jnp.sqrt(var + 1e-5) + kw[f"be{i}"]
    # global_mean_pool
    sums = jax.ops.segment_sum(h, batch, num_segments=G)
    cnt = jax.ops.segment_sum(jnp.ones((h.shape[0], 1), h.dtype), batch, num_segments=G)
    p = sums / jnp.maximum(cnt, 1.0)
    p = jax.nn.relu(p @ kw["fc1_W"] + kw["fc1_b"])
    p = p @ kw["fc2_W"] + kw["fc2_b"]
    return jax.nn.log_softmax(p, axis=-1)

if __name__ == "__main__":
    import jax
    _d = setup_inputs()
    print(jax.jit(kernel)(*tuple(_d.values())))

</pallas_src>

<mosaic_0001>
#map = affine_map<(d0, d1) -> (0, 0)>
#map1 = affine_map<(d0, d1) -> (0, 0, 0)>
module attributes {stable_mosaic.version = 14 : i64} {
  func.func @_segsum_sc(%arg0: i32, %arg1: i32, %arg2: memref<10000x128xf32, #tpu.memory_space<hbm>>, %arg3: memref<32x80x128xi32, #tpu.memory_space<hbm>>, %arg4: memref<32x80x128xi32, #tpu.memory_space<hbm>>, %arg5: memref<10112x128xf32, #tpu.memory_space<hbm>>, %arg6: memref<2x10000x128xf32, #tpu.memory_space<hbm>>, %arg7: memref<40x128xi32, #tpu.memory_space<vmem>>, %arg8: memref<40x128xi32, #tpu.memory_space<vmem>>, %arg9: memref<128x128xf32, #tpu.memory_space<vmem>>, %arg10: memref<128x128xf32, #tpu.memory_space<vmem>>, %arg11: memref<10112x128xf32, #tpu.memory_space<vmem_shared>>, %arg12: memref<!tpu.dma_semaphore, #tpu.memory_space<semaphore_mem>>, %arg13: memref<!tpu.dma_semaphore, #tpu.memory_space<semaphore_mem>>) attributes {dimension_semantics = [#tpu.dimension_semantics<core_parallel>, #tpu.dimension_semantics<subcore_parallel>], iteration_bounds = array<i64: 2, 16>, scalar_prefetch = 0 : i64, scratch_operands = 7 : i64, tpu.core_type = #tpu.core_type<sc_vector_subcore>, window_params = [{transform_indices = #map}, {transform_indices = #map1}, {transform_indices = #map1}, {transform_indices = #map}, {transform_indices = #map1}]} {
    %mul3A = arith.constant 16 : i32
    %mul3A_0 = arith.muli %arg0, %mul3A : i32
    %add3A = arith.addi %mul3A_0, %arg1 : i32
    %mul3A_1 = arith.constant 632 : i32
    %mul3A_2 = arith.muli %arg1, %mul3A_1 : i32
    %multiple_of3A = tpu.assume_multiple %mul3A_2, 8 : i32
    "tpu.region"() ({
      %run_scoped3A = tpu.sem_alloc : memref<!tpu.dma_semaphore, #tpu.memory_space<semaphore_mem>>
      %dma_start3A_49 = arith.constant 0 : i32
      %dma_start3A_50 = tpu.memref_slice %arg11[%multiple_of3A, %dma_start3A_49] : memref<10112x128xf32, #tpu.memory_space<vmem_shared>> -> memref<632x128xf32, #tpu.memory_space<vmem_shared>>
      %dma_start3A_51 = arith.constant 0 : i32
      %dma_start3A_52 = tpu.memref_slice %arg5[%multiple_of3A, %dma_start3A_51] : memref<10112x128xf32, #tpu.memory_space<hbm>> -> memref<632x128xf32, #tpu.memory_space<hbm>>
      tpu.enqueue_dma source(%dma_start3A_52 : memref<632x128xf32, #tpu.memory_space<hbm>>) target(%dma_start3A_50 : memref<632x128xf32, #tpu.memory_space<vmem_shared>>) target_semaphore(%run_scoped3A : memref<!tpu.dma_semaphore, #tpu.memory_space<semaphore_mem>>)
      %dma_wait3A = arith.constant 0 : i32
      %dma_wait3A_53 = tpu.memref_slice %arg11[%multiple_of3A, %dma_wait3A] : memref<10112x128xf32, #tpu.memory_space<vmem_shared>> -> memref<632x128xf32, #tpu.memory_space<vmem_shared>>
      %dma_wait3A_54 = arith.constant 0 : i32
      %dma_wait3A_55 = tpu.memref_slice %arg5[%multiple_of3A, %dma_wait3A_54] : memref<10112x128xf32, #tpu.memory_space<hbm>> -> memref<632x128xf32, #tpu.memory_space<hbm>>
      tpu.wait_dma2 semaphore(%run_scoped3A : memref<!tpu.dma_semaphore, #tpu.memory_space<semaphore_mem>>) src(%dma_wait3A_55 : memref<632x128xf32, #tpu.memory_space<hbm>>) dst(%dma_wait3A_53 : memref<632x128xf32, #tpu.memory_space<vmem_shared>>)
      tpu.yield
    }) : () -> ()
    %barrier3A = arith.constant 0 : index
    tpu.barrier barrier_id(%barrier3A)
    "tpu.region"() ({
      %run_scoped3A = tpu.sem_alloc : memref<!tpu.dma_semaphore, #tpu.memory_space<semaphore_mem>>
      %dma_start3A_49 = arith.constant 0 : i32
      %dma_start3A_50 = arith.constant 0 : i32
      %dma_start3A_51 = tpu.memref_slice %arg3[%add3A, %dma_start3A_49, %dma_start3A_50] : memref<32x80x128xi32, #tpu.memory_space<hbm>> -> memref<1x40x128xi32, #tpu.memory_space<hbm>>
      %dma_start3A_52 = tpu.memref_squeeze %dma_start3A_51 : memref<1x40x128xi32, #tpu.memory_space<hbm>> -> memref<40x128xi32, #tpu.memory_space<hbm>>
      %dma_start3A_53 = arith.constant 0 : i32
      %dma_start3A_54 = arith.constant 0 : i32
      %dma_start3A_55 = tpu.memref_slice %arg3[%add3A, %dma_start3A_53, %dma_start3A_54] : memref<32x80x128xi32, #tpu.memory_space<hbm>> -> memref<1x40x128xi32, #tpu.memory_space<hbm>>
      %dma_start3A_56 = tpu.memref_squeeze %dma_start3A_55 : memref<1x40x128xi32, #tpu.memory_space<hbm>> -> memref<40x128xi32, #tpu.memory_space<hbm>>
      tpu.enqueue_dma source(%dma_start3A_56 : memref<40x128xi32, #tpu.memory_space<hbm>>) target(%arg7 : memref<40x128xi32, #tpu.memory_space<vmem>>) target_semaphore(%run_scoped3A : memref<!tpu.dma_semaphore, #tpu.memory_space<semaphore_mem>>)
      %dma_wait3A = arith.constant 0 : i32
      %dma_wait3A_57 = arith.constant 0 : i32
      %dma_wait3A_58 = tpu.memref_slice %arg3[%add3A, %dma_wait3A, %dma_wait3A_57] : memref<32x80x128xi32, #tpu.memory_space<hbm>> -> memref<1x40x128xi32, #tpu.memory_space<hbm>>
      %dma_wait3A_59 = tpu.memref_squeeze %dma_wait3A_58 : memref<1x40x128xi32, #tpu.memory_space<hbm>> -> memref<40x128xi32, #tpu.memory_space<hbm>>
      %dma_wait3A_60 = arith.constant 0 : i32
      %dma_wait3A_61 = arith.constant 0 : i32
      %dma_wait3A_62 = tpu.memref_slice %arg3[%add3A, %dma_wait3A_60, %dma_wait3A_61] : memref<32x80x128xi32, #tpu.memory_space<hbm>> -> memref<1x40x128xi32, #tpu.memory_space<hbm>>
      %dma_wait3A_63 = tpu.memref_squeeze %dma_wait3A_62 : memref<1x40x128xi32, #tpu.memory_space<hbm>> -> memref<40x128xi32, #tpu.memory_space<hbm>>
      tpu.wait_dma2 semaphore(%run_scoped3A : memref<!tpu.dma_semaphore, #tpu.memory_space<semaphore_mem>>) src(%dma_wait3A_63 : memref<40x128xi32, #tpu.memory_space<hbm>>) dst(%arg7 : memref<40x128xi32, #tpu.memory_space<vmem>>)
      tpu.yield
    }) : () -> ()
    "tpu.region"() ({
      %run_scoped3A = tpu.sem_alloc : memref<!tpu.dma_semaphore, #tpu.memory_space<semaphore_mem>>
      %dma_start3A_49 = arith.constant 0 : i32
      %dma_start3A_50 = arith.constant 0 : i32
      %dma_start3A_51 = tpu.memref_slice %arg4[%add3A, %dma_start3A_49, %dma_start3A_50] : memref<32x80x128xi32, #tpu.memory_space<hbm>> -> memref<1x40x128xi32, #tpu.memory_space<hbm>>
      %dma_start3A_52 = tpu.memref_squeeze %dma_start3A_51 : memref<1x40x128xi32, #tpu.memory_space<hbm>> -> memref<40x128xi32, #tpu.memory_space<hbm>>
      %dma_start3A_53 = arith.constant 0 : i32
      %dma_start3A_54 = arith.constant 0 : i32
      %dma_start3A_55 = tpu.memref_slice %arg4[%add3A, %dma_start3A_53, %dma_start3A_54] : memref<32x80x128xi32, #tpu.memory_space<hbm>> -> memref<1x40x128xi32, #tpu.memory_space<hbm>>
      %dma_start3A_56 = tpu.memref_squeeze %dma_start3A_55 : memref<1x40x128xi32, #tpu.memory_space<hbm>> -> memref<40x128xi32, #tpu.memory_space<hbm>>
      tpu.enqueue_dma source(%dma_start3A_56 : memref<40x128xi32, #tpu.memory_space<hbm>>) target(%arg8 : memref<40x128xi32, #tpu.memory_space<vmem>>) target_semaphore(%run_scoped3A : memref<!tpu.dma_semaphore, #tpu.memory_space<semaphore_mem>>)
      %dma_wait3A = arith.constant 0 : i32
      %dma_wait3A_57 = arith.constant 0 : i32
      %dma_wait3A_58 = tpu.memref_slice %arg4[%add3A, %dma_wait3A, %dma_wait3A_57] : memref<32x80x128xi32, #tpu.memory_space<hbm>> -> memref<1x40x128xi32, #tpu.memory_space<hbm>>
      %dma_wait3A_59 = tpu.memref_squeeze %dma_wait3A_58 : memref<1x40x128xi32, #tpu.memory_space<hbm>> -> memref<40x128xi32, #tpu.memory_space<hbm>>
      %dma_wait3A_60 = arith.constant 0 : i32
      %dma_wait3A_61 = arith.constant 0 : i32
      %dma_wait3A_62 = tpu.memref_slice %arg4[%add3A, %dma_wait3A_60, %dma_wait3A_61] : memref<32x80x128xi32, #tpu.memory_space<hbm>> -> memref<1x40x128xi32, #tpu.memory_space<hbm>>
      %dma_wait3A_63 = tpu.memref_squeeze %dma_wait3A_62 : memref<1x40x128xi32, #tpu.memory_space<hbm>> -> memref<40x128xi32, #tpu.memory_space<hbm>>
      tpu.wait_dma2 semaphore(%run_scoped3A : memref<!tpu.dma_semaphore, #tpu.memory_space<semaphore_mem>>) src(%dma_wait3A_63 : memref<40x128xi32, #tpu.memory_space<hbm>>) dst(%arg8 : memref<40x128xi32, #tpu.memory_space<vmem>>)
      tpu.yield
    }) : () -> ()
    %dma_start3A = arith.constant 0 : i32
    %dma_start3A_3 = arith.constant 0 : i32
    %dma_start3A_4 = tpu.memref_slice %arg7[%dma_start3A, %dma_start3A_3] : memref<40x128xi32, #tpu.memory_space<vmem>> -> memref<1x128xi32, #tpu.memory_space<vmem>>
    %dma_start3A_5 = tpu.memref_squeeze %dma_start3A_4 : memref<1x128xi32, #tpu.memory_space<vmem>> -> memref<128xi32, #tpu.memory_space<vmem>>
    %dma_start3A_6 = arith.constant 0 : i32
    %dma_start3A_7 = arith.constant 0 : i32
    %dma_start3A_8 = tpu.memref_slice %arg2[%dma_start3A_6, %dma_start3A_7] : memref<10000x128xf32, #tpu.memory_space<hbm>> -> memref<10000x128xf32, #tpu.memory_space<hbm>>
    tpu.enqueue_indirect_dma source(%dma_start3A_8 : memref<10000x128xf32, #tpu.memory_space<hbm>>) target(%arg9 : memref<128x128xf32, #tpu.memory_space<vmem>>) offsets(%dma_start3A_5 : memref<128xi32, #tpu.memory_space<vmem>>) semaphore(%arg12 : memref<!tpu.dma_semaphore, #tpu.memory_space<semaphore_mem>>)
    %dma_start3A_9 = arith.constant 1 : i32
    %dma_start3A_10 = arith.constant 0 : i32
    %dma_start3A_11 = tpu.memref_slice %arg7[%dma_start3A_9, %dma_start3A_10] : memref<40x128xi32, #tpu.memory_space<vmem>> -> memref<1x128xi32, #tpu.memory_space<vmem>>
    %dma_start3A_12 = tpu.memref_squeeze %dma_start3A_11 : memref<1x128xi32, #tpu.memory_space<vmem>> -> memref<128xi32, #tpu.memory_space<vmem>>
    %dma_start3A_13 = arith.constant 0 : i32
    %dma_start3A_14 = arith.constant 0 : i32
    %dma_start3A_15 = tpu.memref_slice %arg2[%dma_start3A_13, %dma_start3A_14] : memref<10000x128xf32, #tpu.memory_space<hbm>> -> memref<10000x128xf32, #tpu.memory_space<hbm>>
    tpu.enqueue_indirect_dma source(%dma_start3A_15 : memref<10000x128xf32, #tpu.memory_space<hbm>>) target(%arg10 : memref<128x128xf32, #tpu.memory_space<vmem>>) offsets(%dma_start3A_12 : memref<128xi32, #tpu.memory_space<vmem>>) semaphore(%arg13 : memref<!tpu.dma_semaphore, #tpu.memory_space<semaphore_mem>>)
    %scan3A = arith.constant 0 : i32
    %scan3A_16 = arith.constant 20 : i32
    %scan3A_17 = arith.addi %scan3A, %scan3A_16 : i32
    %scan3A_18 = arith.constant 1 : i32
    scf.for %scan3A_49 = %scan3A to %scan3A_17 step %scan3A_18  : i32 {
      %mul3A_50 = arith.constant 2 : i32
      %mul3A_51 = arith.muli %scan3A_49, %mul3A_50 : i32
      %dma_wait3A = arith.constant 0 : i32
      %dma_wait3A_52 = tpu.memref_slice %arg7[%mul3A_51, %dma_wait3A] : memref<40x128xi32, #tpu.memory_space<vmem>> -> memref<1x128xi32, #tpu.memory_space<vmem>>
      %dma_wait3A_53 = tpu.memref_squeeze %dma_wait3A_52 : memref<1x128xi32, #tpu.memory_space<vmem>> -> memref<128xi32, #tpu.memory_space<vmem>>
      %dma_wait3A_54 = arith.constant 0 : i32
      %dma_wait3A_55 = arith.constant 0 : i32
      %dma_wait3A_56 = tpu.memref_slice %arg2[%dma_wait3A_54, %dma_wait3A_55] : memref<10000x128xf32, #tpu.memory_space<hbm>> -> memref<10000x128xf32, #tpu.memory_space<hbm>>
      tpu.wait_indirect_dma semaphore(%arg12 : memref<!tpu.dma_semaphore, #tpu.memory_space<semaphore_mem>>) src(%dma_wait3A_56 : memref<10000x128xf32, #tpu.memory_space<hbm>>) dst(%arg9 : memref<128x128xf32, #tpu.memory_space<vmem>>)
      "tpu.region"() ({
        %run_scoped3A = tpu.sem_alloc : memref<!tpu.dma_semaphore, #tpu.memory_space<semaphore_mem>>
        %dma_start3A_81 = arith.constant 0 : i32
        %dma_start3A_82 = tpu.memref_slice %arg8[%mul3A_51, %dma_start3A_81] : memref<40x128xi32, #tpu.memory_space<vmem>> -> memref<1x128xi32, #tpu.memory_space<vmem>>
        %dma_start3A_83 = tpu.memref_squeeze %dma_start3A_82 : memref<1x128xi32, #tpu.memory_space<vmem>> -> memref<128xi32, #tpu.memory_space<vmem>>
        %dma_start3A_84 = arith.constant 0 : i32
        %dma_start3A_85 = arith.constant 0 : i32
        %dma_start3A_86 = tpu.memref_slice %arg11[%dma_start3A_84, %dma_start3A_85] : memref<10112x128xf32, #tpu.memory_space<vmem_shared>> -> memref<10112x128xf32, #tpu.memory_space<vmem_shared>>
        tpu.enqueue_indirect_dma source(%arg9 : memref<128x128xf32, #tpu.memory_space<vmem>>) target(%dma_start3A_86 : memref<10112x128xf32, #tpu.memory_space<vmem_shared>>) offsets(%dma_start3A_83 : memref<128xi32, #tpu.memory_space<vmem>>) semaphore(%run_scoped3A : memref<!tpu.dma_semaphore, #tpu.memory_space<semaphore_mem>>) {add = true}
        %dma_wait3A_87 = arith.constant 0 : i32
        %dma_wait3A_88 = tpu.memref_slice %arg8[%mul3A_51, %dma_wait3A_87] : memref<40x128xi32, #tpu.memory_space<vmem>> -> memref<1x128xi32, #tpu.memory_space<vmem>>
        %dma_wait3A_89 = tpu.memref_squeeze %dma_wait3A_88 : memref<1x128xi32, #tpu.memory_space<vmem>> -> memref<128xi32, #tpu.memory_space<vmem>>
        %dma_wait3A_90 = arith.constant 0 : i32
        %dma_wait3A_91 = arith.constant 0 : i32
        %dma_wait3A_92 = tpu.memref_slice %arg11[%dma_wait3A_90, %dma_wait3A_91] : memref<10112x128xf32, #tpu.memory_space<vmem_shared>> -> memref<10112x128xf32, #tpu.memory_space<vmem_shared>>
        tpu.wait_indirect_dma semaphore(%run_scoped3A : memref<!tpu.dma_semaphore, #tpu.memory_space<semaphore_mem>>) src(%arg9 : memref<128x128xf32, #tpu.memory_space<vmem>>) dst(%dma_wait3A_92 : memref<10112x128xf32, #tpu.memory_space<vmem_shared>>)
        tpu.yield
      }) : () -> ()
      %add3A_57 = arith.constant 2 : i32
      %add3A_58 = arith.addi %mul3A_51, %add3A_57 : i32
      %lt3A_59 = arith.constant 40 : i32
      %lt3A_60 = arith.cmpi slt, %add3A_58, %lt3A_59 : i32
      %convert_element_type3A_61 = arith.extui %lt3A_60 : i1 to i32
      %cond3A_62 = arith.constant 0 : i32
      %cond3A_63 = arith.cmpi ne, %convert_element_type3A_61, %cond3A_62 : i32
      scf.if %cond3A_63 {
        %add3A_81 = arith.constant 2 : i32
        %add3A_82 = arith.addi %mul3A_51, %add3A_81 : i32
        %dma_start3A_83 = arith.constant 0 : i32
        %dma_start3A_84 = tpu.memref_slice %arg7[%add3A_82, %dma_start3A_83] : memref<40x128xi32, #tpu.memory_space<vmem>> -> memref<1x128xi32, #tpu.memory_space<vmem>>
        %dma_start3A_85 = tpu.memref_squeeze %dma_start3A_84 : memref<1x128xi32, #tpu.memory_space<vmem>> -> memref<128xi32, #tpu.memory_space<vmem>>
        %dma_start3A_86 = arith.constant 0 : i32
        %dma_start3A_87 = arith.constant 0 : i32
        %dma_start3A_88 = tpu.memref_slice %arg2[%dma_start3A_86, %dma_start3A_87] : memref<10000x128xf32, #tpu.memory_space<hbm>> -> memref<10000x128xf32, #tpu.memory_space<hbm>>
        tpu.enqueue_indirect_dma source(%dma_start3A_88 : memref<10000x128xf32, #tpu.memory_space<hbm>>) target(%arg9 : memref<128x128xf32, #tpu.memory_space<vmem>>) offsets(%dma_start3A_85 : memref<128xi32, #tpu.memory_space<vmem>>) semaphore(%arg12 : memref<!tpu.dma_semaphore, #tpu.memory_space<semaphore_mem>>)
      } else {
      }
      %add3A_64 = arith.constant 1 : i32
      %add3A_65 = arith.addi %mul3A_51, %add3A_64 : i32
      %dma_wait3A_66 = arith.constant 0 : i32
      %dma_wait3A_67 = tpu.memref_slice %arg7[%add3A_65, %dma_wait3A_66] : memref<40x128xi32, #tpu.memory_space<vmem>> -> memref<1x128xi32, #tpu.memory_space<vmem>>
      %dma_wait3A_68 = tpu.memref_squeeze %dma_wait3A_67 : memref<1x128xi32, #tpu.memory_space<vmem>> -> memref<128xi32, #tpu.memory_space<vmem>>
      %dma_wait3A_69 = arith.constant 0 : i32
      %dma_wait3A_70 = arith.constant 0 : i32
      %dma_wait3A_71 = tpu.memref_slice %arg2[%dma_wait3A_69, %dma_wait3A_70] : memref<10000x128xf32, #tpu.memory_space<hbm>> -> memref<10000x128xf32, #tpu.memory_space<hbm>>
      tpu.wait_indirect_dma semaphore(%arg13 : memref<!tpu.dma_semaphore, #tpu.memory_space<semaphore_mem>>) src(%dma_wait3A_71 : memref<10000x128xf32, #tpu.memory_space<hbm>>) dst(%arg10 : memref<128x128xf32, #tpu.memory_space<vmem>>)
      %add3A_72 = arith.constant 1 : i32
      %add3A_73 = arith.addi %mul3A_51, %add3A_72 : i32
      "tpu.region"() ({
        %run_scoped3A = tpu.sem_alloc : memref<!tpu.dma_semaphore, #tpu.memory_space<semaphore_mem>>
        %dma_start3A_81 = arith.constant 0 : i32
        %dma_start3A_82 = tpu.memref_slice %arg8[%add3A_73, %dma_start3A_81] : memref<40x128xi32, #tpu.memory_space<vmem>> -> memref<1x128xi32, #tpu.memory_space<vmem>>
        %dma_start3A_83 = tpu.memref_squeeze %dma_start3A_82 : memref<1x128xi32, #tpu.memory_space<vmem>> -> memref<128xi32, #tpu.memory_space<vmem>>
        %dma_start3A_84 = arith.constant 0 : i32
        %dma_start3A_85 = arith.constant 0 : i32
        %dma_start3A_86 = tpu.memref_slice %arg11[%dma_start3A_84, %dma_start3A_85] : memref<10112x128xf32, #tpu.memory_space<vmem_shared>> -> memref<10112x128xf32, #tpu.memory_space<vmem_shared>>
        tpu.enqueue_indirect_dma source(%arg10 : memref<128x128xf32, #tpu.memory_space<vmem>>) target(%dma_start3A_86 : memref<10112x128xf32, #tpu.memory_space<vmem_shared>>) offsets(%dma_start3A_83 : memref<128xi32, #tpu.memory_space<vmem>>) semaphore(%run_scoped3A : memref<!tpu.dma_semaphore, #tpu.memory_space<semaphore_mem>>) {add = true}
        %dma_wait3A_87 = arith.constant 0 : i32
        %dma_wait3A_88 = tpu.memref_slice %arg8[%add3A_73, %dma_wait3A_87] : memref<40x128xi32, #tpu.memory_space<vmem>> -> memref<1x128xi32, #tpu.memory_space<vmem>>
        %dma_wait3A_89 = tpu.memref_squeeze %dma_wait3A_88 : memref<1x128xi32, #tpu.memory_space<vmem>> -> memref<128xi32, #tpu.memory_space<vmem>>
        %dma_wait3A_90 = arith.constant 0 : i32
        %dma_wait3A_91 = arith.constant 0 : i32
        %dma_wait3A_92 = tpu.memref_slice %arg11[%dma_wait3A_90, %dma_wait3A_91] : memref<10112x128xf32, #tpu.memory_space<vmem_shared>> -> memref<10112x128xf32, #tpu.memory_space<vmem_shared>>
        tpu.wait_indirect_dma semaphore(%run_scoped3A : memref<!tpu.dma_semaphore, #tpu.memory_space<semaphore_mem>>) src(%arg10 : memref<128x128xf32, #tpu.memory_space<vmem>>) dst(%dma_wait3A_92 : memref<10112x128xf32, #tpu.memory_space<vmem_shared>>)
        tpu.yield
      }) : () -> ()
      %add3A_74 = arith.constant 3 : i32
      %add3A_75 = arith.addi %mul3A_51, %add3A_74 : i32
      %lt3A_76 = arith.constant 40 : i32
      %lt3A_77 = arith.cmpi slt, %add3A_75, %lt3A_76 : i32
      %convert_element_type3A_78 = arith.extui %lt3A_77 : i1 to i32
      %cond3A_79 = arith.constant 0 : i32
      %cond3A_80 = arith.cmpi ne, %convert_element_type3A_78, %cond3A_79 : i32
      scf.if %cond3A_80 {
        %add3A_81 = arith.constant 3 : i32
        %add3A_82 = arith.addi %mul3A_51, %add3A_81 : i32
        %dma_start3A_83 = arith.constant 0 : i32
        %dma_start3A_84 = tpu.memref_slice %arg7[%add3A_82, %dma_start3A_83] : memref<40x128xi32, #tpu.memory_space<vmem>> -> memref<1x128xi32, #tpu.memory_space<vmem>>
        %dma_start3A_85 = tpu.memref_squeeze %dma_start3A_84 : memref<1x128xi32, #tpu.memory_space<vmem>> -> memref<128xi32, #tpu.memory_space<vmem>>
        %dma_start3A_86 = arith.constant 0 : i32
        %dma_start3A_87 = arith.constant 0 : i32
        %dma_start3A_88 = tpu.memref_slice %arg2[%dma_start3A_86, %dma_start3A_87] : memref<10000x128xf32, #tpu.memory_space<hbm>> -> memref<10000x128xf32, #tpu.memory_space<hbm>>
        tpu.enqueue_indirect_dma source(%dma_start3A_88 : memref<10000x128xf32, #tpu.memory_space<hbm>>) target(%arg10 : memref<128x128xf32, #tpu.memory_space<vmem>>) offsets(%dma_start3A_85 : memref<128xi32, #tpu.memory_space<vmem>>) semaphore(%arg13 : memref<!tpu.dma_semaphore, #tpu.memory_space<semaphore_mem>>)
      } else {
      }
    }
    %scan3A_19 = arith.constant 20 : i32
    "tpu.region"() ({
      %run_scoped3A = tpu.sem_alloc : memref<!tpu.dma_semaphore, #tpu.memory_space<semaphore_mem>>
      %dma_start3A_49 = arith.constant 40 : i32
      %dma_start3A_50 = arith.constant 0 : i32
      %dma_start3A_51 = tpu.memref_slice %arg3[%add3A, %dma_start3A_49, %dma_start3A_50] : memref<32x80x128xi32, #tpu.memory_space<hbm>> -> memref<1x40x128xi32, #tpu.memory_space<hbm>>
      %dma_start3A_52 = tpu.memref_squeeze %dma_start3A_51 : memref<1x40x128xi32, #tpu.memory_space<hbm>> -> memref<40x128xi32, #tpu.memory_space<hbm>>
      %dma_start3A_53 = arith.constant 40 : i32
      %dma_start3A_54 = arith.constant 0 : i32
      %dma_start3A_55 = tpu.memref_slice %arg3[%add3A, %dma_start3A_53, %dma_start3A_54] : memref<32x80x128xi32, #tpu.memory_space<hbm>> -> memref<1x40x128xi32, #tpu.memory_space<hbm>>
      %dma_start3A_56 = tpu.memref_squeeze %dma_start3A_55 : memref<1x40x128xi32, #tpu.memory_space<hbm>> -> memref<40x128xi32, #tpu.memory_space<hbm>>
      tpu.enqueue_dma source(%dma_start3A_56 : memref<40x128xi32, #tpu.memory_space<hbm>>) target(%arg7 : memref<40x128xi32, #tpu.memory_space<vmem>>) target_semaphore(%run_scoped3A : memref<!tpu.dma_semaphore, #tpu.memory_space<semaphore_mem>>)
      %dma_wait3A = arith.constant 40 : i32
      %dma_wait3A_57 = arith.constant 0 : i32
      %dma_wait3A_58 = tpu.memref_slice %arg3[%add3A, %dma_wait3A, %dma_wait3A_57] : memref<32x80x128xi32, #tpu.memory_space<hbm>> -> memref<1x40x128xi32, #tpu.memory_space<hbm>>
      %dma_wait3A_59 = tpu.memref_squeeze %dma_wait3A_58 : memref<1x40x128xi32, #tpu.memory_space<hbm>> -> memref<40x128xi32, #tpu.memory_space<hbm>>
      %dma_wait3A_60 = arith.constant 40 : i32
      %dma_wait3A_61 = arith.constant 0 : i32
      %dma_wait3A_62 = tpu.memref_slice %arg3[%add3A, %dma_wait3A_60, %dma_wait3A_61] : memref<32x80x128xi32, #tpu.memory_space<hbm>> -> memref<1x40x128xi32, #tpu.memory_space<hbm>>
      %dma_wait3A_63 = tpu.memref_squeeze %dma_wait3A_62 : memref<1x40x128xi32, #tpu.memory_space<hbm>> -> memref<40x128xi32, #tpu.memory_space<hbm>>
      tpu.wait_dma2 semaphore(%run_scoped3A : memref<!tpu.dma_semaphore, #tpu.memory_space<semaphore_mem>>) src(%dma_wait3A_63 : memref<40x128xi32, #tpu.memory_space<hbm>>) dst(%arg7 : memref<40x128xi32, #tpu.memory_space<vmem>>)
      tpu.yield
    }) : () -> ()
    "tpu.region"() ({
      %run_scoped3A = tpu.sem_alloc : memref<!tpu.dma_semaphore, #tpu.memory_space<semaphore_mem>>
      %dma_start3A_49 = arith.constant 40 : i32
      %dma_start3A_50 = arith.constant 0 : i32
      %dma_start3A_51 = tpu.memref_slice %arg4[%add3A, %dma_start3A_49, %dma_start3A_50] : memref<32x80x128xi32, #tpu.memory_space<hbm>> -> memref<1x40x128xi32, #tpu.memory_space<hbm>>
      %dma_start3A_52 = tpu.memref_squeeze %dma_start3A_51 : memref<1x40x128xi32, #tpu.memory_space<hbm>> -> memref<40x128xi32, #tpu.memory_space<hbm>>
      %dma_start3A_53 = arith.constant 40 : i32
      %dma_start3A_54 = arith.constant 0 : i32
      %dma_start3A_55 = tpu.memref_slice %arg4[%add3A, %dma_start3A_53, %dma_start3A_54] : memref<32x80x128xi32, #tpu.memory_space<hbm>> -> memref<1x40x128xi32, #tpu.memory_space<hbm>>
      %dma_start3A_56 = tpu.memref_squeeze %dma_start3A_55 : memref<1x40x128xi32, #tpu.memory_space<hbm>> -> memref<40x128xi32, #tpu.memory_space<hbm>>
      tpu.enqueue_dma source(%dma_start3A_56 : memref<40x128xi32, #tpu.memory_space<hbm>>) target(%arg8 : memref<40x128xi32, #tpu.memory_space<vmem>>) target_semaphore(%run_scoped3A : memref<!tpu.dma_semaphore, #tpu.memory_space<semaphore_mem>>)
      %dma_wait3A = arith.constant 40 : i32
      %dma_wait3A_57 = arith.constant 0 : i32
      %dma_wait3A_58 = tpu.memref_slice %arg4[%add3A, %dma_wait3A, %dma_wait3A_57] : memref<32x80x128xi32, #tpu.memory_space<hbm>> -> memref<1x40x128xi32, #tpu.memory_space<hbm>>
      %dma_wait3A_59 = tpu.memref_squeeze %dma_wait3A_58 : memref<1x40x128xi32, #tpu.memory_space<hbm>> -> memref<40x128xi32, #tpu.memory_space<hbm>>
      %dma_wait3A_60 = arith.constant 40 : i32
      %dma_wait3A_61 = arith.constant 0 : i32
      %dma_wait3A_62 = tpu.memref_slice %arg4[%add3A, %dma_wait3A_60, %dma_wait3A_61] : memref<32x80x128xi32, #tpu.memory_space<hbm>> -> memref<1x40x128xi32, #tpu.memory_space<hbm>>
      %dma_wait3A_63 = tpu.memref_squeeze %dma_wait3A_62 : memref<1x40x128xi32, #tpu.memory_space<hbm>> -> memref<40x128xi32, #tpu.memory_space<hbm>>
      tpu.wait_dma2 semaphore(%run_scoped3A : memref<!tpu.dma_semaphore, #tpu.memory_space<semaphore_mem>>) src(%dma_wait3A_63 : memref<40x128xi32, #tpu.memory_space<hbm>>) dst(%arg8 : memref<40x128xi32, #tpu.memory_space<vmem>>)
      tpu.yield
    }) : () -> ()
    %dma_start3A_20 = arith.constant 0 : i32
    %dma_start3A_21 = arith.constant 0 : i32
    %dma_start3A_22 = tpu.memref_slice %arg7[%dma_start3A_20, %dma_start3A_21] : memref<40x128xi32, #tpu.memory_space<vmem>> -> memref<1x128xi32, #tpu.memory_space<vmem>>
    %dma_start3A_23 = tpu.memref_squeeze %dma_start3A_22 : memref<1x128xi32, #tpu.memory_space<vmem>> -> memref<128xi32, #tpu.memory_space<vmem>>
    %dma_start3A_24 = arith.constant 0 : i32
    %dma_start3A_25 = arith.constant 0 : i32
    %dma_start3A_26 = tpu.memref_slice %arg2[%dma_start3A_24, %dma_start3A_25] : memref<10000x128xf32, #tpu.memory_space<hbm>> -> memref<10000x128xf32, #tpu.memory_space<hbm>>
    tpu.enqueue_indirect_dma source(%dma_start3A_26 : memref<10000x128xf32, #tpu.memory_space<hbm>>) target(%arg9 : memref<128x128xf32, #tpu.memory_space<vmem>>) offsets(%dma_start3A_23 : memref<128xi32, #tpu.memory_space<vmem>>) semaphore(%arg12 : memref<!tpu.dma_semaphore, #tpu.memory_space<semaphore_mem>>)
    %dma_start3A_27 = arith.constant 1 : i32
    %dma_start3A_28 = arith.constant 0 : i32
    %dma_start3A_29 = tpu.memref_slice %arg7[%dma_start3A_27, %dma_start3A_28] : memref<40x128xi32, #tpu.memory_space<vmem>> -> memref<1x128xi32, #tpu.memory_space<vmem>>
    %dma_start3A_30 = tpu.memref_squeeze %dma_start3A_29 : memref<1x128xi32, #tpu.memory_space<vmem>> -> memref<128xi32, #tpu.memory_space<vmem>>
    %dma_start3A_31 = arith.constant 0 : i32
    %dma_start3A_32 = arith.constant 0 : i32
    %dma_start3A_33 = tpu.memref_slice %arg2[%dma_start3A_31, %dma_start3A_32] : memref<10000x128xf32, #tpu.memory_space<hbm>> -> memref<10000x128xf32, #tpu.memory_space<hbm>>
    tpu.enqueue_indirect_dma source(%dma_start3A_33 : memref<10000x128xf32, #tpu.memory_space<hbm>>) target(%arg10 : memref<128x128xf32, #tpu.memory_space<vmem>>) offsets(%dma_start3A_30 : memref<128xi32, #tpu.memory_space<vmem>>) semaphore(%arg13 : memref<!tpu.dma_semaphore, #tpu.memory_space<semaphore_mem>>)
    %scan3A_34 = arith.constant 0 : i32
    %scan3A_35 = arith.constant 20 : i32
    %scan3A_36 = arith.addi %scan3A_34, %scan3A_35 : i32
    %scan3A_37 = arith.constant 1 : i32
    scf.for %scan3A_49 = %scan3A_34 to %scan3A_36 step %scan3A_37  : i32 {
      %mul3A_50 = arith.constant 2 : i32
      %mul3A_51 = arith.muli %scan3A_49, %mul3A_50 : i32
      %dma_wait3A = arith.constant 0 : i32
      %dma_wait3A_52 = tpu.memref_slice %arg7[%mul3A_51, %dma_wait3A] : memref<40x128xi32, #tpu.memory_space<vmem>> -> memref<1x128xi32, #tpu.memory_space<vmem>>
      %dma_wait3A_53 = tpu.memref_squeeze %dma_wait3A_52 : memref<1x128xi32, #tpu.memory_space<vmem>> -> memref<128xi32, #tpu.memory_space<vmem>>
      %dma_wait3A_54 = arith.constant 0 : i32
      %dma_wait3A_55 = arith.constant 0 : i32
      %dma_wait3A_56 = tpu.memref_slice %arg2[%dma_wait3A_54, %dma_wait3A_55] : memref<10000x128xf32, #tpu.memory_space<hbm>> -> memref<10000x128xf32, #tpu.memory_space<hbm>>
      tpu.wait_indirect_dma semaphore(%arg12 : memref<!tpu.dma_semaphore, #tpu.memory_space<semaphore_mem>>) src(%dma_wait3A_56 : memref<10000x128xf32, #tpu.memory_space<hbm>>) dst(%arg9 : memref<128x128xf32, #tpu.memory_space<vmem>>)
      "tpu.region"() ({
        %run_scoped3A = tpu.sem_alloc : memref<!tpu.dma_semaphore, #tpu.memory_space<semaphore_mem>>
        %dma_start3A_81 = arith.constant 0 : i32
        %dma_start3A_82 = tpu.memref_slice %arg8[%mul3A_51, %dma_start3A_81] : memref<40x128xi32, #tpu.memory_space<vmem>> -> memref<1x128xi32, #tpu.memory_space<vmem>>
        %dma_start3A_83 = tpu.memref_squeeze %dma_start3A_82 : memref<1x128xi32, #tpu.memory_space<vmem>> -> memref<128xi32, #tpu.memory_space<vmem>>
        %dma_start3A_84 = arith.constant 0 : i32
        %dma_start3A_85 = arith.constant 0 : i32
        %dma_start3A_86 = tpu.memref_slice %arg11[%dma_start3A_84, %dma_start3A_85] : memref<10112x128xf32, #tpu.memory_space<vmem_shared>> -> memref<10112x128xf32, #tpu.memory_space<vmem_shared>>
        tpu.enqueue_indirect_dma source(%arg9 : memref<128x128xf32, #tpu.memory_space<vmem>>) target(%dma_start3A_86 : memref<10112x128xf32, #tpu.memory_space<vmem_shared>>) offsets(%dma_start3A_83 : memref<128xi32, #tpu.memory_space<vmem>>) semaphore(%run_scoped3A : memref<!tpu.dma_semaphore, #tpu.memory_space<semaphore_mem>>) {add = true}
        %dma_wait3A_87 = arith.constant 0 : i32
        %dma_wait3A_88 = tpu.memref_slice %arg8[%mul3A_51, %dma_wait3A_87] : memref<40x128xi32, #tpu.memory_space<vmem>> -> memref<1x128xi32, #tpu.memory_space<vmem>>
        %dma_wait3A_89 = tpu.memref_squeeze %dma_wait3A_88 : memref<1x128xi32, #tpu.memory_space<vmem>> -> memref<128xi32, #tpu.memory_space<vmem>>
        %dma_wait3A_90 = arith.constant 0 : i32
        %dma_wait3A_91 = arith.constant 0 : i32
        %dma_wait3A_92 = tpu.memref_slice %arg11[%dma_wait3A_90, %dma_wait3A_91] : memref<10112x128xf32, #tpu.memory_space<vmem_shared>> -> memref<10112x128xf32, #tpu.memory_space<vmem_shared>>
        tpu.wait_indirect_dma semaphore(%run_scoped3A : memref<!tpu.dma_semaphore, #tpu.memory_space<semaphore_mem>>) src(%arg9 : memref<128x128xf32, #tpu.memory_space<vmem>>) dst(%dma_wait3A_92 : memref<10112x128xf32, #tpu.memory_space<vmem_shared>>)
        tpu.yield
      }) : () -> ()
      %add3A_57 = arith.constant 2 : i32
      %add3A_58 = arith.addi %mul3A_51, %add3A_57 : i32
      %lt3A_59 = arith.constant 40 : i32
      %lt3A_60 = arith.cmpi slt, %add3A_58, %lt3A_59 : i32
      %convert_element_type3A_61 = arith.extui %lt3A_60 : i1 to i32
      %cond3A_62 = arith.constant 0 : i32
      %cond3A_63 = arith.cmpi ne, %convert_element_type3A_61, %cond3A_62 : i32
      scf.if %cond3A_63 {
        %add3A_81 = arith.constant 2 : i32
        %add3A_82 = arith.addi %mul3A_51, %add3A_81 : i32
        %dma_start3A_83 = arith.constant 0 : i32
        %dma_start3A_84 = tpu.memref_slice %arg7[%add3A_82, %dma_start3A_83] : memref<40x128xi32, #tpu.memory_space<vmem>> -> memref<1x128xi32, #tpu.memory_space<vmem>>
        %dma_start3A_85 = tpu.memref_squeeze %dma_start3A_84 : memref<1x128xi32, #tpu.memory_space<vmem>> -> memref<128xi32, #tpu.memory_space<vmem>>
        %dma_start3A_86 = arith.constant 0 : i32
        %dma_start3A_87 = arith.constant 0 : i32
        %dma_start3A_88 = tpu.memref_slice %arg2[%dma_start3A_86, %dma_start3A_87] : memref<10000x128xf32, #tpu.memory_space<hbm>> -> memref<10000x128xf32, #tpu.memory_space<hbm>>
        tpu.enqueue_indirect_dma source(%dma_start3A_88 : memref<10000x128xf32, #tpu.memory_space<hbm>>) target(%arg9 : memref<128x128xf32, #tpu.memory_space<vmem>>) offsets(%dma_start3A_85 : memref<128xi32, #tpu.memory_space<vmem>>) semaphore(%arg12 : memref<!tpu.dma_semaphore, #tpu.memory_space<semaphore_mem>>)
      } else {
      }
      %add3A_64 = arith.constant 1 : i32
      %add3A_65 = arith.addi %mul3A_51, %add3A_64 : i32
      %dma_wait3A_66 = arith.constant 0 : i32
      %dma_wait3A_67 = tpu.memref_slice %arg7[%add3A_65, %dma_wait3A_66] : memref<40x128xi32, #tpu.memory_space<vmem>> -> memref<1x128xi32, #tpu.memory_space<vmem>>
      %dma_wait3A_68 = tpu.memref_squeeze %dma_wait3A_67 : memref<1x128xi32, #tpu.memory_space<vmem>> -> memref<128xi32, #tpu.memory_space<vmem>>
      %dma_wait3A_69 = arith.constant 0 : i32
      %dma_wait3A_70 = arith.constant 0 : i32
      %dma_wait3A_71 = tpu.memref_slice %arg2[%dma_wait3A_69, %dma_wait3A_70] : memref<10000x128xf32, #tpu.memory_space<hbm>> -> memref<10000x128xf32, #tpu.memory_space<hbm>>
      tpu.wait_indirect_dma semaphore(%arg13 : memref<!tpu.dma_semaphore, #tpu.memory_space<semaphore_mem>>) src(%dma_wait3A_71 : memref<10000x128xf32, #tpu.memory_space<hbm>>) dst(%arg10 : memref<128x128xf32, #tpu.memory_space<vmem>>)
      %add3A_72 = arith.constant 1 : i32
      %add3A_73 = arith.addi %mul3A_51, %add3A_72 : i32
      "tpu.region"() ({
        %run_scoped3A = tpu.sem_alloc : memref<!tpu.dma_semaphore, #tpu.memory_space<semaphore_mem>>
        %dma_start3A_81 = arith.constant 0 : i32
        %dma_start3A_82 = tpu.memref_slice %arg8[%add3A_73, %dma_start3A_81] : memref<40x128xi32, #tpu.memory_space<vmem>> -> memref<1x128xi32, #tpu.memory_space<vmem>>
        %dma_start3A_83 = tpu.memref_squeeze %dma_start3A_82 : memref<1x128xi32, #tpu.memory_space<vmem>> -> memref<128xi32, #tpu.memory_space<vmem>>
        %dma_start3A_84 = arith.constant 0 : i32
        %dma_start3A_85 = arith.constant 0 : i32
        %dma_start3A_86 = tpu.memref_slice %arg11[%dma_start3A_84, %dma_start3A_85] : memref<10112x128xf32, #tpu.memory_space<vmem_shared>> -> memref<10112x128xf32, #tpu.memory_space<vmem_shared>>
        tpu.enqueue_indirect_dma source(%arg10 : memref<128x128xf32, #tpu.memory_space<vmem>>) target(%dma_start3A_86 : memref<10112x128xf32, #tpu.memory_space<vmem_shared>>) offsets(%dma_start3A_83 : memref<128xi32, #tpu.memory_space<vmem>>) semaphore(%run_scoped3A : memref<!tpu.dma_semaphore, #tpu.memory_space<semaphore_mem>>) {add = true}
        %dma_wait3A_87 = arith.constant 0 : i32
        %dma_wait3A_88 = tpu.memref_slice %arg8[%add3A_73, %dma_wait3A_87] : memref<40x128xi32, #tpu.memory_space<vmem>> -> memref<1x128xi32, #tpu.memory_space<vmem>>
        %dma_wait3A_89 = tpu.memref_squeeze %dma_wait3A_88 : memref<1x128xi32, #tpu.memory_space<vmem>> -> memref<128xi32, #tpu.memory_space<vmem>>
        %dma_wait3A_90 = arith.constant 0 : i32
        %dma_wait3A_91 = arith.constant 0 : i32
        %dma_wait3A_92 = tpu.memref_slice %arg11[%dma_wait3A_90, %dma_wait3A_91] : memref<10112x128xf32, #tpu.memory_space<vmem_shared>> -> memref<10112x128xf32, #tpu.memory_space<vmem_shared>>
        tpu.wait_indirect_dma semaphore(%run_scoped3A : memref<!tpu.dma_semaphore, #tpu.memory_space<semaphore_mem>>) src(%arg10 : memref<128x128xf32, #tpu.memory_space<vmem>>) dst(%dma_wait3A_92 : memref<10112x128xf32, #tpu.memory_space<vmem_shared>>)
        tpu.yield
      }) : () -> ()
      %add3A_74 = arith.constant 3 : i32
      %add3A_75 = arith.addi %mul3A_51, %add3A_74 : i32
      %lt3A_76 = arith.constant 40 : i32
      %lt3A_77 = arith.cmpi slt, %add3A_75, %lt3A_76 : i32
      %convert_element_type3A_78 = arith.extui %lt3A_77 : i1 to i32
      %cond3A_79 = arith.constant 0 : i32
      %cond3A_80 = arith.cmpi ne, %convert_element_type3A_78, %cond3A_79 : i32
      scf.if %cond3A_80 {
        %add3A_81 = arith.constant 3 : i32
        %add3A_82 = arith.addi %mul3A_51, %add3A_81 : i32
        %dma_start3A_83 = arith.constant 0 : i32
        %dma_start3A_84 = tpu.memref_slice %arg7[%add3A_82, %dma_start3A_83] : memref<40x128xi32, #tpu.memory_space<vmem>> -> memref<1x128xi32, #tpu.memory_space<vmem>>
        %dma_start3A_85 = tpu.memref_squeeze %dma_start3A_84 : memref<1x128xi32, #tpu.memory_space<vmem>> -> memref<128xi32, #tpu.memory_space<vmem>>
        %dma_start3A_86 = arith.constant 0 : i32
        %dma_start3A_87 = arith.constant 0 : i32
        %dma_start3A_88 = tpu.memref_slice %arg2[%dma_start3A_86, %dma_start3A_87] : memref<10000x128xf32, #tpu.memory_space<hbm>> -> memref<10000x128xf32, #tpu.memory_space<hbm>>
        tpu.enqueue_indirect_dma source(%dma_start3A_88 : memref<10000x128xf32, #tpu.memory_space<hbm>>) target(%arg10 : memref<128x128xf32, #tpu.memory_space<vmem>>) offsets(%dma_start3A_85 : memref<128xi32, #tpu.memory_space<vmem>>) semaphore(%arg13 : memref<!tpu.dma_semaphore, #tpu.memory_space<semaphore_mem>>)
      } else {
      }
    }
    %scan3A_38 = arith.constant 20 : i32
    %barrier3A_39 = arith.constant 0 : index
    tpu.barrier barrier_id(%barrier3A_39)
    %mul3A_40 = arith.constant 624 : i32
    %mul3A_41 = arith.muli %arg1, %mul3A_40 : i32
    %multiple_of3A_42 = tpu.assume_multiple %mul3A_41, 8 : i32
    %lt3A = arith.constant 15 : i32
    %lt3A_43 = arith.cmpi slt, %arg1, %lt3A : i32
    %convert_element_type3A = arith.extui %lt3A_43 : i1 to i32
    %cond3A = arith.constant 0 : i32
    %cond3A_44 = arith.cmpi ne, %convert_element_type3A, %cond3A : i32
    scf.if %cond3A_44 {
      "tpu.region"() ({
        %run_scoped3A = tpu.sem_alloc : memref<!tpu.dma_semaphore, #tpu.memory_space<semaphore_mem>>
        %dma_start3A_49 = arith.constant 0 : i32
        %dma_start3A_50 = tpu.memref_slice %arg6[%arg0, %multiple_of3A_42, %dma_start3A_49] : memref<2x10000x128xf32, #tpu.memory_space<hbm>> -> memref<1x624x128xf32, #tpu.memory_space<hbm>>
        %dma_start3A_51 = tpu.memref_squeeze %dma_start3A_50 : memref<1x624x128xf32, #tpu.memory_space<hbm>> -> memref<624x128xf32, #tpu.memory_space<hbm>>
        %dma_start3A_52 = arith.constant 0 : i32
        %dma_start3A_53 = tpu.memref_slice %arg11[%multiple_of3A_42, %dma_start3A_52] : memref<10112x128xf32, #tpu.memory_space<vmem_shared>> -> memref<624x128xf32, #tpu.memory_space<vmem_shared>>
        tpu.enqueue_dma source(%dma_start3A_53 : memref<624x128xf32, #tpu.memory_space<vmem_shared>>) target(%dma_start3A_51 : memref<624x128xf32, #tpu.memory_space<hbm>>) target_semaphore(%run_scoped3A : memref<!tpu.dma_semaphore, #tpu.memory_space<semaphore_mem>>)
        %dma_wait3A = arith.constant 0 : i32
        %dma_wait3A_54 = tpu.memref_slice %arg6[%arg0, %multiple_of3A_42, %dma_wait3A] : memref<2x10000x128xf32, #tpu.memory_space<hbm>> -> memref<1x624x128xf32, #tpu.memory_space<hbm>>
        %dma_wait3A_55 = tpu.memref_squeeze %dma_wait3A_54 : memref<1x624x128xf32, #tpu.memory_space<hbm>> -> memref<624x128xf32, #tpu.memory_space<hbm>>
        %dma_wait3A_56 = arith.constant 0 : i32
        %dma_wait3A_57 = tpu.memref_slice %arg11[%multiple_of3A_42, %dma_wait3A_56] : memref<10112x128xf32, #tpu.memory_space<vmem_shared>> -> memref<624x128xf32, #tpu.memory_space<vmem_shared>>
        tpu.wait_dma2 semaphore(%run_scoped3A : memref<!tpu.dma_semaphore, #tpu.memory_space<semaphore_mem>>) src(%dma_wait3A_57 : memref<624x128xf32, #tpu.memory_space<vmem_shared>>) dst(%dma_wait3A_55 : memref<624x128xf32, #tpu.memory_space<hbm>>)
        tpu.yield
      }) : () -> ()
    } else {
    }
    %eq3A = arith.constant 15 : i32
    %eq3A_45 = arith.cmpi eq, %arg1, %eq3A : i32
    %convert_element_type3A_46 = arith.extui %eq3A_45 : i1 to i32
    %cond3A_47 = arith.constant 0 : i32
    %cond3A_48 = arith.cmpi ne, %convert_element_type3A_46, %cond3A_47 : i32
    scf.if %cond3A_48 {
      "tpu.region"() ({
        %run_scoped3A = tpu.sem_alloc : memref<!tpu.dma_semaphore, #tpu.memory_space<semaphore_mem>>
        %dma_start3A_49 = arith.constant 9360 : i32
        %dma_start3A_50 = arith.constant 0 : i32
        %dma_start3A_51 = tpu.memref_slice %arg6[%arg0, %dma_start3A_49, %dma_start3A_50] : memref<2x10000x128xf32, #tpu.memory_space<hbm>> -> memref<1x640x128xf32, #tpu.memory_space<hbm>>
        %dma_start3A_52 = tpu.memref_squeeze %dma_start3A_51 : memref<1x640x128xf32, #tpu.memory_space<hbm>> -> memref<640x128xf32, #tpu.memory_space<hbm>>
        %dma_start3A_53 = arith.constant 9360 : i32
        %dma_start3A_54 = arith.constant 0 : i32
        %dma_start3A_55 = tpu.memref_slice %arg11[%dma_start3A_53, %dma_start3A_54] : memref<10112x128xf32, #tpu.memory_space<vmem_shared>> -> memref<640x128xf32, #tpu.memory_space<vmem_shared>>
        tpu.enqueue_dma source(%dma_start3A_55 : memref<640x128xf32, #tpu.memory_space<vmem_shared>>) target(%dma_start3A_52 : memref<640x128xf32, #tpu.memory_space<hbm>>) target_semaphore(%run_scoped3A : memref<!tpu.dma_semaphore, #tpu.memory_space<semaphore_mem>>)
        %dma_wait3A = arith.constant 9360 : i32
        %dma_wait3A_56 = arith.constant 0 : i32
        %dma_wait3A_57 = tpu.memref_slice %arg6[%arg0, %dma_wait3A, %dma_wait3A_56] : memref<2x10000x128xf32, #tpu.memory_space<hbm>> -> memref<1x640x128xf32, #tpu.memory_space<hbm>>
        %dma_wait3A_58 = tpu.memref_squeeze %dma_wait3A_57 : memref<1x640x128xf32, #tpu.memory_space<hbm>> -> memref<640x128xf32, #tpu.memory_space<hbm>>
        %dma_wait3A_59 = arith.constant 9360 : i32
        %dma_wait3A_60 = arith.constant 0 : i32
        %dma_wait3A_61 = tpu.memref_slice %arg11[%dma_wait3A_59, %dma_wait3A_60] : memref<10112x128xf32, #tpu.memory_space<vmem_shared>> -> memref<640x128xf32, #tpu.memory_space<vmem_shared>>
        tpu.wait_dma2 semaphore(%run_scoped3A : memref<!tpu.dma_semaphore, #tpu.memory_space<semaphore_mem>>) src(%dma_wait3A_61 : memref<640x128xf32, #tpu.memory_space<vmem_shared>>) dst(%dma_wait3A_58 : memref<640x128xf32, #tpu.memory_space<hbm>>)
        tpu.yield
      }) : () -> ()
    } else {
    }
    return
  }
}

#map = affine_map<(d0, d1) -> (0, 0)>
#map1 = affine_map<(d0, d1) -> (0, 0, 0)>
module attributes {stable_mosaic.version = 14 : i64} {
  func.func @_segsum_sc(%arg0: i32, %arg1: i32, %arg2: memref<10000x128xf32, #tpu.memory_space<hbm>>, %arg3: memref<32x80x128xi32, #tpu.memory_space<hbm>>, %arg4: memref<32x80x128xi32, #tpu.memory_space<hbm>>, %arg5: memref<10112x128xf32, #tpu.memory_space<hbm>>, %arg6: memref<2x10000x128xf32, #tpu.memory_space<hbm>>, %arg7: memref<40x128xi32, #tpu.memory_space<vmem>>, %arg8: memref<40x128xi32, #tpu.memory_space<vmem>>, %arg9: memref<128x128xf32, #tpu.memory_space<vmem>>, %arg10: memref<128x128xf32, #tpu.memory_space<vmem>>, %arg11: memref<10112x128xf32, #tpu.memory_space<vmem_shared>>, %arg12: memref<!tpu.dma_semaphore, #tpu.memory_space<semaphore_mem>>, %arg13: memref<!tpu.dma_semaphore, #tpu.memory_space<semaphore_mem>>) attributes {dimension_semantics = [#tpu.dimension_semantics<core_parallel>, #tpu.dimension_semantics<subcore_parallel>], iteration_bounds = array<i64: 2, 16>, scalar_prefetch = 0 : i64, scratch_operands = 7 : i64, tpu.core_type = #tpu.core_type<sc_vector_subcore>, window_params = [{transform_indices = #map}, {transform_indices = #map1}, {transform_indices = #map1}, {transform_indices = #map}, {transform_indices = #map1}]} {
    %mul3A = arith.constant 16 : i32
    %mul3A_0 = arith.muli %arg0, %mul3A : i32
    %add3A = arith.addi %mul3A_0, %arg1 : i32
    %mul3A_1 = arith.constant 632 : i32
    %mul3A_2 = arith.muli %arg1, %mul3A_1 : i32
    %multiple_of3A = tpu.assume_multiple %mul3A_2, 8 : i32
    "tpu.region"() ({
      %run_scoped3A = tpu.sem_alloc : memref<!tpu.dma_semaphore, #tpu.memory_space<semaphore_mem>>
      %dma_start3A_49 = arith.constant 0 : i32
      %dma_start3A_50 = tpu.memref_slice %arg11[%multiple_of3A, %dma_start3A_49] : memref<10112x128xf32, #tpu.memory_space<vmem_shared>> -> memref<632x128xf32, #tpu.memory_space<vmem_shared>>
      %dma_start3A_51 = arith.constant 0 : i32
      %dma_start3A_52 = tpu.memref_slice %arg5[%multiple_of3A, %dma_start3A_51] : memref<10112x128xf32, #tpu.memory_space<hbm>> -> memref<632x128xf32, #tpu.memory_space<hbm>>
      tpu.enqueue_dma source(%dma_start3A_52 : memref<632x128xf32, #tpu.memory_space<hbm>>) target(%dma_start3A_50 : memref<632x128xf32, #tpu.memory_space<vmem_shared>>) target_semaphore(%run_scoped3A : memref<!tpu.dma_semaphore, #tpu.memory_space<semaphore_mem>>)
      %dma_wait3A = arith.constant 0 : i32
      %dma_wait3A_53 = tpu.memref_slice %arg11[%multiple_of3A, %dma_wait3A] : memref<10112x128xf32, #tpu.memory_space<vmem_shared>> -> memref<632x128xf32, #tpu.memory_space<vmem_shared>>
      %dma_wait3A_54 = arith.constant 0 : i32
      %dma_wait3A_55 = tpu.memref_slice %arg5[%multiple_of3A, %dma_wait3A_54] : memref<10112x128xf32, #tpu.memory_space<hbm>> -> memref<632x128xf32, #tpu.memory_space<hbm>>
      tpu.wait_dma2 semaphore(%run_scoped3A : memref<!tpu.dma_semaphore, #tpu.memory_space<semaphore_mem>>) src(%dma_wait3A_55 : memref<632x128xf32, #tpu.memory_space<hbm>>) dst(%dma_wait3A_53 : memref<632x128xf32, #tpu.memory_space<vmem_shared>>)
      tpu.yield
    }) : () -> ()
    %barrier3A = arith.constant 0 : index
    tpu.barrier barrier_id(%barrier3A)
    "tpu.region"() ({
      %run_scoped3A = tpu.sem_alloc : memref<!tpu.dma_semaphore, #tpu.memory_space<semaphore_mem>>
      %dma_start3A_49 = arith.constant 0 : i32
      %dma_start3A_50 = arith.constant 0 : i32
      %dma_start3A_51 = tpu.memref_slice %arg3[%add3A, %dma_start3A_49, %dma_start3A_50] : memref<32x80x128xi32, #tpu.memory_space<hbm>> -> memref<1x40x128xi32, #tpu.memory_space<hbm>>
      %dma_start3A_52 = tpu.memref_squeeze %dma_start3A_51 : memref<1x40x128xi32, #tpu.memory_space<hbm>> -> memref<40x128xi32, #tpu.memory_space<hbm>>
      %dma_start3A_53 = arith.constant 0 : i32
      %dma_start3A_54 = arith.constant 0 : i32
      %dma_start3A_55 = tpu.memref_slice %arg3[%add3A, %dma_start3A_53, %dma_start3A_54] : memref<32x80x128xi32, #tpu.memory_space<hbm>> -> memref<1x40x128xi32, #tpu.memory_space<hbm>>
      %dma_start3A_56 = tpu.memref_squeeze %dma_start3A_55 : memref<1x40x128xi32, #tpu.memory_space<hbm>> -> memref<40x128xi32, #tpu.memory_space<hbm>>
      tpu.enqueue_dma source(%dma_start3A_56 : memref<40x128xi32, #tpu.memory_space<hbm>>) target(%arg7 : memref<40x128xi32, #tpu.memory_space<vmem>>) target_semaphore(%run_scoped3A : memref<!tpu.dma_semaphore, #tpu.memory_space<semaphore_mem>>)
      %dma_wait3A = arith.constant 0 : i32
      %dma_wait3A_57 = arith.constant 0 : i32
      %dma_wait3A_58 = tpu.memref_slice %arg3[%add3A, %dma_wait3A, %dma_wait3A_57] : memref<32x80x128xi32, #tpu.memory_space<hbm>> -> memref<1x40x128xi32, #tpu.memory_space<hbm>>
      %dma_wait3A_59 = tpu.memref_squeeze %dma_wait3A_58 : memref<1x40x128xi32, #tpu.memory_space<hbm>> -> memref<40x128xi32, #tpu.memory_space<hbm>>
      %dma_wait3A_60 = arith.constant 0 : i32
      %dma_wait3A_61 = arith.constant 0 : i32
      %dma_wait3A_62 = tpu.memref_slice %arg3[%add3A, %dma_wait3A_60, %dma_wait3A_61] : memref<32x80x128xi32, #tpu.memory_space<hbm>> -> memref<1x40x128xi32, #tpu.memory_space<hbm>>
      %dma_wait3A_63 = tpu.memref_squeeze %dma_wait3A_62 : memref<1x40x128xi32, #tpu.memory_space<hbm>> -> memref<40x128xi32, #tpu.memory_space<hbm>>
      tpu.wait_dma2 semaphore(%run_scoped3A : memref<!tpu.dma_semaphore, #tpu.memory_space<semaphore_mem>>) src(%dma_wait3A_63 : memref<40x128xi32, #tpu.memory_space<hbm>>) dst(%arg7 : memref<40x128xi32, #tpu.memory_space<vmem>>)
      tpu.yield
    }) : () -> ()
    "tpu.region"() ({
      %run_scoped3A = tpu.sem_alloc : memref<!tpu.dma_semaphore, #tpu.memory_space<semaphore_mem>>
      %dma_start3A_49 = arith.constant 0 : i32
      %dma_start3A_50 = arith.constant 0 : i32
      %dma_start3A_51 = tpu.memref_slice %arg4[%add3A, %dma_start3A_49, %dma_start3A_50] : memref<32x80x128xi32, #tpu.memory_space<hbm>> -> memref<1x40x128xi32, #tpu.memory_space<hbm>>
      %dma_start3A_52 = tpu.memref_squeeze %dma_start3A_51 : memref<1x40x128xi32, #tpu.memory_space<hbm>> -> memref<40x128xi32, #tpu.memory_space<hbm>>
      %dma_start3A_53 = arith.constant 0 : i32
      %dma_start3A_54 = arith.constant 0 : i32
      %dma_start3A_55 = tpu.memref_slice %arg4[%add3A, %dma_start3A_53, %dma_start3A_54] : memref<32x80x128xi32, #tpu.memory_space<hbm>> -> memref<1x40x128xi32, #tpu.memory_space<hbm>>
      %dma_start3A_56 = tpu.memref_squeeze %dma_start3A_55 : memref<1x40x128xi32, #tpu.memory_space<hbm>> -> memref<40x128xi32, #tpu.memory_space<hbm>>
      tpu.enqueue_dma source(%dma_start3A_56 : memref<40x128xi32, #tpu.memory_space<hbm>>) target(%arg8 : memref<40x128xi32, #tpu.memory_space<vmem>>) target_semaphore(%run_scoped3A : memref<!tpu.dma_semaphore, #tpu.memory_space<semaphore_mem>>)
      %dma_wait3A = arith.constant 0 : i32
      %dma_wait3A_57 = arith.constant 0 : i32
      %dma_wait3A_58 = tpu.memref_slice %arg4[%add3A, %dma_wait3A, %dma_wait3A_57] : memref<32x80x128xi32, #tpu.memory_space<hbm>> -> memref<1x40x128xi32, #tpu.memory_space<hbm>>
      %dma_wait3A_59 = tpu.memref_squeeze %dma_wait3A_58 : memref<1x40x128xi32, #tpu.memory_space<hbm>> -> memref<40x128xi32, #tpu.memory_space<hbm>>
      %dma_wait3A_60 = arith.constant 0 : i32
      %dma_wait3A_61 = arith.constant 0 : i32
      %dma_wait3A_62 = tpu.memref_slice %arg4[%add3A, %dma_wait3A_60, %dma_wait3A_61] : memref<32x80x128xi32, #tpu.memory_space<hbm>> -> memref<1x40x128xi32, #tpu.memory_space<hbm>>
      %dma_wait3A_63 = tpu.memref_squeeze %dma_wait3A_62 : memref<1x40x128xi32, #tpu.memory_space<hbm>> -> memref<40x128xi32, #tpu.memory_space<hbm>>
      tpu.wait_dma2 semaphore(%run_scoped3A : memref<!tpu.dma_semaphore, #tpu.memory_space<semaphore_mem>>) src(%dma_wait3A_63 : memref<40x128xi32, #tpu.memory_space<hbm>>) dst(%arg8 : memref<40x128xi32, #tpu.memory_space<vmem>>)
      tpu.yield
    }) : () -> ()
    %dma_start3A = arith.constant 0 : i32
    %dma_start3A_3 = arith.constant 0 : i32
    %dma_start3A_4 = tpu.memref_slice %arg7[%dma_start3A, %dma_start3A_3] : memref<40x128xi32, #tpu.memory_space<vmem>> -> memref<1x128xi32, #tpu.memory_space<vmem>>
    %dma_start3A_5 = tpu.memref_squeeze %dma_start3A_4 : memref<1x128xi32, #tpu.memory_space<vmem>> -> memref<128xi32, #tpu.memory_space<vmem>>
    %dma_start3A_6 = arith.constant 0 : i32
    %dma_start3A_7 = arith.constant 0 : i32
    %dma_start3A_8 = tpu.memref_slice %arg2[%dma_start3A_6, %dma_start3A_7] : memref<10000x128xf32, #tpu.memory_space<hbm>> -> memref<10000x128xf32, #tpu.memory_space<hbm>>
    tpu.enqueue_indirect_dma source(%dma_start3A_8 : memref<10000x128xf32, #tpu.memory_space<hbm>>) target(%arg9 : memref<128x128xf32, #tpu.memory_space<vmem>>) offsets(%dma_start3A_5 : memref<128xi32, #tpu.memory_space<vmem>>) semaphore(%arg12 : memref<!tpu.dma_semaphore, #tpu.memory_space<semaphore_mem>>)
    %dma_start3A_9 = arith.constant 1 : i32
    %dma_start3A_10 = arith.constant 0 : i32
    %dma_start3A_11 = tpu.memref_slice %arg7[%dma_start3A_9, %dma_start3A_10] : memref<40x128xi32, #tpu.memory_space<vmem>> -> memref<1x128xi32, #tpu.memory_space<vmem>>
    %dma_start3A_12 = tpu.memref_squeeze %dma_start3A_11 : memref<1x128xi32, #tpu.memory_space<vmem>> -> memref<128xi32, #tpu.memory_space<vmem>>
    %dma_start3A_13 = arith.constant 0 : i32
    %dma_start3A_14 = arith.constant 0 : i32
    %dma_start3A_15 = tpu.memref_slice %arg2[%dma_start3A_13, %dma_start3A_14] : memref<10000x128xf32, #tpu.memory_space<hbm>> -> memref<10000x128xf32, #tpu.memory_space<hbm>>
    tpu.enqueue_indirect_dma source(%dma_start3A_15 : memref<10000x128xf32, #tpu.memory_space<hbm>>) target(%arg10 : memref<128x128xf32, #tpu.memory_space<vmem>>) offsets(%dma_start3A_12 : memref<128xi32, #tpu.memory_space<vmem>>) semaphore(%arg13 : memref<!tpu.dma_semaphore, #tpu.memory_space<semaphore_mem>>)
    %scan3A = arith.constant 0 : i32
    %scan3A_16 = arith.constant 20 : i32
    %scan3A_17 = arith.addi %scan3A, %scan3A_16 : i32
    %scan3A_18 = arith.constant 1 : i32
    scf.for %scan3A_49 = %scan3A to %scan3A_17 step %scan3A_18  : i32 {
      %mul3A_50 = arith.constant 2 : i32
      %mul3A_51 = arith.muli %scan3A_49, %mul3A_50 : i32
      %dma_wait3A = arith.constant 0 : i32
      %dma_wait3A_52 = tpu.memref_slice %arg7[%mul3A_51, %dma_wait3A] : memref<40x128xi32, #tpu.memory_space<vmem>> -> memref<1x128xi32, #tpu.memory_space<vmem>>
      %dma_wait3A_53 = tpu.memref_squeeze %dma_wait3A_52 : memref<1x128xi32, #tpu.memory_space<vmem>> -> memref<128xi32, #tpu.memory_space<vmem>>
      %dma_wait3A_54 = arith.constant 0 : i32
      %dma_wait3A_55 = arith.constant 0 : i32
      %dma_wait3A_56 = tpu.memref_slice %arg2[%dma_wait3A_54, %dma_wait3A_55] : memref<10000x128xf32, #tpu.memory_space<hbm>> -> memref<10000x128xf32, #tpu.memory_space<hbm>>
      tpu.wait_indirect_dma semaphore(%arg12 : memref<!tpu.dma_semaphore, #tpu.memory_space<semaphore_mem>>) src(%dma_wait3A_56 : memref<10000x128xf32, #tpu.memory_space<hbm>>) dst(%arg9 : memref<128x128xf32, #tpu.memory_space<vmem>>)
      "tpu.region"() ({
        %run_scoped3A = tpu.sem_alloc : memref<!tpu.dma_semaphore, #tpu.memory_space<semaphore_mem>>
        %dma_start3A_81 = arith.constant 0 : i32
        %dma_start3A_82 = tpu.memref_slice %arg8[%mul3A_51, %dma_start3A_81] : memref<40x128xi32, #tpu.memory_space<vmem>> -> memref<1x128xi32, #tpu.memory_space<vmem>>
        %dma_start3A_83 = tpu.memref_squeeze %dma_start3A_82 : memref<1x128xi32, #tpu.memory_space<vmem>> -> memref<128xi32, #tpu.memory_space<vmem>>
        %dma_start3A_84 = arith.constant 0 : i32
        %dma_start3A_85 = arith.constant 0 : i32
        %dma_start3A_86 = tpu.memref_slice %arg11[%dma_start3A_84, %dma_start3A_85] : memref<10112x128xf32, #tpu.memory_space<vmem_shared>> -> memref<10112x128xf32, #tpu.memory_space<vmem_shared>>
        tpu.enqueue_indirect_dma source(%arg9 : memref<128x128xf32, #tpu.memory_space<vmem>>) target(%dma_start3A_86 : memref<10112x128xf32, #tpu.memory_space<vmem_shared>>) offsets(%dma_start3A_83 : memref<128xi32, #tpu.memory_space<vmem>>) semaphore(%run_scoped3A : memref<!tpu.dma_semaphore, #tpu.memory_space<semaphore_mem>>) {add = true}
        %dma_wait3A_87 = arith.constant 0 : i32
        %dma_wait3A_88 = tpu.memref_slice %arg8[%mul3A_51, %dma_wait3A_87] : memref<40x128xi32, #tpu.memory_space<vmem>> -> memref<1x128xi32, #tpu.memory_space<vmem>>
        %dma_wait3A_89 = tpu.memref_squeeze %dma_wait3A_88 : memref<1x128xi32, #tpu.memory_space<vmem>> -> memref<128xi32, #tpu.memory_space<vmem>>
        %dma_wait3A_90 = arith.constant 0 : i32
        %dma_wait3A_91 = arith.constant 0 : i32
        %dma_wait3A_92 = tpu.memref_slice %arg11[%dma_wait3A_90, %dma_wait3A_91] : memref<10112x128xf32, #tpu.memory_space<vmem_shared>> -> memref<10112x128xf32, #tpu.memory_space<vmem_shared>>
        tpu.wait_indirect_dma semaphore(%run_scoped3A : memref<!tpu.dma_semaphore, #tpu.memory_space<semaphore_mem>>) src(%arg9 : memref<128x128xf32, #tpu.memory_space<vmem>>) dst(%dma_wait3A_92 : memref<10112x128xf32, #tpu.memory_space<vmem_shared>>)
        tpu.yield
      }) : () -> ()
      %add3A_57 = arith.constant 2 : i32
      %add3A_58 = arith.addi %mul3A_51, %add3A_57 : i32
      %lt3A_59 = arith.constant 40 : i32
      %lt3A_60 = arith.cmpi slt, %add3A_58, %lt3A_59 : i32
      %convert_element_type3A_61 = arith.extui %lt3A_60 : i1 to i32
      %cond3A_62 = arith.constant 0 : i32
      %cond3A_63 = arith.cmpi ne, %convert_element_type3A_61, %cond3A_62 : i32
      scf.if %cond3A_63 {
        %add3A_81 = arith.constant 2 : i32
        %add3A_82 = arith.addi %mul3A_51, %add3A_81 : i32
        %dma_start3A_83 = arith.constant 0 : i32
        %dma_start3A_84 = tpu.memref_slice %arg7[%add3A_82, %dma_start3A_83] : memref<40x128xi32, #tpu.memory_space<vmem>> -> memref<1x128xi32, #tpu.memory_space<vmem>>
        %dma_start3A_85 = tpu.memref_squeeze %dma_start3A_84 : memref<1x128xi32, #tpu.memory_space<vmem>> -> memref<128xi32, #tpu.memory_space<vmem>>
        %dma_start3A_86 = arith.constant 0 : i32
        %dma_start3A_87 = arith.constant 0 : i32
        %dma_start3A_88 = tpu.memref_slice %arg2[%dma_start3A_86, %dma_start3A_87] : memref<10000x128xf32, #tpu.memory_space<hbm>> -> memref<10000x128xf32, #tpu.memory_space<hbm>>
        tpu.enqueue_indirect_dma source(%dma_start3A_88 : memref<10000x128xf32, #tpu.memory_space<hbm>>) target(%arg9 : memref<128x128xf32, #tpu.memory_space<vmem>>) offsets(%dma_start3A_85 : memref<128xi32, #tpu.memory_space<vmem>>) semaphore(%arg12 : memref<!tpu.dma_semaphore, #tpu.memory_space<semaphore_mem>>)
      } else {
      }
      %add3A_64 = arith.constant 1 : i32
      %add3A_65 = arith.addi %mul3A_51, %add3A_64 : i32
      %dma_wait3A_66 = arith.constant 0 : i32
      %dma_wait3A_67 = tpu.memref_slice %arg7[%add3A_65, %dma_wait3A_66] : memref<40x128xi32, #tpu.memory_space<vmem>> -> memref<1x128xi32, #tpu.memory_space<vmem>>
      %dma_wait3A_68 = tpu.memref_squeeze %dma_wait3A_67 : memref<1x128xi32, #tpu.memory_space<vmem>> -> memref<128xi32, #tpu.memory_space<vmem>>
      %dma_wait3A_69 = arith.constant 0 : i32
      %dma_wait3A_70 = arith.constant 0 : i32
      %dma_wait3A_71 = tpu.memref_slice %arg2[%dma_wait3A_69, %dma_wait3A_70] : memref<10000x128xf32, #tpu.memory_space<hbm>> -> memref<10000x128xf32, #tpu.memory_space<hbm>>
      tpu.wait_indirect_dma semaphore(%arg13 : memref<!tpu.dma_semaphore, #tpu.memory_space<semaphore_mem>>) src(%dma_wait3A_71 : memref<10000x128xf32, #tpu.memory_space<hbm>>) dst(%arg10 : memref<128x128xf32, #tpu.memory_space<vmem>>)
      %add3A_72 = arith.constant 1 : i32
      %add3A_73 = arith.addi %mul3A_51, %add3A_72 : i32
      "tpu.region"() ({
        %run_scoped3A = tpu.sem_alloc : memref<!tpu.dma_semaphore, #tpu.memory_space<semaphore_mem>>
        %dma_start3A_81 = arith.constant 0 : i32
        %dma_start3A_82 = tpu.memref_slice %arg8[%add3A_73, %dma_start3A_81] : memref<40x128xi32, #tpu.memory_space<vmem>> -> memref<1x128xi32, #tpu.memory_space<vmem>>
        %dma_start3A_83 = tpu.memref_squeeze %dma_start3A_82 : memref<1x128xi32, #tpu.memory_space<vmem>> -> memref<128xi32, #tpu.memory_space<vmem>>
        %dma_start3A_84 = arith.constant 0 : i32
        %dma_start3A_85 = arith.constant 0 : i32
        %dma_start3A_86 = tpu.memref_slice %arg11[%dma_start3A_84, %dma_start3A_85] : memref<10112x128xf32, #tpu.memory_space<vmem_shared>> -> memref<10112x128xf32, #tpu.memory_space<vmem_shared>>
        tpu.enqueue_indirect_dma source(%arg10 : memref<128x128xf32, #tpu.memory_space<vmem>>) target(%dma_start3A_86 : memref<10112x128xf32, #tpu.memory_space<vmem_shared>>) offsets(%dma_start3A_83 : memref<128xi32, #tpu.memory_space<vmem>>) semaphore(%run_scoped3A : memref<!tpu.dma_semaphore, #tpu.memory_space<semaphore_mem>>) {add = true}
        %dma_wait3A_87 = arith.constant 0 : i32
        %dma_wait3A_88 = tpu.memref_slice %arg8[%add3A_73, %dma_wait3A_87] : memref<40x128xi32, #tpu.memory_space<vmem>> -> memref<1x128xi32, #tpu.memory_space<vmem>>
        %dma_wait3A_89 = tpu.memref_squeeze %dma_wait3A_88 : memref<1x128xi32, #tpu.memory_space<vmem>> -> memref<128xi32, #tpu.memory_space<vmem>>
        %dma_wait3A_90 = arith.constant 0 : i32
        %dma_wait3A_91 = arith.constant 0 : i32
        %dma_wait3A_92 = tpu.memref_slice %arg11[%dma_wait3A_90, %dma_wait3A_91] : memref<10112x128xf32, #tpu.memory_space<vmem_shared>> -> memref<10112x128xf32, #tpu.memory_space<vmem_shared>>
        tpu.wait_indirect_dma semaphore(%run_scoped3A : memref<!tpu.dma_semaphore, #tpu.memory_space<semaphore_mem>>) src(%arg10 : memref<128x128xf32, #tpu.memory_space<vmem>>) dst(%dma_wait3A_92 : memref<10112x128xf32, #tpu.memory_space<vmem_shared>>)
        tpu.yield
      }) : () -> ()
      %add3A_74 = arith.constant 3 : i32
      %add3A_75 = arith.addi %mul3A_51, %add3A_74 : i32
      %lt3A_76 = arith.constant 40 : i32
      %lt3A_77 = arith.cmpi slt, %add3A_75, %lt3A_76 : i32
      %convert_element_type3A_78 = arith.extui %lt3A_77 : i1 to i32
      %cond3A_79 = arith.constant 0 : i32
      %cond3A_80 = arith.cmpi ne, %convert_element_type3A_78, %cond3A_79 : i32
      scf.if %cond3A_80 {
        %add3A_81 = arith.constant 3 : i32
        %add3A_82 = arith.addi %mul3A_51, %add3A_81 : i32
        %dma_start3A_83 = arith.constant 0 : i32
        %dma_start3A_84 = tpu.memref_slice %arg7[%add3A_82, %dma_start3A_83] : memref<40x128xi32, #tpu.memory_space<vmem>> -> memref<1x128xi32, #tpu.memory_space<vmem>>
        %dma_start3A_85 = tpu.memref_squeeze %dma_start3A_84 : memref<1x128xi32, #tpu.memory_space<vmem>> -> memref<128xi32, #tpu.memory_space<vmem>>
        %dma_start3A_86 = arith.constant 0 : i32
        %dma_start3A_87 = arith.constant 0 : i32
        %dma_start3A_88 = tpu.memref_slice %arg2[%dma_start3A_86, %dma_start3A_87] : memref<10000x128xf32, #tpu.memory_space<hbm>> -> memref<10000x128xf32, #tpu.memory_space<hbm>>
        tpu.enqueue_indirect_dma source(%dma_start3A_88 : memref<10000x128xf32, #tpu.memory_space<hbm>>) target(%arg10 : memref<128x128xf32, #tpu.memory_space<vmem>>) offsets(%dma_start3A_85 : memref<128xi32, #tpu.memory_space<vmem>>) semaphore(%arg13 : memref<!tpu.dma_semaphore, #tpu.memory_space<semaphore_mem>>)
      } else {
      }
    }
    %scan3A_19 = arith.constant 20 : i32
    "tpu.region"() ({
      %run_scoped3A = tpu.sem_alloc : memref<!tpu.dma_semaphore, #tpu.memory_space<semaphore_mem>>
      %dma_start3A_49 = arith.constant 40 : i32
      %dma_start3A_50 = arith.constant 0 : i32
      %dma_start3A_51 = tpu.memref_slice %arg3[%add3A, %dma_start3A_49, %dma_start3A_50] : memref<32x80x128xi32, #tpu.memory_space<hbm>> -> memref<1x40x128xi32, #tpu.memory_space<hbm>>
      %dma_start3A_52 = tpu.memref_squeeze %dma_start3A_51 : memref<1x40x128xi32, #tpu.memory_space<hbm>> -> memref<40x128xi32, #tpu.memory_space<hbm>>
      %dma_start3A_53 = arith.constant 40 : i32
      %dma_start3A_54 = arith.constant 0 : i32
      %dma_start3A_55 = tpu.memref_slice %arg3[%add3A, %dma_start3A_53, %dma_start3A_54] : memref<32x80x128xi32, #tpu.memory_space<hbm>> -> memref<1x40x128xi32, #tpu.memory_space<hbm>>
      %dma_start3A_56 = tpu.memref_squeeze %dma_start3A_55 : memref<1x40x128xi32, #tpu.memory_space<hbm>> -> memref<40x128xi32, #tpu.memory_space<hbm>>
      tpu.enqueue_dma source(%dma_start3A_56 : memref<40x128xi32, #tpu.memory_space<hbm>>) target(%arg7 : memref<40x128xi32, #tpu.memory_space<vmem>>) target_semaphore(%run_scoped3A : memref<!tpu.dma_semaphore, #tpu.memory_space<semaphore_mem>>)
      %dma_wait3A = arith.constant 40 : i32
      %dma_wait3A_57 = arith.constant 0 : i32
      %dma_wait3A_58 = tpu.memref_slice %arg3[%add3A, %dma_wait3A, %dma_wait3A_57] : memref<32x80x128xi32, #tpu.memory_space<hbm>> -> memref<1x40x128xi32, #tpu.memory_space<hbm>>
      %dma_wait3A_59 = tpu.memref_squeeze %dma_wait3A_58 : memref<1x40x128xi32, #tpu.memory_space<hbm>> -> memref<40x128xi32, #tpu.memory_space<hbm>>
      %dma_wait3A_60 = arith.constant 40 : i32
      %dma_wait3A_61 = arith.constant 0 : i32
      %dma_wait3A_62 = tpu.memref_slice %arg3[%add3A, %dma_wait3A_60, %dma_wait3A_61] : memref<32x80x128xi32, #tpu.memory_space<hbm>> -> memref<1x40x128xi32, #tpu.memory_space<hbm>>
      %dma_wait3A_63 = tpu.memref_squeeze %dma_wait3A_62 : memref<1x40x128xi32, #tpu.memory_space<hbm>> -> memref<40x128xi32, #tpu.memory_space<hbm>>
      tpu.wait_dma2 semaphore(%run_scoped3A : memref<!tpu.dma_semaphore, #tpu.memory_space<semaphore_mem>>) src(%dma_wait3A_63 : memref<40x128xi32, #tpu.memory_space<hbm>>) dst(%arg7 : memref<40x128xi32, #tpu.memory_space<vmem>>)
      tpu.yield
    }) : () -> ()
    "tpu.region"() ({
      %run_scoped3A = tpu.sem_alloc : memref<!tpu.dma_semaphore, #tpu.memory_space<semaphore_mem>>
      %dma_start3A_49 = arith.constant 40 : i32
      %dma_start3A_50 = arith.constant 0 : i32
      %dma_start3A_51 = tpu.memref_slice %arg4[%add3A, %dma_start3A_49, %dma_start3A_50] : memref<32x80x128xi32, #tpu.memory_space<hbm>> -> memref<1x40x128xi32, #tpu.memory_space<hbm>>
      %dma_start3A_52 = tpu.memref_squeeze %dma_start3A_51 : memref<1x40x128xi32, #tpu.memory_space<hbm>> -> memref<40x128xi32, #tpu.memory_space<hbm>>
      %dma_start3A_53 = arith.constant 40 : i32
      %dma_start3A_54 = arith.constant 0 : i32
      %dma_start3A_55 = tpu.memref_slice %arg4[%add3A, %dma_start3A_53, %dma_start3A_54] : memref<32x80x128xi32, #tpu.memory_space<hbm>> -> memref<1x40x128xi32, #tpu.memory_space<hbm>>
      %dma_start3A_56 = tpu.memref_squeeze %dma_start3A_55 : memref<1x40x128xi32, #tpu.memory_space<hbm>> -> memref<40x128xi32, #tpu.memory_space<hbm>>
      tpu.enqueue_dma source(%dma_start3A_56 : memref<40x128xi32, #tpu.memory_space<hbm>>) target(%arg8 : memref<40x128xi32, #tpu.memory_space<vmem>>) target_semaphore(%run_scoped3A : memref<!tpu.dma_semaphore, #tpu.memory_space<semaphore_mem>>)
      %dma_wait3A = arith.constant 40 : i32
      %dma_wait3A_57 = arith.constant 0 : i32
      %dma_wait3A_58 = tpu.memref_slice %arg4[%add3A, %dma_wait3A, %dma_wait3A_57] : memref<32x80x128xi32, #tpu.memory_space<hbm>> -> memref<1x40x128xi32, #tpu.memory_space<hbm>>
      %dma_wait3A_59 = tpu.memref_squeeze %dma_wait3A_58 : memref<1x40x128xi32, #tpu.memory_space<hbm>> -> memref<40x128xi32, #tpu.memory_space<hbm>>
      %dma_wait3A_60 = arith.constant 40 : i32
      %dma_wait3A_61 = arith.constant 0 : i32
      %dma_wait3A_62 = tpu.memref_slice %arg4[%add3A, %dma_wait3A_60, %dma_wait3A_61] : memref<32x80x128xi32, #tpu.memory_space<hbm>> -> memref<1x40x128xi32, #tpu.memory_space<hbm>>
      %dma_wait3A_63 = tpu.memref_squeeze %dma_wait3A_62 : memref<1x40x128xi32, #tpu.memory_space<hbm>> -> memref<40x128xi32, #tpu.memory_space<hbm>>
      tpu.wait_dma2 semaphore(%run_scoped3A : memref<!tpu.dma_semaphore, #tpu.memory_space<semaphore_mem>>) src(%dma_wait3A_63 : memref<40x128xi32, #tpu.memory_space<hbm>>) dst(%arg8 : memref<40x128xi32, #tpu.memory_space<vmem>>)
      tpu.yield
    }) : () -> ()
    %dma_start3A_20 = arith.constant 0 : i32
    %dma_start3A_21 = arith.constant 0 : i32
    %dma_start3A_22 = tpu.memref_slice %arg7[%dma_start3A_20, %dma_start3A_21] : memref<40x128xi32, #tpu.memory_space<vmem>> -> memref<1x128xi32, #tpu.memory_space<vmem>>
    %dma_start3A_23 = tpu.memref_squeeze %dma_start3A_22 : memref<1x128xi32, #tpu.memory_space<vmem>> -> memref<128xi32, #tpu.memory_space<vmem>>
    %dma_start3A_24 = arith.constant 0 : i32
    %dma_start3A_25 = arith.constant 0 : i32
    %dma_start3A_26 = tpu.memref_slice %arg2[%dma_start3A_24, %dma_start3A_25] : memref<10000x128xf32, #tpu.memory_space<hbm>> -> memref<10000x128xf32, #tpu.memory_space<hbm>>
    tpu.enqueue_indirect_dma source(%dma_start3A_26 : memref<10000x128xf32, #tpu.memory_space<hbm>>) target(%arg9 : memref<128x128xf32, #tpu.memory_space<vmem>>) offsets(%dma_start3A_23 : memref<128xi32, #tpu.memory_space<vmem>>) semaphore(%arg12 : memref<!tpu.dma_semaphore, #tpu.memory_space<semaphore_mem>>)
    %dma_start3A_27 = arith.constant 1 : i32
    %dma_start3A_28 = arith.constant 0 : i32
    %dma_start3A_29 = tpu.memref_slice %arg7[%dma_start3A_27, %dma_start3A_28] : memref<40x128xi32, #tpu.memory_space<vmem>> -> memref<1x128xi32, #tpu.memory_space<vmem>>
    %dma_start3A_30 = tpu.memref_squeeze %dma_start3A_29 : memref<1x128xi32, #tpu.memory_space<vmem>> -> memref<128xi32, #tpu.memory_space<vmem>>
    %dma_start3A_31 = arith.constant 0 : i32
    %dma_start3A_32 = arith.constant 0 : i32
    %dma_start3A_33 = tpu.memref_slice %arg2[%dma_start3A_31, %dma_start3A_32] : memref<10000x128xf32, #tpu.memory_space<hbm>> -> memref<10000x128xf32, #tpu.memory_space<hbm>>
    tpu.enqueue_indirect_dma source(%dma_start3A_33 : memref<10000x128xf32, #tpu.memory_space<hbm>>) target(%arg10 : memref<128x128xf32, #tpu.memory_space<vmem>>) offsets(%dma_start3A_30 : memref<128xi32, #tpu.memory_space<vmem>>) semaphore(%arg13 : memref<!tpu.dma_semaphore, #tpu.memory_space<semaphore_mem>>)
    %scan3A_34 = arith.constant 0 : i32
    %scan3A_35 = arith.constant 20 : i32
    %scan3A_36 = arith.addi %scan3A_34, %scan3A_35 : i32
    %scan3A_37 = arith.constant 1 : i32
    scf.for %scan3A_49 = %scan3A_34 to %scan3A_36 step %scan3A_37  : i32 {
      %mul3A_50 = arith.constant 2 : i32
      %mul3A_51 = arith.muli %scan3A_49, %mul3A_50 : i32
      %dma_wait3A = arith.constant 0 : i32
      %dma_wait3A_52 = tpu.memref_slice %arg7[%mul3A_51, %dma_wait3A] : memref<40x128xi32, #tpu.memory_space<vmem>> -> memref<1x128xi32, #tpu.memory_space<vmem>>
      %dma_wait3A_53 = tpu.memref_squeeze %dma_wait3A_52 : memref<1x128xi32, #tpu.memory_space<vmem>> -> memref<128xi32, #tpu.memory_space<vmem>>
      %dma_wait3A_54 = arith.constant 0 : i32
      %dma_wait3A_55 = arith.constant 0 : i32
      %dma_wait3A_56 = tpu.memref_slice %arg2[%dma_wait3A_54, %dma_wait3A_55] : memref<10000x128xf32, #tpu.memory_space<hbm>> -> memref<10000x128xf32, #tpu.memory_space<hbm>>
      tpu.wait_indirect_dma semaphore(%arg12 : memref<!tpu.dma_semaphore, #tpu.memory_space<semaphore_mem>>) src(%dma_wait3A_56 : memref<10000x128xf32, #tpu.memory_space<hbm>>) dst(%arg9 : memref<128x128xf32, #tpu.memory_space<vmem>>)
      "tpu.region"() ({
        %run_scoped3A = tpu.sem_alloc : memref<!tpu.dma_semaphore, #tpu.memory_space<semaphore_mem>>
        %dma_start3A_81 = arith.constant 0 : i32
        %dma_start3A_82 = tpu.memref_slice %arg8[%mul3A_51, %dma_start3A_81] : memref<40x128xi32, #tpu.memory_space<vmem>> -> memref<1x128xi32, #tpu.memory_space<vmem>>
        %dma_start3A_83 = tpu.memref_squeeze %dma_start3A_82 : memref<1x128xi32, #tpu.memory_space<vmem>> -> memref<128xi32, #tpu.memory_space<vmem>>
        %dma_start3A_84 = arith.constant 0 : i32
        %dma_start3A_85 = arith.constant 0 : i32
        %dma_start3A_86 = tpu.memref_slice %arg11[%dma_start3A_84, %dma_start3A_85] : memref<10112x128xf32, #tpu.memory_space<vmem_shared>> -> memref<10112x128xf32, #tpu.memory_space<vmem_shared>>
        tpu.enqueue_indirect_dma source(%arg9 : memref<128x128xf32, #tpu.memory_space<vmem>>) target(%dma_start3A_86 : memref<10112x128xf32, #tpu.memory_space<vmem_shared>>) offsets(%dma_start3A_83 : memref<128xi32, #tpu.memory_space<vmem>>) semaphore(%run_scoped3A : memref<!tpu.dma_semaphore, #tpu.memory_space<semaphore_mem>>) {add = true}
        %dma_wait3A_87 = arith.constant 0 : i32
        %dma_wait3A_88 = tpu.memref_slice %arg8[%mul3A_51, %dma_wait3A_87] : memref<40x128xi32, #tpu.memory_space<vmem>> -> memref<1x128xi32, #tpu.memory_space<vmem>>
        %dma_wait3A_89 = tpu.memref_squeeze %dma_wait3A_88 : memref<1x128xi32, #tpu.memory_space<vmem>> -> memref<128xi32, #tpu.memory_space<vmem>>
        %dma_wait3A_90 = arith.constant 0 : i32
        %dma_wait3A_91 = arith.constant 0 : i32
        %dma_wait3A_92 = tpu.memref_slice %arg11[%dma_wait3A_90, %dma_wait3A_91] : memref<10112x128xf32, #tpu.memory_space<vmem_shared>> -> memref<10112x128xf32, #tpu.memory_space<vmem_shared>>
        tpu.wait_indirect_dma semaphore(%run_scoped3A : memref<!tpu.dma_semaphore, #tpu.memory_space<semaphore_mem>>) src(%arg9 : memref<128x128xf32, #tpu.memory_space<vmem>>) dst(%dma_wait3A_92 : memref<10112x128xf32, #tpu.memory_space<vmem_shared>>)
        tpu.yield
      }) : () -> ()
      %add3A_57 = arith.constant 2 : i32
      %add3A_58 = arith.addi %mul3A_51, %add3A_57 : i32
      %lt3A_59 = arith.constant 40 : i32
      %lt3A_60 = arith.cmpi slt, %add3A_58, %lt3A_59 : i32
      %convert_element_type3A_61 = arith.extui %lt3A_60 : i1 to i32
      %cond3A_62 = arith.constant 0 : i32
      %cond3A_63 = arith.cmpi ne, %convert_element_type3A_61, %cond3A_62 : i32
      scf.if %cond3A_63 {
        %add3A_81 = arith.constant 2 : i32
        %add3A_82 = arith.addi %mul3A_51, %add3A_81 : i32
        %dma_start3A_83 = arith.constant 0 : i32
        %dma_start3A_84 = tpu.memref_slice %arg7[%add3A_82, %dma_start3A_83] : memref<40x128xi32, #tpu.memory_space<vmem>> -> memref<1x128xi32, #tpu.memory_space<vmem>>
        %dma_start3A_85 = tpu.memref_squeeze %dma_start3A_84 : memref<1x128xi32, #tpu.memory_space<vmem>> -> memref<128xi32, #tpu.memory_space<vmem>>
        %dma_start3A_86 = arith.constant 0 : i32
        %dma_start3A_87 = arith.constant 0 : i32
        %dma_start3A_88 = tpu.memref_slice %arg2[%dma_start3A_86, %dma_start3A_87] : memref<10000x128xf32, #tpu.memory_space<hbm>> -> memref<10000x128xf32, #tpu.memory_space<hbm>>
        tpu.enqueue_indirect_dma source(%dma_start3A_88 : memref<10000x128xf32, #tpu.memory_space<hbm>>) target(%arg9 : memref<128x128xf32, #tpu.memory_space<vmem>>) offsets(%dma_start3A_85 : memref<128xi32, #tpu.memory_space<vmem>>) semaphore(%arg12 : memref<!tpu.dma_semaphore, #tpu.memory_space<semaphore_mem>>)
      } else {
      }
      %add3A_64 = arith.constant 1 : i32
      %add3A_65 = arith.addi %mul3A_51, %add3A_64 : i32
      %dma_wait3A_66 = arith.constant 0 : i32
      %dma_wait3A_67 = tpu.memref_slice %arg7[%add3A_65, %dma_wait3A_66] : memref<40x128xi32, #tpu.memory_space<vmem>> -> memref<1x128xi32, #tpu.memory_space<vmem>>
      %dma_wait3A_68 = tpu.memref_squeeze %dma_wait3A_67 : memref<1x128xi32, #tpu.memory_space<vmem>> -> memref<128xi32, #tpu.memory_space<vmem>>
      %dma_wait3A_69 = arith.constant 0 : i32
      %dma_wait3A_70 = arith.constant 0 : i32
      %dma_wait3A_71 = tpu.memref_slice %arg2[%dma_wait3A_69, %dma_wait3A_70] : memref<10000x128xf32, #tpu.memory_space<hbm>> -> memref<10000x128xf32, #tpu.memory_space<hbm>>
      tpu.wait_indirect_dma semaphore(%arg13 : memref<!tpu.dma_semaphore, #tpu.memory_space<semaphore_mem>>) src(%dma_wait3A_71 : memref<10000x128xf32, #tpu.memory_space<hbm>>) dst(%arg10 : memref<128x128xf32, #tpu.memory_space<vmem>>)
      %add3A_72 = arith.constant 1 : i32
      %add3A_73 = arith.addi %mul3A_51, %add3A_72 : i32
      "tpu.region"() ({
        %run_scoped3A = tpu.sem_alloc : memref<!tpu.dma_semaphore, #tpu.memory_space<semaphore_mem>>
        %dma_start3A_81 = arith.constant 0 : i32
        %dma_start3A_82 = tpu.memref_slice %arg8[%add3A_73, %dma_start3A_81] : memref<40x128xi32, #tpu.memory_space<vmem>> -> memref<1x128xi32, #tpu.memory_space<vmem>>
        %dma_start3A_83 = tpu.memref_squeeze %dma_start3A_82 : memref<1x128xi32, #tpu.memory_space<vmem>> -> memref<128xi32, #tpu.memory_space<vmem>>
        %dma_start3A_84 = arith.constant 0 : i32
        %dma_start3A_85 = arith.constant 0 : i32
        %dma_start3A_86 = tpu.memref_slice %arg11[%dma_start3A_84, %dma_start3A_85] : memref<10112x128xf32, #tpu.memory_space<vmem_shared>> -> memref<10112x128xf32, #tpu.memory_space<vmem_shared>>
        tpu.enqueue_indirect_dma source(%arg10 : memref<128x128xf32, #tpu.memory_space<vmem>>) target(%dma_start3A_86 : memref<10112x128xf32, #tpu.memory_space<vmem_shared>>) offsets(%dma_start3A_83 : memref<128xi32, #tpu.memory_space<vmem>>) semaphore(%run_scoped3A : memref<!tpu.dma_semaphore, #tpu.memory_space<semaphore_mem>>) {add = true}
        %dma_wait3A_87 = arith.constant 0 : i32
        %dma_wait3A_88 = tpu.memref_slice %arg8[%add3A_73, %dma_wait3A_87] : memref<40x128xi32, #tpu.memory_space<vmem>> -> memref<1x128xi32, #tpu.memory_space<vmem>>
        %dma_wait3A_89 = tpu.memref_squeeze %dma_wait3A_88 : memref<1x128xi32, #tpu.memory_space<vmem>> -> memref<128xi32, #tpu.memory_space<vmem>>
        %dma_wait3A_90 = arith.constant 0 : i32
        %dma_wait3A_91 = arith.constant 0 : i32
        %dma_wait3A_92 = tpu.memref_slice %arg11[%dma_wait3A_90, %dma_wait3A_91] : memref<10112x128xf32, #tpu.memory_space<vmem_shared>> -> memref<10112x128xf32, #tpu.memory_space<vmem_shared>>
        tpu.wait_indirect_dma semaphore(%run_scoped3A : memref<!tpu.dma_semaphore, #tpu.memory_space<semaphore_mem>>) src(%arg10 : memref<128x128xf32, #tpu.memory_space<vmem>>) dst(%dma_wait3A_92 : memref<10112x128xf32, #tpu.memory_space<vmem_shared>>)
        tpu.yield
      }) : () -> ()
      %add3A_74 = arith.constant 3 : i32
      %add3A_75 = arith.addi %mul3A_51, %add3A_74 : i32
      %lt3A_76 = arith.constant 40 : i32
      %lt3A_77 = arith.cmpi slt, %add3A_75, %lt3A_76 : i32
      %convert_element_type3A_78 = arith.extui %lt3A_77 : i1 to i32
      %cond3A_79 = arith.constant 0 : i32
      %cond3A_80 = arith.cmpi ne, %convert_element_type3A_78, %cond3A_79 : i32
      scf.if %cond3A_80 {
        %add3A_81 = arith.constant 3 : i32
        %add3A_82 = arith.addi %mul3A_51, %add3A_81 : i32
        %dma_start3A_83 = arith.constant 0 : i32
        %dma_start3A_84 = tpu.memref_slice %arg7[%add3A_82, %dma_start3A_83] : memref<40x128xi32, #tpu.memory_space<vmem>> -> memref<1x128xi32, #tpu.memory_space<vmem>>
        %dma_start3A_85 = tpu.memref_squeeze %dma_start3A_84 : memref<1x128xi32, #tpu.memory_space<vmem>> -> memref<128xi32, #tpu.memory_space<vmem>>
        %dma_start3A_86 = arith.constant 0 : i32
        %dma_start3A_87 = arith.constant 0 : i32
        %dma_start3A_88 = tpu.memref_slice %arg2[%dma_start3A_86, %dma_start3A_87] : memref<10000x128xf32, #tpu.memory_space<hbm>> -> memref<10000x128xf32, #tpu.memory_space<hbm>>
        tpu.enqueue_indirect_dma source(%dma_start3A_88 : memref<10000x128xf32, #tpu.memory_space<hbm>>) target(%arg10 : memref<128x128xf32, #tpu.memory_space<vmem>>) offsets(%dma_start3A_85 : memref<128xi32, #tpu.memory_space<vmem>>) semaphore(%arg13 : memref<!tpu.dma_semaphore, #tpu.memory_space<semaphore_mem>>)
      } else {
      }
    }
    %scan3A_38 = arith.constant 20 : i32
    %barrier3A_39 = arith.constant 0 : index
    tpu.barrier barrier_id(%barrier3A_39)
    %mul3A_40 = arith.constant 624 : i32
    %mul3A_41 = arith.muli %arg1, %mul3A_40 : i32
    %multiple_of3A_42 = tpu.assume_multiple %mul3A_41, 8 : i32
    %lt3A = arith.constant 15 : i32
    %lt3A_43 = arith.cmpi slt, %arg1, %lt3A : i32
    %convert_element_type3A = arith.extui %lt3A_43 : i1 to i32
    %cond3A = arith.constant 0 : i32
    %cond3A_44 = arith.cmpi ne, %convert_element_type3A, %cond3A : i32
    scf.if %cond3A_44 {
      "tpu.region"() ({
        %run_scoped3A = tpu.sem_alloc : memref<!tpu.dma_semaphore, #tpu.memory_space<semaphore_mem>>
        %dma_start3A_49 = arith.constant 0 : i32
        %dma_start3A_50 = tpu.memref_slice %arg6[%arg0, %multiple_of3A_42, %dma_start3A_49] : memref<2x10000x128xf32, #tpu.memory_space<hbm>> -> memref<1x624x128xf32, #tpu.memory_space<hbm>>
        %dma_start3A_51 = tpu.memref_squeeze %dma_start3A_50 : memref<1x624x128xf32, #tpu.memory_space<hbm>> -> memref<624x128xf32, #tpu.memory_space<hbm>>
        %dma_start3A_52 = arith.constant 0 : i32
        %dma_start3A_53 = tpu.memref_slice %arg11[%multiple_of3A_42, %dma_start3A_52] : memref<10112x128xf32, #tpu.memory_space<vmem_shared>> -> memref<624x128xf32, #tpu.memory_space<vmem_shared>>
        tpu.enqueue_dma source(%dma_start3A_53 : memref<624x128xf32, #tpu.memory_space<vmem_shared>>) target(%dma_start3A_51 : memref<624x128xf32, #tpu.memory_space<hbm>>) target_semaphore(%run_scoped3A : memref<!tpu.dma_semaphore, #tpu.memory_space<semaphore_mem>>)
        %dma_wait3A = arith.constant 0 : i32
        %dma_wait3A_54 = tpu.memref_slice %arg6[%arg0, %multiple_of3A_42, %dma_wait3A] : memref<2x10000x128xf32, #tpu.memory_space<hbm>> -> memref<1x624x128xf32, #tpu.memory_space<hbm>>
        %dma_wait3A_55 = tpu.memref_squeeze %dma_wait3A_54 : memref<1x624x128xf32, #tpu.memory_space<hbm>> -> memref<624x128xf32, #tpu.memory_space<hbm>>
        %dma_wait3A_56 = arith.constant 0 : i32
        %dma_wait3A_57 = tpu.memref_slice %arg11[%multiple_of3A_42, %dma_wait3A_56] : memref<10112x128xf32, #tpu.memory_space<vmem_shared>> -> memref<624x128xf32, #tpu.memory_space<vmem_shared>>
        tpu.wait_dma2 semaphore(%run_scoped3A : memref<!tpu.dma_semaphore, #tpu.memory_space<semaphore_mem>>) src(%dma_wait3A_57 : memref<624x128xf32, #tpu.memory_space<vmem_shared>>) dst(%dma_wait3A_55 : memref<624x128xf32, #tpu.memory_space<hbm>>)
        tpu.yield
      }) : () -> ()
    } else {
    }
    %eq3A = arith.constant 15 : i32
    %eq3A_45 = arith.cmpi eq, %arg1, %eq3A : i32
    %convert_element_type3A_46 = arith.extui %eq3A_45 : i1 to i32
    %cond3A_47 = arith.constant 0 : i32
    %cond3A_48 = arith.cmpi ne, %convert_element_type3A_46, %cond3A_47 : i32
    scf.if %cond3A_48 {
      "tpu.region"() ({
        %run_scoped3A = tpu.sem_alloc : memref<!tpu.dma_semaphore, #tpu.memory_space<semaphore_mem>>
        %dma_start3A_49 = arith.constant 9360 : i32
        %dma_start3A_50 = arith.constant 0 : i32
        %dma_start3A_51 = tpu.memref_slice %arg6[%arg0, %dma_start3A_49, %dma_start3A_50] : memref<2x10000x128xf32, #tpu.memory_space<hbm>> -> memref<1x640x128xf32, #tpu.memory_space<hbm>>
        %dma_start3A_52 = tpu.memref_squeeze %dma_start3A_51 : memref<1x640x128xf32, #tpu.memory_space<hbm>> -> memref<640x128xf32, #tpu.memory_space<hbm>>
        %dma_start3A_53 = arith.constant 9360 : i32
        %dma_start3A_54 = arith.constant 0 : i32
        %dma_start3A_55 = tpu.memref_slice %arg11[%dma_start3A_53, %dma_start3A_54] : memref<10112x128xf32, #tpu.memory_space<vmem_shared>> -> memref<640x128xf32, #tpu.memory_space<vmem_shared>>
        tpu.enqueue_dma source(%dma_start3A_55 : memref<640x128xf32, #tpu.memory_space<vmem_shared>>) target(%dma_start3A_52 : memref<640x128xf32, #tpu.memory_space<hbm>>) target_semaphore(%run_scoped3A : memref<!tpu.dma_semaphore, #tpu.memory_space<semaphore_mem>>)
        %dma_wait3A = arith.constant 9360 : i32
        %dma_wait3A_56 = arith.constant 0 : i32
        %dma_wait3A_57 = tpu.memref_slice %arg6[%arg0, %dma_wait3A, %dma_wait3A_56] : memref<2x10000x128xf32, #tpu.memory_space<hbm>> -> memref<1x640x128xf32, #tpu.memory_space<hbm>>
        %dma_wait3A_58 = tpu.memref_squeeze %dma_wait3A_57 : memref<1x640x128xf32, #tpu.memory_space<hbm>> -> memref<640x128xf32, #tpu.memory_space<hbm>>
        %dma_wait3A_59 = arith.constant 9360 : i32
        %dma_wait3A_60 = arith.constant 0 : i32
        %dma_wait3A_61 = tpu.memref_slice %arg11[%dma_wait3A_59, %dma_wait3A_60] : memref<10112x128xf32, #tpu.memory_space<vmem_shared>> -> memref<640x128xf32, #tpu.memory_space<vmem_shared>>
        tpu.wait_dma2 semaphore(%run_scoped3A : memref<!tpu.dma_semaphore, #tpu.memory_space<semaphore_mem>>) src(%dma_wait3A_61 : memref<640x128xf32, #tpu.memory_space<vmem_shared>>) dst(%dma_wait3A_58 : memref<640x128xf32, #tpu.memory_space<hbm>>)
        tpu.yield
      }) : () -> ()
    } else {
    }
    return
  }
}

#map = affine_map<(d0, d1) -> (0, 0)>
#map1 = affine_map<(d0, d1) -> (0, 0, 0)>
module attributes {stable_mosaic.version = 14 : i64} {
  func.func @_segsum_sc(%arg0: i32, %arg1: i32, %arg2: memref<10000x128xf32, #tpu.memory_space<hbm>>, %arg3: memref<32x80x128xi32, #tpu.memory_space<hbm>>, %arg4: memref<32x80x128xi32, #tpu.memory_space<hbm>>, %arg5: memref<10112x128xf32, #tpu.memory_space<hbm>>, %arg6: memref<2x10000x128xf32, #tpu.memory_space<hbm>>, %arg7: memref<40x128xi32, #tpu.memory_space<vmem>>, %arg8: memref<40x128xi32, #tpu.memory_space<vmem>>, %arg9: memref<128x128xf32, #tpu.memory_space<vmem>>, %arg10: memref<128x128xf32, #tpu.memory_space<vmem>>, %arg11: memref<10112x128xf32, #tpu.memory_space<vmem_shared>>, %arg12: memref<!tpu.dma_semaphore, #tpu.memory_space<semaphore_mem>>, %arg13: memref<!tpu.dma_semaphore, #tpu.memory_space<semaphore_mem>>) attributes {dimension_semantics = [#tpu.dimension_semantics<core_parallel>, #tpu.dimension_semantics<subcore_parallel>], iteration_bounds = array<i64: 2, 16>, scalar_prefetch = 0 : i64, scratch_operands = 7 : i64, tpu.core_type = #tpu.core_type<sc_vector_subcore>, window_params = [{transform_indices = #map}, {transform_indices = #map1}, {transform_indices = #map1}, {transform_indices = #map}, {transform_indices = #map1}]} {
    %mul3A = arith.constant 16 : i32
    %mul3A_0 = arith.muli %arg0, %mul3A : i32
    %add3A = arith.addi %mul3A_0, %arg1 : i32
    %mul3A_1 = arith.constant 632 : i32
    %mul3A_2 = arith.muli %arg1, %mul3A_1 : i32
    %multiple_of3A = tpu.assume_multiple %mul3A_2, 8 : i32
    "tpu.region"() ({
      %run_scoped3A = tpu.sem_alloc : memref<!tpu.dma_semaphore, #tpu.memory_space<semaphore_mem>>
      %dma_start3A_49 = arith.constant 0 : i32
      %dma_start3A_50 = tpu.memref_slice %arg11[%multiple_of3A, %dma_start3A_49] : memref<10112x128xf32, #tpu.memory_space<vmem_shared>> -> memref<632x128xf32, #tpu.memory_space<vmem_shared>>
      %dma_start3A_51 = arith.constant 0 : i32
      %dma_start3A_52 = tpu.memref_slice %arg5[%multiple_of3A, %dma_start3A_51] : memref<10112x128xf32, #tpu.memory_space<hbm>> -> memref<632x128xf32, #tpu.memory_space<hbm>>
      tpu.enqueue_dma source(%dma_start3A_52 : memref<632x128xf32, #tpu.memory_space<hbm>>) target(%dma_start3A_50 : memref<632x128xf32, #tpu.memory_space<vmem_shared>>) target_semaphore(%run_scoped3A : memref<!tpu.dma_semaphore, #tpu.memory_space<semaphore_mem>>)
      %dma_wait3A = arith.constant 0 : i32
      %dma_wait3A_53 = tpu.memref_slice %arg11[%multiple_of3A, %dma_wait3A] : memref<10112x128xf32, #tpu.memory_space<vmem_shared>> -> memref<632x128xf32, #tpu.memory_space<vmem_shared>>
      %dma_wait3A_54 = arith.constant 0 : i32
      %dma_wait3A_55 = tpu.memref_slice %arg5[%multiple_of3A, %dma_wait3A_54] : memref<10112x128xf32, #tpu.memory_space<hbm>> -> memref<632x128xf32, #tpu.memory_space<hbm>>
      tpu.wait_dma2 semaphore(%run_scoped3A : memref<!tpu.dma_semaphore, #tpu.memory_space<semaphore_mem>>) src(%dma_wait3A_55 : memref<632x128xf32, #tpu.memory_space<hbm>>) dst(%dma_wait3A_53 : memref<632x128xf32, #tpu.memory_space<vmem_shared>>)
      tpu.yield
    }) : () -> ()
    %barrier3A = arith.constant 0 : index
    tpu.barrier barrier_id(%barrier3A)
    "tpu.region"() ({
      %run_scoped3A = tpu.sem_alloc : memref<!tpu.dma_semaphore, #tpu.memory_space<semaphore_mem>>
      %dma_start3A_49 = arith.constant 0 : i32
      %dma_start3A_50 = arith.constant 0 : i32
      %dma_start3A_51 = tpu.memref_slice %arg3[%add3A, %dma_start3A_49, %dma_start3A_50] : memref<32x80x128xi32, #tpu.memory_space<hbm>> -> memref<1x40x128xi32, #tpu.memory_space<hbm>>
      %dma_start3A_52 = tpu.memref_squeeze %dma_start3A_51 : memref<1x40x128xi32, #tpu.memory_space<hbm>> -> memref<40x128xi32, #tpu.memory_space<hbm>>
      %dma_start3A_53 = arith.constant 0 : i32
      %dma_start3A_54 = arith.constant 0 : i32
      %dma_start3A_55 = tpu.memref_slice %arg3[%add3A, %dma_start3A_53, %dma_start3A_54] : memref<32x80x128xi32, #tpu.memory_space<hbm>> -> memref<1x40x128xi32, #tpu.memory_space<hbm>>
      %dma_start3A_56 = tpu.memref_squeeze %dma_start3A_55 : memref<1x40x128xi32, #tpu.memory_space<hbm>> -> memref<40x128xi32, #tpu.memory_space<hbm>>
      tpu.enqueue_dma source(%dma_start3A_56 : memref<40x128xi32, #tpu.memory_space<hbm>>) target(%arg7 : memref<40x128xi32, #tpu.memory_space<vmem>>) target_semaphore(%run_scoped3A : memref<!tpu.dma_semaphore, #tpu.memory_space<semaphore_mem>>)
      %dma_wait3A = arith.constant 0 : i32
      %dma_wait3A_57 = arith.constant 0 : i32
      %dma_wait3A_58 = tpu.memref_slice %arg3[%add3A, %dma_wait3A, %dma_wait3A_57] : memref<32x80x128xi32, #tpu.memory_space<hbm>> -> memref<1x40x128xi32, #tpu.memory_space<hbm>>
      %dma_wait3A_59 = tpu.memref_squeeze %dma_wait3A_58 : memref<1x40x128xi32, #tpu.memory_space<hbm>> -> memref<40x128xi32, #tpu.memory_space<hbm>>
      %dma_wait3A_60 = arith.constant 0 : i32
      %dma_wait3A_61 = arith.constant 0 : i32
      %dma_wait3A_62 = tpu.memref_slice %arg3[%add3A, %dma_wait3A_60, %dma_wait3A_61] : memref<32x80x128xi32, #tpu.memory_space<hbm>> -> memref<1x40x128xi32, #tpu.memory_space<hbm>>
      %dma_wait3A_63 = tpu.memref_squeeze %dma_wait3A_62 : memref<1x40x128xi32, #tpu.memory_space<hbm>> -> memref<40x128xi32, #tpu.memory_space<hbm>>
      tpu.wait_dma2 semaphore(%run_scoped3A : memref<!tpu.dma_semaphore, #tpu.memory_space<semaphore_mem>>) src(%dma_wait3A_63 : memref<40x128xi32, #tpu.memory_space<hbm>>) dst(%arg7 : memref<40x128xi32, #tpu.memory_space<vmem>>)
      tpu.yield
    }) : () -> ()
    "tpu.region"() ({
      %run_scoped3A = tpu.sem_alloc : memref<!tpu.dma_semaphore, #tpu.memory_space<semaphore_mem>>
      %dma_start3A_49 = arith.constant 0 : i32
      %dma_start3A_50 = arith.constant 0 : i32
      %dma_start3A_51 = tpu.memref_slice %arg4[%add3A, %dma_start3A_49, %dma_start3A_50] : memref<32x80x128xi32, #tpu.memory_space<hbm>> -> memref<1x40x128xi32, #tpu.memory_space<hbm>>
      %dma_start3A_52 = tpu.memref_squeeze %dma_start3A_51 : memref<1x40x128xi32, #tpu.memory_space<hbm>> -> memref<40x128xi32, #tpu.memory_space<hbm>>
      %dma_start3A_53 = arith.constant 0 : i32
      %dma_start3A_54 = arith.constant 0 : i32
      %dma_start3A_55 = tpu.memref_slice %arg4[%add3A, %dma_start3A_53, %dma_start3A_54] : memref<32x80x128xi32, #tpu.memory_space<hbm>> -> memref<1x40x128xi32, #tpu.memory_space<hbm>>
      %dma_start3A_56 = tpu.memref_squeeze %dma_start3A_55 : memref<1x40x128xi32, #tpu.memory_space<hbm>> -> memref<40x128xi32, #tpu.memory_space<hbm>>
      tpu.enqueue_dma source(%dma_start3A_56 : memref<40x128xi32, #tpu.memory_space<hbm>>) target(%arg8 : memref<40x128xi32, #tpu.memory_space<vmem>>) target_semaphore(%run_scoped3A : memref<!tpu.dma_semaphore, #tpu.memory_space<semaphore_mem>>)
      %dma_wait3A = arith.constant 0 : i32
      %dma_wait3A_57 = arith.constant 0 : i32
      %dma_wait3A_58 = tpu.memref_slice %arg4[%add3A, %dma_wait3A, %dma_wait3A_57] : memref<32x80x128xi32, #tpu.memory_space<hbm>> -> memref<1x40x128xi32, #tpu.memory_space<hbm>>
      %dma_wait3A_59 = tpu.memref_squeeze %dma_wait3A_58 : memref<1x40x128xi32, #tpu.memory_space<hbm>> -> memref<40x128xi32, #tpu.memory_space<hbm>>
      %dma_wait3A_60 = arith.constant 0 : i32
      %dma_wait3A_61 = arith.constant 0 : i32
      %dma_wait3A_62 = tpu.memref_slice %arg4[%add3A, %dma_wait3A_60, %dma_wait3A_61] : memref<32x80x128xi32, #tpu.memory_space<hbm>> -> memref<1x40x128xi32, #tpu.memory_space<hbm>>
      %dma_wait3A_63 = tpu.memref_squeeze %dma_wait3A_62 : memref<1x40x128xi32, #tpu.memory_space<hbm>> -> memref<40x128xi32, #tpu.memory_space<hbm>>
      tpu.wait_dma2 semaphore(%run_scoped3A : memref<!tpu.dma_semaphore, #tpu.memory_space<semaphore_mem>>) src(%dma_wait3A_63 : memref<40x128xi32, #tpu.memory_space<hbm>>) dst(%arg8 : memref<40x128xi32, #tpu.memory_space<vmem>>)
      tpu.yield
    }) : () -> ()
    %dma_start3A = arith.constant 0 : i32
    %dma_start3A_3 = arith.constant 0 : i32
    %dma_start3A_4 = tpu.memref_slice %arg7[%dma_start3A, %dma_start3A_3] : memref<40x128xi32, #tpu.memory_space<vmem>> -> memref<1x128xi32, #tpu.memory_space<vmem>>
    %dma_start3A_5 = tpu.memref_squeeze %dma_start3A_4 : memref<1x128xi32, #tpu.memory_space<vmem>> -> memref<128xi32, #tpu.memory_space<vmem>>
    %dma_start3A_6 = arith.constant 0 : i32
    %dma_start3A_7 = arith.constant 0 : i32
    %dma_start3A_8 = tpu.memref_slice %arg2[%dma_start3A_6, %dma_start3A_7] : memref<10000x128xf32, #tpu.memory_space<hbm>> -> memref<10000x128xf32, #tpu.memory_space<hbm>>
    tpu.enqueue_indirect_dma source(%dma_start3A_8 : memref<10000x128xf32, #tpu.memory_space<hbm>>) target(%arg9 : memref<128x128xf32, #tpu.memory_space<vmem>>) offsets(%dma_start3A_5 : memref<128xi32, #tpu.memory_space<vmem>>) semaphore(%arg12 : memref<!tpu.dma_semaphore, #tpu.memory_space<semaphore_mem>>)
    %dma_start3A_9 = arith.constant 1 : i32
    %dma_start3A_10 = arith.constant 0 : i32
    %dma_start3A_11 = tpu.memref_slice %arg7[%dma_start3A_9, %dma_start3A_10] : memref<40x128xi32, #tpu.memory_space<vmem>> -> memref<1x128xi32, #tpu.memory_space<vmem>>
    %dma_start3A_12 = tpu.memref_squeeze %dma_start3A_11 : memref<1x128xi32, #tpu.memory_space<vmem>> -> memref<128xi32, #tpu.memory_space<vmem>>
    %dma_start3A_13 = arith.constant 0 : i32
    %dma_start3A_14 = arith.constant 0 : i32
    %dma_start3A_15 = tpu.memref_slice %arg2[%dma_start3A_13, %dma_start3A_14] : memref<10000x128xf32, #tpu.memory_space<hbm>> -> memref<10000x128xf32, #tpu.memory_space<hbm>>
    tpu.enqueue_indirect_dma source(%dma_start3A_15 : memref<10000x128xf32, #tpu.memory_space<hbm>>) target(%arg10 : memref<128x128xf32, #tpu.memory_space<vmem>>) offsets(%dma_start3A_12 : memref<128xi32, #tpu.memory_space<vmem>>) semaphore(%arg13 : memref<!tpu.dma_semaphore, #tpu.memory_space<semaphore_mem>>)
    %scan3A = arith.constant 0 : i32
    %scan3A_16 = arith.constant 20 : i32
    %scan3A_17 = arith.addi %scan3A, %scan3A_16 : i32
    %scan3A_18 = arith.constant 1 : i32
    scf.for %scan3A_49 = %scan3A to %scan3A_17 step %scan3A_18  : i32 {
      %mul3A_50 = arith.constant 2 : i32
      %mul3A_51 = arith.muli %scan3A_49, %mul3A_50 : i32
      %dma_wait3A = arith.constant 0 : i32
      %dma_wait3A_52 = tpu.memref_slice %arg7[%mul3A_51, %dma_wait3A] : memref<40x128xi32, #tpu.memory_space<vmem>> -> memref<1x128xi32, #tpu.memory_space<vmem>>
      %dma_wait3A_53 = tpu.memref_squeeze %dma_wait3A_52 : memref<1x128xi32, #tpu.memory_space<vmem>> -> memref<128xi32, #tpu.memory_space<vmem>>
      %dma_wait3A_54 = arith.constant 0 : i32
      %dma_wait3A_55 = arith.constant 0 : i32
      %dma_wait3A_56 = tpu.memref_slice %arg2[%dma_wait3A_54, %dma_wait3A_55] : memref<10000x128xf32, #tpu.memory_space<hbm>> -> memref<10000x128xf32, #tpu.memory_space<hbm>>
      tpu.wait_indirect_dma semaphore(%arg12 : memref<!tpu.dma_semaphore, #tpu.memory_space<semaphore_mem>>) src(%dma_wait3A_56 : memref<10000x128xf32, #tpu.memory_space<hbm>>) dst(%arg9 : memref<128x128xf32, #tpu.memory_space<vmem>>)
      "tpu.region"() ({
        %run_scoped3A = tpu.sem_alloc : memref<!tpu.dma_semaphore, #tpu.memory_space<semaphore_mem>>
        %dma_start3A_81 = arith.constant 0 : i32
        %dma_start3A_82 = tpu.memref_slice %arg8[%mul3A_51, %dma_start3A_81] : memref<40x128xi32, #tpu.memory_space<vmem>> -> memref<1x128xi32, #tpu.memory_space<vmem>>
        %dma_start3A_83 = tpu.memref_squeeze %dma_start3A_82 : memref<1x128xi32, #tpu.memory_space<vmem>> -> memref<128xi32, #tpu.memory_space<vmem>>
        %dma_start3A_84 = arith.constant 0 : i32
        %dma_start3A_85 = arith.constant 0 : i32
        %dma_start3A_86 = tpu.memref_slice %arg11[%dma_start3A_84, %dma_start3A_85] : memref<10112x128xf32, #tpu.memory_space<vmem_shared>> -> memref<10112x128xf32, #tpu.memory_space<vmem_shared>>
        tpu.enqueue_indirect_dma source(%arg9 : memref<128x128xf32, #tpu.memory_space<vmem>>) target(%dma_start3A_86 : memref<10112x128xf32, #tpu.memory_space<vmem_shared>>) offsets(%dma_start3A_83 : memref<128xi32, #tpu.memory_space<vmem>>) semaphore(%run_scoped3A : memref<!tpu.dma_semaphore, #tpu.memory_space<semaphore_mem>>) {add = true}
        %dma_wait3A_87 = arith.constant 0 : i32
        %dma_wait3A_88 = tpu.memref_slice %arg8[%mul3A_51, %dma_wait3A_87] : memref<40x128xi32, #tpu.memory_space<vmem>> -> memref<1x128xi32, #tpu.memory_space<vmem>>
        %dma_wait3A_89 = tpu.memref_squeeze %dma_wait3A_88 : memref<1x128xi32, #tpu.memory_space<vmem>> -> memref<128xi32, #tpu.memory_space<vmem>>
        %dma_wait3A_90 = arith.constant 0 : i32
        %dma_wait3A_91 = arith.constant 0 : i32
        %dma_wait3A_92 = tpu.memref_slice %arg11[%dma_wait3A_90, %dma_wait3A_91] : memref<10112x128xf32, #tpu.memory_space<vmem_shared>> -> memref<10112x128xf32, #tpu.memory_space<vmem_shared>>
        tpu.wait_indirect_dma semaphore(%run_scoped3A : memref<!tpu.dma_semaphore, #tpu.memory_space<semaphore_mem>>) src(%arg9 : memref<128x128xf32, #tpu.memory_space<vmem>>) dst(%dma_wait3A_92 : memref<10112x128xf32, #tpu.memory_space<vmem_shared>>)
        tpu.yield
      }) : () -> ()
      %add3A_57 = arith.constant 2 : i32
      %add3A_58 = arith.addi %mul3A_51, %add3A_57 : i32
      %lt3A_59 = arith.constant 40 : i32
      %lt3A_60 = arith.cmpi slt, %add3A_58, %lt3A_59 : i32
      %convert_element_type3A_61 = arith.extui %lt3A_60 : i1 to i32
      %cond3A_62 = arith.constant 0 : i32
      %cond3A_63 = arith.cmpi ne, %convert_element_type3A_61, %cond3A_62 : i32
      scf.if %cond3A_63 {
        %add3A_81 = arith.constant 2 : i32
        %add3A_82 = arith.addi %mul3A_51, %add3A_81 : i32
        %dma_start3A_83 = arith.constant 0 : i32
        %dma_start3A_84 = tpu.memref_slice %arg7[%add3A_82, %dma_start3A_83] : memref<40x128xi32, #tpu.memory_space<vmem>> -> memref<1x128xi32, #tpu.memory_space<vmem>>
        %dma_start3A_85 = tpu.memref_squeeze %dma_start3A_84 : memref<1x128xi32, #tpu.memory_space<vmem>> -> memref<128xi32, #tpu.memory_space<vmem>>
        %dma_start3A_86 = arith.constant 0 : i32
        %dma_start3A_87 = arith.constant 0 : i32
        %dma_start3A_88 = tpu.memref_slice %arg2[%dma_start3A_86, %dma_start3A_87] : memref<10000x128xf32, #tpu.memory_space<hbm>> -> memref<10000x128xf32, #tpu.memory_space<hbm>>
        tpu.enqueue_indirect_dma source(%dma_start3A_88 : memref<10000x128xf32, #tpu.memory_space<hbm>>) target(%arg9 : memref<128x128xf32, #tpu.memory_space<vmem>>) offsets(%dma_start3A_85 : memref<128xi32, #tpu.memory_space<vmem>>) semaphore(%arg12 : memref<!tpu.dma_semaphore, #tpu.memory_space<semaphore_mem>>)
      } else {
      }
      %add3A_64 = arith.constant 1 : i32
      %add3A_65 = arith.addi %mul3A_51, %add3A_64 : i32
      %dma_wait3A_66 = arith.constant 0 : i32
      %dma_wait3A_67 = tpu.memref_slice %arg7[%add3A_65, %dma_wait3A_66] : memref<40x128xi32, #tpu.memory_space<vmem>> -> memref<1x128xi32, #tpu.memory_space<vmem>>
      %dma_wait3A_68 = tpu.memref_squeeze %dma_wait3A_67 : memref<1x128xi32, #tpu.memory_space<vmem>> -> memref<128xi32, #tpu.memory_space<vmem>>
      %dma_wait3A_69 = arith.constant 0 : i32
      %dma_wait3A_70 = arith.constant 0 : i32
      %dma_wait3A_71 = tpu.memref_slice %arg2[%dma_wait3A_69, %dma_wait3A_70] : memref<10000x128xf32, #tpu.memory_space<hbm>> -> memref<10000x128xf32, #tpu.memory_space<hbm>>
      tpu.wait_indirect_dma semaphore(%arg13 : memref<!tpu.dma_semaphore, #tpu.memory_space<semaphore_mem>>) src(%dma_wait3A_71 : memref<10000x128xf32, #tpu.memory_space<hbm>>) dst(%arg10 : memref<128x128xf32, #tpu.memory_space<vmem>>)
      %add3A_72 = arith.constant 1 : i32
      %add3A_73 = arith.addi %mul3A_51, %add3A_72 : i32
      "tpu.region"() ({
        %run_scoped3A = tpu.sem_alloc : memref<!tpu.dma_semaphore, #tpu.memory_space<semaphore_mem>>
        %dma_start3A_81 = arith.constant 0 : i32
        %dma_start3A_82 = tpu.memref_slice %arg8[%add3A_73, %dma_start3A_81] : memref<40x128xi32, #tpu.memory_space<vmem>> -> memref<1x128xi32, #tpu.memory_space<vmem>>
        %dma_start3A_83 = tpu.memref_squeeze %dma_start3A_82 : memref<1x128xi32, #tpu.memory_space<vmem>> -> memref<128xi32, #tpu.memory_space<vmem>>
        %dma_start3A_84 = arith.constant 0 : i32
        %dma_start3A_85 = arith.constant 0 : i32
        %dma_start3A_86 = tpu.memref_slice %arg11[%dma_start3A_84, %dma_start3A_85] : memref<10112x128xf32, #tpu.memory_space<vmem_shared>> -> memref<10112x128xf32, #tpu.memory_space<vmem_shared>>
        tpu.enqueue_indirect_dma source(%arg10 : memref<128x128xf32, #tpu.memory_space<vmem>>) target(%dma_start3A_86 : memref<10112x128xf32, #tpu.memory_space<vmem_shared>>) offsets(%dma_start3A_83 : memref<128xi32, #tpu.memory_space<vmem>>) semaphore(%run_scoped3A : memref<!tpu.dma_semaphore, #tpu.memory_space<semaphore_mem>>) {add = true}
        %dma_wait3A_87 = arith.constant 0 : i32
        %dma_wait3A_88 = tpu.memref_slice %arg8[%add3A_73, %dma_wait3A_87] : memref<40x128xi32, #tpu.memory_space<vmem>> -> memref<1x128xi32, #tpu.memory_space<vmem>>
        %dma_wait3A_89 = tpu.memref_squeeze %dma_wait3A_88 : memref<1x128xi32, #tpu.memory_space<vmem>> -> memref<128xi32, #tpu.memory_space<vmem>>
        %dma_wait3A_90 = arith.constant 0 : i32
        %dma_wait3A_91 = arith.constant 0 : i32
        %dma_wait3A_92 = tpu.memref_slice %arg11[%dma_wait3A_90, %dma_wait3A_91] : memref<10112x128xf32, #tpu.memory_space<vmem_shared>> -> memref<10112x128xf32, #tpu.memory_space<vmem_shared>>
        tpu.wait_indirect_dma semaphore(%run_scoped3A : memref<!tpu.dma_semaphore, #tpu.memory_space<semaphore_mem>>) src(%arg10 : memref<128x128xf32, #tpu.memory_space<vmem>>) dst(%dma_wait3A_92 : memref<10112x128xf32, #tpu.memory_space<vmem_shared>>)
        tpu.yield
      }) : () -> ()
      %add3A_74 = arith.constant 3 : i32
      %add3A_75 = arith.addi %mul3A_51, %add3A_74 : i32
      %lt3A_76 = arith.constant 40 : i32
      %lt3A_77 = arith.cmpi slt, %add3A_75, %lt3A_76 : i32
      %convert_element_type3A_78 = arith.extui %lt3A_77 : i1 to i32
      %cond3A_79 = arith.constant 0 : i32
      %cond3A_80 = arith.cmpi ne, %convert_element_type3A_78, %cond3A_79 : i32
      scf.if %cond3A_80 {
        %add3A_81 = arith.constant 3 : i32
        %add3A_82 = arith.addi %mul3A_51, %add3A_81 : i32
        %dma_start3A_83 = arith.constant 0 : i32
        %dma_start3A_84 = tpu.memref_slice %arg7[%add3A_82, %dma_start3A_83] : memref<40x128xi32, #tpu.memory_space<vmem>> -> memref<1x128xi32, #tpu.memory_space<vmem>>
        %dma_start3A_85 = tpu.memref_squeeze %dma_start3A_84 : memref<1x128xi32, #tpu.memory_space<vmem>> -> memref<128xi32, #tpu.memory_space<vmem>>
        %dma_start3A_86 = arith.constant 0 : i32
        %dma_start3A_87 = arith.constant 0 : i32
        %dma_start3A_88 = tpu.memref_slice %arg2[%dma_start3A_86, %dma_start3A_87] : memref<10000x128xf32, #tpu.memory_space<hbm>> -> memref<10000x128xf32, #tpu.memory_space<hbm>>
        tpu.enqueue_indirect_dma source(%dma_start3A_88 : memref<10000x128xf32, #tpu.memory_space<hbm>>) target(%arg10 : memref<128x128xf32, #tpu.memory_space<vmem>>) offsets(%dma_start3A_85 : memref<128xi32, #tpu.memory_space<vmem>>) semaphore(%arg13 : memref<!tpu.dma_semaphore, #tpu.memory_space<semaphore_mem>>)
      } else {
      }
    }
    %scan3A_19 = arith.constant 20 : i32
    "tpu.region"() ({
      %run_scoped3A = tpu.sem_alloc : memref<!tpu.dma_semaphore, #tpu.memory_space<semaphore_mem>>
      %dma_start3A_49 = arith.constant 40 : i32
      %dma_start3A_50 = arith.constant 0 : i32
      %dma_start3A_51 = tpu.memref_slice %arg3[%add3A, %dma_start3A_49, %dma_start3A_50] : memref<32x80x128xi32, #tpu.memory_space<hbm>> -> memref<1x40x128xi32, #tpu.memory_space<hbm>>
      %dma_start3A_52 = tpu.memref_squeeze %dma_start3A_51 : memref<1x40x128xi32, #tpu.memory_space<hbm>> -> memref<40x128xi32, #tpu.memory_space<hbm>>
      %dma_start3A_53 = arith.constant 40 : i32
      %dma_start3A_54 = arith.constant 0 : i32
      %dma_start3A_55 = tpu.memref_slice %arg3[%add3A, %dma_start3A_53, %dma_start3A_54] : memref<32x80x128xi32, #tpu.memory_space<hbm>> -> memref<1x40x128xi32, #tpu.memory_space<hbm>>
      %dma_start3A_56 = tpu.memref_squeeze %dma_start3A_55 : memref<1x40x128xi32, #tpu.memory_space<hbm>> -> memref<40x128xi32, #tpu.memory_space<hbm>>
      tpu.enqueue_dma source(%dma_start3A_56 : memref<40x128xi32, #tpu.memory_space<hbm>>) target(%arg7 : memref<40x128xi32, #tpu.memory_space<vmem>>) target_semaphore(%run_scoped3A : memref<!tpu.dma_semaphore, #tpu.memory_space<semaphore_mem>>)
      %dma_wait3A = arith.constant 40 : i32
      %dma_wait3A_57 = arith.constant 0 : i32
      %dma_wait3A_58 = tpu.memref_slice %arg3[%add3A, %dma_wait3A, %dma_wait3A_57] : memref<32x80x128xi32, #tpu.memory_space<hbm>> -> memref<1x40x128xi32, #tpu.memory_space<hbm>>
      %dma_wait3A_59 = tpu.memref_squeeze %dma_wait3A_58 : memref<1x40x128xi32, #tpu.memory_space<hbm>> -> memref<40x128xi32, #tpu.memory_space<hbm>>
      %dma_wait3A_60 = arith.constant 40 : i32
      %dma_wait3A_61 = arith.constant 0 : i32
      %dma_wait3A_62 = tpu.memref_slice %arg3[%add3A, %dma_wait3A_60, %dma_wait3A_61] : memref<32x80x128xi32, #tpu.memory_space<hbm>> -> memref<1x40x128xi32, #tpu.memory_space<hbm>>
      %dma_wait3A_63 = tpu.memref_squeeze %dma_wait3A_62 : memref<1x40x128xi32, #tpu.memory_space<hbm>> -> memref<40x128xi32, #tpu.memory_space<hbm>>
      tpu.wait_dma2 semaphore(%run_scoped3A : memref<!tpu.dma_semaphore, #tpu.memory_space<semaphore_mem>>) src(%dma_wait3A_63 : memref<40x128xi32, #tpu.memory_space<hbm>>) dst(%arg7 : memref<40x128xi32, #tpu.memory_space<vmem>>)
      tpu.yield
    }) : () -> ()
    "tpu.region"() ({
      %run_scoped3A = tpu.sem_alloc : memref<!tpu.dma_semaphore, #tpu.memory_space<semaphore_mem>>
      %dma_start3A_49 = arith.constant 40 : i32
      %dma_start3A_50 = arith.constant 0 : i32
      %dma_start3A_51 = tpu.memref_slice %arg4[%add3A, %dma_start3A_49, %dma_start3A_50] : memref<32x80x128xi32, #tpu.memory_space<hbm>> -> memref<1x40x128xi32, #tpu.memory_space<hbm>>
      %dma_start3A_52 = tpu.memref_squeeze %dma_start3A_51 : memref<1x40x128xi32, #tpu.memory_space<hbm>> -> memref<40x128xi32, #tpu.memory_space<hbm>>
      %dma_start3A_53 = arith.constant 40 : i32
      %dma_start3A_54 = arith.constant 0 : i32
      %dma_start3A_55 = tpu.memref_slice %arg4[%add3A, %dma_start3A_53, %dma_start3A_54] : memref<32x80x128xi32, #tpu.memory_space<hbm>> -> memref<1x40x128xi32, #tpu.memory_space<hbm>>
      %dma_start3A_56 = tpu.memref_squeeze %dma_start3A_55 : memref<1x40x128xi32, #tpu.memory_space<hbm>> -> memref<40x128xi32, #tpu.memory_space<hbm>>
      tpu.enqueue_dma source(%dma_start3A_56 : memref<40x128xi32, #tpu.memory_space<hbm>>) target(%arg8 : memref<40x128xi32, #tpu.memory_space<vmem>>) target_semaphore(%run_scoped3A : memref<!tpu.dma_semaphore, #tpu.memory_space<semaphore_mem>>)
      %dma_wait3A = arith.constant 40 : i32
      %dma_wait3A_57 = arith.constant 0 : i32
      %dma_wait3A_58 = tpu.memref_slice %arg4[%add3A, %dma_wait3A, %dma_wait3A_57] : memref<32x80x128xi32, #tpu.memory_space<hbm>> -> memref<1x40x128xi32, #tpu.memory_space<hbm>>
      %dma_wait3A_59 = tpu.memref_squeeze %dma_wait3A_58 : memref<1x40x128xi32, #tpu.memory_space<hbm>> -> memref<40x128xi32, #tpu.memory_space<hbm>>
      %dma_wait3A_60 = arith.constant 40 : i32
      %dma_wait3A_61 = arith.constant 0 : i32
      %dma_wait3A_62 = tpu.memref_slice %arg4[%add3A, %dma_wait3A_60, %dma_wait3A_61] : memref<32x80x128xi32, #tpu.memory_space<hbm>> -> memref<1x40x128xi32, #tpu.memory_space<hbm>>
      %dma_wait3A_63 = tpu.memref_squeeze %dma_wait3A_62 : memref<1x40x128xi32, #tpu.memory_space<hbm>> -> memref<40x128xi32, #tpu.memory_space<hbm>>
      tpu.wait_dma2 semaphore(%run_scoped3A : memref<!tpu.dma_semaphore, #tpu.memory_space<semaphore_mem>>) src(%dma_wait3A_63 : memref<40x128xi32, #tpu.memory_space<hbm>>) dst(%arg8 : memref<40x128xi32, #tpu.memory_space<vmem>>)
      tpu.yield
    }) : () -> ()
    %dma_start3A_20 = arith.constant 0 : i32
    %dma_start3A_21 = arith.constant 0 : i32
    %dma_start3A_22 = tpu.memref_slice %arg7[%dma_start3A_20, %dma_start3A_21] : memref<40x128xi32, #tpu.memory_space<vmem>> -> memref<1x128xi32, #tpu.memory_space<vmem>>
    %dma_start3A_23 = tpu.memref_squeeze %dma_start3A_22 : memref<1x128xi32, #tpu.memory_space<vmem>> -> memref<128xi32, #tpu.memory_space<vmem>>
    %dma_start3A_24 = arith.constant 0 : i32
    %dma_start3A_25 = arith.constant 0 : i32
    %dma_start3A_26 = tpu.memref_slice %arg2[%dma_start3A_24, %dma_start3A_25] : memref<10000x128xf32, #tpu.memory_space<hbm>> -> memref<10000x128xf32, #tpu.memory_space<hbm>>
    tpu.enqueue_indirect_dma source(%dma_start3A_26 : memref<10000x128xf32, #tpu.memory_space<hbm>>) target(%arg9 : memref<128x128xf32, #tpu.memory_space<vmem>>) offsets(%dma_start3A_23 : memref<128xi32, #tpu.memory_space<vmem>>) semaphore(%arg12 : memref<!tpu.dma_semaphore, #tpu.memory_space<semaphore_mem>>)
    %dma_start3A_27 = arith.constant 1 : i32
    %dma_start3A_28 = arith.constant 0 : i32
    %dma_start3A_29 = tpu.memref_slice %arg7[%dma_start3A_27, %dma_start3A_28] : memref<40x128xi32, #tpu.memory_space<vmem>> -> memref<1x128xi32, #tpu.memory_space<vmem>>
    %dma_start3A_30 = tpu.memref_squeeze %dma_start3A_29 : memref<1x128xi32, #tpu.memory_space<vmem>> -> memref<128xi32, #tpu.memory_space<vmem>>
    %dma_start3A_31 = arith.constant 0 : i32
    %dma_start3A_32 = arith.constant 0 : i32
    %dma_start3A_33 = tpu.memref_slice %arg2[%dma_start3A_31, %dma_start3A_32] : memref<10000x128xf32, #tpu.memory_space<hbm>> -> memref<10000x128xf32, #tpu.memory_space<hbm>>
    tpu.enqueue_indirect_dma source(%dma_start3A_33 : memref<10000x128xf32, #tpu.memory_space<hbm>>) target(%arg10 : memref<128x128xf32, #tpu.memory_space<vmem>>) offsets(%dma_start3A_30 : memref<128xi32, #tpu.memory_space<vmem>>) semaphore(%arg13 : memref<!tpu.dma_semaphore, #tpu.memory_space<semaphore_mem>>)
    %scan3A_34 = arith.constant 0 : i32
    %scan3A_35 = arith.constant 20 : i32
    %scan3A_36 = arith.addi %scan3A_34, %scan3A_35 : i32
    %scan3A_37 = arith.constant 1 : i32
    scf.for %scan3A_49 = %scan3A_34 to %scan3A_36 step %scan3A_37  : i32 {
      %mul3A_50 = arith.constant 2 : i32
      %mul3A_51 = arith.muli %scan3A_49, %mul3A_50 : i32
      %dma_wait3A = arith.constant 0 : i32
      %dma_wait3A_52 = tpu.memref_slice %arg7[%mul3A_51, %dma_wait3A] : memref<40x128xi32, #tpu.memory_space<vmem>> -> memref<1x128xi32, #tpu.memory_space<vmem>>
      %dma_wait3A_53 = tpu.memref_squeeze %dma_wait3A_52 : memref<1x128xi32, #tpu.memory_space<vmem>> -> memref<128xi32, #tpu.memory_space<vmem>>
      %dma_wait3A_54 = arith.constant 0 : i32
      %dma_wait3A_55 = arith.constant 0 : i32
      %dma_wait3A_56 = tpu.memref_slice %arg2[%dma_wait3A_54, %dma_wait3A_55] : memref<10000x128xf32, #tpu.memory_space<hbm>> -> memref<10000x128xf32, #tpu.memory_space<hbm>>
      tpu.wait_indirect_dma semaphore(%arg12 : memref<!tpu.dma_semaphore, #tpu.memory_space<semaphore_mem>>) src(%dma_wait3A_56 : memref<10000x128xf32, #tpu.memory_space<hbm>>) dst(%arg9 : memref<128x128xf32, #tpu.memory_space<vmem>>)
      "tpu.region"() ({
        %run_scoped3A = tpu.sem_alloc : memref<!tpu.dma_semaphore, #tpu.memory_space<semaphore_mem>>
        %dma_start3A_81 = arith.constant 0 : i32
        %dma_start3A_82 = tpu.memref_slice %arg8[%mul3A_51, %dma_start3A_81] : memref<40x128xi32, #tpu.memory_space<vmem>> -> memref<1x128xi32, #tpu.memory_space<vmem>>
        %dma_start3A_83 = tpu.memref_squeeze %dma_start3A_82 : memref<1x128xi32, #tpu.memory_space<vmem>> -> memref<128xi32, #tpu.memory_space<vmem>>
        %dma_start3A_84 = arith.constant 0 : i32
        %dma_start3A_85 = arith.constant 0 : i32
        %dma_start3A_86 = tpu.memref_slice %arg11[%dma_start3A_84, %dma_start3A_85] : memref<10112x128xf32, #tpu.memory_space<vmem_shared>> -> memref<10112x128xf32, #tpu.memory_space<vmem_shared>>
        tpu.enqueue_indirect_dma source(%arg9 : memref<128x128xf32, #tpu.memory_space<vmem>>) target(%dma_start3A_86 : memref<10112x128xf32, #tpu.memory_space<vmem_shared>>) offsets(%dma_start3A_83 : memref<128xi32, #tpu.memory_space<vmem>>) semaphore(%run_scoped3A : memref<!tpu.dma_semaphore, #tpu.memory_space<semaphore_mem>>) {add = true}
        %dma_wait3A_87 = arith.constant 0 : i32
        %dma_wait3A_88 = tpu.memref_slice %arg8[%mul3A_51, %dma_wait3A_87] : memref<40x128xi32, #tpu.memory_space<vmem>> -> memref<1x128xi32, #tpu.memory_space<vmem>>
        %dma_wait3A_89 = tpu.memref_squeeze %dma_wait3A_88 : memref<1x128xi32, #tpu.memory_space<vmem>> -> memref<128xi32, #tpu.memory_space<vmem>>
        %dma_wait3A_90 = arith.constant 0 : i32
        %dma_wait3A_91 = arith.constant 0 : i32
        %dma_wait3A_92 = tpu.memref_slice %arg11[%dma_wait3A_90, %dma_wait3A_91] : memref<10112x128xf32, #tpu.memory_space<vmem_shared>> -> memref<10112x128xf32, #tpu.memory_space<vmem_shared>>
        tpu.wait_indirect_dma semaphore(%run_scoped3A : memref<!tpu.dma_semaphore, #tpu.memory_space<semaphore_mem>>) src(%arg9 : memref<128x128xf32, #tpu.memory_space<vmem>>) dst(%dma_wait3A_92 : memref<10112x128xf32, #tpu.memory_space<vmem_shared>>)
        tpu.yield
      }) : () -> ()
      %add3A_57 = arith.constant 2 : i32
      %add3A_58 = arith.addi %mul3A_51, %add3A_57 : i32
      %lt3A_59 = arith.constant 40 : i32
      %lt3A_60 = arith.cmpi slt, %add3A_58, %lt3A_59 : i32
      %convert_element_type3A_61 = arith.extui %lt3A_60 : i1 to i32
      %cond3A_62 = arith.constant 0 : i32
      %cond3A_63 = arith.cmpi ne, %convert_element_type3A_61, %cond3A_62 : i32
      scf.if %cond3A_63 {
        %add3A_81 = arith.constant 2 : i32
        %add3A_82 = arith.addi %mul3A_51, %add3A_81 : i32
        %dma_start3A_83 = arith.constant 0 : i32
        %dma_start3A_84 = tpu.memref_slice %arg7[%add3A_82, %dma_start3A_83] : memref<40x128xi32, #tpu.memory_space<vmem>> -> memref<1x128xi32, #tpu.memory_space<vmem>>
        %dma_start3A_85 = tpu.memref_squeeze %dma_start3A_84 : memref<1x128xi32, #tpu.memory_space<vmem>> -> memref<128xi32, #tpu.memory_space<vmem>>
        %dma_start3A_86 = arith.constant 0 : i32
        %dma_start3A_87 = arith.constant 0 : i32
        %dma_start3A_88 = tpu.memref_slice %arg2[%dma_start3A_86, %dma_start3A_87] : memref<10000x128xf32, #tpu.memory_space<hbm>> -> memref<10000x128xf32, #tpu.memory_space<hbm>>
        tpu.enqueue_indirect_dma source(%dma_start3A_88 : memref<10000x128xf32, #tpu.memory_space<hbm>>) target(%arg9 : memref<128x128xf32, #tpu.memory_space<vmem>>) offsets(%dma_start3A_85 : memref<128xi32, #tpu.memory_space<vmem>>) semaphore(%arg12 : memref<!tpu.dma_semaphore, #tpu.memory_space<semaphore_mem>>)
      } else {
      }
      %add3A_64 = arith.constant 1 : i32
      %add3A_65 = arith.addi %mul3A_51, %add3A_64 : i32
      %dma_wait3A_66 = arith.constant 0 : i32
      %dma_wait3A_67 = tpu.memref_slice %arg7[%add3A_65, %dma_wait3A_66] : memref<40x128xi32, #tpu.memory_space<vmem>> -> memref<1x128xi32, #tpu.memory_space<vmem>>
      %dma_wait3A_68 = tpu.memref_squeeze %dma_wait3A_67 : memref<1x128xi32, #tpu.memory_space<vmem>> -> memref<128xi32, #tpu.memory_space<vmem>>
      %dma_wait3A_69 = arith.constant 0 : i32
      %dma_wait3A_70 = arith.constant 0 : i32
      %dma_wait3A_71 = tpu.memref_slice %arg2[%dma_wait3A_69, %dma_wait3A_70] : memref<10000x128xf32, #tpu.memory_space<hbm>> -> memref<10000x128xf32, #tpu.memory_space<hbm>>
      tpu.wait_indirect_dma semaphore(%arg13 : memref<!tpu.dma_semaphore, #tpu.memory_space<semaphore_mem>>) src(%dma_wait3A_71 : memref<10000x128xf32, #tpu.memory_space<hbm>>) dst(%arg10 : memref<128x128xf32, #tpu.memory_space<vmem>>)
      %add3A_72 = arith.constant 1 : i32
      %add3A_73 = arith.addi %mul3A_51, %add3A_72 : i32
      "tpu.region"() ({
        %run_scoped3A = tpu.sem_alloc : memref<!tpu.dma_semaphore, #tpu.memory_space<semaphore_mem>>
        %dma_start3A_81 = arith.constant 0 : i32
        %dma_start3A_82 = tpu.memref_slice %arg8[%add3A_73, %dma_start3A_81] : memref<40x128xi32, #tpu.memory_space<vmem>> -> memref<1x128xi32, #tpu.memory_space<vmem>>
        %dma_start3A_83 = tpu.memref_squeeze %dma_start3A_82 : memref<1x128xi32, #tpu.memory_space<vmem>> -> memref<128xi32, #tpu.memory_space<vmem>>
        %dma_start3A_84 = arith.constant 0 : i32
        %dma_start3A_85 = arith.constant 0 : i32
        %dma_start3A_86 = tpu.memref_slice %arg11[%dma_start3A_84, %dma_start3A_85] : memref<10112x128xf32, #tpu.memory_space<vmem_shared>> -> memref<10112x128xf32, #tpu.memory_space<vmem_shared>>
        tpu.enqueue_indirect_dma source(%arg10 : memref<128x128xf32, #tpu.memory_space<vmem>>) target(%dma_start3A_86 : memref<10112x128xf32, #tpu.memory_space<vmem_shared>>) offsets(%dma_start3A_83 : memref<128xi32, #tpu.memory_space<vmem>>) semaphore(%run_scoped3A : memref<!tpu.dma_semaphore, #tpu.memory_space<semaphore_mem>>) {add = true}
        %dma_wait3A_87 = arith.constant 0 : i32
        %dma_wait3A_88 = tpu.memref_slice %arg8[%add3A_73, %dma_wait3A_87] : memref<40x128xi32, #tpu.memory_space<vmem>> -> memref<1x128xi32, #tpu.memory_space<vmem>>
        %dma_wait3A_89 = tpu.memref_squeeze %dma_wait3A_88 : memref<1x128xi32, #tpu.memory_space<vmem>> -> memref<128xi32, #tpu.memory_space<vmem>>
        %dma_wait3A_90 = arith.constant 0 : i32
        %dma_wait3A_91 = arith.constant 0 : i32
        %dma_wait3A_92 = tpu.memref_slice %arg11[%dma_wait3A_90, %dma_wait3A_91] : memref<10112x128xf32, #tpu.memory_space<vmem_shared>> -> memref<10112x128xf32, #tpu.memory_space<vmem_shared>>
        tpu.wait_indirect_dma semaphore(%run_scoped3A : memref<!tpu.dma_semaphore, #tpu.memory_space<semaphore_mem>>) src(%arg10 : memref<128x128xf32, #tpu.memory_space<vmem>>) dst(%dma_wait3A_92 : memref<10112x128xf32, #tpu.memory_space<vmem_shared>>)
        tpu.yield
      }) : () -> ()
      %add3A_74 = arith.constant 3 : i32
      %add3A_75 = arith.addi %mul3A_51, %add3A_74 : i32
      %lt3A_76 = arith.constant 40 : i32
      %lt3A_77 = arith.cmpi slt, %add3A_75, %lt3A_76 : i32
      %convert_element_type3A_78 = arith.extui %lt3A_77 : i1 to i32
      %cond3A_79 = arith.constant 0 : i32
      %cond3A_80 = arith.cmpi ne, %convert_element_type3A_78, %cond3A_79 : i32
      scf.if %cond3A_80 {
        %add3A_81 = arith.constant 3 : i32
        %add3A_82 = arith.addi %mul3A_51, %add3A_81 : i32
        %dma_start3A_83 = arith.constant 0 : i32
        %dma_start3A_84 = tpu.memref_slice %arg7[%add3A_82, %dma_start3A_83] : memref<40x128xi32, #tpu.memory_space<vmem>> -> memref<1x128xi32, #tpu.memory_space<vmem>>
        %dma_start3A_85 = tpu.memref_squeeze %dma_start3A_84 : memref<1x128xi32, #tpu.memory_space<vmem>> -> memref<128xi32, #tpu.memory_space<vmem>>
        %dma_start3A_86 = arith.constant 0 : i32
        %dma_start3A_87 = arith.constant 0 : i32
        %dma_start3A_88 = tpu.memref_slice %arg2[%dma_start3A_86, %dma_start3A_87] : memref<10000x128xf32, #tpu.memory_space<hbm>> -> memref<10000x128xf32, #tpu.memory_space<hbm>>
        tpu.enqueue_indirect_dma source(%dma_start3A_88 : memref<10000x128xf32, #tpu.memory_space<hbm>>) target(%arg10 : memref<128x128xf32, #tpu.memory_space<vmem>>) offsets(%dma_start3A_85 : memref<128xi32, #tpu.memory_space<vmem>>) semaphore(%arg13 : memref<!tpu.dma_semaphore, #tpu.memory_space<semaphore_mem>>)
      } else {
      }
    }
    %scan3A_38 = arith.constant 20 : i32
    %barrier3A_39 = arith.constant 0 : index
    tpu.barrier barrier_id(%barrier3A_39)
    %mul3A_40 = arith.constant 624 : i32
    %mul3A_41 = arith.muli %arg1, %mul3A_40 : i32
    %multiple_of3A_42 = tpu.assume_multiple %mul3A_41, 8 : i32
    %lt3A = arith.constant 15 : i32
    %lt3A_43 = arith.cmpi slt, %arg1, %lt3A : i32
    %convert_element_type3A = arith.extui %lt3A_43 : i1 to i32
    %cond3A = arith.constant 0 : i32
    %cond3A_44 = arith.cmpi ne, %convert_element_type3A, %cond3A : i32
    scf.if %cond3A_44 {
      "tpu.region"() ({
        %run_scoped3A = tpu.sem_alloc : memref<!tpu.dma_semaphore, #tpu.memory_space<semaphore_mem>>
        %dma_start3A_49 = arith.constant 0 : i32
        %dma_start3A_50 = tpu.memref_slice %arg6[%arg0, %multiple_of3A_42, %dma_start3A_49] : memref<2x10000x128xf32, #tpu.memory_space<hbm>> -> memref<1x624x128xf32, #tpu.memory_space<hbm>>
        %dma_start3A_51 = tpu.memref_squeeze %dma_start3A_50 : memref<1x624x128xf32, #tpu.memory_space<hbm>> -> memref<624x128xf32, #tpu.memory_space<hbm>>
        %dma_start3A_52 = arith.constant 0 : i32
        %dma_start3A_53 = tpu.memref_slice %arg11[%multiple_of3A_42, %dma_start3A_52] : memref<10112x128xf32, #tpu.memory_space<vmem_shared>> -> memref<624x128xf32, #tpu.memory_space<vmem_shared>>
        tpu.enqueue_dma source(%dma_start3A_53 : memref<624x128xf32, #tpu.memory_space<vmem_shared>>) target(%dma_start3A_51 : memref<624x128xf32, #tpu.memory_space<hbm>>) target_semaphore(%run_scoped3A : memref<!tpu.dma_semaphore, #tpu.memory_space<semaphore_mem>>)
        %dma_wait3A = arith.constant 0 : i32
        %dma_wait3A_54 = tpu.memref_slice %arg6[%arg0, %multiple_of3A_42, %dma_wait3A] : memref<2x10000x128xf32, #tpu.memory_space<hbm>> -> memref<1x624x128xf32, #tpu.memory_space<hbm>>
        %dma_wait3A_55 = tpu.memref_squeeze %dma_wait3A_54 : memref<1x624x128xf32, #tpu.memory_space<hbm>> -> memref<624x128xf32, #tpu.memory_space<hbm>>
        %dma_wait3A_56 = arith.constant 0 : i32
        %dma_wait3A_57 = tpu.memref_slice %arg11[%multiple_of3A_42, %dma_wait3A_56] : memref<10112x128xf32, #tpu.memory_space<vmem_shared>> -> memref<624x128xf32, #tpu.memory_space<vmem_shared>>
        tpu.wait_dma2 semaphore(%run_scoped3A : memref<!tpu.dma_semaphore, #tpu.memory_space<semaphore_mem>>) src(%dma_wait3A_57 : memref<624x128xf32, #tpu.memory_space<vmem_shared>>) dst(%dma_wait3A_55 : memref<624x128xf32, #tpu.memory_space<hbm>>)
        tpu.yield
      }) : () -> ()
    } else {
    }
    %eq3A = arith.constant 15 : i32
    %eq3A_45 = arith.cmpi eq, %arg1, %eq3A : i32
    %convert_element_type3A_46 = arith.extui %eq3A_45 : i1 to i32
    %cond3A_47 = arith.constant 0 : i32
    %cond3A_48 = arith.cmpi ne, %convert_element_type3A_46, %cond3A_47 : i32
    scf.if %cond3A_48 {
      "tpu.region"() ({
        %run_scoped3A = tpu.sem_alloc : memref<!tpu.dma_semaphore, #tpu.memory_space<semaphore_mem>>
        %dma_start3A_49 = arith.constant 9360 : i32
        %dma_start3A_50 = arith.constant 0 : i32
        %dma_start3A_51 = tpu.memref_slice %arg6[%arg0, %dma_start3A_49, %dma_start3A_50] : memref<2x10000x128xf32, #tpu.memory_space<hbm>> -> memref<1x640x128xf32, #tpu.memory_space<hbm>>
        %dma_start3A_52 = tpu.memref_squeeze %dma_start3A_51 : memref<1x640x128xf32, #tpu.memory_space<hbm>> -> memref<640x128xf32, #tpu.memory_space<hbm>>
        %dma_start3A_53 = arith.constant 9360 : i32
        %dma_start3A_54 = arith.constant 0 : i32
        %dma_start3A_55 = tpu.memref_slice %arg11[%dma_start3A_53, %dma_start3A_54] : memref<10112x128xf32, #tpu.memory_space<vmem_shared>> -> memref<640x128xf32, #tpu.memory_space<vmem_shared>>
        tpu.enqueue_dma source(%dma_start3A_55 : memref<640x128xf32, #tpu.memory_space<vmem_shared>>) target(%dma_start3A_52 : memref<640x128xf32, #tpu.memory_space<hbm>>) target_semaphore(%run_scoped3A : memref<!tpu.dma_semaphore, #tpu.memory_space<semaphore_mem>>)
        %dma_wait3A = arith.constant 9360 : i32
        %dma_wait3A_56 = arith.constant 0 : i32
        %dma_wait3A_57 = tpu.memref_slice %arg6[%arg0, %dma_wait3A, %dma_wait3A_56] : memref<2x10000x128xf32, #tpu.memory_space<hbm>> -> memref<1x640x128xf32, #tpu.memory_space<hbm>>
        %dma_wait3A_58 = tpu.memref_squeeze %dma_wait3A_57 : memref<1x640x128xf32, #tpu.memory_space<hbm>> -> memref<640x128xf32, #tpu.memory_space<hbm>>
        %dma_wait3A_59 = arith.constant 9360 : i32
        %dma_wait3A_60 = arith.constant 0 : i32
        %dma_wait3A_61 = tpu.memref_slice %arg11[%dma_wait3A_59, %dma_wait3A_60] : memref<10112x128xf32, #tpu.memory_space<vmem_shared>> -> memref<640x128xf32, #tpu.memory_space<vmem_shared>>
        tpu.wait_dma2 semaphore(%run_scoped3A : memref<!tpu.dma_semaphore, #tpu.memory_space<semaphore_mem>>) src(%dma_wait3A_61 : memref<640x128xf32, #tpu.memory_space<vmem_shared>>) dst(%dma_wait3A_58 : memref<640x128xf32, #tpu.memory_space<hbm>>)
        tpu.yield
      }) : () -> ()
    } else {
    }
    return
  }
}

#map = affine_map<(d0, d1) -> (0, 0)>
#map1 = affine_map<(d0, d1) -> (0, 0, 0)>
module attributes {stable_mosaic.version = 14 : i64} {
  func.func @_segsum_sc(%arg0: i32, %arg1: i32, %arg2: memref<10000x128xf32, #tpu.memory_space<hbm>>, %arg3: memref<32x80x128xi32, #tpu.memory_space<hbm>>, %arg4: memref<32x80x128xi32, #tpu.memory_space<hbm>>, %arg5: memref<10112x128xf32, #tpu.memory_space<hbm>>, %arg6: memref<2x10000x128xf32, #tpu.memory_space<hbm>>, %arg7: memref<40x128xi32, #tpu.memory_space<vmem>>, %arg8: memref<40x128xi32, #tpu.memory_space<vmem>>, %arg9: memref<128x128xf32, #tpu.memory_space<vmem>>, %arg10: memref<128x128xf32, #tpu.memory_space<vmem>>, %arg11: memref<10112x128xf32, #tpu.memory_space<vmem_shared>>, %arg12: memref<!tpu.dma_semaphore, #tpu.memory_space<semaphore_mem>>, %arg13: memref<!tpu.dma_semaphore, #tpu.memory_space<semaphore_mem>>) attributes {dimension_semantics = [#tpu.dimension_semantics<core_parallel>, #tpu.dimension_semantics<subcore_parallel>], iteration_bounds = array<i64: 2, 16>, scalar_prefetch = 0 : i64, scratch_operands = 7 : i64, tpu.core_type = #tpu.core_type<sc_vector_subcore>, window_params = [{transform_indices = #map}, {transform_indices = #map1}, {transform_indices = #map1}, {transform_indices = #map}, {transform_indices = #map1}]} {
    %mul3A = arith.constant 16 : i32
    %mul3A_0 = arith.muli %arg0, %mul3A : i32
    %add3A = arith.addi %mul3A_0, %arg1 : i32
    %mul3A_1 = arith.constant 632 : i32
    %mul3A_2 = arith.muli %arg1, %mul3A_1 : i32
    %multiple_of3A = tpu.assume_multiple %mul3A_2, 8 : i32
    "tpu.region"() ({
      %run_scoped3A = tpu.sem_alloc : memref<!tpu.dma_semaphore, #tpu.memory_space<semaphore_mem>>
      %dma_start3A_49 = arith.constant 0 : i32
      %dma_start3A_50 = tpu.memref_slice %arg11[%multiple_of3A, %dma_start3A_49] : memref<10112x128xf32, #tpu.memory_space<vmem_shared>> -> memref<632x128xf32, #tpu.memory_space<vmem_shared>>
      %dma_start3A_51 = arith.constant 0 : i32
      %dma_start3A_52 = tpu.memref_slice %arg5[%multiple_of3A, %dma_start3A_51] : memref<10112x128xf32, #tpu.memory_space<hbm>> -> memref<632x128xf32, #tpu.memory_space<hbm>>
      tpu.enqueue_dma source(%dma_start3A_52 : memref<632x128xf32, #tpu.memory_space<hbm>>) target(%dma_start3A_50 : memref<632x128xf32, #tpu.memory_space<vmem_shared>>) target_semaphore(%run_scoped3A : memref<!tpu.dma_semaphore, #tpu.memory_space<semaphore_mem>>)
      %dma_wait3A = arith.constant 0 : i32
      %dma_wait3A_53 = tpu.memref_slice %arg11[%multiple_of3A, %dma_wait3A] : memref<10112x128xf32, #tpu.memory_space<vmem_shared>> -> memref<632x128xf32, #tpu.memory_space<vmem_shared>>
      %dma_wait3A_54 = arith.constant 0 : i32
      %dma_wait3A_55 = tpu.memref_slice %arg5[%multiple_of3A, %dma_wait3A_54] : memref<10112x128xf32, #tpu.memory_space<hbm>> -> memref<632x128xf32, #tpu.memory_space<hbm>>
      tpu.wait_dma2 semaphore(%run_scoped3A : memref<!tpu.dma_semaphore, #tpu.memory_space<semaphore_mem>>) src(%dma_wait3A_55 : memref<632x128xf32, #tpu.memory_space<hbm>>) dst(%dma_wait3A_53 : memref<632x128xf32, #tpu.memory_space<vmem_shared>>)
      tpu.yield
    }) : () -> ()
    %barrier3A = arith.constant 0 : index
    tpu.barrier barrier_id(%barrier3A)
    "tpu.region"() ({
      %run_scoped3A = tpu.sem_alloc : memref<!tpu.dma_semaphore, #tpu.memory_space<semaphore_mem>>
      %dma_start3A_49 = arith.constant 0 : i32
      %dma_start3A_50 = arith.constant 0 : i32
      %dma_start3A_51 = tpu.memref_slice %arg3[%add3A, %dma_start3A_49, %dma_start3A_50] : memref<32x80x128xi32, #tpu.memory_space<hbm>> -> memref<1x40x128xi32, #tpu.memory_space<hbm>>
      %dma_start3A_52 = tpu.memref_squeeze %dma_start3A_51 : memref<1x40x128xi32, #tpu.memory_space<hbm>> -> memref<40x128xi32, #tpu.memory_space<hbm>>
      %dma_start3A_53 = arith.constant 0 : i32
      %dma_start3A_54 = arith.constant 0 : i32
      %dma_start3A_55 = tpu.memref_slice %arg3[%add3A, %dma_start3A_53, %dma_start3A_54] : memref<32x80x128xi32, #tpu.memory_space<hbm>> -> memref<1x40x128xi32, #tpu.memory_space<hbm>>
      %dma_start3A_56 = tpu.memref_squeeze %dma_start3A_55 : memref<1x40x128xi32, #tpu.memory_space<hbm>> -> memref<40x128xi32, #tpu.memory_space<hbm>>
      tpu.enqueue_dma source(%dma_start3A_56 : memref<40x128xi32, #tpu.memory_space<hbm>>) target(%arg7 : memref<40x128xi32, #tpu.memory_space<vmem>>) target_semaphore(%run_scoped3A : memref<!tpu.dma_semaphore, #tpu.memory_space<semaphore_mem>>)
      %dma_wait3A = arith.constant 0 : i32
      %dma_wait3A_57 = arith.constant 0 : i32
      %dma_wait3A_58 = tpu.memref_slice %arg3[%add3A, %dma_wait3A, %dma_wait3A_57] : memref<32x80x128xi32, #tpu.memory_space<hbm>> -> memref<1x40x128xi32, #tpu.memory_space<hbm>>
      %dma_wait3A_59 = tpu.memref_squeeze %dma_wait3A_58 : memref<1x40x128xi32, #tpu.memory_space<hbm>> -> memref<40x128xi32, #tpu.memory_space<hbm>>
      %dma_wait3A_60 = arith.constant 0 : i32
      %dma_wait3A_61 = arith.constant 0 : i32
      %dma_wait3A_62 = tpu.memref_slice %arg3[%add3A, %dma_wait3A_60, %dma_wait3A_61] : memref<32x80x128xi32, #tpu.memory_space<hbm>> -> memref<1x40x128xi32, #tpu.memory_space<hbm>>
      %dma_wait3A_63 = tpu.memref_squeeze %dma_wait3A_62 : memref<1x40x128xi32, #tpu.memory_space<hbm>> -> memref<40x128xi32, #tpu.memory_space<hbm>>
      tpu.wait_dma2 semaphore(%run_scoped3A : memref<!tpu.dma_semaphore, #tpu.memory_space<semaphore_mem>>) src(%dma_wait3A_63 : memref<40x128xi32, #tpu.memory_space<hbm>>) dst(%arg7 : memref<40x128xi32, #tpu.memory_space<vmem>>)
      tpu.yield
    }) : () -> ()
    "tpu.region"() ({
      %run_scoped3A = tpu.sem_alloc : memref<!tpu.dma_semaphore, #tpu.memory_space<semaphore_mem>>
      %dma_start3A_49 = arith.constant 0 : i32
      %dma_start3A_50 = arith.constant 0 : i32
      %dma_start3A_51 = tpu.memref_slice %arg4[%add3A, %dma_start3A_49, %dma_start3A_50] : memref<32x80x128xi32, #tpu.memory_space<hbm>> -> memref<1x40x128xi32, #tpu.memory_space<hbm>>
      %dma_start3A_52 = tpu.memref_squeeze %dma_start3A_51 : memref<1x40x128xi32, #tpu.memory_space<hbm>> -> memref<40x128xi32, #tpu.memory_space<hbm>>
      %dma_start3A_53 = arith.constant 0 : i32
      %dma_start3A_54 = arith.constant 0 : i32
      %dma_start3A_55 = tpu.memref_slice %arg4[%add3A, %dma_start3A_53, %dma_start3A_54] : memref<32x80x128xi32, #tpu.memory_space<hbm>> -> memref<1x40x128xi32, #tpu.memory_space<hbm>>
      %dma_start3A_56 = tpu.memref_squeeze %dma_start3A_55 : memref<1x40x128xi32, #tpu.memory_space<hbm>> -> memref<40x128xi32, #tpu.memory_space<hbm>>
      tpu.enqueue_dma source(%dma_start3A_56 : memref<40x128xi32, #tpu.memory_space<hbm>>) target(%arg8 : memref<40x128xi32, #tpu.memory_space<vmem>>) target_semaphore(%run_scoped3A : memref<!tpu.dma_semaphore, #tpu.memory_space<semaphore_mem>>)
      %dma_wait3A = arith.constant 0 : i32
      %dma_wait3A_57 = arith.constant 0 : i32
      %dma_wait3A_58 = tpu.memref_slice %arg4[%add3A, %dma_wait3A, %dma_wait3A_57] : memref<32x80x128xi32, #tpu.memory_space<hbm>> -> memref<1x40x128xi32, #tpu.memory_space<hbm>>
      %dma_wait3A_59 = tpu.memref_squeeze %dma_wait3A_58 : memref<1x40x128xi32, #tpu.memory_space<hbm>> -> memref<40x128xi32, #tpu.memory_space<hbm>>
      %dma_wait3A_60 = arith.constant 0 : i32
      %dma_wait3A_61 = arith.constant 0 : i32
      %dma_wait3A_62 = tpu.memref_slice %arg4[%add3A, %dma_wait3A_60, %dma_wait3A_61] : memref<32x80x128xi32, #tpu.memory_space<hbm>> -> memref<1x40x128xi32, #tpu.memory_space<hbm>>
      %dma_wait3A_63 = tpu.memref_squeeze %dma_wait3A_62 : memref<1x40x128xi32, #tpu.memory_space<hbm>> -> memref<40x128xi32, #tpu.memory_space<hbm>>
      tpu.wait_dma2 semaphore(%run_scoped3A : memref<!tpu.dma_semaphore, #tpu.memory_space<semaphore_mem>>) src(%dma_wait3A_63 : memref<40x128xi32, #tpu.memory_space<hbm>>) dst(%arg8 : memref<40x128xi32, #tpu.memory_space<vmem>>)
      tpu.yield
    }) : () -> ()
    %dma_start3A = arith.constant 0 : i32
    %dma_start3A_3 = arith.constant 0 : i32
    %dma_start3A_4 = tpu.memref_slice %arg7[%dma_start3A, %dma_start3A_3] : memref<40x128xi32, #tpu.memory_space<vmem>> -> memref<1x128xi32, #tpu.memory_space<vmem>>
    %dma_start3A_5 = tpu.memref_squeeze %dma_start3A_4 : memref<1x128xi32, #tpu.memory_space<vmem>> -> memref<128xi32, #tpu.memory_space<vmem>>
    %dma_start3A_6 = arith.constant 0 : i32
    %dma_start3A_7 = arith.constant 0 : i32
    %dma_start3A_8 = tpu.memref_slice %arg2[%dma_start3A_6, %dma_start3A_7] : memref<10000x128xf32, #tpu.memory_space<hbm>> -> memref<10000x128xf32, #tpu.memory_space<hbm>>
    tpu.enqueue_indirect_dma source(%dma_start3A_8 : memref<10000x128xf32, #tpu.memory_space<hbm>>) target(%arg9 : memref<128x128xf32, #tpu.memory_space<vmem>>) offsets(%dma_start3A_5 : memref<128xi32, #tpu.memory_space<vmem>>) semaphore(%arg12 : memref<!tpu.dma_semaphore, #tpu.memory_space<semaphore_mem>>)
    %dma_start3A_9 = arith.constant 1 : i32
    %dma_start3A_10 = arith.constant 0 : i32
    %dma_start3A_11 = tpu.memref_slice %arg7[%dma_start3A_9, %dma_start3A_10] : memref<40x128xi32, #tpu.memory_space<vmem>> -> memref<1x128xi32, #tpu.memory_space<vmem>>
    %dma_start3A_12 = tpu.memref_squeeze %dma_start3A_11 : memref<1x128xi32, #tpu.memory_space<vmem>> -> memref<128xi32, #tpu.memory_space<vmem>>
    %dma_start3A_13 = arith.constant 0 : i32
    %dma_start3A_14 = arith.constant 0 : i32
    %dma_start3A_15 = tpu.memref_slice %arg2[%dma_start3A_13, %dma_start3A_14] : memref<10000x128xf32, #tpu.memory_space<hbm>> -> memref<10000x128xf32, #tpu.memory_space<hbm>>
    tpu.enqueue_indirect_dma source(%dma_start3A_15 : memref<10000x128xf32, #tpu.memory_space<hbm>>) target(%arg10 : memref<128x128xf32, #tpu.memory_space<vmem>>) offsets(%dma_start3A_12 : memref<128xi32, #tpu.memory_space<vmem>>) semaphore(%arg13 : memref<!tpu.dma_semaphore, #tpu.memory_space<semaphore_mem>>)
    %scan3A = arith.constant 0 : i32
    %scan3A_16 = arith.constant 20 : i32
    %scan3A_17 = arith.addi %scan3A, %scan3A_16 : i32
    %scan3A_18 = arith.constant 1 : i32
    scf.for %scan3A_49 = %scan3A to %scan3A_17 step %scan3A_18  : i32 {
      %mul3A_50 = arith.constant 2 : i32
      %mul3A_51 = arith.muli %scan3A_49, %mul3A_50 : i32
      %dma_wait3A = arith.constant 0 : i32
      %dma_wait3A_52 = tpu.memref_slice %arg7[%mul3A_51, %dma_wait3A] : memref<40x128xi32, #tpu.memory_space<vmem>> -> memref<1x128xi32, #tpu.memory_space<vmem>>
      %dma_wait3A_53 = tpu.memref_squeeze %dma_wait3A_52 : memref<1x128xi32, #tpu.memory_space<vmem>> -> memref<128xi32, #tpu.memory_space<vmem>>
      %dma_wait3A_54 = arith.constant 0 : i32
      %dma_wait3A_55 = arith.constant 0 : i32
      %dma_wait3A_56 = tpu.memref_slice %arg2[%dma_wait3A_54, %dma_wait3A_55] : memref<10000x128xf32, #tpu.memory_space<hbm>> -> memref<10000x128xf32, #tpu.memory_space<hbm>>
      tpu.wait_indirect_dma semaphore(%arg12 : memref<!tpu.dma_semaphore, #tpu.memory_space<semaphore_mem>>) src(%dma_wait3A_56 : memref<10000x128xf32, #tpu.memory_space<hbm>>) dst(%arg9 : memref<128x128xf32, #tpu.memory_space<vmem>>)
      "tpu.region"() ({
        %run_scoped3A = tpu.sem_alloc : memref<!tpu.dma_semaphore, #tpu.memory_space<semaphore_mem>>
        %dma_start3A_81 = arith.constant 0 : i32
        %dma_start3A_82 = tpu.memref_slice %arg8[%mul3A_51, %dma_start3A_81] : memref<40x128xi32, #tpu.memory_space<vmem>> -> memref<1x128xi32, #tpu.memory_space<vmem>>
        %dma_start3A_83 = tpu.memref_squeeze %dma_start3A_82 : memref<1x128xi32, #tpu.memory_space<vmem>> -> memref<128xi32, #tpu.memory_space<vmem>>
        %dma_start3A_84 = arith.constant 0 : i32
        %dma_start3A_85 = arith.constant 0 : i32
        %dma_start3A_86 = tpu.memref_slice %arg11[%dma_start3A_84, %dma_start3A_85] : memref<10112x128xf32, #tpu.memory_space<vmem_shared>> -> memref<10112x128xf32, #tpu.memory_space<vmem_shared>>
        tpu.enqueue_indirect_dma source(%arg9 : memref<128x128xf32, #tpu.memory_space<vmem>>) target(%dma_start3A_86 : memref<10112x128xf32, #tpu.memory_space<vmem_shared>>) offsets(%dma_start3A_83 : memref<128xi32, #tpu.memory_space<vmem>>) semaphore(%run_scoped3A : memref<!tpu.dma_semaphore, #tpu.memory_space<semaphore_mem>>) {add = true}
        %dma_wait3A_87 = arith.constant 0 : i32
        %dma_wait3A_88 = tpu.memref_slice %arg8[%mul3A_51, %dma_wait3A_87] : memref<40x128xi32, #tpu.memory_space<vmem>> -> memref<1x128xi32, #tpu.memory_space<vmem>>
        %dma_wait3A_89 = tpu.memref_squeeze %dma_wait3A_88 : memref<1x128xi32, #tpu.memory_space<vmem>> -> memref<128xi32, #tpu.memory_space<vmem>>
        %dma_wait3A_90 = arith.constant 0 : i32
        %dma_wait3A_91 = arith.constant 0 : i32
        %dma_wait3A_92 = tpu.memref_slice %arg11[%dma_wait3A_90, %dma_wait3A_91] : memref<10112x128xf32, #tpu.memory_space<vmem_shared>> -> memref<10112x128xf32, #tpu.memory_space<vmem_shared>>
        tpu.wait_indirect_dma semaphore(%run_scoped3A : memref<!tpu.dma_semaphore, #tpu.memory_space<semaphore_mem>>) src(%arg9 : memref<128x128xf32, #tpu.memory_space<vmem>>) dst(%dma_wait3A_92 : memref<10112x128xf32, #tpu.memory_space<vmem_shared>>)
        tpu.yield
      }) : () -> ()
      %add3A_57 = arith.constant 2 : i32
      %add3A_58 = arith.addi %mul3A_51, %add3A_57 : i32
      %lt3A_59 = arith.constant 40 : i32
      %lt3A_60 = arith.cmpi slt, %add3A_58, %lt3A_59 : i32
      %convert_element_type3A_61 = arith.extui %lt3A_60 : i1 to i32
      %cond3A_62 = arith.constant 0 : i32
      %cond3A_63 = arith.cmpi ne, %convert_element_type3A_61, %cond3A_62 : i32
      scf.if %cond3A_63 {
        %add3A_81 = arith.constant 2 : i32
        %add3A_82 = arith.addi %mul3A_51, %add3A_81 : i32
        %dma_start3A_83 = arith.constant 0 : i32
        %dma_start3A_84 = tpu.memref_slice %arg7[%add3A_82, %dma_start3A_83] : memref<40x128xi32, #tpu.memory_space<vmem>> -> memref<1x128xi32, #tpu.memory_space<vmem>>
        %dma_start3A_85 = tpu.memref_squeeze %dma_start3A_84 : memref<1x128xi32, #tpu.memory_space<vmem>> -> memref<128xi32, #tpu.memory_space<vmem>>
        %dma_start3A_86 = arith.constant 0 : i32
        %dma_start3A_87 = arith.constant 0 : i32
        %dma_start3A_88 = tpu.memref_slice %arg2[%dma_start3A_86, %dma_start3A_87] : memref<10000x128xf32, #tpu.memory_space<hbm>> -> memref<10000x128xf32, #tpu.memory_space<hbm>>
        tpu.enqueue_indirect_dma source(%dma_start3A_88 : memref<10000x128xf32, #tpu.memory_space<hbm>>) target(%arg9 : memref<128x128xf32, #tpu.memory_space<vmem>>) offsets(%dma_start3A_85 : memref<128xi32, #tpu.memory_space<vmem>>) semaphore(%arg12 : memref<!tpu.dma_semaphore, #tpu.memory_space<semaphore_mem>>)
      } else {
      }
      %add3A_64 = arith.constant 1 : i32
      %add3A_65 = arith.addi %mul3A_51, %add3A_64 : i32
      %dma_wait3A_66 = arith.constant 0 : i32
      %dma_wait3A_67 = tpu.memref_slice %arg7[%add3A_65, %dma_wait3A_66] : memref<40x128xi32, #tpu.memory_space<vmem>> -> memref<1x128xi32, #tpu.memory_space<vmem>>
      %dma_wait3A_68 = tpu.memref_squeeze %dma_wait3A_67 : memref<1x128xi32, #tpu.memory_space<vmem>> -> memref<128xi32, #tpu.memory_space<vmem>>
      %dma_wait3A_69 = arith.constant 0 : i32
      %dma_wait3A_70 = arith.constant 0 : i32
      %dma_wait3A_71 = tpu.memref_slice %arg2[%dma_wait3A_69, %dma_wait3A_70] : memref<10000x128xf32, #tpu.memory_space<hbm>> -> memref<10000x128xf32, #tpu.memory_space<hbm>>
      tpu.wait_indirect_dma semaphore(%arg13 : memref<!tpu.dma_semaphore, #tpu.memory_space<semaphore_mem>>) src(%dma_wait3A_71 : memref<10000x128xf32, #tpu.memory_space<hbm>>) dst(%arg10 : memref<128x128xf32, #tpu.memory_space<vmem>>)
      %add3A_72 = arith.constant 1 : i32
      %add3A_73 = arith.addi %mul3A_51, %add3A_72 : i32
      "tpu.region"() ({
        %run_scoped3A = tpu.sem_alloc : memref<!tpu.dma_semaphore, #tpu.memory_space<semaphore_mem>>
        %dma_start3A_81 = arith.constant 0 : i32
        %dma_start3A_82 = tpu.memref_slice %arg8[%add3A_73, %dma_start3A_81] : memref<40x128xi32, #tpu.memory_space<vmem>> -> memref<1x128xi32, #tpu.memory_space<vmem>>
        %dma_start3A_83 = tpu.memref_squeeze %dma_start3A_82 : memref<1x128xi32, #tpu.memory_space<vmem>> -> memref<128xi32, #tpu.memory_space<vmem>>
        %dma_start3A_84 = arith.constant 0 : i32
        %dma_start3A_85 = arith.constant 0 : i32
        %dma_start3A_86 = tpu.memref_slice %arg11[%dma_start3A_84, %dma_start3A_85] : memref<10112x128xf32, #tpu.memory_space<vmem_shared>> -> memref<10112x128xf32, #tpu.memory_space<vmem_shared>>
        tpu.enqueue_indirect_dma source(%arg10 : memref<128x128xf32, #tpu.memory_space<vmem>>) target(%dma_start3A_86 : memref<10112x128xf32, #tpu.memory_space<vmem_shared>>) offsets(%dma_start3A_83 : memref<128xi32, #tpu.memory_space<vmem>>) semaphore(%run_scoped3A : memref<!tpu.dma_semaphore, #tpu.memory_space<semaphore_mem>>) {add = true}
        %dma_wait3A_87 = arith.constant 0 : i32
        %dma_wait3A_88 = tpu.memref_slice %arg8[%add3A_73, %dma_wait3A_87] : memref<40x128xi32, #tpu.memory_space<vmem>> -> memref<1x128xi32, #tpu.memory_space<vmem>>
        %dma_wait3A_89 = tpu.memref_squeeze %dma_wait3A_88 : memref<1x128xi32, #tpu.memory_space<vmem>> -> memref<128xi32, #tpu.memory_space<vmem>>
        %dma_wait3A_90 = arith.constant 0 : i32
        %dma_wait3A_91 = arith.constant 0 : i32
        %dma_wait3A_92 = tpu.memref_slice %arg11[%dma_wait3A_90, %dma_wait3A_91] : memref<10112x128xf32, #tpu.memory_space<vmem_shared>> -> memref<10112x128xf32, #tpu.memory_space<vmem_shared>>
        tpu.wait_indirect_dma semaphore(%run_scoped3A : memref<!tpu.dma_semaphore, #tpu.memory_space<semaphore_mem>>) src(%arg10 : memref<128x128xf32, #tpu.memory_space<vmem>>) dst(%dma_wait3A_92 : memref<10112x128xf32, #tpu.memory_space<vmem_shared>>)
        tpu.yield
      }) : () -> ()
      %add3A_74 = arith.constant 3 : i32
      %add3A_75 = arith.addi %mul3A_51, %add3A_74 : i32
      %lt3A_76 = arith.constant 40 : i32
      %lt3A_77 = arith.cmpi slt, %add3A_75, %lt3A_76 : i32
      %convert_element_type3A_78 = arith.extui %lt3A_77 : i1 to i32
      %cond3A_79 = arith.constant 0 : i32
      %cond3A_80 = arith.cmpi ne, %convert_element_type3A_78, %cond3A_79 : i32
      scf.if %cond3A_80 {
        %add3A_81 = arith.constant 3 : i32
        %add3A_82 = arith.addi %mul3A_51, %add3A_81 : i32
        %dma_start3A_83 = arith.constant 0 : i32
        %dma_start3A_84 = tpu.memref_slice %arg7[%add3A_82, %dma_start3A_83] : memref<40x128xi32, #tpu.memory_space<vmem>> -> memref<1x128xi32, #tpu.memory_space<vmem>>
        %dma_start3A_85 = tpu.memref_squeeze %dma_start3A_84 : memref<1x128xi32, #tpu.memory_space<vmem>> -> memref<128xi32, #tpu.memory_space<vmem>>
        %dma_start3A_86 = arith.constant 0 : i32
        %dma_start3A_87 = arith.constant 0 : i32
        %dma_start3A_88 = tpu.memref_slice %arg2[%dma_start3A_86, %dma_start3A_87] : memref<10000x128xf32, #tpu.memory_space<hbm>> -> memref<10000x128xf32, #tpu.memory_space<hbm>>
        tpu.enqueue_indirect_dma source(%dma_start3A_88 : memref<10000x128xf32, #tpu.memory_space<hbm>>) target(%arg10 : memref<128x128xf32, #tpu.memory_space<vmem>>) offsets(%dma_start3A_85 : memref<128xi32, #tpu.memory_space<vmem>>) semaphore(%arg13 : memref<!tpu.dma_semaphore, #tpu.memory_space<semaphore_mem>>)
      } else {
      }
    }
    %scan3A_19 = arith.constant 20 : i32
    "tpu.region"() ({
      %run_scoped3A = tpu.sem_alloc : memref<!tpu.dma_semaphore, #tpu.memory_space<semaphore_mem>>
      %dma_start3A_49 = arith.constant 40 : i32
      %dma_start3A_50 = arith.constant 0 : i32
      %dma_start3A_51 = tpu.memref_slice %arg3[%add3A, %dma_start3A_49, %dma_start3A_50] : memref<32x80x128xi32, #tpu.memory_space<hbm>> -> memref<1x40x128xi32, #tpu.memory_space<hbm>>
      %dma_start3A_52 = tpu.memref_squeeze %dma_start3A_51 : memref<1x40x128xi32, #tpu.memory_space<hbm>> -> memref<40x128xi32, #tpu.memory_space<hbm>>
      %dma_start3A_53 = arith.constant 40 : i32
      %dma_start3A_54 = arith.constant 0 : i32
      %dma_start3A_55 = tpu.memref_slice %arg3[%add3A, %dma_start3A_53, %dma_start3A_54] : memref<32x80x128xi32, #tpu.memory_space<hbm>> -> memref<1x40x128xi32, #tpu.memory_space<hbm>>
      %dma_start3A_56 = tpu.memref_squeeze %dma_start3A_55 : memref<1x40x128xi32, #tpu.memory_space<hbm>> -> memref<40x128xi32, #tpu.memory_space<hbm>>
      tpu.enqueue_dma source(%dma_start3A_56 : memref<40x128xi32, #tpu.memory_space<hbm>>) target(%arg7 : memref<40x128xi32, #tpu.memory_space<vmem>>) target_semaphore(%run_scoped3A : memref<!tpu.dma_semaphore, #tpu.memory_space<semaphore_mem>>)
      %dma_wait3A = arith.constant 40 : i32
      %dma_wait3A_57 = arith.constant 0 : i32
      %dma_wait3A_58 = tpu.memref_slice %arg3[%add3A, %dma_wait3A, %dma_wait3A_57] : memref<32x80x128xi32, #tpu.memory_space<hbm>> -> memref<1x40x128xi32, #tpu.memory_space<hbm>>
      %dma_wait3A_59 = tpu.memref_squeeze %dma_wait3A_58 : memref<1x40x128xi32, #tpu.memory_space<hbm>> -> memref<40x128xi32, #tpu.memory_space<hbm>>
      %dma_wait3A_60 = arith.constant 40 : i32
      %dma_wait3A_61 = arith.constant 0 : i32
      %dma_wait3A_62 = tpu.memref_slice %arg3[%add3A, %dma_wait3A_60, %dma_wait3A_61] : memref<32x80x128xi32, #tpu.memory_space<hbm>> -> memref<1x40x128xi32, #tpu.memory_space<hbm>>
      %dma_wait3A_63 = tpu.memref_squeeze %dma_wait3A_62 : memref<1x40x128xi32, #tpu.memory_space<hbm>> -> memref<40x128xi32, #tpu.memory_space<hbm>>
      tpu.wait_dma2 semaphore(%run_scoped3A : memref<!tpu.dma_semaphore, #tpu.memory_space<semaphore_mem>>) src(%dma_wait3A_63 : memref<40x128xi32, #tpu.memory_space<hbm>>) dst(%arg7 : memref<40x128xi32, #tpu.memory_space<vmem>>)
      tpu.yield
    }) : () -> ()
    "tpu.region"() ({
      %run_scoped3A = tpu.sem_alloc : memref<!tpu.dma_semaphore, #tpu.memory_space<semaphore_mem>>
      %dma_start3A_49 = arith.constant 40 : i32
      %dma_start3A_50 = arith.constant 0 : i32
      %dma_start3A_51 = tpu.memref_slice %arg4[%add3A, %dma_start3A_49, %dma_start3A_50] : memref<32x80x128xi32, #tpu.memory_space<hbm>> -> memref<1x40x128xi32, #tpu.memory_space<hbm>>
      %dma_start3A_52 = tpu.memref_squeeze %dma_start3A_51 : memref<1x40x128xi32, #tpu.memory_space<hbm>> -> memref<40x128xi32, #tpu.memory_space<hbm>>
      %dma_start3A_53 = arith.constant 40 : i32
      %dma_start3A_54 = arith.constant 0 : i32
      %dma_start3A_55 = tpu.memref_slice %arg4[%add3A, %dma_start3A_53, %dma_start3A_54] : memref<32x80x128xi32, #tpu.memory_space<hbm>> -> memref<1x40x128xi32, #tpu.memory_space<hbm>>
      %dma_start3A_56 = tpu.memref_squeeze %dma_start3A_55 : memref<1x40x128xi32, #tpu.memory_space<hbm>> -> memref<40x128xi32, #tpu.memory_space<hbm>>
      tpu.enqueue_dma source(%dma_start3A_56 : memref<40x128xi32, #tpu.memory_space<hbm>>) target(%arg8 : memref<40x128xi32, #tpu.memory_space<vmem>>) target_semaphore(%run_scoped3A : memref<!tpu.dma_semaphore, #tpu.memory_space<semaphore_mem>>)
      %dma_wait3A = arith.constant 40 : i32
      %dma_wait3A_57 = arith.constant 0 : i32
      %dma_wait3A_58 = tpu.memref_slice %arg4[%add3A, %dma_wait3A, %dma_wait3A_57] : memref<32x80x128xi32, #tpu.memory_space<hbm>> -> memref<1x40x128xi32, #tpu.memory_space<hbm>>
      %dma_wait3A_59 = tpu.memref_squeeze %dma_wait3A_58 : memref<1x40x128xi32, #tpu.memory_space<hbm>> -> memref<40x128xi32, #tpu.memory_space<hbm>>
      %dma_wait3A_60 = arith.constant 40 : i32
      %dma_wait3A_61 = arith.constant 0 : i32
      %dma_wait3A_62 = tpu.memref_slice %arg4[%add3A, %dma_wait3A_60, %dma_wait3A_61] : memref<32x80x128xi32, #tpu.memory_space<hbm>> -> memref<1x40x128xi32, #tpu.memory_space<hbm>>
      %dma_wait3A_63 = tpu.memref_squeeze %dma_wait3A_62 : memref<1x40x128xi32, #tpu.memory_space<hbm>> -> memref<40x128xi32, #tpu.memory_space<hbm>>
      tpu.wait_dma2 semaphore(%run_scoped3A : memref<!tpu.dma_semaphore, #tpu.memory_space<semaphore_mem>>) src(%dma_wait3A_63 : memref<40x128xi32, #tpu.memory_space<hbm>>) dst(%arg8 : memref<40x128xi32, #tpu.memory_space<vmem>>)
      tpu.yield
    }) : () -> ()
    %dma_start3A_20 = arith.constant 0 : i32
    %dma_start3A_21 = arith.constant 0 : i32
    %dma_start3A_22 = tpu.memref_slice %arg7[%dma_start3A_20, %dma_start3A_21] : memref<40x128xi32, #tpu.memory_space<vmem>> -> memref<1x128xi32, #tpu.memory_space<vmem>>
    %dma_start3A_23 = tpu.memref_squeeze %dma_start3A_22 : memref<1x128xi32, #tpu.memory_space<vmem>> -> memref<128xi32, #tpu.memory_space<vmem>>
    %dma_start3A_24 = arith.constant 0 : i32
    %dma_start3A_25 = arith.constant 0 : i32
    %dma_start3A_26 = tpu.memref_slice %arg2[%dma_start3A_24, %dma_start3A_25] : memref<10000x128xf32, #tpu.memory_space<hbm>> -> memref<10000x128xf32, #tpu.memory_space<hbm>>
    tpu.enqueue_indirect_dma source(%dma_start3A_26 : memref<10000x128xf32, #tpu.memory_space<hbm>>) target(%arg9 : memref<128x128xf32, #tpu.memory_space<vmem>>) offsets(%dma_start3A_23 : memref<128xi32, #tpu.memory_space<vmem>>) semaphore(%arg12 : memref<!tpu.dma_semaphore, #tpu.memory_space<semaphore_mem>>)
    %dma_start3A_27 = arith.constant 1 : i32
    %dma_start3A_28 = arith.constant 0 : i32
    %dma_start3A_29 = tpu.memref_slice %arg7[%dma_start3A_27, %dma_start3A_28] : memref<40x128xi32, #tpu.memory_space<vmem>> -> memref<1x128xi32, #tpu.memory_space<vmem>>
    %dma_start3A_30 = tpu.memref_squeeze %dma_start3A_29 : memref<1x128xi32, #tpu.memory_space<vmem>> -> memref<128xi32, #tpu.memory_space<vmem>>
    %dma_start3A_31 = arith.constant 0 : i32
    %dma_start3A_32 = arith.constant 0 : i32
    %dma_start3A_33 = tpu.memref_slice %arg2[%dma_start3A_31, %dma_start3A_32] : memref<10000x128xf32, #tpu.memory_space<hbm>> -> memref<10000x128xf32, #tpu.memory_space<hbm>>
    tpu.enqueue_indirect_dma source(%dma_start3A_33 : memref<10000x128xf32, #tpu.memory_space<hbm>>) target(%arg10 : memref<128x128xf32, #tpu.memory_space<vmem>>) offsets(%dma_start3A_30 : memref<128xi32, #tpu.memory_space<vmem>>) semaphore(%arg13 : memref<!tpu.dma_semaphore, #tpu.memory_space<semaphore_mem>>)
    %scan3A_34 = arith.constant 0 : i32
    %scan3A_35 = arith.constant 20 : i32
    %scan3A_36 = arith.addi %scan3A_34, %scan3A_35 : i32
    %scan3A_37 = arith.constant 1 : i32
    scf.for %scan3A_49 = %scan3A_34 to %scan3A_36 step %scan3A_37  : i32 {
      %mul3A_50 = arith.constant 2 : i32
      %mul3A_51 = arith.muli %scan3A_49, %mul3A_50 : i32
      %dma_wait3A = arith.constant 0 : i32
      %dma_wait3A_52 = tpu.memref_slice %arg7[%mul3A_51, %dma_wait3A] : memref<40x128xi32, #tpu.memory_space<vmem>> -> memref<1x128xi32, #tpu.memory_space<vmem>>
      %dma_wait3A_53 = tpu.memref_squeeze %dma_wait3A_52 : memref<1x128xi32, #tpu.memory_space<vmem>> -> memref<128xi32, #tpu.memory_space<vmem>>
      %dma_wait3A_54 = arith.constant 0 : i32
      %dma_wait3A_55 = arith.constant 0 : i32
      %dma_wait3A_56 = tpu.memref_slice %arg2[%dma_wait3A_54, %dma_wait3A_55] : memref<10000x128xf32, #tpu.memory_space<hbm>> -> memref<10000x128xf32, #tpu.memory_space<hbm>>
      tpu.wait_indirect_dma semaphore(%arg12 : memref<!tpu.dma_semaphore, #tpu.memory_space<semaphore_mem>>) src(%dma_wait3A_56 : memref<10000x128xf32, #tpu.memory_space<hbm>>) dst(%arg9 : memref<128x128xf32, #tpu.memory_space<vmem>>)
      "tpu.region"() ({
        %run_scoped3A = tpu.sem_alloc : memref<!tpu.dma_semaphore, #tpu.memory_space<semaphore_mem>>
        %dma_start3A_81 = arith.constant 0 : i32
        %dma_start3A_82 = tpu.memref_slice %arg8[%mul3A_51, %dma_start3A_81] : memref<40x128xi32, #tpu.memory_space<vmem>> -> memref<1x128xi32, #tpu.memory_space<vmem>>
        %dma_start3A_83 = tpu.memref_squeeze %dma_start3A_82 : memref<1x128xi32, #tpu.memory_space<vmem>> -> memref<128xi32, #tpu.memory_space<vmem>>
        %dma_start3A_84 = arith.constant 0 : i32
        %dma_start3A_85 = arith.constant 0 : i32
        %dma_start3A_86 = tpu.memref_slice %arg11[%dma_start3A_84, %dma_start3A_85] : memref<10112x128xf32, #tpu.memory_space<vmem_shared>> -> memref<10112x128xf32, #tpu.memory_space<vmem_shared>>
        tpu.enqueue_indirect_dma source(%arg9 : memref<128x128xf32, #tpu.memory_space<vmem>>) target(%dma_start3A_86 : memref<10112x128xf32, #tpu.memory_space<vmem_shared>>) offsets(%dma_start3A_83 : memref<128xi32, #tpu.memory_space<vmem>>) semaphore(%run_scoped3A : memref<!tpu.dma_semaphore, #tpu.memory_space<semaphore_mem>>) {add = true}
        %dma_wait3A_87 = arith.constant 0 : i32
        %dma_wait3A_88 = tpu.memref_slice %arg8[%mul3A_51, %dma_wait3A_87] : memref<40x128xi32, #tpu.memory_space<vmem>> -> memref<1x128xi32, #tpu.memory_space<vmem>>
        %dma_wait3A_89 = tpu.memref_squeeze %dma_wait3A_88 : memref<1x128xi32, #tpu.memory_space<vmem>> -> memref<128xi32, #tpu.memory_space<vmem>>
        %dma_wait3A_90 = arith.constant 0 : i32
        %dma_wait3A_91 = arith.constant 0 : i32
        %dma_wait3A_92 = tpu.memref_slice %arg11[%dma_wait3A_90, %dma_wait3A_91] : memref<10112x128xf32, #tpu.memory_space<vmem_shared>> -> memref<10112x128xf32, #tpu.memory_space<vmem_shared>>
        tpu.wait_indirect_dma semaphore(%run_scoped3A : memref<!tpu.dma_semaphore, #tpu.memory_space<semaphore_mem>>) src(%arg9 : memref<128x128xf32, #tpu.memory_space<vmem>>) dst(%dma_wait3A_92 : memref<10112x128xf32, #tpu.memory_space<vmem_shared>>)
        tpu.yield
      }) : () -> ()
      %add3A_57 = arith.constant 2 : i32
      %add3A_58 = arith.addi %mul3A_51, %add3A_57 : i32
      %lt3A_59 = arith.constant 40 : i32
      %lt3A_60 = arith.cmpi slt, %add3A_58, %lt3A_59 : i32
      %convert_element_type3A_61 = arith.extui %lt3A_60 : i1 to i32
      %cond3A_62 = arith.constant 0 : i32
      %cond3A_63 = arith.cmpi ne, %convert_element_type3A_61, %cond3A_62 : i32
      scf.if %cond3A_63 {
        %add3A_81 = arith.constant 2 : i32
        %add3A_82 = arith.addi %mul3A_51, %add3A_81 : i32
        %dma_start3A_83 = arith.constant 0 : i32
        %dma_start3A_84 = tpu.memref_slice %arg7[%add3A_82, %dma_start3A_83] : memref<40x128xi32, #tpu.memory_space<vmem>> -> memref<1x128xi32, #tpu.memory_space<vmem>>
        %dma_start3A_85 = tpu.memref_squeeze %dma_start3A_84 : memref<1x128xi32, #tpu.memory_space<vmem>> -> memref<128xi32, #tpu.memory_space<vmem>>
        %dma_start3A_86 = arith.constant 0 : i32
        %dma_start3A_87 = arith.constant 0 : i32
        %dma_start3A_88 = tpu.memref_slice %arg2[%dma_start3A_86, %dma_start3A_87] : memref<10000x128xf32, #tpu.memory_space<hbm>> -> memref<10000x128xf32, #tpu.memory_space<hbm>>
        tpu.enqueue_indirect_dma source(%dma_start3A_88 : memref<10000x128xf32, #tpu.memory_space<hbm>>) target(%arg9 : memref<128x128xf32, #tpu.memory_space<vmem>>) offsets(%dma_start3A_85 : memref<128xi32, #tpu.memory_space<vmem>>) semaphore(%arg12 : memref<!tpu.dma_semaphore, #tpu.memory_space<semaphore_mem>>)
      } else {
      }
      %add3A_64 = arith.constant 1 : i32
      %add3A_65 = arith.addi %mul3A_51, %add3A_64 : i32
      %dma_wait3A_66 = arith.constant 0 : i32
      %dma_wait3A_67 = tpu.memref_slice %arg7[%add3A_65, %dma_wait3A_66] : memref<40x128xi32, #tpu.memory_space<vmem>> -> memref<1x128xi32, #tpu.memory_space<vmem>>
      %dma_wait3A_68 = tpu.memref_squeeze %dma_wait3A_67 : memref<1x128xi32, #tpu.memory_space<vmem>> -> memref<128xi32, #tpu.memory_space<vmem>>
      %dma_wait3A_69 = arith.constant 0 : i32
      %dma_wait3A_70 = arith.constant 0 : i32
      %dma_wait3A_71 = tpu.memref_slice %arg2[%dma_wait3A_69, %dma_wait3A_70] : memref<10000x128xf32, #tpu.memory_space<hbm>> -> memref<10000x128xf32, #tpu.memory_space<hbm>>
      tpu.wait_indirect_dma semaphore(%arg13 : memref<!tpu.dma_semaphore, #tpu.memory_space<semaphore_mem>>) src(%dma_wait3A_71 : memref<10000x128xf32, #tpu.memory_space<hbm>>) dst(%arg10 : memref<128x128xf32, #tpu.memory_space<vmem>>)
      %add3A_72 = arith.constant 1 : i32
      %add3A_73 = arith.addi %mul3A_51, %add3A_72 : i32
      "tpu.region"() ({
        %run_scoped3A = tpu.sem_alloc : memref<!tpu.dma_semaphore, #tpu.memory_space<semaphore_mem>>
        %dma_start3A_81 = arith.constant 0 : i32
        %dma_start3A_82 = tpu.memref_slice %arg8[%add3A_73, %dma_start3A_81] : memref<40x128xi32, #tpu.memory_space<vmem>> -> memref<1x128xi32, #tpu.memory_space<vmem>>
        %dma_start3A_83 = tpu.memref_squeeze %dma_start3A_82 : memref<1x128xi32, #tpu.memory_space<vmem>> -> memref<128xi32, #tpu.memory_space<vmem>>
        %dma_start3A_84 = arith.constant 0 : i32
        %dma_start3A_85 = arith.constant 0 : i32
        %dma_start3A_86 = tpu.memref_slice %arg11[%dma_start3A_84, %dma_start3A_85] : memref<10112x128xf32, #tpu.memory_space<vmem_shared>> -> memref<10112x128xf32, #tpu.memory_space<vmem_shared>>
        tpu.enqueue_indirect_dma source(%arg10 : memref<128x128xf32, #tpu.memory_space<vmem>>) target(%dma_start3A_86 : memref<10112x128xf32, #tpu.memory_space<vmem_shared>>) offsets(%dma_start3A_83 : memref<128xi32, #tpu.memory_space<vmem>>) semaphore(%run_scoped3A : memref<!tpu.dma_semaphore, #tpu.memory_space<semaphore_mem>>) {add = true}
        %dma_wait3A_87 = arith.constant 0 : i32
        %dma_wait3A_88 = tpu.memref_slice %arg8[%add3A_73, %dma_wait3A_87] : memref<40x128xi32, #tpu.memory_space<vmem>> -> memref<1x128xi32, #tpu.memory_space<vmem>>
        %dma_wait3A_89 = tpu.memref_squeeze %dma_wait3A_88 : memref<1x128xi32, #tpu.memory_space<vmem>> -> memref<128xi32, #tpu.memory_space<vmem>>
        %dma_wait3A_90 = arith.constant 0 : i32
        %dma_wait3A_91 = arith.constant 0 : i32
        %dma_wait3A_92 = tpu.memref_slice %arg11[%dma_wait3A_90, %dma_wait3A_91] : memref<10112x128xf32, #tpu.memory_space<vmem_shared>> -> memref<10112x128xf32, #tpu.memory_space<vmem_shared>>
        tpu.wait_indirect_dma semaphore(%run_scoped3A : memref<!tpu.dma_semaphore, #tpu.memory_space<semaphore_mem>>) src(%arg10 : memref<128x128xf32, #tpu.memory_space<vmem>>) dst(%dma_wait3A_92 : memref<10112x128xf32, #tpu.memory_space<vmem_shared>>)
        tpu.yield
      }) : () -> ()
      %add3A_74 = arith.constant 3 : i32
      %add3A_75 = arith.addi %mul3A_51, %add3A_74 : i32
      %lt3A_76 = arith.constant 40 : i32
      %lt3A_77 = arith.cmpi slt, %add3A_75, %lt3A_76 : i32
      %convert_element_type3A_78 = arith.extui %lt3A_77 : i1 to i32
      %cond3A_79 = arith.constant 0 : i32
      %cond3A_80 = arith.cmpi ne, %convert_element_type3A_78, %cond3A_79 : i32
      scf.if %cond3A_80 {
        %add3A_81 = arith.constant 3 : i32
        %add3A_82 = arith.addi %mul3A_51, %add3A_81 : i32
        %dma_start3A_83 = arith.constant 0 : i32
        %dma_start3A_84 = tpu.memref_slice %arg7[%add3A_82, %dma_start3A_83] : memref<40x128xi32, #tpu.memory_space<vmem>> -> memref<1x128xi32, #tpu.memory_space<vmem>>
        %dma_start3A_85 = tpu.memref_squeeze %dma_start3A_84 : memref<1x128xi32, #tpu.memory_space<vmem>> -> memref<128xi32, #tpu.memory_space<vmem>>
        %dma_start3A_86 = arith.constant 0 : i32
        %dma_start3A_87 = arith.constant 0 : i32
        %dma_start3A_88 = tpu.memref_slice %arg2[%dma_start3A_86, %dma_start3A_87] : memref<10000x128xf32, #tpu.memory_space<hbm>> -> memref<10000x128xf32, #tpu.memory_space<hbm>>
        tpu.enqueue_indirect_dma source(%dma_start3A_88 : memref<10000x128xf32, #tpu.memory_space<hbm>>) target(%arg10 : memref<128x128xf32, #tpu.memory_space<vmem>>) offsets(%dma_start3A_85 : memref<128xi32, #tpu.memory_space<vmem>>) semaphore(%arg13 : memref<!tpu.dma_semaphore, #tpu.memory_space<semaphore_mem>>)
      } else {
      }
    }
    %scan3A_38 = arith.constant 20 : i32
    %barrier3A_39 = arith.constant 0 : index
    tpu.barrier barrier_id(%barrier3A_39)
    %mul3A_40 = arith.constant 624 : i32
    %mul3A_41 = arith.muli %arg1, %mul3A_40 : i32
    %multiple_of3A_42 = tpu.assume_multiple %mul3A_41, 8 : i32
    %lt3A = arith.constant 15 : i32
    %lt3A_43 = arith.cmpi slt, %arg1, %lt3A : i32
    %convert_element_type3A = arith.extui %lt3A_43 : i1 to i32
    %cond3A = arith.constant 0 : i32
    %cond3A_44 = arith.cmpi ne, %convert_element_type3A, %cond3A : i32
    scf.if %cond3A_44 {
      "tpu.region"() ({
        %run_scoped3A = tpu.sem_alloc : memref<!tpu.dma_semaphore, #tpu.memory_space<semaphore_mem>>
        %dma_start3A_49 = arith.constant 0 : i32
        %dma_start3A_50 = tpu.memref_slice %arg6[%arg0, %multiple_of3A_42, %dma_start3A_49] : memref<2x10000x128xf32, #tpu.memory_space<hbm>> -> memref<1x624x128xf32, #tpu.memory_space<hbm>>
        %dma_start3A_51 = tpu.memref_squeeze %dma_start3A_50 : memref<1x624x128xf32, #tpu.memory_space<hbm>> -> memref<624x128xf32, #tpu.memory_space<hbm>>
        %dma_start3A_52 = arith.constant 0 : i32
        %dma_start3A_53 = tpu.memref_slice %arg11[%multiple_of3A_42, %dma_start3A_52] : memref<10112x128xf32, #tpu.memory_space<vmem_shared>> -> memref<624x128xf32, #tpu.memory_space<vmem_shared>>
        tpu.enqueue_dma source(%dma_start3A_53 : memref<624x128xf32, #tpu.memory_space<vmem_shared>>) target(%dma_start3A_51 : memref<624x128xf32, #tpu.memory_space<hbm>>) target_semaphore(%run_scoped3A : memref<!tpu.dma_semaphore, #tpu.memory_space<semaphore_mem>>)
        %dma_wait3A = arith.constant 0 : i32
        %dma_wait3A_54 = tpu.memref_slice %arg6[%arg0, %multiple_of3A_42, %dma_wait3A] : memref<2x10000x128xf32, #tpu.memory_space<hbm>> -> memref<1x624x128xf32, #tpu.memory_space<hbm>>
        %dma_wait3A_55 = tpu.memref_squeeze %dma_wait3A_54 : memref<1x624x128xf32, #tpu.memory_space<hbm>> -> memref<624x128xf32, #tpu.memory_space<hbm>>
        %dma_wait3A_56 = arith.constant 0 : i32
        %dma_wait3A_57 = tpu.memref_slice %arg11[%multiple_of3A_42, %dma_wait3A_56] : memref<10112x128xf32, #tpu.memory_space<vmem_shared>> -> memref<624x128xf32, #tpu.memory_space<vmem_shared>>
        tpu.wait_dma2 semaphore(%run_scoped3A : memref<!tpu.dma_semaphore, #tpu.memory_space<semaphore_mem>>) src(%dma_wait3A_57 : memref<624x128xf32, #tpu.memory_space<vmem_shared>>) dst(%dma_wait3A_55 : memref<624x128xf32, #tpu.memory_space<hbm>>)
        tpu.yield
      }) : () -> ()
    } else {
    }
    %eq3A = arith.constant 15 : i32
    %eq3A_45 = arith.cmpi eq, %arg1, %eq3A : i32
    %convert_element_type3A_46 = arith.extui %eq3A_45 : i1 to i32
    %cond3A_47 = arith.constant 0 : i32
    %cond3A_48 = arith.cmpi ne, %convert_element_type3A_46, %cond3A_47 : i32
    scf.if %cond3A_48 {
      "tpu.region"() ({
        %run_scoped3A = tpu.sem_alloc : memref<!tpu.dma_semaphore, #tpu.memory_space<semaphore_mem>>
        %dma_start3A_49 = arith.constant 9360 : i32
        %dma_start3A_50 = arith.constant 0 : i32
        %dma_start3A_51 = tpu.memref_slice %arg6[%arg0, %dma_start3A_49, %dma_start3A_50] : memref<2x10000x128xf32, #tpu.memory_space<hbm>> -> memref<1x640x128xf32, #tpu.memory_space<hbm>>
        %dma_start3A_52 = tpu.memref_squeeze %dma_start3A_51 : memref<1x640x128xf32, #tpu.memory_space<hbm>> -> memref<640x128xf32, #tpu.memory_space<hbm>>
        %dma_start3A_53 = arith.constant 9360 : i32
        %dma_start3A_54 = arith.constant 0 : i32
        %dma_start3A_55 = tpu.memref_slice %arg11[%dma_start3A_53, %dma_start3A_54] : memref<10112x128xf32, #tpu.memory_space<vmem_shared>> -> memref<640x128xf32, #tpu.memory_space<vmem_shared>>
        tpu.enqueue_dma source(%dma_start3A_55 : memref<640x128xf32, #tpu.memory_space<vmem_shared>>) target(%dma_start3A_52 : memref<640x128xf32, #tpu.memory_space<hbm>>) target_semaphore(%run_scoped3A : memref<!tpu.dma_semaphore, #tpu.memory_space<semaphore_mem>>)
        %dma_wait3A = arith.constant 9360 : i32
        %dma_wait3A_56 = arith.constant 0 : i32
        %dma_wait3A_57 = tpu.memref_slice %arg6[%arg0, %dma_wait3A, %dma_wait3A_56] : memref<2x10000x128xf32, #tpu.memory_space<hbm>> -> memref<1x640x128xf32, #tpu.memory_space<hbm>>
        %dma_wait3A_58 = tpu.memref_squeeze %dma_wait3A_57 : memref<1x640x128xf32, #tpu.memory_space<hbm>> -> memref<640x128xf32, #tpu.memory_space<hbm>>
        %dma_wait3A_59 = arith.constant 9360 : i32
        %dma_wait3A_60 = arith.constant 0 : i32
        %dma_wait3A_61 = tpu.memref_slice %arg11[%dma_wait3A_59, %dma_wait3A_60] : memref<10112x128xf32, #tpu.memory_space<vmem_shared>> -> memref<640x128xf32, #tpu.memory_space<vmem_shared>>
        tpu.wait_dma2 semaphore(%run_scoped3A : memref<!tpu.dma_semaphore, #tpu.memory_space<semaphore_mem>>) src(%dma_wait3A_61 : memref<640x128xf32, #tpu.memory_space<vmem_shared>>) dst(%dma_wait3A_58 : memref<640x128xf32, #tpu.memory_space<hbm>>)
        tpu.yield
      }) : () -> ()
    } else {
    }
    return
  }
}

#map = affine_map<(d0, d1) -> (0, 0)>
#map1 = affine_map<(d0, d1) -> (0, 0, 0)>
module attributes {stable_mosaic.version = 14 : i64} {
  func.func @_segsum_sc(%arg0: i32, %arg1: i32, %arg2: memref<10000x128xf32, #tpu.memory_space<hbm>>, %arg3: memref<32x80x128xi32, #tpu.memory_space<hbm>>, %arg4: memref<32x80x128xi32, #tpu.memory_space<hbm>>, %arg5: memref<10112x128xf32, #tpu.memory_space<hbm>>, %arg6: memref<2x10000x128xf32, #tpu.memory_space<hbm>>, %arg7: memref<40x128xi32, #tpu.memory_space<vmem>>, %arg8: memref<40x128xi32, #tpu.memory_space<vmem>>, %arg9: memref<128x128xf32, #tpu.memory_space<vmem>>, %arg10: memref<128x128xf32, #tpu.memory_space<vmem>>, %arg11: memref<10112x128xf32, #tpu.memory_space<vmem_shared>>, %arg12: memref<!tpu.dma_semaphore, #tpu.memory_space<semaphore_mem>>, %arg13: memref<!tpu.dma_semaphore, #tpu.memory_space<semaphore_mem>>) attributes {dimension_semantics = [#tpu.dimension_semantics<core_parallel>, #tpu.dimension_semantics<subcore_parallel>], iteration_bounds = array<i64: 2, 16>, scalar_prefetch = 0 : i64, scratch_operands = 7 : i64, tpu.core_type = #tpu.core_type<sc_vector_subcore>, window_params = [{transform_indices = #map}, {transform_indices = #map1}, {transform_indices = #map1}, {transform_indices = #map}, {transform_indices = #map1}]} {
    %mul3A = arith.constant 16 : i32
    %mul3A_0 = arith.muli %arg0, %mul3A : i32
    %add3A = arith.addi %mul3A_0, %arg1 : i32
    %mul3A_1 = arith.constant 632 : i32
    %mul3A_2 = arith.muli %arg1, %mul3A_1 : i32
    %multiple_of3A = tpu.assume_multiple %mul3A_2, 8 : i32
    "tpu.region"() ({
      %run_scoped3A = tpu.sem_alloc : memref<!tpu.dma_semaphore, #tpu.memory_space<semaphore_mem>>
      %dma_start3A_49 = arith.constant 0 : i32
      %dma_start3A_50 = tpu.memref_slice %arg11[%multiple_of3A, %dma_start3A_49] : memref<10112x128xf32, #tpu.memory_space<vmem_shared>> -> memref<632x128xf32, #tpu.memory_space<vmem_shared>>
      %dma_start3A_51 = arith.constant 0 : i32
      %dma_start3A_52 = tpu.memref_slice %arg5[%multiple_of3A, %dma_start3A_51] : memref<10112x128xf32, #tpu.memory_space<hbm>> -> memref<632x128xf32, #tpu.memory_space<hbm>>
      tpu.enqueue_dma source(%dma_start3A_52 : memref<632x128xf32, #tpu.memory_space<hbm>>) target(%dma_start3A_50 : memref<632x128xf32, #tpu.memory_space<vmem_shared>>) target_semaphore(%run_scoped3A : memref<!tpu.dma_semaphore, #tpu.memory_space<semaphore_mem>>)
      %dma_wait3A = arith.constant 0 : i32
      %dma_wait3A_53 = tpu.memref_slice %arg11[%multiple_of3A, %dma_wait3A] : memref<10112x128xf32, #tpu.memory_space<vmem_shared>> -> memref<632x128xf32, #tpu.memory_space<vmem_shared>>
      %dma_wait3A_54 = arith.constant 0 : i32
      %dma_wait3A_55 = tpu.memref_slice %arg5[%multiple_of3A, %dma_wait3A_54] : memref<10112x128xf32, #tpu.memory_space<hbm>> -> memref<632x128xf32, #tpu.memory_space<hbm>>
      tpu.wait_dma2 semaphore(%run_scoped3A : memref<!tpu.dma_semaphore, #tpu.memory_space<semaphore_mem>>) src(%dma_wait3A_55 : memref<632x128xf32, #tpu.memory_space<hbm>>) dst(%dma_wait3A_53 : memref<632x128xf32, #tpu.memory_space<vmem_shared>>)
      tpu.yield
    }) : () -> ()
    %barrier3A = arith.constant 0 : index
    tpu.barrier barrier_id(%barrier3A)
    "tpu.region"() ({
      %run_scoped3A = tpu.sem_alloc : memref<!tpu.dma_semaphore, #tpu.memory_space<semaphore_mem>>
      %dma_start3A_49 = arith.constant 0 : i32
      %dma_start3A_50 = arith.constant 0 : i32
      %dma_start3A_51 = tpu.memref_slice %arg3[%add3A, %dma_start3A_49, %dma_start3A_50] : memref<32x80x128xi32, #tpu.memory_space<hbm>> -> memref<1x40x128xi32, #tpu.memory_space<hbm>>
      %dma_start3A_52 = tpu.memref_squeeze %dma_start3A_51 : memref<1x40x128xi32, #tpu.memory_space<hbm>> -> memref<40x128xi32, #tpu.memory_space<hbm>>
      %dma_start3A_53 = arith.constant 0 : i32
      %dma_start3A_54 = arith.constant 0 : i32
      %dma_start3A_55 = tpu.memref_slice %arg3[%add3A, %dma_start3A_53, %dma_start3A_54] : memref<32x80x128xi32, #tpu.memory_space<hbm>> -> memref<1x40x128xi32, #tpu.memory_space<hbm>>
      %dma_start3A_56 = tpu.memref_squeeze %dma_start3A_55 : memref<1x40x128xi32, #tpu.memory_space<hbm>> -> memref<40x128xi32, #tpu.memory_space<hbm>>
      tpu.enqueue_dma source(%dma_start3A_56 : memref<40x128xi32, #tpu.memory_space<hbm>>) target(%arg7 : memref<40x128xi32, #tpu.memory_space<vmem>>) target_semaphore(%run_scoped3A : memref<!tpu.dma_semaphore, #tpu.memory_space<semaphore_mem>>)
      %dma_wait3A = arith.constant 0 : i32
      %dma_wait3A_57 = arith.constant 0 : i32
      %dma_wait3A_58 = tpu.memref_slice %arg3[%add3A, %dma_wait3A, %dma_wait3A_57] : memref<32x80x128xi32, #tpu.memory_space<hbm>> -> memref<1x40x128xi32, #tpu.memory_space<hbm>>
      %dma_wait3A_59 = tpu.memref_squeeze %dma_wait3A_58 : memref<1x40x128xi32, #tpu.memory_space<hbm>> -> memref<40x128xi32, #tpu.memory_space<hbm>>
      %dma_wait3A_60 = arith.constant 0 : i32
      %dma_wait3A_61 = arith.constant 0 : i32
      %dma_wait3A_62 = tpu.memref_slice %arg3[%add3A, %dma_wait3A_60, %dma_wait3A_61] : memref<32x80x128xi32, #tpu.memory_space<hbm>> -> memref<1x40x128xi32, #tpu.memory_space<hbm>>
      %dma_wait3A_63 = tpu.memref_squeeze %dma_wait3A_62 : memref<1x40x128xi32, #tpu.memory_space<hbm>> -> memref<40x128xi32, #tpu.memory_space<hbm>>
      tpu.wait_dma2 semaphore(%run_scoped3A : memref<!tpu.dma_semaphore, #tpu.memory_space<semaphore_mem>>) src(%dma_wait3A_63 : memref<40x128xi32, #tpu.memory_space<hbm>>) dst(%arg7 : memref<40x128xi32, #tpu.memory_space<vmem>>)
      tpu.yield
    }) : () -> ()
    "tpu.region"() ({
      %run_scoped3A = tpu.sem_alloc : memref<!tpu.dma_semaphore, #tpu.memory_space<semaphore_mem>>
      %dma_start3A_49 = arith.constant 0 : i32
      %dma_start3A_50 = arith.constant 0 : i32
      %dma_start3A_51 = tpu.memref_slice %arg4[%add3A, %dma_start3A_49, %dma_start3A_50] : memref<32x80x128xi32, #tpu.memory_space<hbm>> -> memref<1x40x128xi32, #tpu.memory_space<hbm>>
      %dma_start3A_52 = tpu.memref_squeeze %dma_start3A_51 : memref<1x40x128xi32, #tpu.memory_space<hbm>> -> memref<40x128xi32, #tpu.memory_space<hbm>>
      %dma_start3A_53 = arith.constant 0 : i32
      %dma_start3A_54 = arith.constant 0 : i32
      %dma_start3A_55 = tpu.memref_slice %arg4[%add3A, %dma_start3A_53, %dma_start3A_54] : memref<32x80x128xi32, #tpu.memory_space<hbm>> -> memref<1x40x128xi32, #tpu.memory_space<hbm>>
      %dma_start3A_56 = tpu.memref_squeeze %dma_start3A_55 : memref<1x40x128xi32, #tpu.memory_space<hbm>> -> memref<40x128xi32, #tpu.memory_space<hbm>>
      tpu.enqueue_dma source(%dma_start3A_56 : memref<40x128xi32, #tpu.memory_space<hbm>>) target(%arg8 : memref<40x128xi32, #tpu.memory_space<vmem>>) target_semaphore(%run_scoped3A : memref<!tpu.dma_semaphore, #tpu.memory_space<semaphore_mem>>)
      %dma_wait3A = arith.constant 0 : i32
      %dma_wait3A_57 = arith.constant 0 : i32
      %dma_wait3A_58 = tpu.memref_slice %arg4[%add3A, %dma_wait3A, %dma_wait3A_57] : memref<32x80x128xi32, #tpu.memory_space<hbm>> -> memref<1x40x128xi32, #tpu.memory_space<hbm>>
      %dma_wait3A_59 = tpu.memref_squeeze %dma_wait3A_58 : memref<1x40x128xi32, #tpu.memory_space<hbm>> -> memref<40x128xi32, #tpu.memory_space<hbm>>
      %dma_wait3A_60 = arith.constant 0 : i32
      %dma_wait3A_61 = arith.constant 0 : i32
      %dma_wait3A_62 = tpu.memref_slice %arg4[%add3A, %dma_wait3A_60, %dma_wait3A_61] : memref<32x80x128xi32, #tpu.memory_space<hbm>> -> memref<1x40x128xi32, #tpu.memory_space<hbm>>
      %dma_wait3A_63 = tpu.memref_squeeze %dma_wait3A_62 : memref<1x40x128xi32, #tpu.memory_space<hbm>> -> memref<40x128xi32, #tpu.memory_space<hbm>>
      tpu.wait_dma2 semaphore(%run_scoped3A : memref<!tpu.dma_semaphore, #tpu.memory_space<semaphore_mem>>) src(%dma_wait3A_63 : memref<40x128xi32, #tpu.memory_space<hbm>>) dst(%arg8 : memref<40x128xi32, #tpu.memory_space<vmem>>)
      tpu.yield
    }) : () -> ()
    %dma_start3A = arith.constant 0 : i32
    %dma_start3A_3 = arith.constant 0 : i32
    %dma_start3A_4 = tpu.memref_slice %arg7[%dma_start3A, %dma_start3A_3] : memref<40x128xi32, #tpu.memory_space<vmem>> -> memref<1x128xi32, #tpu.memory_space<vmem>>
    %dma_start3A_5 = tpu.memref_squeeze %dma_start3A_4 : memref<1x128xi32, #tpu.memory_space<vmem>> -> memref<128xi32, #tpu.memory_space<vmem>>
    %dma_start3A_6 = arith.constant 0 : i32
    %dma_start3A_7 = arith.constant 0 : i32
    %dma_start3A_8 = tpu.memref_slice %arg2[%dma_start3A_6, %dma_start3A_7] : memref<10000x128xf32, #tpu.memory_space<hbm>> -> memref<10000x128xf32, #tpu.memory_space<hbm>>
    tpu.enqueue_indirect_dma source(%dma_start3A_8 : memref<10000x128xf32, #tpu.memory_space<hbm>>) target(%arg9 : memref<128x128xf32, #tpu.memory_space<vmem>>) offsets(%dma_start3A_5 : memref<128xi32, #tpu.memory_space<vmem>>) semaphore(%arg12 : memref<!tpu.dma_semaphore, #tpu.memory_space<semaphore_mem>>)
    %dma_start3A_9 = arith.constant 1 : i32
    %dma_start3A_10 = arith.constant 0 : i32
    %dma_start3A_11 = tpu.memref_slice %arg7[%dma_start3A_9, %dma_start3A_10] : memref<40x128xi32, #tpu.memory_space<vmem>> -> memref<1x128xi32, #tpu.memory_space<vmem>>
    %dma_start3A_12 = tpu.memref_squeeze %dma_start3A_11 : memref<1x128xi32, #tpu.memory_space<vmem>> -> memref<128xi32, #tpu.memory_space<vmem>>
    %dma_start3A_13 = arith.constant 0 : i32
    %dma_start3A_14 = arith.constant 0 : i32
    %dma_start3A_15 = tpu.memref_slice %arg2[%dma_start3A_13, %dma_start3A_14] : memref<10000x128xf32, #tpu.memory_space<hbm>> -> memref<10000x128xf32, #tpu.memory_space<hbm>>
    tpu.enqueue_indirect_dma source(%dma_start3A_15 : memref<10000x128xf32, #tpu.memory_space<hbm>>) target(%arg10 : memref<128x128xf32, #tpu.memory_space<vmem>>) offsets(%dma_start3A_12 : memref<128xi32, #tpu.memory_space<vmem>>) semaphore(%arg13 : memref<!tpu.dma_semaphore, #tpu.memory_space<semaphore_mem>>)
    %scan3A = arith.constant 0 : i32
    %scan3A_16 = arith.constant 20 : i32
    %scan3A_17 = arith.addi %scan3A, %scan3A_16 : i32
    %scan3A_18 = arith.constant 1 : i32
    scf.for %scan3A_49 = %scan3A to %scan3A_17 step %scan3A_18  : i32 {
      %mul3A_50 = arith.constant 2 : i32
      %mul3A_51 = arith.muli %scan3A_49, %mul3A_50 : i32
      %dma_wait3A = arith.constant 0 : i32
      %dma_wait3A_52 = tpu.memref_slice %arg7[%mul3A_51, %dma_wait3A] : memref<40x128xi32, #tpu.memory_space<vmem>> -> memref<1x128xi32, #tpu.memory_space<vmem>>
      %dma_wait3A_53 = tpu.memref_squeeze %dma_wait3A_52 : memref<1x128xi32, #tpu.memory_space<vmem>> -> memref<128xi32, #tpu.memory_space<vmem>>
      %dma_wait3A_54 = arith.constant 0 : i32
      %dma_wait3A_55 = arith.constant 0 : i32
      %dma_wait3A_56 = tpu.memref_slice %arg2[%dma_wait3A_54, %dma_wait3A_55] : memref<10000x128xf32, #tpu.memory_space<hbm>> -> memref<10000x128xf32, #tpu.memory_space<hbm>>
      tpu.wait_indirect_dma semaphore(%arg12 : memref<!tpu.dma_semaphore, #tpu.memory_space<semaphore_mem>>) src(%dma_wait3A_56 : memref<10000x128xf32, #tpu.memory_space<hbm>>) dst(%arg9 : memref<128x128xf32, #tpu.memory_space<vmem>>)
      "tpu.region"() ({
        %run_scoped3A = tpu.sem_alloc : memref<!tpu.dma_semaphore, #tpu.memory_space<semaphore_mem>>
        %dma_start3A_81 = arith.constant 0 : i32
        %dma_start3A_82 = tpu.memref_slice %arg8[%mul3A_51, %dma_start3A_81] : memref<40x128xi32, #tpu.memory_space<vmem>> -> memref<1x128xi32, #tpu.memory_space<vmem>>
        %dma_start3A_83 = tpu.memref_squeeze %dma_start3A_82 : memref<1x128xi32, #tpu.memory_space<vmem>> -> memref<128xi32, #tpu.memory_space<vmem>>
        %dma_start3A_84 = arith.constant 0 : i32
        %dma_start3A_85 = arith.constant 0 : i32
        %dma_start3A_86 = tpu.memref_slice %arg11[%dma_start3A_84, %dma_start3A_85] : memref<10112x128xf32, #tpu.memory_space<vmem_shared>> -> memref<10112x128xf32, #tpu.memory_space<vmem_shared>>
        tpu.enqueue_indirect_dma source(%arg9 : memref<128x128xf32, #tpu.memory_space<vmem>>) target(%dma_start3A_86 : memref<10112x128xf32, #tpu.memory_space<vmem_shared>>) offsets(%dma_start3A_83 : memref<128xi32, #tpu.memory_space<vmem>>) semaphore(%run_scoped3A : memref<!tpu.dma_semaphore, #tpu.memory_space<semaphore_mem>>) {add = true}
        %dma_wait3A_87 = arith.constant 0 : i32
        %dma_wait3A_88 = tpu.memref_slice %arg8[%mul3A_51, %dma_wait3A_87] : memref<40x128xi32, #tpu.memory_space<vmem>> -> memref<1x128xi32, #tpu.memory_space<vmem>>
        %dma_wait3A_89 = tpu.memref_squeeze %dma_wait3A_88 : memref<1x128xi32, #tpu.memory_space<vmem>> -> memref<128xi32, #tpu.memory_space<vmem>>
        %dma_wait3A_90 = arith.constant 0 : i32
        %dma_wait3A_91 = arith.constant 0 : i32
        %dma_wait3A_92 = tpu.memref_slice %arg11[%dma_wait3A_90, %dma_wait3A_91] : memref<10112x128xf32, #tpu.memory_space<vmem_shared>> -> memref<10112x128xf32, #tpu.memory_space<vmem_shared>>
        tpu.wait_indirect_dma semaphore(%run_scoped3A : memref<!tpu.dma_semaphore, #tpu.memory_space<semaphore_mem>>) src(%arg9 : memref<128x128xf32, #tpu.memory_space<vmem>>) dst(%dma_wait3A_92 : memref<10112x128xf32, #tpu.memory_space<vmem_shared>>)
        tpu.yield
      }) : () -> ()
      %add3A_57 = arith.constant 2 : i32
      %add3A_58 = arith.addi %mul3A_51, %add3A_57 : i32
      %lt3A_59 = arith.constant 40 : i32
      %lt3A_60 = arith.cmpi slt, %add3A_58, %lt3A_59 : i32
      %convert_element_type3A_61 = arith.extui %lt3A_60 : i1 to i32
      %cond3A_62 = arith.constant 0 : i32
      %cond3A_63 = arith.cmpi ne, %convert_element_type3A_61, %cond3A_62 : i32
      scf.if %cond3A_63 {
        %add3A_81 = arith.constant 2 : i32
        %add3A_82 = arith.addi %mul3A_51, %add3A_81 : i32
        %dma_start3A_83 = arith.constant 0 : i32
        %dma_start3A_84 = tpu.memref_slice %arg7[%add3A_82, %dma_start3A_83] : memref<40x128xi32, #tpu.memory_space<vmem>> -> memref<1x128xi32, #tpu.memory_space<vmem>>
        %dma_start3A_85 = tpu.memref_squeeze %dma_start3A_84 : memref<1x128xi32, #tpu.memory_space<vmem>> -> memref<128xi32, #tpu.memory_space<vmem>>
        %dma_start3A_86 = arith.constant 0 : i32
        %dma_start3A_87 = arith.constant 0 : i32
        %dma_start3A_88 = tpu.memref_slice %arg2[%dma_start3A_86, %dma_start3A_87] : memref<10000x128xf32, #tpu.memory_space<hbm>> -> memref<10000x128xf32, #tpu.memory_space<hbm>>
        tpu.enqueue_indirect_dma source(%dma_start3A_88 : memref<10000x128xf32, #tpu.memory_space<hbm>>) target(%arg9 : memref<128x128xf32, #tpu.memory_space<vmem>>) offsets(%dma_start3A_85 : memref<128xi32, #tpu.memory_space<vmem>>) semaphore(%arg12 : memref<!tpu.dma_semaphore, #tpu.memory_space<semaphore_mem>>)
      } else {
      }
      %add3A_64 = arith.constant 1 : i32
      %add3A_65 = arith.addi %mul3A_51, %add3A_64 : i32
      %dma_wait3A_66 = arith.constant 0 : i32
      %dma_wait3A_67 = tpu.memref_slice %arg7[%add3A_65, %dma_wait3A_66] : memref<40x128xi32, #tpu.memory_space<vmem>> -> memref<1x128xi32, #tpu.memory_space<vmem>>
      %dma_wait3A_68 = tpu.memref_squeeze %dma_wait3A_67 : memref<1x128xi32, #tpu.memory_space<vmem>> -> memref<128xi32, #tpu.memory_space<vmem>>
      %dma_wait3A_69 = arith.constant 0 : i32
      %dma_wait3A_70 = arith.constant 0 : i32
      %dma_wait3A_71 = tpu.memref_slice %arg2[%dma_wait3A_69, %dma_wait3A_70] : memref<10000x128xf32, #tpu.memory_space<hbm>> -> memref<10000x128xf32, #tpu.memory_space<hbm>>
      tpu.wait_indirect_dma semaphore(%arg13 : memref<!tpu.dma_semaphore, #tpu.memory_space<semaphore_mem>>) src(%dma_wait3A_71 : memref<10000x128xf32, #tpu.memory_space<hbm>>) dst(%arg10 : memref<128x128xf32, #tpu.memory_space<vmem>>)
      %add3A_72 = arith.constant 1 : i32
      %add3A_73 = arith.addi %mul3A_51, %add3A_72 : i32
      "tpu.region"() ({
        %run_scoped3A = tpu.sem_alloc : memref<!tpu.dma_semaphore, #tpu.memory_space<semaphore_mem>>
        %dma_start3A_81 = arith.constant 0 : i32
        %dma_start3A_82 = tpu.memref_slice %arg8[%add3A_73, %dma_start3A_81] : memref<40x128xi32, #tpu.memory_space<vmem>> -> memref<1x128xi32, #tpu.memory_space<vmem>>
        %dma_start3A_83 = tpu.memref_squeeze %dma_start3A_82 : memref<1x128xi32, #tpu.memory_space<vmem>> -> memref<128xi32, #tpu.memory_space<vmem>>
        %dma_start3A_84 = arith.constant 0 : i32
        %dma_start3A_85 = arith.constant 0 : i32
        %dma_start3A_86 = tpu.memref_slice %arg11[%dma_start3A_84, %dma_start3A_85] : memref<10112x128xf32, #tpu.memory_space<vmem_shared>> -> memref<10112x128xf32, #tpu.memory_space<vmem_shared>>
        tpu.enqueue_indirect_dma source(%arg10 : memref<128x128xf32, #tpu.memory_space<vmem>>) target(%dma_start3A_86 : memref<10112x128xf32, #tpu.memory_space<vmem_shared>>) offsets(%dma_start3A_83 : memref<128xi32, #tpu.memory_space<vmem>>) semaphore(%run_scoped3A : memref<!tpu.dma_semaphore, #tpu.memory_space<semaphore_mem>>) {add = true}
        %dma_wait3A_87 = arith.constant 0 : i32
        %dma_wait3A_88 = tpu.memref_slice %arg8[%add3A_73, %dma_wait3A_87] : memref<40x128xi32, #tpu.memory_space<vmem>> -> memref<1x128xi32, #tpu.memory_space<vmem>>
        %dma_wait3A_89 = tpu.memref_squeeze %dma_wait3A_88 : memref<1x128xi32, #tpu.memory_space<vmem>> -> memref<128xi32, #tpu.memory_space<vmem>>
        %dma_wait3A_90 = arith.constant 0 : i32
        %dma_wait3A_91 = arith.constant 0 : i32
        %dma_wait3A_92 = tpu.memref_slice %arg11[%dma_wait3A_90, %dma_wait3A_91] : memref<10112x128xf32, #tpu.memory_space<vmem_shared>> -> memref<10112x128xf32, #tpu.memory_space<vmem_shared>>
        tpu.wait_indirect_dma semaphore(%run_scoped3A : memref<!tpu.dma_semaphore, #tpu.memory_space<semaphore_mem>>) src(%arg10 : memref<128x128xf32, #tpu.memory_space<vmem>>) dst(%dma_wait3A_92 : memref<10112x128xf32, #tpu.memory_space<vmem_shared>>)
        tpu.yield
      }) : () -> ()
      %add3A_74 = arith.constant 3 : i32
      %add3A_75 = arith.addi %mul3A_51, %add3A_74 : i32
      %lt3A_76 = arith.constant 40 : i32
      %lt3A_77 = arith.cmpi slt, %add3A_75, %lt3A_76 : i32
      %convert_element_type3A_78 = arith.extui %lt3A_77 : i1 to i32
      %cond3A_79 = arith.constant 0 : i32
      %cond3A_80 = arith.cmpi ne, %convert_element_type3A_78, %cond3A_79 : i32
      scf.if %cond3A_80 {
        %add3A_81 = arith.constant 3 : i32
        %add3A_82 = arith.addi %mul3A_51, %add3A_81 : i32
        %dma_start3A_83 = arith.constant 0 : i32
        %dma_start3A_84 = tpu.memref_slice %arg7[%add3A_82, %dma_start3A_83] : memref<40x128xi32, #tpu.memory_space<vmem>> -> memref<1x128xi32, #tpu.memory_space<vmem>>
        %dma_start3A_85 = tpu.memref_squeeze %dma_start3A_84 : memref<1x128xi32, #tpu.memory_space<vmem>> -> memref<128xi32, #tpu.memory_space<vmem>>
        %dma_start3A_86 = arith.constant 0 : i32
        %dma_start3A_87 = arith.constant 0 : i32
        %dma_start3A_88 = tpu.memref_slice %arg2[%dma_start3A_86, %dma_start3A_87] : memref<10000x128xf32, #tpu.memory_space<hbm>> -> memref<10000x128xf32, #tpu.memory_space<hbm>>
        tpu.enqueue_indirect_dma source(%dma_start3A_88 : memref<10000x128xf32, #tpu.memory_space<hbm>>) target(%arg10 : memref<128x128xf32, #tpu.memory_space<vmem>>) offsets(%dma_start3A_85 : memref<128xi32, #tpu.memory_space<vmem>>) semaphore(%arg13 : memref<!tpu.dma_semaphore, #tpu.memory_space<semaphore_mem>>)
      } else {
      }
    }
    %scan3A_19 = arith.constant 20 : i32
    "tpu.region"() ({
      %run_scoped3A = tpu.sem_alloc : memref<!tpu.dma_semaphore, #tpu.memory_space<semaphore_mem>>
      %dma_start3A_49 = arith.constant 40 : i32
      %dma_start3A_50 = arith.constant 0 : i32
      %dma_start3A_51 = tpu.memref_slice %arg3[%add3A, %dma_start3A_49, %dma_start3A_50] : memref<32x80x128xi32, #tpu.memory_space<hbm>> -> memref<1x40x128xi32, #tpu.memory_space<hbm>>
      %dma_start3A_52 = tpu.memref_squeeze %dma_start3A_51 : memref<1x40x128xi32, #tpu.memory_space<hbm>> -> memref<40x128xi32, #tpu.memory_space<hbm>>
      %dma_start3A_53 = arith.constant 40 : i32
      %dma_start3A_54 = arith.constant 0 : i32
      %dma_start3A_55 = tpu.memref_slice %arg3[%add3A, %dma_start3A_53, %dma_start3A_54] : memref<32x80x128xi32, #tpu.memory_space<hbm>> -> memref<1x40x128xi32, #tpu.memory_space<hbm>>
      %dma_start3A_56 = tpu.memref_squeeze %dma_start3A_55 : memref<1x40x128xi32, #tpu.memory_space<hbm>> -> memref<40x128xi32, #tpu.memory_space<hbm>>
      tpu.enqueue_dma source(%dma_start3A_56 : memref<40x128xi32, #tpu.memory_space<hbm>>) target(%arg7 : memref<40x128xi32, #tpu.memory_space<vmem>>) target_semaphore(%run_scoped3A : memref<!tpu.dma_semaphore, #tpu.memory_space<semaphore_mem>>)
      %dma_wait3A = arith.constant 40 : i32
      %dma_wait3A_57 = arith.constant 0 : i32
      %dma_wait3A_58 = tpu.memref_slice %arg3[%add3A, %dma_wait3A, %dma_wait3A_57] : memref<32x80x128xi32, #tpu.memory_space<hbm>> -> memref<1x40x128xi32, #tpu.memory_space<hbm>>
      %dma_wait3A_59 = tpu.memref_squeeze %dma_wait3A_58 : memref<1x40x128xi32, #tpu.memory_space<hbm>> -> memref<40x128xi32, #tpu.memory_space<hbm>>
      %dma_wait3A_60 = arith.constant 40 : i32
      %dma_wait3A_61 = arith.constant 0 : i32
      %dma_wait3A_62 = tpu.memref_slice %arg3[%add3A, %dma_wait3A_60, %dma_wait3A_61] : memref<32x80x128xi32, #tpu.memory_space<hbm>> -> memref<1x40x128xi32, #tpu.memory_space<hbm>>
      %dma_wait3A_63 = tpu.memref_squeeze %dma_wait3A_62 : memref<1x40x128xi32, #tpu.memory_space<hbm>> -> memref<40x128xi32, #tpu.memory_space<hbm>>
      tpu.wait_dma2 semaphore(%run_scoped3A : memref<!tpu.dma_semaphore, #tpu.memory_space<semaphore_mem>>) src(%dma_wait3A_63 : memref<40x128xi32, #tpu.memory_space<hbm>>) dst(%arg7 : memref<40x128xi32, #tpu.memory_space<vmem>>)
      tpu.yield
    }) : () -> ()
    "tpu.region"() ({
      %run_scoped3A = tpu.sem_alloc : memref<!tpu.dma_semaphore, #tpu.memory_space<semaphore_mem>>
      %dma_start3A_49 = arith.constant 40 : i32
      %dma_start3A_50 = arith.constant 0 : i32
      %dma_start3A_51 = tpu.memref_slice %arg4[%add3A, %dma_start3A_49, %dma_start3A_50] : memref<32x80x128xi32, #tpu.memory_space<hbm>> -> memref<1x40x128xi32, #tpu.memory_space<hbm>>
      %dma_start3A_52 = tpu.memref_squeeze %dma_start3A_51 : memref<1x40x128xi32, #tpu.memory_space<hbm>> -> memref<40x128xi32, #tpu.memory_space<hbm>>
      %dma_start3A_53 = arith.constant 40 : i32
      %dma_start3A_54 = arith.constant 0 : i32
      %dma_start3A_55 = tpu.memref_slice %arg4[%add3A, %dma_start3A_53, %dma_start3A_54] : memref<32x80x128xi32, #tpu.memory_space<hbm>> -> memref<1x40x128xi32, #tpu.memory_space<hbm>>
      %dma_start3A_56 = tpu.memref_squeeze %dma_start3A_55 : memref<1x40x128xi32, #tpu.memory_space<hbm>> -> memref<40x128xi32, #tpu.memory_space<hbm>>
      tpu.enqueue_dma source(%dma_start3A_56 : memref<40x128xi32, #tpu.memory_space<hbm>>) target(%arg8 : memref<40x128xi32, #tpu.memory_space<vmem>>) target_semaphore(%run_scoped3A : memref<!tpu.dma_semaphore, #tpu.memory_space<semaphore_mem>>)
      %dma_wait3A = arith.constant 40 : i32
      %dma_wait3A_57 = arith.constant 0 : i32
      %dma_wait3A_58 = tpu.memref_slice %arg4[%add3A, %dma_wait3A, %dma_wait3A_57] : memref<32x80x128xi32, #tpu.memory_space<hbm>> -> memref<1x40x128xi32, #tpu.memory_space<hbm>>
      %dma_wait3A_59 = tpu.memref_squeeze %dma_wait3A_58 : memref<1x40x128xi32, #tpu.memory_space<hbm>> -> memref<40x128xi32, #tpu.memory_space<hbm>>
      %dma_wait3A_60 = arith.constant 40 : i32
      %dma_wait3A_61 = arith.constant 0 : i32
      %dma_wait3A_62 = tpu.memref_slice %arg4[%add3A, %dma_wait3A_60, %dma_wait3A_61] : memref<32x80x128xi32, #tpu.memory_space<hbm>> -> memref<1x40x128xi32, #tpu.memory_space<hbm>>
      %dma_wait3A_63 = tpu.memref_squeeze %dma_wait3A_62 : memref<1x40x128xi32, #tpu.memory_space<hbm>> -> memref<40x128xi32, #tpu.memory_space<hbm>>
      tpu.wait_dma2 semaphore(%run_scoped3A : memref<!tpu.dma_semaphore, #tpu.memory_space<semaphore_mem>>) src(%dma_wait3A_63 : memref<40x128xi32, #tpu.memory_space<hbm>>) dst(%arg8 : memref<40x128xi32, #tpu.memory_space<vmem>>)
      tpu.yield
    }) : () -> ()
    %dma_start3A_20 = arith.constant 0 : i32
    %dma_start3A_21 = arith.constant 0 : i32
    %dma_start3A_22 = tpu.memref_slice %arg7[%dma_start3A_20, %dma_start3A_21] : memref<40x128xi32, #tpu.memory_space<vmem>> -> memref<1x128xi32, #tpu.memory_space<vmem>>
    %dma_start3A_23 = tpu.memref_squeeze %dma_start3A_22 : memref<1x128xi32, #tpu.memory_space<vmem>> -> memref<128xi32, #tpu.memory_space<vmem>>
    %dma_start3A_24 = arith.constant 0 : i32
    %dma_start3A_25 = arith.constant 0 : i32
    %dma_start3A_26 = tpu.memref_slice %arg2[%dma_start3A_24, %dma_start3A_25] : memref<10000x128xf32, #tpu.memory_space<hbm>> -> memref<10000x128xf32, #tpu.memory_space<hbm>>
    tpu.enqueue_indirect_dma source(%dma_start3A_26 : memref<10000x128xf32, #tpu.memory_space<hbm>>) target(%arg9 : memref<128x128xf32, #tpu.memory_space<vmem>>) offsets(%dma_start3A_23 : memref<128xi32, #tpu.memory_space<vmem>>) semaphore(%arg12 : memref<!tpu.dma_semaphore, #tpu.memory_space<semaphore_mem>>)
    %dma_start3A_27 = arith.constant 1 : i32
    %dma_start3A_28 = arith.constant 0 : i32
    %dma_start3A_29 = tpu.memref_slice %arg7[%dma_start3A_27, %dma_start3A_28] : memref<40x128xi32, #tpu.memory_space<vmem>> -> memref<1x128xi32, #tpu.memory_space<vmem>>
    %dma_start3A_30 = tpu.memref_squeeze %dma_start3A_29 : memref<1x128xi32, #tpu.memory_space<vmem>> -> memref<128xi32, #tpu.memory_space<vmem>>
    %dma_start3A_31 = arith.constant 0 : i32
    %dma_start3A_32 = arith.constant 0 : i32
    %dma_start3A_33 = tpu.memref_slice %arg2[%dma_start3A_31, %dma_start3A_32] : memref<10000x128xf32, #tpu.memory_space<hbm>> -> memref<10000x128xf32, #tpu.memory_space<hbm>>
    tpu.enqueue_indirect_dma source(%dma_start3A_33 : memref<10000x128xf32, #tpu.memory_space<hbm>>) target(%arg10 : memref<128x128xf32, #tpu.memory_space<vmem>>) offsets(%dma_start3A_30 : memref<128xi32, #tpu.memory_space<vmem>>) semaphore(%arg13 : memref<!tpu.dma_semaphore, #tpu.memory_space<semaphore_mem>>)
    %scan3A_34 = arith.constant 0 : i32
    %scan3A_35 = arith.constant 20 : i32
    %scan3A_36 = arith.addi %scan3A_34, %scan3A_35 : i32
    %scan3A_37 = arith.constant 1 : i32
    scf.for %scan3A_49 = %scan3A_34 to %scan3A_36 step %scan3A_37  : i32 {
      %mul3A_50 = arith.constant 2 : i32
      %mul3A_51 = arith.muli %scan3A_49, %mul3A_50 : i32
      %dma_wait3A = arith.constant 0 : i32
      %dma_wait3A_52 = tpu.memref_slice %arg7[%mul3A_51, %dma_wait3A] : memref<40x128xi32, #tpu.memory_space<vmem>> -> memref<1x128xi32, #tpu.memory_space<vmem>>
      %dma_wait3A_53 = tpu.memref_squeeze %dma_wait3A_52 : memref<1x128xi32, #tpu.memory_space<vmem>> -> memref<128xi32, #tpu.memory_space<vmem>>
      %dma_wait3A_54 = arith.constant 0 : i32
      %dma_wait3A_55 = arith.constant 0 : i32
      %dma_wait3A_56 = tpu.memref_slice %arg2[%dma_wait3A_54, %dma_wait3A_55] : memref<10000x128xf32, #tpu.memory_space<hbm>> -> memref<10000x128xf32, #tpu.memory_space<hbm>>
      tpu.wait_indirect_dma semaphore(%arg12 : memref<!tpu.dma_semaphore, #tpu.memory_space<semaphore_mem>>) src(%dma_wait3A_56 : memref<10000x128xf32, #tpu.memory_space<hbm>>) dst(%arg9 : memref<128x128xf32, #tpu.memory_space<vmem>>)
      "tpu.region"() ({
        %run_scoped3A = tpu.sem_alloc : memref<!tpu.dma_semaphore, #tpu.memory_space<semaphore_mem>>
        %dma_start3A_81 = arith.constant 0 : i32
        %dma_start3A_82 = tpu.memref_slice %arg8[%mul3A_51, %dma_start3A_81] : memref<40x128xi32, #tpu.memory_space<vmem>> -> memref<1x128xi32, #tpu.memory_space<vmem>>
        %dma_start3A_83 = tpu.memref_squeeze %dma_start3A_82 : memref<1x128xi32, #tpu.memory_space<vmem>> -> memref<128xi32, #tpu.memory_space<vmem>>
        %dma_start3A_84 = arith.constant 0 : i32
        %dma_start3A_85 = arith.constant 0 : i32
        %dma_start3A_86 = tpu.memref_slice %arg11[%dma_start3A_84, %dma_start3A_85] : memref<10112x128xf32, #tpu.memory_space<vmem_shared>> -> memref<10112x128xf32, #tpu.memory_space<vmem_shared>>
        tpu.enqueue_indirect_dma source(%arg9 : memref<128x128xf32, #tpu.memory_space<vmem>>) target(%dma_start3A_86 : memref<10112x128xf32, #tpu.memory_space<vmem_shared>>) offsets(%dma_start3A_83 : memref<128xi32, #tpu.memory_space<vmem>>) semaphore(%run_scoped3A : memref<!tpu.dma_semaphore, #tpu.memory_space<semaphore_mem>>) {add = true}
        %dma_wait3A_87 = arith.constant 0 : i32
        %dma_wait3A_88 = tpu.memref_slice %arg8[%mul3A_51, %dma_wait3A_87] : memref<40x128xi32, #tpu.memory_space<vmem>> -> memref<1x128xi32, #tpu.memory_space<vmem>>
        %dma_wait3A_89 = tpu.memref_squeeze %dma_wait3A_88 : memref<1x128xi32, #tpu.memory_space<vmem>> -> memref<128xi32, #tpu.memory_space<vmem>>
        %dma_wait3A_90 = arith.constant 0 : i32
        %dma_wait3A_91 = arith.constant 0 : i32
        %dma_wait3A_92 = tpu.memref_slice %arg11[%dma_wait3A_90, %dma_wait3A_91] : memref<10112x128xf32, #tpu.memory_space<vmem_shared>> -> memref<10112x128xf32, #tpu.memory_space<vmem_shared>>
        tpu.wait_indirect_dma semaphore(%run_scoped3A : memref<!tpu.dma_semaphore, #tpu.memory_space<semaphore_mem>>) src(%arg9 : memref<128x128xf32, #tpu.memory_space<vmem>>) dst(%dma_wait3A_92 : memref<10112x128xf32, #tpu.memory_space<vmem_shared>>)
        tpu.yield
      }) : () -> ()
      %add3A_57 = arith.constant 2 : i32
      %add3A_58 = arith.addi %mul3A_51, %add3A_57 : i32
      %lt3A_59 = arith.constant 40 : i32
      %lt3A_60 = arith.cmpi slt, %add3A_58, %lt3A_59 : i32
      %convert_element_type3A_61 = arith.extui %lt3A_60 : i1 to i32
      %cond3A_62 = arith.constant 0 : i32
      %cond3A_63 = arith.cmpi ne, %convert_element_type3A_61, %cond3A_62 : i32
      scf.if %cond3A_63 {
        %add3A_81 = arith.constant 2 : i32
        %add3A_82 = arith.addi %mul3A_51, %add3A_81 : i32
        %dma_start3A_83 = arith.constant 0 : i32
        %dma_start3A_84 = tpu.memref_slice %arg7[%add3A_82, %dma_start3A_83] : memref<40x128xi32, #tpu.memory_space<vmem>> -> memref<1x128xi32, #tpu.memory_space<vmem>>
        %dma_start3A_85 = tpu.memref_squeeze %dma_start3A_84 : memref<1x128xi32, #tpu.memory_space<vmem>> -> memref<128xi32, #tpu.memory_space<vmem>>
        %dma_start3A_86 = arith.constant 0 : i32
        %dma_start3A_87 = arith.constant 0 : i32
        %dma_start3A_88 = tpu.memref_slice %arg2[%dma_start3A_86, %dma_start3A_87] : memref<10000x128xf32, #tpu.memory_space<hbm>> -> memref<10000x128xf32, #tpu.memory_space<hbm>>
        tpu.enqueue_indirect_dma source(%dma_start3A_88 : memref<10000x128xf32, #tpu.memory_space<hbm>>) target(%arg9 : memref<128x128xf32, #tpu.memory_space<vmem>>) offsets(%dma_start3A_85 : memref<128xi32, #tpu.memory_space<vmem>>) semaphore(%arg12 : memref<!tpu.dma_semaphore, #tpu.memory_space<semaphore_mem>>)
      } else {
      }
      %add3A_64 = arith.constant 1 : i32
      %add3A_65 = arith.addi %mul3A_51, %add3A_64 : i32
      %dma_wait3A_66 = arith.constant 0 : i32
      %dma_wait3A_67 = tpu.memref_slice %arg7[%add3A_65, %dma_wait3A_66] : memref<40x128xi32, #tpu.memory_space<vmem>> -> memref<1x128xi32, #tpu.memory_space<vmem>>
      %dma_wait3A_68 = tpu.memref_squeeze %dma_wait3A_67 : memref<1x128xi32, #tpu.memory_space<vmem>> -> memref<128xi32, #tpu.memory_space<vmem>>
      %dma_wait3A_69 = arith.constant 0 : i32
      %dma_wait3A_70 = arith.constant 0 : i32
      %dma_wait3A_71 = tpu.memref_slice %arg2[%dma_wait3A_69, %dma_wait3A_70] : memref<10000x128xf32, #tpu.memory_space<hbm>> -> memref<10000x128xf32, #tpu.memory_space<hbm>>
      tpu.wait_indirect_dma semaphore(%arg13 : memref<!tpu.dma_semaphore, #tpu.memory_space<semaphore_mem>>) src(%dma_wait3A_71 : memref<10000x128xf32, #tpu.memory_space<hbm>>) dst(%arg10 : memref<128x128xf32, #tpu.memory_space<vmem>>)
      %add3A_72 = arith.constant 1 : i32
      %add3A_73 = arith.addi %mul3A_51, %add3A_72 : i32
      "tpu.region"() ({
        %run_scoped3A = tpu.sem_alloc : memref<!tpu.dma_semaphore, #tpu.memory_space<semaphore_mem>>
        %dma_start3A_81 = arith.constant 0 : i32
        %dma_start3A_82 = tpu.memref_slice %arg8[%add3A_73, %dma_start3A_81] : memref<40x128xi32, #tpu.memory_space<vmem>> -> memref<1x128xi32, #tpu.memory_space<vmem>>
        %dma_start3A_83 = tpu.memref_squeeze %dma_start3A_82 : memref<1x128xi32, #tpu.memory_space<vmem>> -> memref<128xi32, #tpu.memory_space<vmem>>
        %dma_start3A_84 = arith.constant 0 : i32
        %dma_start3A_85 = arith.constant 0 : i32
        %dma_start3A_86 = tpu.memref_slice %arg11[%dma_start3A_84, %dma_start3A_85] : memref<10112x128xf32, #tpu.memory_space<vmem_shared>> -> memref<10112x128xf32, #tpu.memory_space<vmem_shared>>
        tpu.enqueue_indirect_dma source(%arg10 : memref<128x128xf32, #tpu.memory_space<vmem>>) target(%dma_start3A_86 : memref<10112x128xf32, #tpu.memory_space<vmem_shared>>) offsets(%dma_start3A_83 : memref<128xi32, #tpu.memory_space<vmem>>) semaphore(%run_scoped3A : memref<!tpu.dma_semaphore, #tpu.memory_space<semaphore_mem>>) {add = true}
        %dma_wait3A_87 = arith.constant 0 : i32
        %dma_wait3A_88 = tpu.memref_slice %arg8[%add3A_73, %dma_wait3A_87] : memref<40x128xi32, #tpu.memory_space<vmem>> -> memref<1x128xi32, #tpu.memory_space<vmem>>
        %dma_wait3A_89 = tpu.memref_squeeze %dma_wait3A_88 : memref<1x128xi32, #tpu.memory_space<vmem>> -> memref<128xi32, #tpu.memory_space<vmem>>
        %dma_wait3A_90 = arith.constant 0 : i32
        %dma_wait3A_91 = arith.constant 0 : i32
        %dma_wait3A_92 = tpu.memref_slice %arg11[%dma_wait3A_90, %dma_wait3A_91] : memref<10112x128xf32, #tpu.memory_space<vmem_shared>> -> memref<10112x128xf32, #tpu.memory_space<vmem_shared>>
        tpu.wait_indirect_dma semaphore(%run_scoped3A : memref<!tpu.dma_semaphore, #tpu.memory_space<semaphore_mem>>) src(%arg10 : memref<128x128xf32, #tpu.memory_space<vmem>>) dst(%dma_wait3A_92 : memref<10112x128xf32, #tpu.memory_space<vmem_shared>>)
        tpu.yield
      }) : () -> ()
      %add3A_74 = arith.constant 3 : i32
      %add3A_75 = arith.addi %mul3A_51, %add3A_74 : i32
      %lt3A_76 = arith.constant 40 : i32
      %lt3A_77 = arith.cmpi slt, %add3A_75, %lt3A_76 : i32
      %convert_element_type3A_78 = arith.extui %lt3A_77 : i1 to i32
      %cond3A_79 = arith.constant 0 : i32
      %cond3A_80 = arith.cmpi ne, %convert_element_type3A_78, %cond3A_79 : i32
      scf.if %cond3A_80 {
        %add3A_81 = arith.constant 3 : i32
        %add3A_82 = arith.addi %mul3A_51, %add3A_81 : i32
        %dma_start3A_83 = arith.constant 0 : i32
        %dma_start3A_84 = tpu.memref_slice %arg7[%add3A_82, %dma_start3A_83] : memref<40x128xi32, #tpu.memory_space<vmem>> -> memref<1x128xi32, #tpu.memory_space<vmem>>
        %dma_start3A_85 = tpu.memref_squeeze %dma_start3A_84 : memref<1x128xi32, #tpu.memory_space<vmem>> -> memref<128xi32, #tpu.memory_space<vmem>>
        %dma_start3A_86 = arith.constant 0 : i32
        %dma_start3A_87 = arith.constant 0 : i32
        %dma_start3A_88 = tpu.memref_slice %arg2[%dma_start3A_86, %dma_start3A_87] : memref<10000x128xf32, #tpu.memory_space<hbm>> -> memref<10000x128xf32, #tpu.memory_space<hbm>>
        tpu.enqueue_indirect_dma source(%dma_start3A_88 : memref<10000x128xf32, #tpu.memory_space<hbm>>) target(%arg10 : memref<128x128xf32, #tpu.memory_space<vmem>>) offsets(%dma_start3A_85 : memref<128xi32, #tpu.memory_space<vmem>>) semaphore(%arg13 : memref<!tpu.dma_semaphore, #tpu.memory_space<semaphore_mem>>)
      } else {
      }
    }
    %scan3A_38 = arith.constant 20 : i32
    %barrier3A_39 = arith.constant 0 : index
    tpu.barrier barrier_id(%barrier3A_39)
    %mul3A_40 = arith.constant 624 : i32
    %mul3A_41 = arith.muli %arg1, %mul3A_40 : i32
    %multiple_of3A_42 = tpu.assume_multiple %mul3A_41, 8 : i32
    %lt3A = arith.constant 15 : i32
    %lt3A_43 = arith.cmpi slt, %arg1, %lt3A : i32
    %convert_element_type3A = arith.extui %lt3A_43 : i1 to i32
    %cond3A = arith.constant 0 : i32
    %cond3A_44 = arith.cmpi ne, %convert_element_type3A, %cond3A : i32
    scf.if %cond3A_44 {
      "tpu.region"() ({
        %run_scoped3A = tpu.sem_alloc : memref<!tpu.dma_semaphore, #tpu.memory_space<semaphore_mem>>
        %dma_start3A_49 = arith.constant 0 : i32
        %dma_start3A_50 = tpu.memref_slice %arg6[%arg0, %multiple_of3A_42, %dma_start3A_49] : memref<2x10000x128xf32, #tpu.memory_space<hbm>> -> memref<1x624x128xf32, #tpu.memory_space<hbm>>
        %dma_start3A_51 = tpu.memref_squeeze %dma_start3A_50 : memref<1x624x128xf32, #tpu.memory_space<hbm>> -> memref<624x128xf32, #tpu.memory_space<hbm>>
        %dma_start3A_52 = arith.constant 0 : i32
        %dma_start3A_53 = tpu.memref_slice %arg11[%multiple_of3A_42, %dma_start3A_52] : memref<10112x128xf32, #tpu.memory_space<vmem_shared>> -> memref<624x128xf32, #tpu.memory_space<vmem_shared>>
        tpu.enqueue_dma source(%dma_start3A_53 : memref<624x128xf32, #tpu.memory_space<vmem_shared>>) target(%dma_start3A_51 : memref<624x128xf32, #tpu.memory_space<hbm>>) target_semaphore(%run_scoped3A : memref<!tpu.dma_semaphore, #tpu.memory_space<semaphore_mem>>)
        %dma_wait3A = arith.constant 0 : i32
        %dma_wait3A_54 = tpu.memref_slice %arg6[%arg0, %multiple_of3A_42, %dma_wait3A] : memref<2x10000x128xf32, #tpu.memory_space<hbm>> -> memref<1x624x128xf32, #tpu.memory_space<hbm>>
        %dma_wait3A_55 = tpu.memref_squeeze %dma_wait3A_54 : memref<1x624x128xf32, #tpu.memory_space<hbm>> -> memref<624x128xf32, #tpu.memory_space<hbm>>
        %dma_wait3A_56 = arith.constant 0 : i32
        %dma_wait3A_57 = tpu.memref_slice %arg11[%multiple_of3A_42, %dma_wait3A_56] : memref<10112x128xf32, #tpu.memory_space<vmem_shared>> -> memref<624x128xf32, #tpu.memory_space<vmem_shared>>
        tpu.wait_dma2 semaphore(%run_scoped3A : memref<!tpu.dma_semaphore, #tpu.memory_space<semaphore_mem>>) src(%dma_wait3A_57 : memref<624x128xf32, #tpu.memory_space<vmem_shared>>) dst(%dma_wait3A_55 : memref<624x128xf32, #tpu.memory_space<hbm>>)
        tpu.yield
      }) : () -> ()
    } else {
    }
    %eq3A = arith.constant 15 : i32
    %eq3A_45 = arith.cmpi eq, %arg1, %eq3A : i32
    %convert_element_type3A_46 = arith.extui %eq3A_45 : i1 to i32
    %cond3A_47 = arith.constant 0 : i32
    %cond3A_48 = arith.cmpi ne, %convert_element_type3A_46, %cond3A_47 : i32
    scf.if %cond3A_48 {
      "tpu.region"() ({
        %run_scoped3A = tpu.sem_alloc : memref<!tpu.dma_semaphore, #tpu.memory_space<semaphore_mem>>
        %dma_start3A_49 = arith.constant 9360 : i32
        %dma_start3A_50 = arith.constant 0 : i32
        %dma_start3A_51 = tpu.memref_slice %arg6[%arg0, %dma_start3A_49, %dma_start3A_50] : memref<2x10000x128xf32, #tpu.memory_space<hbm>> -> memref<1x640x128xf32, #tpu.memory_space<hbm>>
        %dma_start3A_52 = tpu.memref_squeeze %dma_start3A_51 : memref<1x640x128xf32, #tpu.memory_space<hbm>> -> memref<640x128xf32, #tpu.memory_space<hbm>>
        %dma_start3A_53 = arith.constant 9360 : i32
        %dma_start3A_54 = arith.constant 0 : i32
        %dma_start3A_55 = tpu.memref_slice %arg11[%dma_start3A_53, %dma_start3A_54] : memref<10112x128xf32, #tpu.memory_space<vmem_shared>> -> memref<640x128xf32, #tpu.memory_space<vmem_shared>>
        tpu.enqueue_dma source(%dma_start3A_55 : memref<640x128xf32, #tpu.memory_space<vmem_shared>>) target(%dma_start3A_52 : memref<640x128xf32, #tpu.memory_space<hbm>>) target_semaphore(%run_scoped3A : memref<!tpu.dma_semaphore, #tpu.memory_space<semaphore_mem>>)
        %dma_wait3A = arith.constant 9360 : i32
        %dma_wait3A_56 = arith.constant 0 : i32
        %dma_wait3A_57 = tpu.memref_slice %arg6[%arg0, %dma_wait3A, %dma_wait3A_56] : memref<2x10000x128xf32, #tpu.memory_space<hbm>> -> memref<1x640x128xf32, #tpu.memory_space<hbm>>
        %dma_wait3A_58 = tpu.memref_squeeze %dma_wait3A_57 : memref<1x640x128xf32, #tpu.memory_space<hbm>> -> memref<640x128xf32, #tpu.memory_space<hbm>>
        %dma_wait3A_59 = arith.constant 9360 : i32
        %dma_wait3A_60 = arith.constant 0 : i32
        %dma_wait3A_61 = tpu.memref_slice %arg11[%dma_wait3A_59, %dma_wait3A_60] : memref<10112x128xf32, #tpu.memory_space<vmem_shared>> -> memref<640x128xf32, #tpu.memory_space<vmem_shared>>
        tpu.wait_dma2 semaphore(%run_scoped3A : memref<!tpu.dma_semaphore, #tpu.memory_space<semaphore_mem>>) src(%dma_wait3A_61 : memref<640x128xf32, #tpu.memory_space<vmem_shared>>) dst(%dma_wait3A_58 : memref<640x128xf32, #tpu.memory_space<hbm>>)
        tpu.yield
      }) : () -> ()
    } else {
    }
    return
  }
}

module attributes {stable_mosaic.version = 14 : i64} {
  func.func @_dense_body(%arg0: memref<10000x128xf32, #tpu.memory_space<vmem>>, %arg1: memref<2x10000x128xf32, #tpu.memory_space<vmem>>, %arg2: memref<128x128xf32, #tpu.memory_space<vmem>>, %arg3: memref<1x128xf32, #tpu.memory_space<vmem>>, %arg4: memref<128x128xf32, #tpu.memory_space<vmem>>, %arg5: memref<1x128xf32, #tpu.memory_space<vmem>>, %arg6: memref<1x128xf32, #tpu.memory_space<vmem>>, %arg7: memref<1x128xf32, #tpu.memory_space<vmem>>, %arg8: memref<10000x128xf32, #tpu.memory_space<vmem>>) attributes {dimension_semantics = [], scalar_prefetch = 0 : i64, scratch_operands = 0 : i64, tpu.core_type = #tpu.core_type<tc>} {
    %get3A = arith.constant 0 : index
    %get3A_0 = arith.constant 0 : index
    %get3A_1 = vector.load %arg0[%get3A, %get3A_0] : memref<10000x128xf32, #tpu.memory_space<vmem>>, vector<10000x128xf32>
    %get3A_2 = arith.constant 0 : index
    %get3A_3 = arith.constant 0 : index
    %get3A_4 = arith.constant 0 : index
    %get3A_5 = vector.load %arg1[%get3A_2, %get3A_3, %get3A_4] : memref<2x10000x128xf32, #tpu.memory_space<vmem>>, vector<1x10000x128xf32>
    %get3A_6 = vector.shape_cast %get3A_5 : vector<1x10000x128xf32> to vector<10000x128xf32>
    %add3A = arith.addf %get3A_1, %get3A_6 : vector<10000x128xf32>
    %get3A_7 = arith.constant 1 : index
    %get3A_8 = arith.constant 0 : index
    %get3A_9 = arith.constant 0 : index
    %get3A_10 = vector.load %arg1[%get3A_7, %get3A_8, %get3A_9] : memref<2x10000x128xf32, #tpu.memory_space<vmem>>, vector<1x10000x128xf32>
    %get3A_11 = vector.shape_cast %get3A_10 : vector<1x10000x128xf32> to vector<10000x128xf32>
    %add3A_12 = arith.addf %add3A, %get3A_11 : vector<10000x128xf32>
    %get3A_13 = arith.constant 0 : index
    %get3A_14 = arith.constant 0 : index
    %get3A_15 = vector.load %arg2[%get3A_13, %get3A_14] : memref<128x128xf32, #tpu.memory_space<vmem>>, vector<128x128xf32>
    %dot_general3A = arith.constant dense<0.000000e+00> : vector<10000x128xf32>
    %dot_general3A_16 = tpu.matmul %add3A_12, %get3A_15, %dot_general3A {dimension_numbers = #tpu.dot_dimension_numbers<[1], [0], [0], [1], [0, 0, 1, 1], [], []>, precision = #tpu.contract_precision<fp32>, transpose_lhs_hint = false} : vector<10000x128xf32>, vector<128x128xf32>, vector<10000x128xf32> -> vector<10000x128xf32>
    %get3A_17 = arith.constant 0 : index
    %get3A_18 = arith.constant 0 : index
    %get3A_19 = vector.load %arg3[%get3A_17, %get3A_18] : memref<1x128xf32, #tpu.memory_space<vmem>>, vector<1x128xf32>
    %add3A_20 = vector.broadcast %get3A_19 : vector<1x128xf32> to vector<10000x128xf32>
    %add3A_21 = arith.addf %dot_general3A_16, %add3A_20 : vector<10000x128xf32>
    %max3A = arith.constant 0.000000e+00 : f32
    %max3A_22 = vector.broadcast %max3A : f32 to vector<10000x128xf32>
    %max3A_23 = arith.maximumf %add3A_21, %max3A_22 : vector<10000x128xf32>
    %get3A_24 = arith.constant 0 : index
    %get3A_25 = arith.constant 0 : index
    %get3A_26 = vector.load %arg4[%get3A_24, %get3A_25] : memref<128x128xf32, #tpu.memory_space<vmem>>, vector<128x128xf32>
    %dot_general3A_27 = arith.constant dense<0.000000e+00> : vector<10000x128xf32>
    %dot_general3A_28 = tpu.matmul %max3A_23, %get3A_26, %dot_general3A_27 {dimension_numbers = #tpu.dot_dimension_numbers<[1], [0], [0], [1], [0, 0, 1, 1], [], []>, precision = #tpu.contract_precision<fp32>, transpose_lhs_hint = false} : vector<10000x128xf32>, vector<128x128xf32>, vector<10000x128xf32> -> vector<10000x128xf32>
    %get3A_29 = arith.constant 0 : index
    %get3A_30 = arith.constant 0 : index
    %get3A_31 = vector.load %arg5[%get3A_29, %get3A_30] : memref<1x128xf32, #tpu.memory_space<vmem>>, vector<1x128xf32>
    %add3A_32 = vector.broadcast %get3A_31 : vector<1x128xf32> to vector<10000x128xf32>
    %add3A_33 = arith.addf %dot_general3A_28, %add3A_32 : vector<10000x128xf32>
    %max3A_34 = arith.constant 0.000000e+00 : f32
    %max3A_35 = vector.broadcast %max3A_34 : f32 to vector<10000x128xf32>
    %max3A_36 = arith.maximumf %add3A_33, %max3A_35 : vector<10000x128xf32>
    %reduce_sum3A = arith.constant dense<0.000000e+00> : vector<128xf32>
    %reduce_sum3A_37 = vector.multi_reduction <add>, %max3A_36, %reduce_sum3A [0] : vector<10000x128xf32> to vector<128xf32>
    %broadcast_in_dim3A = vector.shape_cast %reduce_sum3A_37 : vector<128xf32> to vector<1x128xf32>
    %div3A = arith.constant 1.000000e+04 : f32
    %div3A_38 = vector.broadcast %div3A : f32 to vector<1x128xf32>
    %div3A_39 = arith.divf %broadcast_in_dim3A, %div3A_38 : vector<1x128xf32>
    %sub3A = vector.broadcast %div3A_39 : vector<1x128xf32> to vector<10000x128xf32>
    %sub3A_40 = arith.subf %max3A_36, %sub3A : vector<10000x128xf32>
    %mul3A = arith.mulf %sub3A_40, %sub3A_40 : vector<10000x128xf32>
    %reduce_sum3A_41 = arith.constant dense<0.000000e+00> : vector<128xf32>
    %reduce_sum3A_42 = vector.multi_reduction <add>, %mul3A, %reduce_sum3A_41 [0] : vector<10000x128xf32> to vector<128xf32>
    %broadcast_in_dim3A_43 = vector.shape_cast %reduce_sum3A_42 : vector<128xf32> to vector<1x128xf32>
    %div3A_44 = arith.constant 1.000000e+04 : f32
    %div3A_45 = vector.broadcast %div3A_44 : f32 to vector<1x128xf32>
    %div3A_46 = arith.divf %broadcast_in_dim3A_43, %div3A_45 : vector<1x128xf32>
    %get3A_47 = arith.constant 0 : index
    %get3A_48 = arith.constant 0 : index
    %get3A_49 = vector.load %arg6[%get3A_47, %get3A_48] : memref<1x128xf32, #tpu.memory_space<vmem>>, vector<1x128xf32>
    %mul3A_50 = vector.broadcast %get3A_49 : vector<1x128xf32> to vector<10000x128xf32>
    %mul3A_51 = arith.mulf %mul3A_50, %sub3A_40 : vector<10000x128xf32>
    %add3A_52 = arith.constant 9.99999974E-6 : f32
    %add3A_53 = vector.broadcast %add3A_52 : f32 to vector<1x128xf32>
    %add3A_54 = arith.addf %div3A_46, %add3A_53 : vector<1x128xf32>
    %rsqrt3A = math.rsqrt %add3A_54 : vector<1x128xf32>
    %mul3A_55 = vector.broadcast %rsqrt3A : vector<1x128xf32> to vector<10000x128xf32>
    %mul3A_56 = arith.mulf %mul3A_51, %mul3A_55 : vector<10000x128xf32>
    %get3A_57 = arith.constant 0 : index
    %get3A_58 = arith.constant 0 : index
    %get3A_59 = vector.load %arg7[%get3A_57, %get3A_58] : memref<1x128xf32, #tpu.memory_space<vmem>>, vector<1x128xf32>
    %add3A_60 = vector.broadcast %get3A_59 : vector<1x128xf32> to vector<10000x128xf32>
    %add3A_61 = arith.addf %mul3A_56, %add3A_60 : vector<10000x128xf32>
    %swap3A = arith.constant 0 : index
    %swap3A_62 = arith.constant 0 : index
    %swap3A_63 = vector.load %arg8[%swap3A, %swap3A_62] : memref<10000x128xf32, #tpu.memory_space<vmem>>, vector<10000x128xf32>
    tpu.vector_store %arg8[%swap3A, %swap3A_62], %add3A_61 {strides = array<i32>} : memref<10000x128xf32, #tpu.memory_space<vmem>>, vector<10000x128xf32>,
    return
  }
}

module attributes {stable_mosaic.version = 14 : i64} {
  func.func @_head_body(%arg0: memref<10000x128xf32, #tpu.memory_space<vmem>>, %arg1: memref<10000x1xi32, #tpu.memory_space<vmem>>, %arg2: memref<128x128xf32, #tpu.memory_space<vmem>>, %arg3: memref<1x128xf32, #tpu.memory_space<vmem>>, %arg4: memref<128x16xf32, #tpu.memory_space<vmem>>, %arg5: memref<1x16xf32, #tpu.memory_space<vmem>>, %arg6: memref<16x16xf32, #tpu.memory_space<vmem>>) attributes {dimension_semantics = [], scalar_prefetch = 0 : i64, scratch_operands = 0 : i64, tpu.core_type = #tpu.core_type<tc>} {
    %get3A = arith.constant 0 : index
    %get3A_0 = arith.constant 0 : index
    %get3A_1 = vector.load %arg1[%get3A, %get3A_0] : memref<10000x1xi32, #tpu.memory_space<vmem>>, vector<10000x1xi32>
    %iota3A = tpu.iota {dimensions = array<i32: 1>} : vector<1x16xi32>
    %eq3A = vector.broadcast %get3A_1 : vector<10000x1xi32> to vector<10000x16xi32>
    %eq3A_2 = vector.broadcast %iota3A : vector<1x16xi32> to vector<10000x16xi32>
    %eq3A_3 = arith.cmpi eq, %eq3A, %eq3A_2 : vector<10000x16xi32>
    %convert_element_type3A = arith.extui %eq3A_3 : vector<10000x16xi1> to vector<10000x16xi32>
    %convert_element_type3A_4 = arith.sitofp %convert_element_type3A : vector<10000x16xi32> to vector<10000x16xf32>
    %get3A_5 = arith.constant 0 : index
    %get3A_6 = arith.constant 0 : index
    %get3A_7 = vector.load %arg0[%get3A_5, %get3A_6] : memref<10000x128xf32, #tpu.memory_space<vmem>>, vector<10000x128xf32>
    %dot_general3A = arith.constant dense<0.000000e+00> : vector<16x128xf32>
    %dot_general3A_8 = tpu.matmul %convert_element_type3A_4, %get3A_7, %dot_general3A {dimension_numbers = #tpu.dot_dimension_numbers<[0], [0], [1], [1], [0, 1, 1, 1], [], []>, precision = #tpu.contract_precision<fp32>, transpose_lhs_hint = false} : vector<10000x16xf32>, vector<10000x128xf32>, vector<16x128xf32> -> vector<16x128xf32>
    %broadcast_in_dim3A = arith.constant 1.000000e+00 : f32
    %broadcast_in_dim3A_9 = vector.broadcast %broadcast_in_dim3A : f32 to vector<10000x1xf32>
    %dot_general3A_10 = arith.constant dense<0.000000e+00> : vector<16x1xf32>
    %dot_general3A_11 = tpu.matmul %convert_element_type3A_4, %broadcast_in_dim3A_9, %dot_general3A_10 {dimension_numbers = #tpu.dot_dimension_numbers<[0], [0], [1], [1], [0, 1, 1, 1], [], []>, precision = #tpu.contract_precision<fp32>, transpose_lhs_hint = false} : vector<10000x16xf32>, vector<10000x1xf32>, vector<16x1xf32> -> vector<16x1xf32>
    %max3A = arith.constant 1.000000e+00 : f32
    %max3A_12 = vector.broadcast %max3A : f32 to vector<16x1xf32>
    %max3A_13 = arith.maximumf %dot_general3A_11, %max3A_12 : vector<16x1xf32>
    %div3A = vector.broadcast %max3A_13 : vector<16x1xf32> to vector<16x128xf32>
    %div3A_14 = arith.divf %dot_general3A_8, %div3A : vector<16x128xf32>
    %get3A_15 = arith.constant 0 : index
    %get3A_16 = arith.constant 0 : index
    %get3A_17 = vector.load %arg2[%get3A_15, %get3A_16] : memref<128x128xf32, #tpu.memory_space<vmem>>, vector<128x128xf32>
    %dot_general3A_18 = arith.constant dense<0.000000e+00> : vector<16x128xf32>
    %dot_general3A_19 = tpu.matmul %div3A_14, %get3A_17, %dot_general3A_18 {dimension_numbers = #tpu.dot_dimension_numbers<[1], [0], [0], [1], [0, 0, 1, 1], [], []>, precision = #tpu.contract_precision<fp32>, transpose_lhs_hint = false} : vector<16x128xf32>, vector<128x128xf32>, vector<16x128xf32> -> vector<16x128xf32>
    %get3A_20 = arith.constant 0 : index
    %get3A_21 = arith.constant 0 : index
    %get3A_22 = vector.load %arg3[%get3A_20, %get3A_21] : memref<1x128xf32, #tpu.memory_space<vmem>>, vector<1x128xf32>
    %add3A = vector.broadcast %get3A_22 : vector<1x128xf32> to vector<16x128xf32>
    %add3A_23 = arith.addf %dot_general3A_19, %add3A : vector<16x128xf32>
    %max3A_24 = arith.constant 0.000000e+00 : f32
    %max3A_25 = vector.broadcast %max3A_24 : f32 to vector<16x128xf32>
    %max3A_26 = arith.maximumf %add3A_23, %max3A_25 : vector<16x128xf32>
    %get3A_27 = arith.constant 0 : index
    %get3A_28 = arith.constant 0 : index
    %get3A_29 = vector.load %arg4[%get3A_27, %get3A_28] : memref<128x16xf32, #tpu.memory_space<vmem>>, vector<128x16xf32>
    %dot_general3A_30 = arith.constant dense<0.000000e+00> : vector<16x16xf32>
    %dot_general3A_31 = tpu.matmul %max3A_26, %get3A_29, %dot_general3A_30 {dimension_numbers = #tpu.dot_dimension_numbers<[1], [0], [0], [1], [0, 0, 1, 1], [], []>, precision = #tpu.contract_precision<fp32>, transpose_lhs_hint = false} : vector<16x128xf32>, vector<128x16xf32>, vector<16x16xf32> -> vector<16x16xf32>
    %get3A_32 = arith.constant 0 : index
    %get3A_33 = arith.constant 0 : index
    %get3A_34 = vector.load %arg5[%get3A_32, %get3A_33] : memref<1x16xf32, #tpu.memory_space<vmem>>, vector<1x16xf32>
    %add3A_35 = vector.broadcast %get3A_34 : vector<1x16xf32> to vector<16x16xf32>
    %add3A_36 = arith.addf %dot_general3A_31, %add3A_35 : vector<16x16xf32>
    %reduce_max3A = arith.constant dense<0xFF800000> : vector<16xf32>
    %reduce_max3A_37 = vector.multi_reduction <maximumf>, %add3A_36, %reduce_max3A [1] : vector<16x16xf32> to vector<16xf32>
    %broadcast_in_dim3A_38 = vector.shape_cast %reduce_max3A_37 : vector<16xf32> to vector<16x1xf32>
    %sub3A = vector.broadcast %broadcast_in_dim3A_38 : vector<16x1xf32> to vector<16x16xf32>
    %sub3A_39 = arith.subf %add3A_36, %sub3A : vector<16x16xf32>
    %exp3A = math.exp %sub3A_39 : vector<16x16xf32>
    %reduce_sum3A = arith.constant dense<0.000000e+00> : vector<16xf32>
    %reduce_sum3A_40 = vector.multi_reduction <add>, %exp3A, %reduce_sum3A [1] : vector<16x16xf32> to vector<16xf32>
    %broadcast_in_dim3A_41 = vector.shape_cast %reduce_sum3A_40 : vector<16xf32> to vector<16x1xf32>
    %log3A = math.log %broadcast_in_dim3A_41 : vector<16x1xf32>
    %add3A_42 = arith.addf %broadcast_in_dim3A_38, %log3A : vector<16x1xf32>
    %sub3A_43 = vector.broadcast %add3A_42 : vector<16x1xf32> to vector<16x16xf32>
    %sub3A_44 = arith.subf %add3A_36, %sub3A_43 : vector<16x16xf32>
    %swap3A = arith.constant 0 : index
    %swap3A_45 = arith.constant 0 : index
    %swap3A_46 = vector.load %arg6[%swap3A, %swap3A_45] : memref<16x16xf32, #tpu.memory_space<vmem>>, vector<16x16xf32>
    tpu.vector_store %arg6[%swap3A, %swap3A_45], %sub3A_44 {strides = array<i32>} : memref<16x16xf32, #tpu.memory_space<vmem>>, vector<16x16xf32>,
    return
  }
}

</mosaic_0001>

<sc_bundles>
// kernel: kernel.13.cloned.1.call-start
scs
__scs_entry_jumppad:
0x0: {  	(pc) =	sbr.rel $0x88, $3  }
0x1: {  	(tag) =	ssettag $0x0;
	lr =	simm.s32 $0x1  }
0x2: {  	[smem:$0x3F7C] =	sst lr;
	_ =	strace $0xD0000000  }
0x3: {  	_ = 	snop  }
0x4: {  	_ = 	snop  }
0x5: {  	_ = 	snop  }
0x6: {  	_ = 	snop  }
0x7: {  	_ = 	snop  }
__scs_overlays_trampoline_lowered:
0x8: {  	[smem:$0x3F8B] =	sst s0  }
0x9: {  	[smem:$0x3F8C] =	sst s1  }
0xa: {  	[smem:$0x3F8D] =	sst s2  }
0xb: {  	[smem:$0x3F8E] =	sst s3  }
0xc: {  	[smem:$0x3F8F] =	sst s4  }
0xd: {  	[smem:$0x3F90] =	sst s5  }
0xe: {  	[smem:$0x3F91] =	sst s6  }
0xf: {  	[smem:$0x3F92] =	sst s7  }
0x10: {  	[smem:$0x3F93] =	sst s8  }
0x11: {  	[smem:$0x3F94] =	sst s9;
	s0 =	simm.s32 @!p0 $0x0  }
0x12: {  	s1 =	sld [smem:$0x3F7A];
	s0 =	simm.s32 @p0 $0x1  }
0x13: {  	[smem:$0x3F95] =	sst s0;
	s0 =	simm.s32 @!p1 $0x0  }
0x14: {  	s2 =	sld [smem:$0x3F79];
	s0 =	simm.s32 @p1 $0x1  }
0x15: {  	[smem:$0x3F96] =	sst s0;
	s0 =	simm.s32 @!p2 $0x0  }
0x16: {  	s3 =	sld [smem:$0x3FDB];
	s0 =	simm.s32 @p2 $0x1  }
0x17: {  	s4 =	simm.s32 $0x1BF5;
	[smem:$0x3F98] =	sst s0  }
0x18: {  	s0 =	sld [smem:$0x3F7B];
	_ =	swait.ge [sflag:s4], $0x0  }
0x19: {  	s7 =	sld [smem:$0x3F7C]  }
0x1a: {  	s8 =	sadd.s32 $0xFFFFE003, lr  }
0x1b: {  	s9 =	sadd.s32 $0xFFFFFEF7, lr;
	s5 =	simm.s32 $0xFFFFFFFF;
	p2 =	slt.u32 s8, $0xFFFFF086  }
0x1c: {  	p1 =	slt.u32 s9, $0xF7A;
	s5 =	simm.s32 @!p2 $0x0  }
0x1d: {  	s5 =	simm.s32 @p1 $0x1;
	p0 =	seq.s32 s7, s2  }
0x1e: {  	s7 =	smul.u32 @!p0 $0xF7A, s2;
	p2 =	seq.s32 @!p0 s5, $0x0  }
0x1f: {  	s9 =	smul.u32 $0xF7A, s1;
	s8 =	simm.s32 @!p0 $0x1BF5;
	p2 =	por !p2, p0  }
0x20: {  	[sflag:s8] =	ssyncset.s32 @!p0 $0xFFFFF086;
	s6 =	sadd.s32 @!p0 s3, s7;
	s7 =	simm.s32 @!p0 $0x108  }
0x21: {  	s3 =	sadd.s32 s3, s9;
	s6 =	sadd.s32 @!p0 $0x88, s6;
	s7 =	simm.s32 @p2 $0x1082  }
0x22: {  	[simem:s7], [sflag:s8] =	dma.local @!p0 [hbm:s6], $0xF7A  }
0x23: {  	s9 =	sor.u32 $0xD0000000, s2;
	s6 =	simm.s32 $0x108;
	_ =	swait.ge @!p0 [sflag:s8], $0x0  }
0x24: {  	s3 =	sadd.s32 $0x88, s3;
	s6 =	simm.s32 @!p1 $0x1082;
	[sflag:s4] =	ssyncset.s32 $0xFFFFF086  }
0x25: {  	[simem:s6], [sflag:s4] =	dma.local [hbm:s3], $0xF7A  }
0x26: {  	[smem:$0x3F7C] =	sst s1;
	(tag) =	ssettag s2;
	_ =	strace s9  }
0x27: {  	s1 =	sld [smem:$0x3F8C]  }
0x28: {  	s2 =	sld [smem:$0x3F8D]  }
0x29: {  	s4 =	sld [smem:$0x3F8F]  }
0x2a: {  	p0 =	seq.s32 s5, $0x0;
	s5 =	sld [smem:$0x3F90]  }
0x2b: {  	s6 =	sld [smem:$0x3F91]  }
0x2c: {  	s7 =	sld [smem:$0x3F92]  }
0x2d: {  	s3 =	simm.s32 $0x108;
	s8 =	sld [smem:$0x3F93]  }
0x2e: {  	s3 =	simm.s32 @!p0 $0x1082;
	s9 =	sld [smem:$0x3F94]  }
0x2f: {  	lr =	sadd.s32 s0, s3;
	s0 =	sld [smem:$0x3F8B]  }
0x30: {  	s3 =	sld [smem:$0x3F8E]  }
0x31: {  	[smem:$0x3F97] =	sst s10  }
0x32: {  	s10 =	sld [smem:$0x3F95];
	_ =	sdelay $0x3  }
0x33: {  	p0 =	seq.s32 s10, $0x1;
	s10 =	sld [smem:$0x3F97];
	_ =	sdelay $0x3  }
0x34: {  	[smem:$0x3F97] =	sst s10  }
0x35: {  	s10 =	sld [smem:$0x3F96];
	_ =	sdelay $0x3  }
0x36: {  	p1 =	seq.s32 s10, $0x1;
	s10 =	sld [smem:$0x3F97];
	_ =	sdelay $0x3  }
0x37: {  	[smem:$0x3F97] =	sst s10  }
0x38: {  	s10 =	sld [smem:$0x3F98]  }
0x39: {  	_ = 	snop;
	(pc) =	sbr.ind lr, $3  }
0x3a: {  	_ = 	snop  }
0x3b: {  	_ = 	snop  }
0x3c: {  	p2 =	seq.s32 s10, $0x1;
	s10 =	sld [smem:$0x3F97]  }
0x3d: {  	_ =	shalt  }
0x3e: {  	_ =	shalt  }
0x3f: {  	_ =	shalt  }
0x40: {  	_ =	shalt  }
0x41: {  	_ =	shalt  }
0x42: {  	_ =	shalt  }
0x43: {  	_ =	shalt  }
0x44: {  	_ =	shalt  }
0x45: {  	_ =	shalt  }
0x46: {  	_ =	shalt  }
0x47: {  	_ =	shalt  }
0x48: {  	_ =	shalt  }
0x49: {  	_ =	shalt  }
0x4a: {  	_ =	shalt  }
0x4b: {  	_ =	shalt  }
0x4c: {  	_ =	shalt  }
0x4d: {  	_ =	shalt  }
0x4e: {  	_ =	shalt  }
0x4f: {  	_ =	shalt  }
0x50: {  	_ =	shalt  }
0x51: {  	_ =	shalt  }
0x52: {  	_ =	shalt  }
0x53: {  	_ =	shalt  }
0x54: {  	_ =	shalt  }
0x55: {  	_ =	shalt  }
0x56: {  	_ =	shalt  }
0x57: {  	_ =	shalt  }
0x58: {  	_ =	shalt  }
0x59: {  	_ =	shalt  }
0x5a: {  	_ =	shalt  }
0x5b: {  	_ =	shalt  }
0x5c: {  	_ =	shalt  }
0x5d: {  	_ =	shalt  }
0x5e: {  	_ =	shalt  }
0x5f: {  	_ =	shalt  }
0x60: {  	_ =	shalt  }
0x61: {  	_ =	shalt  }
0x62: {  	_ =	shalt  }
0x63: {  	_ =	shalt  }
0x64: {  	_ =	shalt  }
0x65: {  	_ =	shalt  }
0x66: {  	_ =	shalt  }
0x67: {  	_ =	shalt  }
0x68: {  	_ =	shalt  }
0x69: {  	_ =	shalt  }
0x6a: {  	_ =	shalt  }
0x6b: {  	_ =	shalt  }
0x6c: {  	_ =	shalt  }
0x6d: {  	_ =	shalt  }
0x6e: {  	_ =	shalt  }
0x6f: {  	_ =	shalt  }
0x70: {  	_ =	shalt  }
0x71: {  	_ =	shalt  }
0x72: {  	_ =	shalt  }
0x73: {  	_ =	shalt  }
0x74: {  	_ =	shalt  }
0x75: {  	_ =	shalt  }
0x76: {  	_ =	shalt  }
0x77: {  	_ =	shalt  }
0x78: {  	_ =	shalt  }
0x79: {  	_ =	shalt  }
0x7a: {  	_ =	shalt  }
0x7b: {  	_ =	shalt  }
0x7c: {  	_ =	shalt  }
0x7d: {  	_ =	shalt  }
0x7e: {  	_ =	shalt  }
0x7f: {  	_ =	shalt  }
0x80: {  	_ =	shalt  }
0x81: {  	_ =	shalt  }
0x82: {  	_ =	shalt  }
0x83: {  	_ =	shalt  }
0x84: {  	_ =	shalt  }
0x85: {  	_ =	shalt  }
0x86: {  	_ =	shalt  }
0x87: {  	_ =	shalt  }
.Lfunc_end0:
.L_simem_size_0:
called_computation_lowered:
.L_overlay_start_0:
0x88: {  	s2 =	sld [smem:$0x3FD9]  }
0x89: {  	s3 =	sld [smem:$0x3FFE];
	_ =	sdelay $0x1  }
0x8a: {  	s1 =	srdreg.scid  }
0x8b: {  	s0 =	sand.u32 $0x1, s1  }
0x8c: {  	s17 =	sshll.u32 s0, $0xA;
	s2 =	sadd.s32 s3, s2  }
0x8d: {  	s2 =	sadd.s32 s2, s17  }
0x8e: {  	[smem:$0x3FA3] =	sst s2  }
0x8f: {  	_ = 	snop  }
0x90: {  	s2 =	sld [smem:$0x3FC9];
	(tm) =	ssettm $0x1  }
0x91: {  	s18 =	sld [smem:$0x3FFB];
	_ =	sdelay $0x3  }
0x92: {  	_ =	strace s18  }
0x93: {  	s3 =	sld [smem:$0x3FFC];
	_ =	sdelay $0x3  }
0x94: {  	_ =	strace s3  }
0x95: {  	s3 =	sld [smem:$0x3FFD];
	_ =	sdelay $0x3  }
0x96: {  	_ =	strace s3  }
0x97: {  	_ =	strace $0x8FFFFFFF  }
0x98: {  	s19 =	sld [smem:$0x3FDB];
	_ =	sdelay $0x1  }
0x99: {  	s4 =	simm.s32 $_scs_section_size  }
0x9a: {  	s5 =	simm.s32 $_size__tile_overlayer_lowered;
	s6 =	simm.s32 $_tile_overlayer_lowered  }
0x9b: {  	s22 =	simm.s32 $0x1BFF;
	s21 =	sshll.u32 s6, $0x1;
	s3 =	sadd.s32 s4, s19  }
0x9c: {  	s7 =	simm.s32 $0x0;
	s20 =	sshll.u32 s5, $0x1;
	s5 =	sadd.s32 s21, s3  }
0x9d: {  	[timem:s7], [sflag:s22] =	dma.local [hbm:s5], s20  }
0x9e: {  	_ =	swait.ge [sflag:s22], s20  }
0x9f: {  	s4 =	ssub.s32 $0x0, s20;
	[sflag:s22] =	ssyncset.done $0x0  }
0xa0: {  	[sflag:s22] =	ssyncadd.s32 s4;
	_ =	sdelay $0x1  }
0xa1: {  	s23 =	simm.s32 $0x1B8B  }
0xa2: {  	_ =	swait.ge [sflag:s23], $0x1  }
0xa3: {  	[sflag:s23] =	ssyncset.done $0x0  }
0xa4: {  	s25 =	simm.s32 $0x1B8E;
	s24 =	sld [smem:$0x3FFE];
	[sflag:s23] =	ssyncadd.s32 $0xFFFFFFFF  }
0xa5: {  	s26 =	simm.s32 $execute0_lowered;
	[smem:$0x3FD2] =	sst s25  }
0xa6: {  	s5 =	sshll.u32 s26, $0x1;
	_ =	strace $0x80000046;
	[dreg:$0x1] =	wrdreg $0xFFFFFFFF  }
0xa7: {  	s28 =	simm.s32 $_size_execute0_lowered;
	s3 =	sadd.s32 s3, s5;
	[dreg:$0x0] =	wrdreg $0x0  }
0xa8: {  	s5 =	sshll.u32 s28, $0x1;
	[dreg:$0x2] =	wrdreg s3  }
0xa9: {  	[dreg:$0x3] =	wrdreg s5  }
0xaa: {  	[dreg:$0x4] =	wrdreg $0xC0  }
0xab: {  	_ =	task [dreg:s7], $0x5FFFF  }
0xac: {  	[dreg:$0x1] =	wrdreg $0xFFFFFFFF  }
0xad: {  	[dreg:$0x0] =	wrdreg $0x60  }
0xae: {  	[dreg:$0x2] =	wrdreg s2  }
0xaf: {  	[dreg:$0x3] =	wrdreg s24  }
0xb0: {  	[dreg:$0x4] =	wrdreg $0xA8000  }
0xb1: {  	[dreg:$0x5] =	wrdreg $0x9  }
0xb2: {  	_ =	task.clear_ibuf [dreg:s7], $0x6FFFF;
	_ =	strace $0x90000046  }
0xb3: {  	s29 =	simm.s32 $0x9;
	_ =	strace $0x80000048  }
0xb4: {  	_ =	swait.ge [sflag:s29], $0x1  }
0xb5: {  	[sflag:s29] =	ssyncadd.s32 $0xFFFFFFFF  }
0xb6: {  	_ =	strace $0x90000048  }
0xb7: {  	_ =	sfence  }
0xb8: {  	s30 =	sld [smem:$0x0];
	_ =	sdelay $0x2  }
0xb9: {  	s31 =	sshll.u32 s1, $0xD;
	s1 =	sshrl.u32 s1, $0x2  }
0xba: {  	s3 =	sand.u32 $0x4000, s31;
	s1 =	sadd.s32 s1, s30  }
0xbb: {  	s0 =	sor.u32 s3, s0;
	s1 =	sshll.u32 s1, $0x11  }
0xbc: {  	s0 =	sor.u32 s1, s0  }
0xbd: {  	s0 =	sadd.s32 $0x8F2B, s0  }
0xbe: {  	[sflag:s0] =	ssyncadd.remote.s32 $0x1  }
0xbf: {  	_ =	sfence.sel $0xFFFF  }
0xc0: {  	[dreg:$0x0] =	wrdreg $0xFFFFFFFF;
	(pc) =	sbr.abs _section_cstart, $3  }
0xc1: {  	[dreg:$0x1] =	wrdreg $0xFFFFFFFF  }
0xc2: {  	_ =	task.clear_ibuf [dreg:s7], $0x2FFFF;
	_ =	strace $0x9FFFFFFF  }
0xc3: {  	(tm) =	ssettm $0x7FFFFFFF  }
tec
execute0_lowered:
.L_overlay_start_1:
0x0: {  	(tag) =	ssettag $0x1  }
0x1: {  	s1 =	rddreg [dreg:$0x0]  }
0x2: {  	s5 =	rddreg [dreg:$0x1]  }
0x3: {  	s3 =	rddreg [dreg:$0x2]  }
0x4: {  	s0 =	rddreg [dreg:$0x3];
	s4 =	simm.s32 $0x0;
	s2 =	stileid.u32  }
0x5: {  	s7 =	srdreg.scid;
	s18 =	simm.s32 $0x2800;
	s19 =	simm.s32 $0x6800  }
0x6: {  	s20 =	simm.s32 $0x1;
	s21 =	simm.s32 $0x2;
	s22 =	simm.s32 $0x2700  }
0x7: {  	s23 =	simm.s32 $0x2780;
	[smem:$0x7FF] =	sst s4;
	s6 =	smul.u32 $0x2780, s2  }
0x8: {  	s9 =	sadd.s32 $0x11400, s5;
	s10 =	sadd.s32 $0x7400, s5;
	s8 =	smul.u32 $0x4F000, s2  }
0x9: {  	s7 =	sand.u32 $0x1, s7;
	s12 =	sadd.s32 $0x42C00, s5;
	s16 =	smul.u32 $0x13800, s2  }
0xa: {  	s26 =	sshll.u32 s2, $0x6;
	s17 =	smul.u32 $0x4E000, s2;
	p0 =	seq.s32 s2, $0xF  }
0xb: {  	_ =	strace $0x80000047;
	s24 =	ssub.s32 $0x2, s7;
	s11 =	sshll.u32 s7, $0x4  }
0xc: {  	s28 =	smul.u32 $0x138800, s7;
	s6 =	sadd.s32 s6, s5;
	s13 =	sshrl.u32 s24, $0x1  }
0xd: {  	s8 =	sshrl.u32 s8, $0x2;
	s11 =	sor.u32 s2, s11;
	s31 =	sshrl.u32 s17, $0x2  }
0xe: {  	s17 =	simm.s32 $0x80;
	s13 =	ssub.s32 s24, s13;
	s14 =	sadd.s32 s8, s3  }
0xf: {  	s25 =	smul.u32 $0x2800, s11;
	s5 =	sadd.s32 $0x1B400, s6;
	s6 =	sor.u32 $0x1C03, s26  }
0x10: {  	s16 =	sadd.s32 s16, s28;
	s30 =	sshrl.u32 s28, $0x3;
	s24 =	sadd.s32 $0x124800, s3  }
0x11: {  	s26 =	simm.s32 $0x0;
	s29 =	sshrl.u32 s16, $0x3;
	s13 =	smax.u32 s13, $0x1  }
0x12: {  	s14 =	sshrl.u32 s14, $0x3;
	s16 =	simm.s32 $0x1400;
	s24 =	sshrl.u32 @p0 s24, $0x3  }
0x13: {  	s15 =	sshrl.u32 s25, $0x3;
	s11 =	sadd.s32 s12, s29;
	s12 =	sadd.s32 s12, s30  }
0x14: {  	s25 =	sadd.s32 s31, s3;
	s7 =	sadd.s32 s9, s15;
	s8 =	sadd.s32 s10, s15  }
0x15: {  	s15 =	sadd.s32 $0x280, s15;
	s12 =	sadd.s32 $0x24900, s12;
	s25 =	sshrl.u32 @!p0 s25, $0x3  }
0x16: {  	s9 =	sadd.s32 s9, s15;
	s10 =	sadd.s32 s10, s15;
	s15 =	simm.s32 $0x3  }
.LBB2_1:
0x17: {  	[spmem:s14], [sflag:s6] =	dma.local [hbm:s5], $0x2780  }
0x18: {  	_ =	swait.ge [sflag:s15], $0x2780  }
0x19: {  	[sflag:s15] =	ssyncset.done $0x0  }
0x1a: {  	[sflag:s15] =	ssyncadd.s32 $0xFFFFD880  }
0x1b: {  	[bflag:$0x0] =	sbarrier.arrive $0xFFFF  }
0x1c: {  	[tilespmem:s4], [sflag:$0x3] =	stream.linear.gather [hbm4b:s7+s4], $0x1400, $0x38;
	[tilespmem:$0x1E400] =	vst v63  }
0x1d: {  	_ =	swait.ge [sflag:s15], $0x1400  }
0x1e: {  	[sflag:s15] =	ssyncset.done $0x0  }
0x1f: {  	[sflag:s15] =	ssyncadd.s32 $0xFFFFEC00  }
0x20: {  	[tilespmem:s16], [sflag:$0x3] =	stream.linear.gather [hbm4b:s8+s4], $0x1400, $0x38;
	[tilespmem:$0x1E400] =	vst v63  }
0x21: {  	_ =	swait.ge [sflag:s15], $0x1400  }
0x22: {  	[sflag:s15] =	ssyncset.done $0x0  }
0x23: {  	[sflag:s15] =	ssyncadd.s32 $0xFFFFEC00  }
0x24: {  	[tilespmem:s18], [sflag:$0x1] =	stream.indirect.gather [hbm4b:s1+s17], $0x80, s4, s17, $0xb8;
	[tilespmem:$0x1E400] =	vst v63  }
0x25: {  	_ = 	snop  }
0x26: {  	[tilespmem:s19], [sflag:$0x2] =	stream.indirect.gather [hbm4b:s1+s17], $0x80, s17, s17, $0xb8;
	[tilespmem:$0x1E400] =	vst v63  }
0x27: {  	_ =	swait.ge [sflag:s20], $0x4000  }
0x28: {  	[sflag:s20] =	ssyncset.done $0x0  }
0x29: {  	s28 =	simm.s32 $0x1400;
	[sflag:s20] =	ssyncadd.s32 $0xFFFFC000  }
0x2a: {  	[spmem:s3] =	stream.indirect.scatter.add.f32 [tilespmem:s18], [sflag:$0x3], $0x80, s28, s17, $0xb8;
	[tilespmem:$0x1E400] =	vst v63  }
0x2b: {  	_ =	swait.ge [sflag:s15], $0x4000  }
0x2c: {  	[sflag:s15] =	ssyncset.done $0x0  }
0x2d: {  	s28 =	simm.s32 $0x100;
	[sflag:s15] =	ssyncadd.s32 $0xFFFFC000  }
0x2e: {  	[tilespmem:s18], [sflag:$0x1] =	stream.indirect.gather [hbm4b:s1+s17], $0x80, s28, s17, $0xb8;
	[tilespmem:$0x1E400] =	vst v63  }
0x2f: {  	_ =	swait.ge [sflag:s21], $0x4000  }
0x30: {  	[sflag:s21] =	ssyncset.done $0x0  }
0x31: {  	s28 =	simm.s32 $0x1480;
	[sflag:s21] =	ssyncadd.s32 $0xFFFFC000  }
0x32: {  	[spmem:s3] =	stream.indirect.scatter.add.f32 [tilespmem:s19], [sflag:$0x3], $0x80, s28, s17, $0xb8;
	[tilespmem:$0x1E400] =	vst v63  }
0x33: {  	_ =	swait.ge [sflag:s15], $0x4000  }
0x34: {  	[sflag:s15] =	ssyncset.done $0x0  }
0x35: {  	s29 =	simm.s32 $0x180;
	s28 =	simm.s32 $0x400;
	[sflag:s15] =	ssyncadd.s32 $0xFFFFC000  }
.LBB2_2:
0x36: {  	[tilespmem:s19], [sflag:$0x2] =	stream.indirect.gather [hbm4b:s1+s17], $0x80, s29, s17, $0xb8;
	[tilespmem:$0x1E400] =	vst v63  }
0x37: {  	s29 =	smov.u32 s28  }
0x38: {  	p1 =	sne.s32 s28, $0x4800;
	s28 =	sadd.s32 $0x400, s28;
	_ =	swait.ge [sflag:s20], $0x4000  }
0x39: {  	s29 =	sshra.s32 s29, $0x2;
	[sflag:s20] =	ssyncset.done $0x0  }
0x3a: {  	s30 =	sadd.s32 $0x1400, s29;
	[sflag:s20] =	ssyncadd.s32 $0xFFFFC000  }
0x3b: {  	[spmem:s3] =	stream.indirect.scatter.add.f32 [tilespmem:s18], [sflag:$0x3], $0x80, s30, s17, $0xb8;
	[tilespmem:$0x1E400] =	vst v63  }
0x3c: {  	_ =	swait.ge [sflag:s15], $0x4000  }
0x3d: {  	[sflag:s15] =	ssyncset.done $0x0  }
0x3e: {  	s30 =	sadd.s32 $0x100, s29;
	[sflag:s15] =	ssyncadd.s32 $0xFFFFC000  }
0x3f: {  	[tilespmem:s18], [sflag:$0x1] =	stream.indirect.gather [hbm4b:s1+s17], $0x80, s30, s17, $0xb8;
	[tilespmem:$0x1E400] =	vst v63  }
0x40: {  	_ =	swait.ge [sflag:s21], $0x4000  }
0x41: {  	[sflag:s21] =	ssyncset.done $0x0  }
.Ltmp0:
0x42: {  	s30 =	sadd.s32 $0x1480, s29;
	[sflag:s21] =	ssyncadd.s32 $0xFFFFC000;
	(pc) =	sbr.rel @p1 .LBB2_2-.Ltmp0, $4  }
0x43: {  	[spmem:s3] =	stream.indirect.scatter.add.f32 [tilespmem:s19], [sflag:$0x3], $0x80, s30, s17, $0xb8;
	[tilespmem:$0x1E400] =	vst v63  }
0x44: {  	_ =	swait.ge [sflag:s15], $0x4000  }
0x45: {  	[sflag:s15] =	ssyncset.done $0x0  }
0x46: {  	s29 =	sadd.s32 $0x180, s29;
	[sflag:s15] =	ssyncadd.s32 $0xFFFFC000  }
0x47: {  	[tilespmem:s19], [sflag:$0x2] =	stream.indirect.gather [hbm4b:s1+s17], $0x80, s29, s17, $0xb8;
	[tilespmem:$0x1E400] =	vst v63  }
0x48: {  	_ =	swait.ge [sflag:s20], $0x4000  }
0x49: {  	[sflag:s20] =	ssyncset.done $0x0  }
0x4a: {  	[sflag:s20] =	ssyncadd.s32 $0xFFFFC000  }
0x4b: {  	[spmem:s3] =	stream.indirect.scatter.add.f32 [tilespmem:s18], [sflag:$0x3], $0x80, s22, s17, $0xb8;
	[tilespmem:$0x1E400] =	vst v63  }
0x4c: {  	_ =	swait.ge [sflag:s15], $0x4000  }
0x4d: {  	[sflag:s15] =	ssyncset.done $0x0  }
0x4e: {  	[sflag:s15] =	ssyncadd.s32 $0xFFFFC000  }
0x4f: {  	_ =	swait.ge [sflag:s21], $0x4000  }
0x50: {  	[sflag:s21] =	ssyncset.done $0x0  }
0x51: {  	[sflag:s21] =	ssyncadd.s32 $0xFFFFC000  }
0x52: {  	[spmem:s3] =	stream.indirect.scatter.add.f32 [tilespmem:s19], [sflag:$0x3], $0x80, s23, s17, $0xb8;
	[tilespmem:$0x1E400] =	vst v63  }
0x53: {  	_ =	swait.ge [sflag:s15], $0x4000  }
0x54: {  	[sflag:s15] =	ssyncset.done $0x0  }
0x55: {  	s28 =	simm.s32 $0x0;
	[sflag:s15] =	ssyncadd.s32 $0xFFFFC000  }
0x56: {  	[tilespmem:s28], [sflag:$0x3] =	stream.linear.gather [hbm4b:s9+s28], $0x1400, $0x38;
	[tilespmem:$0x1E400] =	vst v63  }
0x57: {  	_ =	swait.ge [sflag:s15], $0x1400  }
0x58: {  	[sflag:s15] =	ssyncset.done $0x0  }
0x59: {  	[sflag:s15] =	ssyncadd.s32 $0xFFFFEC00  }
0x5a: {  	[tilespmem:s16], [sflag:$0x3] =	stream.linear.gather [hbm4b:s10+s28], $0x1400, $0x38;
	[tilespmem:$0x1E400] =	vst v63  }
0x5b: {  	_ =	swait.ge [sflag:s15], $0x1400  }
0x5c: {  	[sflag:s15] =	ssyncset.done $0x0  }
0x5d: {  	[sflag:s15] =	ssyncadd.s32 $0xFFFFEC00  }
0x5e: {  	[tilespmem:s18], [sflag:$0x1] =	stream.indirect.gather [hbm4b:s1+s17], $0x80, s28, s17, $0xb8;
	[tilespmem:$0x1E400] =	vst v63  }
0x5f: {  	_ = 	snop  }
0x60: {  	[tilespmem:s19], [sflag:$0x2] =	stream.indirect.gather [hbm4b:s1+s17], $0x80, s17, s17, $0xb8;
	[tilespmem:$0x1E400] =	vst v63  }
0x61: {  	_ =	swait.ge [sflag:s20], $0x4000  }
0x62: {  	[sflag:s20] =	ssyncset.done $0x0  }
0x63: {  	s28 =	simm.s32 $0x1400;
	[sflag:s20] =	ssyncadd.s32 $0xFFFFC000  }
0x64: {  	[spmem:s3] =	stream.indirect.scatter.add.f32 [tilespmem:s18], [sflag:$0x3], $0x80, s28, s17, $0xb8;
	[tilespmem:$0x1E400] =	vst v63  }
0x65: {  	_ =	swait.ge [sflag:s15], $0x4000  }
0x66: {  	[sflag:s15] =	ssyncset.done $0x0  }
0x67: {  	s28 =	simm.s32 $0x100;
	[sflag:s15] =	ssyncadd.s32 $0xFFFFC000  }
0x68: {  	[tilespmem:s18], [sflag:$0x1] =	stream.indirect.gather [hbm4b:s1+s17], $0x80, s28, s17, $0xb8;
	[tilespmem:$0x1E400] =	vst v63  }
0x69: {  	_ =	swait.ge [sflag:s21], $0x4000  }
0x6a: {  	[sflag:s21] =	ssyncset.done $0x0  }
0x6b: {  	s28 =	simm.s32 $0x1480;
	[sflag:s21] =	ssyncadd.s32 $0xFFFFC000  }
0x6c: {  	[spmem:s3] =	stream.indirect.scatter.add.f32 [tilespmem:s19], [sflag:$0x3], $0x80, s28, s17, $0xb8;
	[tilespmem:$0x1E400] =	vst v63  }
0x6d: {  	_ =	swait.ge [sflag:s15], $0x4000  }
0x6e: {  	[sflag:s15] =	ssyncset.done $0x0  }
0x6f: {  	s29 =	simm.s32 $0x180;
	s28 =	simm.s32 $0x400;
	[sflag:s15] =	ssyncadd.s32 $0xFFFFC000  }
.LBB2_4:
0x70: {  	[tilespmem:s19], [sflag:$0x2] =	stream.indirect.gather [hbm4b:s1+s17], $0x80, s29, s17, $0xb8;
	[tilespmem:$0x1E400] =	vst v63  }
0x71: {  	s29 =	smov.u32 s28  }
0x72: {  	p1 =	sne.s32 s28, $0x4800;
	s28 =	sadd.s32 $0x400, s28;
	_ =	swait.ge [sflag:s20], $0x4000  }
0x73: {  	s29 =	sshra.s32 s29, $0x2;
	[sflag:s20] =	ssyncset.done $0x0  }
0x74: {  	s30 =	sadd.s32 $0x1400, s29;
	[sflag:s20] =	ssyncadd.s32 $0xFFFFC000  }
0x75: {  	[spmem:s3] =	stream.indirect.scatter.add.f32 [tilespmem:s18], [sflag:$0x3], $0x80, s30, s17, $0xb8;
	[tilespmem:$0x1E400] =	vst v63  }
0x76: {  	_ =	swait.ge [sflag:s15], $0x4000  }
0x77: {  	[sflag:s15] =	ssyncset.done $0x0  }
0x78: {  	s30 =	sadd.s32 $0x100, s29;
	[sflag:s15] =	ssyncadd.s32 $0xFFFFC000  }
0x79: {  	[tilespmem:s18], [sflag:$0x1] =	stream.indirect.gather [hbm4b:s1+s17], $0x80, s30, s17, $0xb8;
	[tilespmem:$0x1E400] =	vst v63  }
0x7a: {  	_ =	swait.ge [sflag:s21], $0x4000  }
0x7b: {  	[sflag:s21] =	ssyncset.done $0x0  }
.Ltmp1:
0x7c: {  	s30 =	sadd.s32 $0x1480, s29;
	[sflag:s21] =	ssyncadd.s32 $0xFFFFC000;
	(pc) =	sbr.rel @p1 .LBB2_4-.Ltmp1, $4  }
0x7d: {  	[spmem:s3] =	stream.indirect.scatter.add.f32 [tilespmem:s19], [sflag:$0x3], $0x80, s30, s17, $0xb8;
	[tilespmem:$0x1E400] =	vst v63  }
0x7e: {  	_ =	swait.ge [sflag:s15], $0x4000  }
0x7f: {  	[sflag:s15] =	ssyncset.done $0x0  }
0x80: {  	s29 =	sadd.s32 $0x180, s29;
	[sflag:s15] =	ssyncadd.s32 $0xFFFFC000  }
0x81: {  	[tilespmem:s19], [sflag:$0x2] =	stream.indirect.gather [hbm4b:s1+s17], $0x80, s29, s17, $0xb8;
	[tilespmem:$0x1E400] =	vst v63  }
0x82: {  	_ =	swait.ge [sflag:s20], $0x4000  }
0x83: {  	[sflag:s20] =	ssyncset.done $0x0  }
0x84: {  	[sflag:s20] =	ssyncadd.s32 $0xFFFFC000  }
0x85: {  	[spmem:s3] =	stream.indirect.scatter.add.f32 [tilespmem:s18], [sflag:$0x3], $0x80, s22, s17, $0xb8;
	[tilespmem:$0x1E400] =	vst v63  }
0x86: {  	_ =	swait.ge [sflag:s15], $0x4000  }
0x87: {  	[sflag:s15] =	ssyncset.done $0x0  }
0x88: {  	[sflag:s15] =	ssyncadd.s32 $0xFFFFC000  }
0x89: {  	_ =	swait.ge [sflag:s21], $0x4000  }
0x8a: {  	[sflag:s21] =	ssyncset.done $0x0  }
0x8b: {  	[sflag:s21] =	ssyncadd.s32 $0xFFFFC000  }
0x8c: {  	[spmem:s3] =	stream.indirect.scatter.add.f32 [tilespmem:s19], [sflag:$0x3], $0x80, s23, s17, $0xb8;
	[tilespmem:$0x1E400] =	vst v63  }
0x8d: {  	_ =	swait.ge [sflag:s15], $0x4000  }
0x8e: {  	[sflag:s15] =	ssyncset.done $0x0  }
0x8f: {  	[sflag:s15] =	ssyncadd.s32 $0xFFFFC000  }
0x90: {  	s28 =	simm.s32 @p0 $0x3;
	[bflag:$0x0] =	sbarrier.arrive $0xFFFF  }
0x91: {  	[hbm:s12], [sflag:s6] =	dma.local @p0 [spmem:s24], $0x2800  }
0x92: {  	s26 =	sadd.s32 $0x1, s26;
	_ =	swait.ge @p0 [sflag:s28], $0x2800  }
0x93: {  	p1 =	sne.s32 s26, s13;
	[sflag:s28] =	ssyncset.done @p0 $0x0  }
.Ltmp2:
0x94: {  	[sflag:s28] =	ssyncadd.s32 @p0 $0xFFFFD800;
	s28 =	simm.s32 @!p0 $0x3;
	(pc) =	sbr.rel @p1 .LBB2_1-.Ltmp2, $4  }
0x95: {  	[hbm:s11], [sflag:s6] =	dma.local @!p0 [spmem:s25], $0x2700  }
0x96: {  	_ =	swait.ge @!p0 [sflag:s28], $0x2700  }
0x97: {  	[sflag:s28] =	ssyncset.done @!p0 $0x0  }
0x98: {  	[sflag:s28] =	ssyncadd.s32 @!p0 $0xFFFFD900  }
0x99: {  	_ =	sfence.sel $0x180000  }
0x9a: {  	[bflag:$0x0] =	sbarrier.arrive $0xFFFF  }
0x9b: {  	p0 =	sne.s32 s2, $0x0;
	_ =	strace $0x90000047  }
0x9c: {  	s0 =	sadd.s32 @!p0 $0x100000, s0;
	[bflag:$0x2] =	sbarrier.arrive $0xFFFF  }
0x9d: {  	[sflag:s0] =	ssyncadd.tile.s32 @!p0 $0x1;
	_ =	shalt  }
.Lfunc_end2:
_tile_overlayer_lowered:
.L_overlay_start_2:
0x9e: {  	(tag) =	ssettag $0x2  }
0x9f: {  	s0 =	rddreg [dreg:$0x0];
	s2 =	stileid.u32  }
0xa0: {  	s1 =	rddreg [dreg:$0x1];
	p0 =	sne.s32 s2, $0x0  }
0xa1: {  	s3 =	rddreg [dreg:$0x2];
	[bflag:$0x3] =	sbarrier.arrive $0xFFFF;
	s2 =	simm.s32 @!p0 $0x1C03  }
0xa2: {  	[timem:s3], [sflag:s2] =	dma.local @!p0 [hbm:s0], s1  }
0xa3: {  	s0 =	simm.s32 @!p0 $0x3  }
0xa4: {  	_ =	swait.ge @!p0 [sflag:s0], s1  }
0xa5: {  	s1 =	ssub.s32 @!p0 $0x0, s1;
	[sflag:s0] =	ssyncset.done @!p0 $0x0  }
0xa6: {  	[sflag:s0] =	ssyncadd.s32 @!p0 s1  }
0xa7: {  	[bflag:$0x3] =	sbarrier.arrive $0xFFFF  }
0xa8: {  	_ =	shalt  }

// kernel: kernel.16.cloned.1.call-start
scs
__scs_entry_jumppad:
0x0: {  	(pc) =	sbr.rel $0x88, $3  }
0x1: {  	(tag) =	ssettag $0x0;
	lr =	simm.s32 $0x1  }
0x2: {  	[smem:$0x3F7C] =	sst lr;
	_ =	strace $0xD0000000  }
0x3: {  	_ = 	snop  }
0x4: {  	_ = 	snop  }
0x5: {  	_ = 	snop  }
0x6: {  	_ = 	snop  }
0x7: {  	_ = 	snop  }
__scs_overlays_trampoline_lowered:
0x8: {  	[smem:$0x3F8B] =	sst s0  }
0x9: {  	[smem:$0x3F8C] =	sst s1  }
0xa: {  	[smem:$0x3F8D] =	sst s2  }
0xb: {  	[smem:$0x3F8E] =	sst s3  }
0xc: {  	[smem:$0x3F8F] =	sst s4  }
0xd: {  	[smem:$0x3F90] =	sst s5  }
0xe: {  	[smem:$0x3F91] =	sst s6  }
0xf: {  	[smem:$0x3F92] =	sst s7  }
0x10: {  	[smem:$0x3F93] =	sst s8  }
0x11: {  	[smem:$0x3F94] =	sst s9;
	s0 =	simm.s32 @!p0 $0x0  }
0x12: {  	s1 =	sld [smem:$0x3F7A];
	s0 =	simm.s32 @p0 $0x1  }
0x13: {  	[smem:$0x3F95] =	sst s0;
	s0 =	simm.s32 @!p1 $0x0  }
0x14: {  	s2 =	sld [smem:$0x3F79];
	s0 =	simm.s32 @p1 $0x1  }
0x15: {  	[smem:$0x3F96] =	sst s0;
	s0 =	simm.s32 @!p2 $0x0  }
0x16: {  	s3 =	sld [smem:$0x3FDB];
	s0 =	simm.s32 @p2 $0x1  }
0x17: {  	s4 =	simm.s32 $0x1BF5;
	[smem:$0x3F98] =	sst s0  }
0x18: {  	s0 =	sld [smem:$0x3F7B];
	_ =	swait.ge [sflag:s4], $0x0  }
0x19: {  	s7 =	sld [smem:$0x3F7C]  }
0x1a: {  	s8 =	sadd.s32 $0xFFFFE003, lr  }
0x1b: {  	s9 =	sadd.s32 $0xFFFFFEF7, lr;
	s5 =	simm.s32 $0xFFFFFFFF;
	p2 =	slt.u32 s8, $0xFFFFF086  }
0x1c: {  	p1 =	slt.u32 s9, $0xF7A;
	s5 =	simm.s32 @!p2 $0x0  }
0x1d: {  	s5 =	simm.s32 @p1 $0x1;
	p0 =	seq.s32 s7, s2  }
0x1e: {  	s7 =	smul.u32 @!p0 $0xF7A, s2;
	p2 =	seq.s32 @!p0 s5, $0x0  }
0x1f: {  	s9 =	smul.u32 $0xF7A, s1;
	s8 =	simm.s32 @!p0 $0x1BF5;
	p2 =	por !p2, p0  }
0x20: {  	[sflag:s8] =	ssyncset.s32 @!p0 $0xFFFFF086;
	s6 =	sadd.s32 @!p0 s3, s7;
	s7 =	simm.s32 @!p0 $0x108  }
0x21: {  	s3 =	sadd.s32 s3, s9;
	s6 =	sadd.s32 @!p0 $0x88, s6;
	s7 =	simm.s32 @p2 $0x1082  }
0x22: {  	[simem:s7], [sflag:s8] =	dma.local @!p0 [hbm:s6], $0xF7A  }
0x23: {  	s9 =	sor.u32 $0xD0000000, s2;
	s6 =	simm.s32 $0x108;
	_ =	swait.ge @!p0 [sflag:s8], $0x0  }
0x24: {  	s3 =	sadd.s32 $0x88, s3;
	s6 =	simm.s32 @!p1 $0x1082;
	[sflag:s4] =	ssyncset.s32 $0xFFFFF086  }
0x25: {  	[simem:s6], [sflag:s4] =	dma.local [hbm:s3], $0xF7A  }
0x26: {  	[smem:$0x3F7C] =	sst s1;
	(tag) =	ssettag s2;
	_ =	strace s9  }
0x27: {  	s1 =	sld [smem:$0x3F8C]  }
0x28: {  	s2 =	sld [smem:$0x3F8D]  }
0x29: {  	s4 =	sld [smem:$0x3F8F]  }
0x2a: {  	p0 =	seq.s32 s5, $0x0;
	s5 =	sld [smem:$0x3F90]  }
0x2b: {  	s6 =	sld [smem:$0x3F91]  }
0x2c: {  	s7 =	sld [smem:$0x3F92]  }
0x2d: {  	s3 =	simm.s32 $0x108;
	s8 =	sld [smem:$0x3F93]  }
0x2e: {  	s3 =	simm.s32 @!p0 $0x1082;
	s9 =	sld [smem:$0x3F94]  }
0x2f: {  	lr =	sadd.s32 s0, s3;
	s0 =	sld [smem:$0x3F8B]  }
0x30: {  	s3 =	sld [smem:$0x3F8E]  }
0x31: {  	[smem:$0x3F97] =	sst s10  }
0x32: {  	s10 =	sld [smem:$0x3F95];
	_ =	sdelay $0x3  }
0x33: {  	p0 =	seq.s32 s10, $0x1;
	s10 =	sld [smem:$0x3F97];
	_ =	sdelay $0x3  }
0x34: {  	[smem:$0x3F97] =	sst s10  }
0x35: {  	s10 =	sld [smem:$0x3F96];
	_ =	sdelay $0x3  }
0x36: {  	p1 =	seq.s32 s10, $0x1;
	s10 =	sld [smem:$0x3F97];
	_ =	sdelay $0x3  }
0x37: {  	[smem:$0x3F97] =	sst s10  }
0x38: {  	s10 =	sld [smem:$0x3F98]  }
0x39: {  	_ = 	snop;
	(pc) =	sbr.ind lr, $3  }
0x3a: {  	_ = 	snop  }
0x3b: {  	_ = 	snop  }
0x3c: {  	p2 =	seq.s32 s10, $0x1;
	s10 =	sld [smem:$0x3F97]  }
0x3d: {  	_ =	shalt  }
0x3e: {  	_ =	shalt  }
0x3f: {  	_ =	shalt  }
0x40: {  	_ =	shalt  }
0x41: {  	_ =	shalt  }
0x42: {  	_ =	shalt  }
0x43: {  	_ =	shalt  }
0x44: {  	_ =	shalt  }
0x45: {  	_ =	shalt  }
0x46: {  	_ =	shalt  }
0x47: {  	_ =	shalt  }
0x48: {  	_ =	shalt  }
0x49: {  	_ =	shalt  }
0x4a: {  	_ =	shalt  }
0x4b: {  	_ =	shalt  }
0x4c: {  	_ =	shalt  }
0x4d: {  	_ =	shalt  }
0x4e: {  	_ =	shalt  }
0x4f: {  	_ =	shalt  }
0x50: {  	_ =	shalt  }
0x51: {  	_ =	shalt  }
0x52: {  	_ =	shalt  }
0x53: {  	_ =	shalt  }
0x54: {  	_ =	shalt  }
0x55: {  	_ =	shalt  }
0x56: {  	_ =	shalt  }
0x57: {  	_ =	shalt  }
0x58: {  	_ =	shalt  }
0x59: {  	_ =	shalt  }
0x5a: {  	_ =	shalt  }
0x5b: {  	_ =	shalt  }
0x5c: {  	_ =	shalt  }
0x5d: {  	_ =	shalt  }
0x5e: {  	_ =	shalt  }
0x5f: {  	_ =	shalt  }
0x60: {  	_ =	shalt  }
0x61: {  	_ =	shalt  }
0x62: {  	_ =	shalt  }
0x63: {  	_ =	shalt  }
0x64: {  	_ =	shalt  }
0x65: {  	_ =	shalt  }
0x66: {  	_ =	shalt  }
0x67: {  	_ =	shalt  }
0x68: {  	_ =	shalt  }
0x69: {  	_ =	shalt  }
0x6a: {  	_ =	shalt  }
0x6b: {  	_ =	shalt  }
0x6c: {  	_ =	shalt  }
0x6d: {  	_ =	shalt  }
0x6e: {  	_ =	shalt  }
0x6f: {  	_ =	shalt  }
0x70: {  	_ =	shalt  }
0x71: {  	_ =	shalt  }
0x72: {  	_ =	shalt  }
0x73: {  	_ =	shalt  }
0x74: {  	_ =	shalt  }
0x75: {  	_ =	shalt  }
0x76: {  	_ =	shalt  }
0x77: {  	_ =	shalt  }
0x78: {  	_ =	shalt  }
0x79: {  	_ =	shalt  }
0x7a: {  	_ =	shalt  }
0x7b: {  	_ =	shalt  }
0x7c: {  	_ =	shalt  }
0x7d: {  	_ =	shalt  }
0x7e: {  	_ =	shalt  }
0x7f: {  	_ =	shalt  }
0x80: {  	_ =	shalt  }
0x81: {  	_ =	shalt  }
0x82: {  	_ =	shalt  }
0x83: {  	_ =	shalt  }
0x84: {  	_ =	shalt  }
0x85: {  	_ =	shalt  }
0x86: {  	_ =	shalt  }
0x87: {  	_ =	shalt  }
.Lfunc_end0:
.L_simem_size_0:
called_computation.1_lowered:
.L_overlay_start_0:
0x88: {  	s2 =	sld [smem:$0x3FD9]  }
0x89: {  	s3 =	sld [smem:$0x3FFE];
	_ =	sdelay $0x1  }
0x8a: {  	s1 =	srdreg.scid  }
0x8b: {  	s0 =	sand.u32 $0x1, s1  }
0x8c: {  	s16 =	sshll.u32 s0, $0xA;
	s2 =	sadd.s32 s3, s2  }
0x8d: {  	s2 =	sadd.s32 s2, s16  }
0x8e: {  	[smem:$0x3FA3] =	sst s2  }
0x8f: {  	_ = 	snop  }
0x90: {  	(tm) =	ssettm $0x1  }
0x91: {  	s17 =	sld [smem:$0x3FFB];
	_ =	sdelay $0x3  }
0x92: {  	_ =	strace s17  }
0x93: {  	s2 =	sld [smem:$0x3FFC];
	_ =	sdelay $0x3  }
0x94: {  	_ =	strace s2  }
0x95: {  	s2 =	sld [smem:$0x3FFD];
	_ =	sdelay $0x3  }
0x96: {  	_ =	strace s2  }
0x97: {  	_ =	strace $0x8FFFFFFF  }
0x98: {  	s18 =	sld [smem:$0x3FDB];
	_ =	sdelay $0x1  }
0x99: {  	s19 =	simm.s32 $_scs_section_size  }
0x9a: {  	s4 =	simm.s32 $_size__tile_overlayer_lowered;
	s5 =	simm.s32 $_tile_overlayer_lowered  }
0x9b: {  	s22 =	simm.s32 $0x1BFF;
	s21 =	sshll.u32 s5, $0x1;
	s2 =	sadd.s32 s19, s18  }
0x9c: {  	s6 =	simm.s32 $0x0;
	s20 =	sshll.u32 s4, $0x1;
	s4 =	sadd.s32 s21, s2  }
0x9d: {  	[timem:s6], [sflag:s22] =	dma.local [hbm:s4], s20  }
0x9e: {  	_ =	swait.ge [sflag:s22], s20  }
0x9f: {  	s3 =	ssub.s32 $0x0, s20;
	[sflag:s22] =	ssyncset.done $0x0  }
0xa0: {  	[sflag:s22] =	ssyncadd.s32 s3;
	_ =	sdelay $0x1  }
0xa1: {  	s23 =	simm.s32 $0x1B8B  }
0xa2: {  	_ =	swait.ge [sflag:s23], $0x1  }
0xa3: {  	[sflag:s23] =	ssyncset.done $0x0  }
0xa4: {  	s25 =	simm.s32 $0x1B8E;
	s24 =	sld [smem:$0x3FFE];
	[sflag:s23] =	ssyncadd.s32 $0xFFFFFFFF  }
0xa5: {  	s26 =	simm.s32 $execute0_lowered;
	[smem:$0x3FD2] =	sst s25  }
0xa6: {  	s4 =	sshll.u32 s26, $0x1;
	_ =	strace $0x80000049;
	[dreg:$0x1] =	wrdreg $0xFFFFFFFF  }
0xa7: {  	s28 =	simm.s32 $_size_execute0_lowered;
	s2 =	sadd.s32 s2, s4;
	[dreg:$0x0] =	wrdreg $0x0  }
0xa8: {  	s4 =	sshll.u32 s28, $0x1;
	[dreg:$0x2] =	wrdreg s2  }
0xa9: {  	[dreg:$0x3] =	wrdreg s4  }
0xaa: {  	[dreg:$0x4] =	wrdreg $0xC0  }
0xab: {  	_ =	task [dreg:s6], $0x5FFFF  }
0xac: {  	[dreg:$0x1] =	wrdreg $0xFFFFFFFF  }
0xad: {  	[dreg:$0x0] =	wrdreg $0x60  }
0xae: {  	[dreg:$0x2] =	wrdreg s24  }
0xaf: {  	[dreg:$0x3] =	wrdreg $0xA8000  }
0xb0: {  	[dreg:$0x4] =	wrdreg $0x9  }
0xb1: {  	_ =	task.clear_ibuf [dreg:s6], $0x5FFFF;
	_ =	strace $0x90000049  }
0xb2: {  	s29 =	simm.s32 $0x9;
	_ =	strace $0x8000004B  }
0xb3: {  	_ =	swait.ge [sflag:s29], $0x1  }
0xb4: {  	[sflag:s29] =	ssyncadd.s32 $0xFFFFFFFF  }
0xb5: {  	_ =	strace $0x9000004B  }
0xb6: {  	_ =	sfence  }
0xb7: {  	s30 =	sld [smem:$0x0];
	_ =	sdelay $0x2  }
0xb8: {  	s31 =	sshll.u32 s1, $0xD;
	s1 =	sshrl.u32 s1, $0x2  }
0xb9: {  	s3 =	sand.u32 $0x4000, s31;
	s1 =	sadd.s32 s1, s30  }
0xba: {  	s0 =	sor.u32 s3, s0;
	s1 =	sshll.u32 s1, $0x11  }
0xbb: {  	s0 =	sor.u32 s1, s0  }
0xbc: {  	s0 =	sadd.s32 $0x8F2B, s0  }
0xbd: {  	[sflag:s0] =	ssyncadd.remote.s32 $0x1  }
0xbe: {  	_ =	sfence.sel $0xFFFF  }
0xbf: {  	[dreg:$0x0] =	wrdreg $0xFFFFFFFF;
	(pc) =	sbr.abs _section_cstart, $3  }
0xc0: {  	[dreg:$0x1] =	wrdreg $0xFFFFFFFF  }
0xc1: {  	_ =	task.clear_ibuf [dreg:s6], $0x2FFFF;
	_ =	strace $0x9FFFFFFF  }
0xc2: {  	(tm) =	ssettm $0x7FFFFFFF  }
0xc3: {  	_ =	shalt  }
tec
execute0_lowered:
.L_overlay_start_1:
0x0: {  	(tag) =	ssettag $0x1  }
0x1: {  	s5 =	rddreg [dreg:$0x0]  }
0x2: {  	s2 =	rddreg [dreg:$0x1]  }
0x3: {  	s0 =	rddreg [dreg:$0x2]  }
0x4: {  	s3 =	simm.s32 $0x0;
	s1 =	stileid.u32;
	s7 =	srdreg.scid  }
0x5: {  	s18 =	simm.s32 $0x2800;
	s19 =	simm.s32 $0x6800;
	s20 =	simm.s32 $0x1  }
0x6: {  	s21 =	simm.s32 $0x2;
	s22 =	simm.s32 $0x2700;
	s23 =	simm.s32 $0x2780  }
0x7: {  	[smem:$0x7FF] =	sst s3;
	s4 =	sadd.s32 $0x42C00, s5;
	s6 =	smul.u32 $0x2780, s1  }
0x8: {  	s9 =	sadd.s32 $0x11400, s5;
	s10 =	sadd.s32 $0x7400, s5;
	s8 =	smul.u32 $0x4F000, s1  }
0x9: {  	s7 =	sand.u32 $0x1, s7;
	s12 =	sadd.s32 $0x69E00, s5;
	s16 =	smul.u32 $0x13800, s1  }
0xa: {  	s26 =	sshll.u32 s1, $0x6;
	s17 =	smul.u32 $0x4E000, s1;
	p0 =	seq.s32 s1, $0xF  }
0xb: {  	_ =	strace $0x8000004A;
	s24 =	ssub.s32 $0x2, s7;
	s11 =	sshll.u32 s7, $0x4  }
0xc: {  	s28 =	smul.u32 $0x138800, s7;
	s6 =	sadd.s32 s6, s5;
	s13 =	sshrl.u32 s24, $0x1  }
0xd: {  	s8 =	sshrl.u32 s8, $0x2;
	s11 =	sor.u32 s1, s11;
	s31 =	sshrl.u32 s17, $0x2  }
0xe: {  	s17 =	simm.s32 $0x80;
	s13 =	ssub.s32 s24, s13;
	s14 =	sadd.s32 s8, s2  }
0xf: {  	s25 =	smul.u32 $0x2800, s11;
	s5 =	sadd.s32 $0x1B400, s6;
	s6 =	sor.u32 $0x1C03, s26  }
0x10: {  	s16 =	sadd.s32 s16, s28;
	s30 =	sshrl.u32 s28, $0x3;
	s24 =	sadd.s32 $0x124800, s2  }
0x11: {  	s26 =	simm.s32 $0x0;
	s29 =	sshrl.u32 s16, $0x3;
	s13 =	smax.u32 s13, $0x1  }
0x12: {  	s14 =	sshrl.u32 s14, $0x3;
	s16 =	simm.s32 $0x1400;
	s24 =	sshrl.u32 @p0 s24, $0x3  }
0x13: {  	s15 =	sshrl.u32 s25, $0x3;
	s11 =	sadd.s32 s12, s29;
	s12 =	sadd.s32 s12, s30  }
0x14: {  	s25 =	sadd.s32 s31, s2;
	s7 =	sadd.s32 s9, s15;
	s8 =	sadd.s32 s10, s15  }
0x15: {  	s15 =	sadd.s32 $0x280, s15;
	s12 =	sadd.s32 $0x24900, s12;
	s25 =	sshrl.u32 @!p0 s25, $0x3  }
0x16: {  	s9 =	sadd.s32 s9, s15;
	s10 =	sadd.s32 s10, s15;
	s15 =	simm.s32 $0x3  }
.LBB2_1:
0x17: {  	[spmem:s14], [sflag:s6] =	dma.local [hbm:s5], $0x2780  }
0x18: {  	_ =	swait.ge [sflag:s15], $0x2780  }
0x19: {  	[sflag:s15] =	ssyncset.done $0x0  }
0x1a: {  	[sflag:s15] =	ssyncadd.s32 $0xFFFFD880  }
0x1b: {  	[bflag:$0x0] =	sbarrier.arrive $0xFFFF  }
0x1c: {  	[tilespmem:s3], [sflag:$0x3] =	stream.linear.gather [hbm4b:s7+s3], $0x1400, $0x38;
	[tilespmem:$0x1E400] =	vst v63  }
0x1d: {  	_ =	swait.ge [sflag:s15], $0x1400  }
0x1e: {  	[sflag:s15] =	ssyncset.done $0x0  }
0x1f: {  	[sflag:s15] =	ssyncadd.s32 $0xFFFFEC00  }
0x20: {  	[tilespmem:s16], [sflag:$0x3] =	stream.linear.gather [hbm4b:s8+s3], $0x1400, $0x38;
	[tilespmem:$0x1E400] =	vst v63  }
0x21: {  	_ =	swait.ge [sflag:s15], $0x1400  }
0x22: {  	[sflag:s15] =	ssyncset.done $0x0  }
0x23: {  	[sflag:s15] =	ssyncadd.s32 $0xFFFFEC00  }
0x24: {  	[tilespmem:s18], [sflag:$0x1] =	stream.indirect.gather [hbm4b:s4+s17], $0x80, s3, s17, $0xb8;
	[tilespmem:$0x1E400] =	vst v63  }
0x25: {  	_ = 	snop  }
0x26: {  	[tilespmem:s19], [sflag:$0x2] =	stream.indirect.gather [hbm4b:s4+s17], $0x80, s17, s17, $0xb8;
	[tilespmem:$0x1E400] =	vst v63  }
0x27: {  	_ =	swait.ge [sflag:s20], $0x4000  }
0x28: {  	[sflag:s20] =	ssyncset.done $0x0  }
0x29: {  	s28 =	simm.s32 $0x1400;
	[sflag:s20] =	ssyncadd.s32 $0xFFFFC000  }
0x2a: {  	[spmem:s2] =	stream.indirect.scatter.add.f32 [tilespmem:s18], [sflag:$0x3], $0x80, s28, s17, $0xb8;
	[tilespmem:$0x1E400] =	vst v63  }
0x2b: {  	_ =	swait.ge [sflag:s15], $0x4000  }
0x2c: {  	[sflag:s15] =	ssyncset.done $0x0  }
0x2d: {  	s28 =	simm.s32 $0x100;
	[sflag:s15] =	ssyncadd.s32 $0xFFFFC000  }
0x2e: {  	[tilespmem:s18], [sflag:$0x1] =	stream.indirect.gather [hbm4b:s4+s17], $0x80, s28, s17, $0xb8;
	[tilespmem:$0x1E400] =	vst v63  }
0x2f: {  	_ =	swait.ge [sflag:s21], $0x4000  }
0x30: {  	[sflag:s21] =	ssyncset.done $0x0  }
0x31: {  	s28 =	simm.s32 $0x1480;
	[sflag:s21] =	ssyncadd.s32 $0xFFFFC000  }
0x32: {  	[spmem:s2] =	stream.indirect.scatter.add.f32 [tilespmem:s19], [sflag:$0x3], $0x80, s28, s17, $0xb8;
	[tilespmem:$0x1E400] =	vst v63  }
0x33: {  	_ =	swait.ge [sflag:s15], $0x4000  }
0x34: {  	[sflag:s15] =	ssyncset.done $0x0  }
0x35: {  	s29 =	simm.s32 $0x180;
	s28 =	simm.s32 $0x400;
	[sflag:s15] =	ssyncadd.s32 $0xFFFFC000  }
.LBB2_2:
0x36: {  	[tilespmem:s19], [sflag:$0x2] =	stream.indirect.gather [hbm4b:s4+s17], $0x80, s29, s17, $0xb8;
	[tilespmem:$0x1E400] =	vst v63  }
0x37: {  	s29 =	smov.u32 s28  }
0x38: {  	p1 =	sne.s32 s28, $0x4800;
	s28 =	sadd.s32 $0x400, s28;
	_ =	swait.ge [sflag:s20], $0x4000  }
0x39: {  	s29 =	sshra.s32 s29, $0x2;
	[sflag:s20] =	ssyncset.done $0x0  }
0x3a: {  	s30 =	sadd.s32 $0x1400, s29;
	[sflag:s20] =	ssyncadd.s32 $0xFFFFC000  }
0x3b: {  	[spmem:s2] =	stream.indirect.scatter.add.f32 [tilespmem:s18], [sflag:$0x3], $0x80, s30, s17, $0xb8;
	[tilespmem:$0x1E400] =	vst v63  }
0x3c: {  	_ =	swait.ge [sflag:s15], $0x4000  }
0x3d: {  	[sflag:s15] =	ssyncset.done $0x0  }
0x3e: {  	s30 =	sadd.s32 $0x100, s29;
	[sflag:s15] =	ssyncadd.s32 $0xFFFFC000  }
0x3f: {  	[tilespmem:s18], [sflag:$0x1] =	stream.indirect.gather [hbm4b:s4+s17], $0x80, s30, s17, $0xb8;
	[tilespmem:$0x1E400] =	vst v63  }
0x40: {  	_ =	swait.ge [sflag:s21], $0x4000  }
0x41: {  	[sflag:s21] =	ssyncset.done $0x0  }
.Ltmp0:
0x42: {  	s30 =	sadd.s32 $0x1480, s29;
	[sflag:s21] =	ssyncadd.s32 $0xFFFFC000;
	(pc) =	sbr.rel @p1 .LBB2_2-.Ltmp0, $4  }
0x43: {  	[spmem:s2] =	stream.indirect.scatter.add.f32 [tilespmem:s19], [sflag:$0x3], $0x80, s30, s17, $0xb8;
	[tilespmem:$0x1E400] =	vst v63  }
0x44: {  	_ =	swait.ge [sflag:s15], $0x4000  }
0x45: {  	[sflag:s15] =	ssyncset.done $0x0  }
0x46: {  	s29 =	sadd.s32 $0x180, s29;
	[sflag:s15] =	ssyncadd.s32 $0xFFFFC000  }
0x47: {  	[tilespmem:s19], [sflag:$0x2] =	stream.indirect.gather [hbm4b:s4+s17], $0x80, s29, s17, $0xb8;
	[tilespmem:$0x1E400] =	vst v63  }
0x48: {  	_ =	swait.ge [sflag:s20], $0x4000  }
0x49: {  	[sflag:s20] =	ssyncset.done $0x0  }
0x4a: {  	[sflag:s20] =	ssyncadd.s32 $0xFFFFC000  }
0x4b: {  	[spmem:s2] =	stream.indirect.scatter.add.f32 [tilespmem:s18], [sflag:$0x3], $0x80, s22, s17, $0xb8;
	[tilespmem:$0x1E400] =	vst v63  }
0x4c: {  	_ =	swait.ge [sflag:s15], $0x4000  }
0x4d: {  	[sflag:s15] =	ssyncset.done $0x0  }
0x4e: {  	[sflag:s15] =	ssyncadd.s32 $0xFFFFC000  }
0x4f: {  	_ =	swait.ge [sflag:s21], $0x4000  }
0x50: {  	[sflag:s21] =	ssyncset.done $0x0  }
0x51: {  	[sflag:s21] =	ssyncadd.s32 $0xFFFFC000  }
0x52: {  	[spmem:s2] =	stream.indirect.scatter.add.f32 [tilespmem:s19], [sflag:$0x3], $0x80, s23, s17, $0xb8;
	[tilespmem:$0x1E400] =	vst v63  }
0x53: {  	_ =	swait.ge [sflag:s15], $0x4000  }
0x54: {  	[sflag:s15] =	ssyncset.done $0x0  }
0x55: {  	s28 =	simm.s32 $0x0;
	[sflag:s15] =	ssyncadd.s32 $0xFFFFC000  }
0x56: {  	[tilespmem:s28], [sflag:$0x3] =	stream.linear.gather [hbm4b:s9+s28], $0x1400, $0x38;
	[tilespmem:$0x1E400] =	vst v63  }
0x57: {  	_ =	swait.ge [sflag:s15], $0x1400  }
0x58: {  	[sflag:s15] =	ssyncset.done $0x0  }
0x59: {  	[sflag:s15] =	ssyncadd.s32 $0xFFFFEC00  }
0x5a: {  	[tilespmem:s16], [sflag:$0x3] =	stream.linear.gather [hbm4b:s10+s28], $0x1400, $0x38;
	[tilespmem:$0x1E400] =	vst v63  }
0x5b: {  	_ =	swait.ge [sflag:s15], $0x1400  }
0x5c: {  	[sflag:s15] =	ssyncset.done $0x0  }
0x5d: {  	[sflag:s15] =	ssyncadd.s32 $0xFFFFEC00  }
0x5e: {  	[tilespmem:s18], [sflag:$0x1] =	stream.indirect.gather [hbm4b:s4+s17], $0x80, s28, s17, $0xb8;
	[tilespmem:$0x1E400] =	vst v63  }
0x5f: {  	_ = 	snop  }
0x60: {  	[tilespmem:s19], [sflag:$0x2] =	stream.indirect.gather [hbm4b:s4+s17], $0x80, s17, s17, $0xb8;
	[tilespmem:$0x1E400] =	vst v63  }
0x61: {  	_ =	swait.ge [sflag:s20], $0x4000  }
0x62: {  	[sflag:s20] =	ssyncset.done $0x0  }
0x63: {  	s28 =	simm.s32 $0x1400;
	[sflag:s20] =	ssyncadd.s32 $0xFFFFC000  }
0x64: {  	[spmem:s2] =	stream.indirect.scatter.add.f32 [tilespmem:s18], [sflag:$0x3], $0x80, s28, s17, $0xb8;
	[tilespmem:$0x1E400] =	vst v63  }
0x65: {  	_ =	swait.ge [sflag:s15], $0x4000  }
0x66: {  	[sflag:s15] =	ssyncset.done $0x0  }
0x67: {  	s28 =	simm.s32 $0x100;
	[sflag:s15] =	ssyncadd.s32 $0xFFFFC000  }
0x68: {  	[tilespmem:s18], [sflag:$0x1] =	stream.indirect.gather [hbm4b:s4+s17], $0x80, s28, s17, $0xb8;
	[tilespmem:$0x1E400] =	vst v63  }
0x69: {  	_ =	swait.ge [sflag:s21], $0x4000  }
0x6a: {  	[sflag:s21] =	ssyncset.done $0x0  }
0x6b: {  	s28 =	simm.s32 $0x1480;
	[sflag:s21] =	ssyncadd.s32 $0xFFFFC000  }
0x6c: {  	[spmem:s2] =	stream.indirect.scatter.add.f32 [tilespmem:s19], [sflag:$0x3], $0x80, s28, s17, $0xb8;
	[tilespmem:$0x1E400] =	vst v63  }
0x6d: {  	_ =	swait.ge [sflag:s15], $0x4000  }
0x6e: {  	[sflag:s15] =	ssyncset.done $0x0  }
0x6f: {  	s29 =	simm.s32 $0x180;
	s28 =	simm.s32 $0x400;
	[sflag:s15] =	ssyncadd.s32 $0xFFFFC000  }
.LBB2_4:
0x70: {  	[tilespmem:s19], [sflag:$0x2] =	stream.indirect.gather [hbm4b:s4+s17], $0x80, s29, s17, $0xb8;
	[tilespmem:$0x1E400] =	vst v63  }
0x71: {  	s29 =	smov.u32 s28  }
0x72: {  	p1 =	sne.s32 s28, $0x4800;
	s28 =	sadd.s32 $0x400, s28;
	_ =	swait.ge [sflag:s20], $0x4000  }
0x73: {  	s29 =	sshra.s32 s29, $0x2;
	[sflag:s20] =	ssyncset.done $0x0  }
0x74: {  	s30 =	sadd.s32 $0x1400, s29;
	[sflag:s20] =	ssyncadd.s32 $0xFFFFC000  }
0x75: {  	[spmem:s2] =	stream.indirect.scatter.add.f32 [tilespmem:s18], [sflag:$0x3], $0x80, s30, s17, $0xb8;
	[tilespmem:$0x1E400] =	vst v63  }
0x76: {  	_ =	swait.ge [sflag:s15], $0x4000  }
0x77: {  	[sflag:s15] =	ssyncset.done $0x0  }
0x78: {  	s30 =	sadd.s32 $0x100, s29;
	[sflag:s15] =	ssyncadd.s32 $0xFFFFC000  }
0x79: {  	[tilespmem:s18], [sflag:$0x1] =	stream.indirect.gather [hbm4b:s4+s17], $0x80, s30, s17, $0xb8;
	[tilespmem:$0x1E400] =	vst v63  }
0x7a: {  	_ =	swait.ge [sflag:s21], $0x4000  }
0x7b: {  	[sflag:s21] =	ssyncset.done $0x0  }
.Ltmp1:
0x7c: {  	s30 =	sadd.s32 $0x1480, s29;
	[sflag:s21] =	ssyncadd.s32 $0xFFFFC000;
	(pc) =	sbr.rel @p1 .LBB2_4-.Ltmp1, $4  }
0x7d: {  	[spmem:s2] =	stream.indirect.scatter.add.f32 [tilespmem:s19], [sflag:$0x3], $0x80, s30, s17, $0xb8;
	[tilespmem:$0x1E400] =	vst v63  }
0x7e: {  	_ =	swait.ge [sflag:s15], $0x4000  }
0x7f: {  	[sflag:s15] =	ssyncset.done $0x0  }
0x80: {  	s29 =	sadd.s32 $0x180, s29;
	[sflag:s15] =	ssyncadd.s32 $0xFFFFC000  }
0x81: {  	[tilespmem:s19], [sflag:$0x2] =	stream.indirect.gather [hbm4b:s4+s17], $0x80, s29, s17, $0xb8;
	[tilespmem:$0x1E400] =	vst v63  }
0x82: {  	_ =	swait.ge [sflag:s20], $0x4000  }
0x83: {  	[sflag:s20] =	ssyncset.done $0x0  }
0x84: {  	[sflag:s20] =	ssyncadd.s32 $0xFFFFC000  }
0x85: {  	[spmem:s2] =	stream.indirect.scatter.add.f32 [tilespmem:s18], [sflag:$0x3], $0x80, s22, s17, $0xb8;
	[tilespmem:$0x1E400] =	vst v63  }
0x86: {  	_ =	swait.ge [sflag:s15], $0x4000  }
0x87: {  	[sflag:s15] =	ssyncset.done $0x0  }
0x88: {  	[sflag:s15] =	ssyncadd.s32 $0xFFFFC000  }
0x89: {  	_ =	swait.ge [sflag:s21], $0x4000  }
0x8a: {  	[sflag:s21] =	ssyncset.done $0x0  }
0x8b: {  	[sflag:s21] =	ssyncadd.s32 $0xFFFFC000  }
0x8c: {  	[spmem:s2] =	stream.indirect.scatter.add.f32 [tilespmem:s19], [sflag:$0x3], $0x80, s23, s17, $0xb8;
	[tilespmem:$0x1E400] =	vst v63  }
0x8d: {  	_ =	swait.ge [sflag:s15], $0x4000  }
0x8e: {  	[sflag:s15] =	ssyncset.done $0x0  }
0x8f: {  	[sflag:s15] =	ssyncadd.s32 $0xFFFFC000  }
0x90: {  	s28 =	simm.s32 @p0 $0x3;
	[bflag:$0x0] =	sbarrier.arrive $0xFFFF  }
0x91: {  	[hbm:s12], [sflag:s6] =	dma.local @p0 [spmem:s24], $0x2800  }
0x92: {  	s26 =	sadd.s32 $0x1, s26;
	_ =	swait.ge @p0 [sflag:s28], $0x2800  }
0x93: {  	p1 =	sne.s32 s26, s13;
	[sflag:s28] =	ssyncset.done @p0 $0x0  }
.Ltmp2:
0x94: {  	[sflag:s28] =	ssyncadd.s32 @p0 $0xFFFFD800;
	s28 =	simm.s32 @!p0 $0x3;
	(pc) =	sbr.rel @p1 .LBB2_1-.Ltmp2, $4  }
0x95: {  	[hbm:s11], [sflag:s6] =	dma.local @!p0 [spmem:s25], $0x2700  }
0x96: {  	_ =	swait.ge @!p0 [sflag:s28], $0x2700  }
0x97: {  	[sflag:s28] =	ssyncset.done @!p0 $0x0  }
0x98: {  	[sflag:s28] =	ssyncadd.s32 @!p0 $0xFFFFD900  }
0x99: {  	_ =	sfence.sel $0x180000  }
0x9a: {  	[bflag:$0x0] =	sbarrier.arrive $0xFFFF  }
0x9b: {  	p0 =	sne.s32 s1, $0x0;
	_ =	strace $0x9000004A  }
0x9c: {  	s0 =	sadd.s32 @!p0 $0x100000, s0;
	[bflag:$0x2] =	sbarrier.arrive $0xFFFF  }
0x9d: {  	[sflag:s0] =	ssyncadd.tile.s32 @!p0 $0x1;
	_ =	shalt  }
.Lfunc_end2:
_tile_overlayer_lowered:
.L_overlay_start_2:
0x9e: {  	(tag) =	ssettag $0x2  }
0x9f: {  	s0 =	rddreg [dreg:$0x0];
	s2 =	stileid.u32  }
0xa0: {  	s1 =	rddreg [dreg:$0x1];
	p0 =	sne.s32 s2, $0x0  }
0xa1: {  	s3 =	rddreg [dreg:$0x2];
	[bflag:$0x3] =	sbarrier.arrive $0xFFFF;
	s2 =	simm.s32 @!p0 $0x1C03  }
0xa2: {  	[timem:s3], [sflag:s2] =	dma.local @!p0 [hbm:s0], s1  }
0xa3: {  	s0 =	simm.s32 @!p0 $0x3  }
0xa4: {  	_ =	swait.ge @!p0 [sflag:s0], s1  }
0xa5: {  	s1 =	ssub.s32 @!p0 $0x0, s1;
	[sflag:s0] =	ssyncset.done @!p0 $0x0  }
0xa6: {  	[sflag:s0] =	ssyncadd.s32 @!p0 s1  }
0xa7: {  	[bflag:$0x3] =	sbarrier.arrive $0xFFFF  }
0xa8: {  	_ =	shalt  }

// kernel: kernel.19.cloned.1.call-start
scs
__scs_entry_jumppad:
0x0: {  	(pc) =	sbr.rel $0x88, $3  }
0x1: {  	(tag) =	ssettag $0x0;
	lr =	simm.s32 $0x1  }
0x2: {  	[smem:$0x3F7C] =	sst lr;
	_ =	strace $0xD0000000  }
0x3: {  	_ = 	snop  }
0x4: {  	_ = 	snop  }
0x5: {  	_ = 	snop  }
0x6: {  	_ = 	snop  }
0x7: {  	_ = 	snop  }
__scs_overlays_trampoline_lowered:
0x8: {  	[smem:$0x3F8B] =	sst s0  }
0x9: {  	[smem:$0x3F8C] =	sst s1  }
0xa: {  	[smem:$0x3F8D] =	sst s2  }
0xb: {  	[smem:$0x3F8E] =	sst s3  }
0xc: {  	[smem:$0x3F8F] =	sst s4  }
0xd: {  	[smem:$0x3F90] =	sst s5  }
0xe: {  	[smem:$0x3F91] =	sst s6  }
0xf: {  	[smem:$0x3F92] =	sst s7  }
0x10: {  	[smem:$0x3F93] =	sst s8  }
0x11: {  	[smem:$0x3F94] =	sst s9;
	s0 =	simm.s32 @!p0 $0x0  }
0x12: {  	s1 =	sld [smem:$0x3F7A];
	s0 =	simm.s32 @p0 $0x1  }
0x13: {  	[smem:$0x3F95] =	sst s0;
	s0 =	simm.s32 @!p1 $0x0  }
0x14: {  	s2 =	sld [smem:$0x3F79];
	s0 =	simm.s32 @p1 $0x1  }
0x15: {  	[smem:$0x3F96] =	sst s0;
	s0 =	simm.s32 @!p2 $0x0  }
0x16: {  	s3 =	sld [smem:$0x3FDB];
	s0 =	simm.s32 @p2 $0x1  }
0x17: {  	s4 =	simm.s32 $0x1BF5;
	[smem:$0x3F98] =	sst s0  }
0x18: {  	s0 =	sld [smem:$0x3F7B];
	_ =	swait.ge [sflag:s4], $0x0  }
0x19: {  	s7 =	sld [smem:$0x3F7C]  }
0x1a: {  	s8 =	sadd.s32 $0xFFFFE003, lr  }
0x1b: {  	s9 =	sadd.s32 $0xFFFFFEF7, lr;
	s5 =	simm.s32 $0xFFFFFFFF;
	p2 =	slt.u32 s8, $0xFFFFF086  }
0x1c: {  	p1 =	slt.u32 s9, $0xF7A;
	s5 =	simm.s32 @!p2 $0x0  }
0x1d: {  	s5 =	simm.s32 @p1 $0x1;
	p0 =	seq.s32 s7, s2  }
0x1e: {  	s7 =	smul.u32 @!p0 $0xF7A, s2;
	p2 =	seq.s32 @!p0 s5, $0x0  }
0x1f: {  	s9 =	smul.u32 $0xF7A, s1;
	s8 =	simm.s32 @!p0 $0x1BF5;
	p2 =	por !p2, p0  }
0x20: {  	[sflag:s8] =	ssyncset.s32 @!p0 $0xFFFFF086;
	s6 =	sadd.s32 @!p0 s3, s7;
	s7 =	simm.s32 @!p0 $0x108  }
0x21: {  	s3 =	sadd.s32 s3, s9;
	s6 =	sadd.s32 @!p0 $0x88, s6;
	s7 =	simm.s32 @p2 $0x1082  }
0x22: {  	[simem:s7], [sflag:s8] =	dma.local @!p0 [hbm:s6], $0xF7A  }
0x23: {  	s9 =	sor.u32 $0xD0000000, s2;
	s6 =	simm.s32 $0x108;
	_ =	swait.ge @!p0 [sflag:s8], $0x0  }
0x24: {  	s3 =	sadd.s32 $0x88, s3;
	s6 =	simm.s32 @!p1 $0x1082;
	[sflag:s4] =	ssyncset.s32 $0xFFFFF086  }
0x25: {  	[simem:s6], [sflag:s4] =	dma.local [hbm:s3], $0xF7A  }
0x26: {  	[smem:$0x3F7C] =	sst s1;
	(tag) =	ssettag s2;
	_ =	strace s9  }
0x27: {  	s1 =	sld [smem:$0x3F8C]  }
0x28: {  	s2 =	sld [smem:$0x3F8D]  }
0x29: {  	s4 =	sld [smem:$0x3F8F]  }
0x2a: {  	p0 =	seq.s32 s5, $0x0;
	s5 =	sld [smem:$0x3F90]  }
0x2b: {  	s6 =	sld [smem:$0x3F91]  }
0x2c: {  	s7 =	sld [smem:$0x3F92]  }
0x2d: {  	s3 =	simm.s32 $0x108;
	s8 =	sld [smem:$0x3F93]  }
0x2e: {  	s3 =	simm.s32 @!p0 $0x1082;
	s9 =	sld [smem:$0x3F94]  }
0x2f: {  	lr =	sadd.s32 s0, s3;
	s0 =	sld [smem:$0x3F8B]  }
0x30: {  	s3 =	sld [smem:$0x3F8E]  }
0x31: {  	[smem:$0x3F97] =	sst s10  }
0x32: {  	s10 =	sld [smem:$0x3F95];
	_ =	sdelay $0x3  }
0x33: {  	p0 =	seq.s32 s10, $0x1;
	s10 =	sld [smem:$0x3F97];
	_ =	sdelay $0x3  }
0x34: {  	[smem:$0x3F97] =	sst s10  }
0x35: {  	s10 =	sld [smem:$0x3F96];
	_ =	sdelay $0x3  }
0x36: {  	p1 =	seq.s32 s10, $0x1;
	s10 =	sld [smem:$0x3F97];
	_ =	sdelay $0x3  }
0x37: {  	[smem:$0x3F97] =	sst s10  }
0x38: {  	s10 =	sld [smem:$0x3F98]  }
0x39: {  	_ = 	snop;
	(pc) =	sbr.ind lr, $3  }
0x3a: {  	_ = 	snop  }
0x3b: {  	_ = 	snop  }
0x3c: {  	p2 =	seq.s32 s10, $0x1;
	s10 =	sld [smem:$0x3F97]  }
0x3d: {  	_ =	shalt  }
0x3e: {  	_ =	shalt  }
0x3f: {  	_ =	shalt  }
0x40: {  	_ =	shalt  }
0x41: {  	_ =	shalt  }
0x42: {  	_ =	shalt  }
0x43: {  	_ =	shalt  }
0x44: {  	_ =	shalt  }
0x45: {  	_ =	shalt  }
0x46: {  	_ =	shalt  }
0x47: {  	_ =	shalt  }
0x48: {  	_ =	shalt  }
0x49: {  	_ =	shalt  }
0x4a: {  	_ =	shalt  }
0x4b: {  	_ =	shalt  }
0x4c: {  	_ =	shalt  }
0x4d: {  	_ =	shalt  }
0x4e: {  	_ =	shalt  }
0x4f: {  	_ =	shalt  }
0x50: {  	_ =	shalt  }
0x51: {  	_ =	shalt  }
0x52: {  	_ =	shalt  }
0x53: {  	_ =	shalt  }
0x54: {  	_ =	shalt  }
0x55: {  	_ =	shalt  }
0x56: {  	_ =	shalt  }
0x57: {  	_ =	shalt  }
0x58: {  	_ =	shalt  }
0x59: {  	_ =	shalt  }
0x5a: {  	_ =	shalt  }
0x5b: {  	_ =	shalt  }
0x5c: {  	_ =	shalt  }
0x5d: {  	_ =	shalt  }
0x5e: {  	_ =	shalt  }
0x5f: {  	_ =	shalt  }
0x60: {  	_ =	shalt  }
0x61: {  	_ =	shalt  }
0x62: {  	_ =	shalt  }
0x63: {  	_ =	shalt  }
0x64: {  	_ =	shalt  }
0x65: {  	_ =	shalt  }
0x66: {  	_ =	shalt  }
0x67: {  	_ =	shalt  }
0x68: {  	_ =	shalt  }
0x69: {  	_ =	shalt  }
0x6a: {  	_ =	shalt  }
0x6b: {  	_ =	shalt  }
0x6c: {  	_ =	shalt  }
0x6d: {  	_ =	shalt  }
0x6e: {  	_ =	shalt  }
0x6f: {  	_ =	shalt  }
0x70: {  	_ =	shalt  }
0x71: {  	_ =	shalt  }
0x72: {  	_ =	shalt  }
0x73: {  	_ =	shalt  }
0x74: {  	_ =	shalt  }
0x75: {  	_ =	shalt  }
0x76: {  	_ =	shalt  }
0x77: {  	_ =	shalt  }
0x78: {  	_ =	shalt  }
0x79: {  	_ =	shalt  }
0x7a: {  	_ =	shalt  }
0x7b: {  	_ =	shalt  }
0x7c: {  	_ =	shalt  }
0x7d: {  	_ =	shalt  }
0x7e: {  	_ =	shalt  }
0x7f: {  	_ =	shalt  }
0x80: {  	_ =	shalt  }
0x81: {  	_ =	shalt  }
0x82: {  	_ =	shalt  }
0x83: {  	_ =	shalt  }
0x84: {  	_ =	shalt  }
0x85: {  	_ =	shalt  }
0x86: {  	_ =	shalt  }
0x87: {  	_ =	shalt  }
.Lfunc_end0:
.L_simem_size_0:
called_computation.2_lowered:
.L_overlay_start_0:
0x88: {  	s2 =	sld [smem:$0x3FD9]  }
0x89: {  	s3 =	sld [smem:$0x3FFE];
	_ =	sdelay $0x1  }
0x8a: {  	s1 =	srdreg.scid  }
0x8b: {  	s0 =	sand.u32 $0x1, s1  }
0x8c: {  	s16 =	sshll.u32 s0, $0xA;
	s2 =	sadd.s32 s3, s2  }
0x8d: {  	s2 =	sadd.s32 s2, s16  }
0x8e: {  	[smem:$0x3FA3] =	sst s2  }
0x8f: {  	_ = 	snop  }
0x90: {  	(tm) =	ssettm $0x1  }
0x91: {  	s17 =	sld [smem:$0x3FFB];
	_ =	sdelay $0x3  }
0x92: {  	_ =	strace s17  }
0x93: {  	s2 =	sld [smem:$0x3FFC];
	_ =	sdelay $0x3  }
0x94: {  	_ =	strace s2  }
0x95: {  	s2 =	sld [smem:$0x3FFD];
	_ =	sdelay $0x3  }
0x96: {  	_ =	strace s2  }
0x97: {  	_ =	strace $0x8FFFFFFF  }
0x98: {  	s18 =	sld [smem:$0x3FDB];
	_ =	sdelay $0x1  }
0x99: {  	s19 =	simm.s32 $_scs_section_size  }
0x9a: {  	s4 =	simm.s32 $_size__tile_overlayer_lowered;
	s5 =	simm.s32 $_tile_overlayer_lowered  }
0x9b: {  	s22 =	simm.s32 $0x1BFF;
	s21 =	sshll.u32 s5, $0x1;
	s2 =	sadd.s32 s19, s18  }
0x9c: {  	s6 =	simm.s32 $0x0;
	s20 =	sshll.u32 s4, $0x1;
	s4 =	sadd.s32 s21, s2  }
0x9d: {  	[timem:s6], [sflag:s22] =	dma.local [hbm:s4], s20  }
0x9e: {  	_ =	swait.ge [sflag:s22], s20  }
0x9f: {  	s3 =	ssub.s32 $0x0, s20;
	[sflag:s22] =	ssyncset.done $0x0  }
0xa0: {  	[sflag:s22] =	ssyncadd.s32 s3;
	_ =	sdelay $0x1  }
0xa1: {  	s23 =	simm.s32 $0x1B8B  }
0xa2: {  	_ =	swait.ge [sflag:s23], $0x1  }
0xa3: {  	[sflag:s23] =	ssyncset.done $0x0  }
0xa4: {  	s25 =	simm.s32 $0x1B8E;
	s24 =	sld [smem:$0x3FFE];
	[sflag:s23] =	ssyncadd.s32 $0xFFFFFFFF  }
0xa5: {  	s26 =	simm.s32 $execute0_lowered;
	[smem:$0x3FD2] =	sst s25  }
0xa6: {  	s4 =	sshll.u32 s26, $0x1;
	_ =	strace $0x8000004C;
	[dreg:$0x1] =	wrdreg $0xFFFFFFFF  }
0xa7: {  	s28 =	simm.s32 $_size_execute0_lowered;
	s2 =	sadd.s32 s2, s4;
	[dreg:$0x0] =	wrdreg $0x0  }
0xa8: {  	s4 =	sshll.u32 s28, $0x1;
	[dreg:$0x2] =	wrdreg s2  }
0xa9: {  	[dreg:$0x3] =	wrdreg s4  }
0xaa: {  	[dreg:$0x4] =	wrdreg $0xC0  }
0xab: {  	_ =	task [dreg:s6], $0x5FFFF  }
0xac: {  	[dreg:$0x1] =	wrdreg $0xFFFFFFFF  }
0xad: {  	[dreg:$0x0] =	wrdreg $0x60  }
0xae: {  	[dreg:$0x2] =	wrdreg s24  }
0xaf: {  	[dreg:$0x3] =	wrdreg $0xA8000  }
0xb0: {  	[dreg:$0x4] =	wrdreg $0x9  }
0xb1: {  	_ =	task.clear_ibuf [dreg:s6], $0x5FFFF;
	_ =	strace $0x9000004C  }
0xb2: {  	s29 =	simm.s32 $0x9;
	_ =	strace $0x8000004E  }
0xb3: {  	_ =	swait.ge [sflag:s29], $0x1  }
0xb4: {  	[sflag:s29] =	ssyncadd.s32 $0xFFFFFFFF  }
0xb5: {  	_ =	strace $0x9000004E  }
0xb6: {  	_ =	sfence  }
0xb7: {  	s30 =	sld [smem:$0x0];
	_ =	sdelay $0x2  }
0xb8: {  	s31 =	sshll.u32 s1, $0xD;
	s1 =	sshrl.u32 s1, $0x2  }
0xb9: {  	s3 =	sand.u32 $0x4000, s31;
	s1 =	sadd.s32 s1, s30  }
0xba: {  	s0 =	sor.u32 s3, s0;
	s1 =	sshll.u32 s1, $0x11  }
0xbb: {  	s0 =	sor.u32 s1, s0  }
0xbc: {  	s0 =	sadd.s32 $0x8F2B, s0  }
0xbd: {  	[sflag:s0] =	ssyncadd.remote.s32 $0x1  }
0xbe: {  	_ =	sfence.sel $0xFFFF  }
0xbf: {  	[dreg:$0x0] =	wrdreg $0xFFFFFFFF;
	(pc) =	sbr.abs _section_cstart, $3  }
0xc0: {  	[dreg:$0x1] =	wrdreg $0xFFFFFFFF  }
0xc1: {  	_ =	task.clear_ibuf [dreg:s6], $0x2FFFF;
	_ =	strace $0x9FFFFFFF  }
0xc2: {  	(tm) =	ssettm $0x7FFFFFFF  }
0xc3: {  	_ =	shalt  }
tec
execute0_lowered:
.L_overlay_start_1:
0x0: {  	(tag) =	ssettag $0x1  }
0x1: {  	s5 =	rddreg [dreg:$0x0]  }
0x2: {  	s2 =	rddreg [dreg:$0x1]  }
0x3: {  	s0 =	rddreg [dreg:$0x2]  }
0x4: {  	s3 =	simm.s32 $0x0;
	s1 =	stileid.u32;
	s7 =	srdreg.scid  }
0x5: {  	s18 =	simm.s32 $0x2800;
	s19 =	simm.s32 $0x6800;
	s20 =	simm.s32 $0x1  }
0x6: {  	s21 =	simm.s32 $0x2;
	s22 =	simm.s32 $0x2700;
	s23 =	simm.s32 $0x2780  }
0x7: {  	[smem:$0x7FF] =	sst s3;
	s4 =	sadd.s32 $0x42C00, s5;
	s6 =	smul.u32 $0x2780, s1  }
0x8: {  	s9 =	sadd.s32 $0x11400, s5;
	s10 =	sadd.s32 $0x7400, s5;
	s8 =	smul.u32 $0x4F000, s1  }
0x9: {  	s7 =	sand.u32 $0x1, s7;
	s12 =	sadd.s32 $0x69E00, s5;
	s16 =	smul.u32 $0x13800, s1  }
0xa: {  	s26 =	sshll.u32 s1, $0x6;
	s17 =	smul.u32 $0x4E000, s1;
	p0 =	seq.s32 s1, $0xF  }
0xb: {  	_ =	strace $0x8000004D;
	s24 =	ssub.s32 $0x2, s7;
	s11 =	sshll.u32 s7, $0x4  }
0xc: {  	s28 =	smul.u32 $0x138800, s7;
	s6 =	sadd.s32 s6, s5;
	s13 =	sshrl.u32 s24, $0x1  }
0xd: {  	s8 =	sshrl.u32 s8, $0x2;
	s11 =	sor.u32 s1, s11;
	s31 =	sshrl.u32 s17, $0x2  }
0xe: {  	s17 =	simm.s32 $0x80;
	s13 =	ssub.s32 s24, s13;
	s14 =	sadd.s32 s8, s2  }
0xf: {  	s25 =	smul.u32 $0x2800, s11;
	s5 =	sadd.s32 $0x1B400, s6;
	s6 =	sor.u32 $0x1C03, s26  }
0x10: {  	s16 =	sadd.s32 s16, s28;
	s30 =	sshrl.u32 s28, $0x3;
	s24 =	sadd.s32 $0x124800, s2  }
0x11: {  	s26 =	simm.s32 $0x0;
	s29 =	sshrl.u32 s16, $0x3;
	s13 =	smax.u32 s13, $0x1  }
0x12: {  	s14 =	sshrl.u32 s14, $0x3;
	s16 =	simm.s32 $0x1400;
	s24 =	sshrl.u32 @p0 s24, $0x3  }
0x13: {  	s15 =	sshrl.u32 s25, $0x3;
	s11 =	sadd.s32 s12, s29;
	s12 =	sadd.s32 s12, s30  }
0x14: {  	s25 =	sadd.s32 s31, s2;
	s7 =	sadd.s32 s9, s15;
	s8 =	sadd.s32 s10, s15  }
0x15: {  	s15 =	sadd.s32 $0x280, s15;
	s12 =	sadd.s32 $0x24900, s12;
	s25 =	sshrl.u32 @!p0 s25, $0x3  }
0x16: {  	s9 =	sadd.s32 s9, s15;
	s10 =	sadd.s32 s10, s15;
	s15 =	simm.s32 $0x3  }
.LBB2_1:
0x17: {  	[spmem:s14], [sflag:s6] =	dma.local [hbm:s5], $0x2780  }
0x18: {  	_ =	swait.ge [sflag:s15], $0x2780  }
0x19: {  	[sflag:s15] =	ssyncset.done $0x0  }
0x1a: {  	[sflag:s15] =	ssyncadd.s32 $0xFFFFD880  }
0x1b: {  	[bflag:$0x0] =	sbarrier.arrive $0xFFFF  }
0x1c: {  	[tilespmem:s3], [sflag:$0x3] =	stream.linear.gather [hbm4b:s7+s3], $0x1400, $0x38;
	[tilespmem:$0x1E400] =	vst v63  }
0x1d: {  	_ =	swait.ge [sflag:s15], $0x1400  }
0x1e: {  	[sflag:s15] =	ssyncset.done $0x0  }
0x1f: {  	[sflag:s15] =	ssyncadd.s32 $0xFFFFEC00  }
0x20: {  	[tilespmem:s16], [sflag:$0x3] =	stream.linear.gather [hbm4b:s8+s3], $0x1400, $0x38;
	[tilespmem:$0x1E400] =	vst v63  }
0x21: {  	_ =	swait.ge [sflag:s15], $0x1400  }
0x22: {  	[sflag:s15] =	ssyncset.done $0x0  }
0x23: {  	[sflag:s15] =	ssyncadd.s32 $0xFFFFEC00  }
0x24: {  	[tilespmem:s18], [sflag:$0x1] =	stream.indirect.gather [hbm4b:s4+s17], $0x80, s3, s17, $0xb8;
	[tilespmem:$0x1E400] =	vst v63  }
0x25: {  	_ = 	snop  }
0x26: {  	[tilespmem:s19], [sflag:$0x2] =	stream.indirect.gather [hbm4b:s4+s17], $0x80, s17, s17, $0xb8;
	[tilespmem:$0x1E400] =	vst v63  }
0x27: {  	_ =	swait.ge [sflag:s20], $0x4000  }
0x28: {  	[sflag:s20] =	ssyncset.done $0x0  }
0x29: {  	s28 =	simm.s32 $0x1400;
	[sflag:s20] =	ssyncadd.s32 $0xFFFFC000  }
0x2a: {  	[spmem:s2] =	stream.indirect.scatter.add.f32 [tilespmem:s18], [sflag:$0x3], $0x80, s28, s17, $0xb8;
	[tilespmem:$0x1E400] =	vst v63  }
0x2b: {  	_ =	swait.ge [sflag:s15], $0x4000  }
0x2c: {  	[sflag:s15] =	ssyncset.done $0x0  }
0x2d: {  	s28 =	simm.s32 $0x100;
	[sflag:s15] =	ssyncadd.s32 $0xFFFFC000  }
0x2e: {  	[tilespmem:s18], [sflag:$0x1] =	stream.indirect.gather [hbm4b:s4+s17], $0x80, s28, s17, $0xb8;
	[tilespmem:$0x1E400] =	vst v63  }
0x2f: {  	_ =	swait.ge [sflag:s21], $0x4000  }
0x30: {  	[sflag:s21] =	ssyncset.done $0x0  }
0x31: {  	s28 =	simm.s32 $0x1480;
	[sflag:s21] =	ssyncadd.s32 $0xFFFFC000  }
0x32: {  	[spmem:s2] =	stream.indirect.scatter.add.f32 [tilespmem:s19], [sflag:$0x3], $0x80, s28, s17, $0xb8;
	[tilespmem:$0x1E400] =	vst v63  }
0x33: {  	_ =	swait.ge [sflag:s15], $0x4000  }
0x34: {  	[sflag:s15] =	ssyncset.done $0x0  }
0x35: {  	s29 =	simm.s32 $0x180;
	s28 =	simm.s32 $0x400;
	[sflag:s15] =	ssyncadd.s32 $0xFFFFC000  }
.LBB2_2:
0x36: {  	[tilespmem:s19], [sflag:$0x2] =	stream.indirect.gather [hbm4b:s4+s17], $0x80, s29, s17, $0xb8;
	[tilespmem:$0x1E400] =	vst v63  }
0x37: {  	s29 =	smov.u32 s28  }
0x38: {  	p1 =	sne.s32 s28, $0x4800;
	s28 =	sadd.s32 $0x400, s28;
	_ =	swait.ge [sflag:s20], $0x4000  }
0x39: {  	s29 =	sshra.s32 s29, $0x2;
	[sflag:s20] =	ssyncset.done $0x0  }
0x3a: {  	s30 =	sadd.s32 $0x1400, s29;
	[sflag:s20] =	ssyncadd.s32 $0xFFFFC000  }
0x3b: {  	[spmem:s2] =	stream.indirect.scatter.add.f32 [tilespmem:s18], [sflag:$0x3], $0x80, s30, s17, $0xb8;
	[tilespmem:$0x1E400] =	vst v63  }
0x3c: {  	_ =	swait.ge [sflag:s15], $0x4000  }
0x3d: {  	[sflag:s15] =	ssyncset.done $0x0  }
0x3e: {  	s30 =	sadd.s32 $0x100, s29;
	[sflag:s15] =	ssyncadd.s32 $0xFFFFC000  }
0x3f: {  	[tilespmem:s18], [sflag:$0x1] =	stream.indirect.gather [hbm4b:s4+s17], $0x80, s30, s17, $0xb8;
	[tilespmem:$0x1E400] =	vst v63  }
0x40: {  	_ =	swait.ge [sflag:s21], $0x4000  }
0x41: {  	[sflag:s21] =	ssyncset.done $0x0  }
.Ltmp0:
0x42: {  	s30 =	sadd.s32 $0x1480, s29;
	[sflag:s21] =	ssyncadd.s32 $0xFFFFC000;
	(pc) =	sbr.rel @p1 .LBB2_2-.Ltmp0, $4  }
0x43: {  	[spmem:s2] =	stream.indirect.scatter.add.f32 [tilespmem:s19], [sflag:$0x3], $0x80, s30, s17, $0xb8;
	[tilespmem:$0x1E400] =	vst v63  }
0x44: {  	_ =	swait.ge [sflag:s15], $0x4000  }
0x45: {  	[sflag:s15] =	ssyncset.done $0x0  }
0x46: {  	s29 =	sadd.s32 $0x180, s29;
	[sflag:s15] =	ssyncadd.s32 $0xFFFFC000  }
0x47: {  	[tilespmem:s19], [sflag:$0x2] =	stream.indirect.gather [hbm4b:s4+s17], $0x80, s29, s17, $0xb8;
	[tilespmem:$0x1E400] =	vst v63  }
0x48: {  	_ =	swait.ge [sflag:s20], $0x4000  }
0x49: {  	[sflag:s20] =	ssyncset.done $0x0  }
0x4a: {  	[sflag:s20] =	ssyncadd.s32 $0xFFFFC000  }
0x4b: {  	[spmem:s2] =	stream.indirect.scatter.add.f32 [tilespmem:s18], [sflag:$0x3], $0x80, s22, s17, $0xb8;
	[tilespmem:$0x1E400] =	vst v63  }
0x4c: {  	_ =	swait.ge [sflag:s15], $0x4000  }
0x4d: {  	[sflag:s15] =	ssyncset.done $0x0  }
0x4e: {  	[sflag:s15] =	ssyncadd.s32 $0xFFFFC000  }
0x4f: {  	_ =	swait.ge [sflag:s21], $0x4000  }
0x50: {  	[sflag:s21] =	ssyncset.done $0x0  }
0x51: {  	[sflag:s21] =	ssyncadd.s32 $0xFFFFC000  }
0x52: {  	[spmem:s2] =	stream.indirect.scatter.add.f32 [tilespmem:s19], [sflag:$0x3], $0x80, s23, s17, $0xb8;
	[tilespmem:$0x1E400] =	vst v63  }
0x53: {  	_ =	swait.ge [sflag:s15], $0x4000  }
0x54: {  	[sflag:s15] =	ssyncset.done $0x0  }
0x55: {  	s28 =	simm.s32 $0x0;
	[sflag:s15] =	ssyncadd.s32 $0xFFFFC000  }
0x56: {  	[tilespmem:s28], [sflag:$0x3] =	stream.linear.gather [hbm4b:s9+s28], $0x1400, $0x38;
	[tilespmem:$0x1E400] =	vst v63  }
0x57: {  	_ =	swait.ge [sflag:s15], $0x1400  }
0x58: {  	[sflag:s15] =	ssyncset.done $0x0  }
0x59: {  	[sflag:s15] =	ssyncadd.s32 $0xFFFFEC00  }
0x5a: {  	[tilespmem:s16], [sflag:$0x3] =	stream.linear.gather [hbm4b:s10+s28], $0x1400, $0x38;
	[tilespmem:$0x1E400] =	vst v63  }
0x5b: {  	_ =	swait.ge [sflag:s15], $0x1400  }
0x5c: {  	[sflag:s15] =	ssyncset.done $0x0  }
0x5d: {  	[sflag:s15] =	ssyncadd.s32 $0xFFFFEC00  }
0x5e: {  	[tilespmem:s18], [sflag:$0x1] =	stream.indirect.gather [hbm4b:s4+s17], $0x80, s28, s17, $0xb8;
	[tilespmem:$0x1E400] =	vst v63  }
0x5f: {  	_ = 	snop  }
0x60: {  	[tilespmem:s19], [sflag:$0x2] =	stream.indirect.gather [hbm4b:s4+s17], $0x80, s17, s17, $0xb8;
	[tilespmem:$0x1E400] =	vst v63  }
0x61: {  	_ =	swait.ge [sflag:s20], $0x4000  }
0x62: {  	[sflag:s20] =	ssyncset.done $0x0  }
0x63: {  	s28 =	simm.s32 $0x1400;
	[sflag:s20] =	ssyncadd.s32 $0xFFFFC000  }
0x64: {  	[spmem:s2] =	stream.indirect.scatter.add.f32 [tilespmem:s18], [sflag:$0x3], $0x80, s28, s17, $0xb8;
	[tilespmem:$0x1E400] =	vst v63  }
0x65: {  	_ =	swait.ge [sflag:s15], $0x4000  }
0x66: {  	[sflag:s15] =	ssyncset.done $0x0  }
0x67: {  	s28 =	simm.s32 $0x100;
	[sflag:s15] =	ssyncadd.s32 $0xFFFFC000  }
0x68: {  	[tilespmem:s18], [sflag:$0x1] =	stream.indirect.gather [hbm4b:s4+s17], $0x80, s28, s17, $0xb8;
	[tilespmem:$0x1E400] =	vst v63  }
0x69: {  	_ =	swait.ge [sflag:s21], $0x4000  }
0x6a: {  	[sflag:s21] =	ssyncset.done $0x0  }
0x6b: {  	s28 =	simm.s32 $0x1480;
	[sflag:s21] =	ssyncadd.s32 $0xFFFFC000  }
0x6c: {  	[spmem:s2] =	stream.indirect.scatter.add.f32 [tilespmem:s19], [sflag:$0x3], $0x80, s28, s17, $0xb8;
	[tilespmem:$0x1E400] =	vst v63  }
0x6d: {  	_ =	swait.ge [sflag:s15], $0x4000  }
0x6e: {  	[sflag:s15] =	ssyncset.done $0x0  }
0x6f: {  	s29 =	simm.s32 $0x180;
	s28 =	simm.s32 $0x400;
	[sflag:s15] =	ssyncadd.s32 $0xFFFFC000  }
.LBB2_4:
0x70: {  	[tilespmem:s19], [sflag:$0x2] =	stream.indirect.gather [hbm4b:s4+s17], $0x80, s29, s17, $0xb8;
	[tilespmem:$0x1E400] =	vst v63  }
0x71: {  	s29 =	smov.u32 s28  }
0x72: {  	p1 =	sne.s32 s28, $0x4800;
	s28 =	sadd.s32 $0x400, s28;
	_ =	swait.ge [sflag:s20], $0x4000  }
0x73: {  	s29 =	sshra.s32 s29, $0x2;
	[sflag:s20] =	ssyncset.done $0x0  }
0x74: {  	s30 =	sadd.s32 $0x1400, s29;
	[sflag:s20] =	ssyncadd.s32 $0xFFFFC000  }
0x75: {  	[spmem:s2] =	stream.indirect.scatter.add.f32 [tilespmem:s18], [sflag:$0x3], $0x80, s30, s17, $0xb8;
	[tilespmem:$0x1E400] =	vst v63  }
0x76: {  	_ =	swait.ge [sflag:s15], $0x4000  }
0x77: {  	[sflag:s15] =	ssyncset.done $0x0  }
0x78: {  	s30 =	sadd.s32 $0x100, s29;
	[sflag:s15] =	ssyncadd.s32 $0xFFFFC000  }
0x79: {  	[tilespmem:s18], [sflag:$0x1] =	stream.indirect.gather [hbm4b:s4+s17], $0x80, s30, s17, $0xb8;
	[tilespmem:$0x1E400] =	vst v63  }
0x7a: {  	_ =	swait.ge [sflag:s21], $0x4000  }
0x7b: {  	[sflag:s21] =	ssyncset.done $0x0  }
.Ltmp1:
0x7c: {  	s30 =	sadd.s32 $0x1480, s29;
	[sflag:s21] =	ssyncadd.s32 $0xFFFFC000;
	(pc) =	sbr.rel @p1 .LBB2_4-.Ltmp1, $4  }
0x7d: {  	[spmem:s2] =	stream.indirect.scatter.add.f32 [tilespmem:s19], [sflag:$0x3], $0x80, s30, s17, $0xb8;
	[tilespmem:$0x1E400] =	vst v63  }
0x7e: {  	_ =	swait.ge [sflag:s15], $0x4000  }
0x7f: {  	[sflag:s15] =	ssyncset.done $0x0  }
0x80: {  	s29 =	sadd.s32 $0x180, s29;
	[sflag:s15] =	ssyncadd.s32 $0xFFFFC000  }
0x81: {  	[tilespmem:s19], [sflag:$0x2] =	stream.indirect.gather [hbm4b:s4+s17], $0x80, s29, s17, $0xb8;
	[tilespmem:$0x1E400] =	vst v63  }
0x82: {  	_ =	swait.ge [sflag:s20], $0x4000  }
0x83: {  	[sflag:s20] =	ssyncset.done $0x0  }
0x84: {  	[sflag:s20] =	ssyncadd.s32 $0xFFFFC000  }
0x85: {  	[spmem:s2] =	stream.indirect.scatter.add.f32 [tilespmem:s18], [sflag:$0x3], $0x80, s22, s17, $0xb8;
	[tilespmem:$0x1E400] =	vst v63  }
0x86: {  	_ =	swait.ge [sflag:s15], $0x4000  }
0x87: {  	[sflag:s15] =	ssyncset.done $0x0  }
0x88: {  	[sflag:s15] =	ssyncadd.s32 $0xFFFFC000  }
0x89: {  	_ =	swait.ge [sflag:s21], $0x4000  }
0x8a: {  	[sflag:s21] =	ssyncset.done $0x0  }
0x8b: {  	[sflag:s21] =	ssyncadd.s32 $0xFFFFC000  }
0x8c: {  	[spmem:s2] =	stream.indirect.scatter.add.f32 [tilespmem:s19], [sflag:$0x3], $0x80, s23, s17, $0xb8;
	[tilespmem:$0x1E400] =	vst v63  }
0x8d: {  	_ =	swait.ge [sflag:s15], $0x4000  }
0x8e: {  	[sflag:s15] =	ssyncset.done $0x0  }
0x8f: {  	[sflag:s15] =	ssyncadd.s32 $0xFFFFC000  }
0x90: {  	s28 =	simm.s32 @p0 $0x3;
	[bflag:$0x0] =	sbarrier.arrive $0xFFFF  }
0x91: {  	[hbm:s12], [sflag:s6] =	dma.local @p0 [spmem:s24], $0x2800  }
0x92: {  	s26 =	sadd.s32 $0x1, s26;
	_ =	swait.ge @p0 [sflag:s28], $0x2800  }
0x93: {  	p1 =	sne.s32 s26, s13;
	[sflag:s28] =	ssyncset.done @p0 $0x0  }
.Ltmp2:
0x94: {  	[sflag:s28] =	ssyncadd.s32 @p0 $0xFFFFD800;
	s28 =	simm.s32 @!p0 $0x3;
	(pc) =	sbr.rel @p1 .LBB2_1-.Ltmp2, $4  }
0x95: {  	[hbm:s11], [sflag:s6] =	dma.local @!p0 [spmem:s25], $0x2700  }
0x96: {  	_ =	swait.ge @!p0 [sflag:s28], $0x2700  }
0x97: {  	[sflag:s28] =	ssyncset.done @!p0 $0x0  }
0x98: {  	[sflag:s28] =	ssyncadd.s32 @!p0 $0xFFFFD900  }
0x99: {  	_ =	sfence.sel $0x180000  }
0x9a: {  	[bflag:$0x0] =	sbarrier.arrive $0xFFFF  }
0x9b: {  	p0 =	sne.s32 s1, $0x0;
	_ =	strace $0x9000004D  }
0x9c: {  	s0 =	sadd.s32 @!p0 $0x100000, s0;
	[bflag:$0x2] =	sbarrier.arrive $0xFFFF  }
0x9d: {  	[sflag:s0] =	ssyncadd.tile.s32 @!p0 $0x1;
	_ =	shalt  }
.Lfunc_end2:
_tile_overlayer_lowered:
.L_overlay_start_2:
0x9e: {  	(tag) =	ssettag $0x2  }
0x9f: {  	s0 =	rddreg [dreg:$0x0];
	s2 =	stileid.u32  }
0xa0: {  	s1 =	rddreg [dreg:$0x1];
	p0 =	sne.s32 s2, $0x0  }
0xa1: {  	s3 =	rddreg [dreg:$0x2];
	[bflag:$0x3] =	sbarrier.arrive $0xFFFF;
	s2 =	simm.s32 @!p0 $0x1C03  }
0xa2: {  	[timem:s3], [sflag:s2] =	dma.local @!p0 [hbm:s0], s1  }
0xa3: {  	s0 =	simm.s32 @!p0 $0x3  }
0xa4: {  	_ =	swait.ge @!p0 [sflag:s0], s1  }
0xa5: {  	s1 =	ssub.s32 @!p0 $0x0, s1;
	[sflag:s0] =	ssyncset.done @!p0 $0x0  }
0xa6: {  	[sflag:s0] =	ssyncadd.s32 @!p0 s1  }
0xa7: {  	[bflag:$0x3] =	sbarrier.arrive $0xFFFF  }
0xa8: {  	_ =	shalt  }

// kernel: kernel.22.cloned.1.call-start
scs
__scs_entry_jumppad:
0x0: {  	(pc) =	sbr.rel $0x88, $3  }
0x1: {  	(tag) =	ssettag $0x0;
	lr =	simm.s32 $0x1  }
0x2: {  	[smem:$0x3F7C] =	sst lr;
	_ =	strace $0xD0000000  }
0x3: {  	_ = 	snop  }
0x4: {  	_ = 	snop  }
0x5: {  	_ = 	snop  }
0x6: {  	_ = 	snop  }
0x7: {  	_ = 	snop  }
__scs_overlays_trampoline_lowered:
0x8: {  	[smem:$0x3F8B] =	sst s0  }
0x9: {  	[smem:$0x3F8C] =	sst s1  }
0xa: {  	[smem:$0x3F8D] =	sst s2  }
0xb: {  	[smem:$0x3F8E] =	sst s3  }
0xc: {  	[smem:$0x3F8F] =	sst s4  }
0xd: {  	[smem:$0x3F90] =	sst s5  }
0xe: {  	[smem:$0x3F91] =	sst s6  }
0xf: {  	[smem:$0x3F92] =	sst s7  }
0x10: {  	[smem:$0x3F93] =	sst s8  }
0x11: {  	[smem:$0x3F94] =	sst s9;
	s0 =	simm.s32 @!p0 $0x0  }
0x12: {  	s1 =	sld [smem:$0x3F7A];
	s0 =	simm.s32 @p0 $0x1  }
0x13: {  	[smem:$0x3F95] =	sst s0;
	s0 =	simm.s32 @!p1 $0x0  }
0x14: {  	s2 =	sld [smem:$0x3F79];
	s0 =	simm.s32 @p1 $0x1  }
0x15: {  	[smem:$0x3F96] =	sst s0;
	s0 =	simm.s32 @!p2 $0x0  }
0x16: {  	s3 =	sld [smem:$0x3FDB];
	s0 =	simm.s32 @p2 $0x1  }
0x17: {  	s4 =	simm.s32 $0x1BF5;
	[smem:$0x3F98] =	sst s0  }
0x18: {  	s0 =	sld [smem:$0x3F7B];
	_ =	swait.ge [sflag:s4], $0x0  }
0x19: {  	s7 =	sld [smem:$0x3F7C]  }
0x1a: {  	s8 =	sadd.s32 $0xFFFFE003, lr  }
0x1b: {  	s9 =	sadd.s32 $0xFFFFFEF7, lr;
	s5 =	simm.s32 $0xFFFFFFFF;
	p2 =	slt.u32 s8, $0xFFFFF086  }
0x1c: {  	p1 =	slt.u32 s9, $0xF7A;
	s5 =	simm.s32 @!p2 $0x0  }
0x1d: {  	s5 =	simm.s32 @p1 $0x1;
	p0 =	seq.s32 s7, s2  }
0x1e: {  	s7 =	smul.u32 @!p0 $0xF7A, s2;
	p2 =	seq.s32 @!p0 s5, $0x0  }
0x1f: {  	s9 =	smul.u32 $0xF7A, s1;
	s8 =	simm.s32 @!p0 $0x1BF5;
	p2 =	por !p2, p0  }
0x20: {  	[sflag:s8] =	ssyncset.s32 @!p0 $0xFFFFF086;
	s6 =	sadd.s32 @!p0 s3, s7;
	s7 =	simm.s32 @!p0 $0x108  }
0x21: {  	s3 =	sadd.s32 s3, s9;
	s6 =	sadd.s32 @!p0 $0x88, s6;
	s7 =	simm.s32 @p2 $0x1082  }
0x22: {  	[simem:s7], [sflag:s8] =	dma.local @!p0 [hbm:s6], $0xF7A  }
0x23: {  	s9 =	sor.u32 $0xD0000000, s2;
	s6 =	simm.s32 $0x108;
	_ =	swait.ge @!p0 [sflag:s8], $0x0  }
0x24: {  	s3 =	sadd.s32 $0x88, s3;
	s6 =	simm.s32 @!p1 $0x1082;
	[sflag:s4] =	ssyncset.s32 $0xFFFFF086  }
0x25: {  	[simem:s6], [sflag:s4] =	dma.local [hbm:s3], $0xF7A  }
0x26: {  	[smem:$0x3F7C] =	sst s1;
	(tag) =	ssettag s2;
	_ =	strace s9  }
0x27: {  	s1 =	sld [smem:$0x3F8C]  }
0x28: {  	s2 =	sld [smem:$0x3F8D]  }
0x29: {  	s4 =	sld [smem:$0x3F8F]  }
0x2a: {  	p0 =	seq.s32 s5, $0x0;
	s5 =	sld [smem:$0x3F90]  }
0x2b: {  	s6 =	sld [smem:$0x3F91]  }
0x2c: {  	s7 =	sld [smem:$0x3F92]  }
0x2d: {  	s3 =	simm.s32 $0x108;
	s8 =	sld [smem:$0x3F93]  }
0x2e: {  	s3 =	simm.s32 @!p0 $0x1082;
	s9 =	sld [smem:$0x3F94]  }
0x2f: {  	lr =	sadd.s32 s0, s3;
	s0 =	sld [smem:$0x3F8B]  }
0x30: {  	s3 =	sld [smem:$0x3F8E]  }
0x31: {  	[smem:$0x3F97] =	sst s10  }
0x32: {  	s10 =	sld [smem:$0x3F95];
	_ =	sdelay $0x3  }
0x33: {  	p0 =	seq.s32 s10, $0x1;
	s10 =	sld [smem:$0x3F97];
	_ =	sdelay $0x3  }
0x34: {  	[smem:$0x3F97] =	sst s10  }
0x35: {  	s10 =	sld [smem:$0x3F96];
	_ =	sdelay $0x3  }
0x36: {  	p1 =	seq.s32 s10, $0x1;
	s10 =	sld [smem:$0x3F97];
	_ =	sdelay $0x3  }
0x37: {  	[smem:$0x3F97] =	sst s10  }
0x38: {  	s10 =	sld [smem:$0x3F98]  }
0x39: {  	_ = 	snop;
	(pc) =	sbr.ind lr, $3  }
0x3a: {  	_ = 	snop  }
0x3b: {  	_ = 	snop  }
0x3c: {  	p2 =	seq.s32 s10, $0x1;
	s10 =	sld [smem:$0x3F97]  }
0x3d: {  	_ =	shalt  }
0x3e: {  	_ =	shalt  }
0x3f: {  	_ =	shalt  }
0x40: {  	_ =	shalt  }
0x41: {  	_ =	shalt  }
0x42: {  	_ =	shalt  }
0x43: {  	_ =	shalt  }
0x44: {  	_ =	shalt  }
0x45: {  	_ =	shalt  }
0x46: {  	_ =	shalt  }
0x47: {  	_ =	shalt  }
0x48: {  	_ =	shalt  }
0x49: {  	_ =	shalt  }
0x4a: {  	_ =	shalt  }
0x4b: {  	_ =	shalt  }
0x4c: {  	_ =	shalt  }
0x4d: {  	_ =	shalt  }
0x4e: {  	_ =	shalt  }
0x4f: {  	_ =	shalt  }
0x50: {  	_ =	shalt  }
0x51: {  	_ =	shalt  }
0x52: {  	_ =	shalt  }
0x53: {  	_ =	shalt  }
0x54: {  	_ =	shalt  }
0x55: {  	_ =	shalt  }
0x56: {  	_ =	shalt  }
0x57: {  	_ =	shalt  }
0x58: {  	_ =	shalt  }
0x59: {  	_ =	shalt  }
0x5a: {  	_ =	shalt  }
0x5b: {  	_ =	shalt  }
0x5c: {  	_ =	shalt  }
0x5d: {  	_ =	shalt  }
0x5e: {  	_ =	shalt  }
0x5f: {  	_ =	shalt  }
0x60: {  	_ =	shalt  }
0x61: {  	_ =	shalt  }
0x62: {  	_ =	shalt  }
0x63: {  	_ =	shalt  }
0x64: {  	_ =	shalt  }
0x65: {  	_ =	shalt  }
0x66: {  	_ =	shalt  }
0x67: {  	_ =	shalt  }
0x68: {  	_ =	shalt  }
0x69: {  	_ =	shalt  }
0x6a: {  	_ =	shalt  }
0x6b: {  	_ =	shalt  }
0x6c: {  	_ =	shalt  }
0x6d: {  	_ =	shalt  }
0x6e: {  	_ =	shalt  }
0x6f: {  	_ =	shalt  }
0x70: {  	_ =	shalt  }
0x71: {  	_ =	shalt  }
0x72: {  	_ =	shalt  }
0x73: {  	_ =	shalt  }
0x74: {  	_ =	shalt  }
0x75: {  	_ =	shalt  }
0x76: {  	_ =	shalt  }
0x77: {  	_ =	shalt  }
0x78: {  	_ =	shalt  }
0x79: {  	_ =	shalt  }
0x7a: {  	_ =	shalt  }
0x7b: {  	_ =	shalt  }
0x7c: {  	_ =	shalt  }
0x7d: {  	_ =	shalt  }
0x7e: {  	_ =	shalt  }
0x7f: {  	_ =	shalt  }
0x80: {  	_ =	shalt  }
0x81: {  	_ =	shalt  }
0x82: {  	_ =	shalt  }
0x83: {  	_ =	shalt  }
0x84: {  	_ =	shalt  }
0x85: {  	_ =	shalt  }
0x86: {  	_ =	shalt  }
0x87: {  	_ =	shalt  }
.Lfunc_end0:
.L_simem_size_0:
called_computation.3_lowered:
.L_overlay_start_0:
0x88: {  	s2 =	sld [smem:$0x3FD9]  }
0x89: {  	s3 =	sld [smem:$0x3FFE];
	_ =	sdelay $0x1  }
0x8a: {  	s1 =	srdreg.scid  }
0x8b: {  	s0 =	sand.u32 $0x1, s1  }
0x8c: {  	s16 =	sshll.u32 s0, $0xA;
	s2 =	sadd.s32 s3, s2  }
0x8d: {  	s2 =	sadd.s32 s2, s16  }
0x8e: {  	[smem:$0x3FA3] =	sst s2  }
0x8f: {  	_ = 	snop  }
0x90: {  	(tm) =	ssettm $0x1  }
0x91: {  	s17 =	sld [smem:$0x3FFB];
	_ =	sdelay $0x3  }
0x92: {  	_ =	strace s17  }
0x93: {  	s2 =	sld [smem:$0x3FFC];
	_ =	sdelay $0x3  }
0x94: {  	_ =	strace s2  }
0x95: {  	s2 =	sld [smem:$0x3FFD];
	_ =	sdelay $0x3  }
0x96: {  	_ =	strace s2  }
0x97: {  	_ =	strace $0x8FFFFFFF  }
0x98: {  	s18 =	sld [smem:$0x3FDB];
	_ =	sdelay $0x1  }
0x99: {  	s19 =	simm.s32 $_scs_section_size  }
0x9a: {  	s4 =	simm.s32 $_size__tile_overlayer_lowered;
	s5 =	simm.s32 $_tile_overlayer_lowered  }
0x9b: {  	s22 =	simm.s32 $0x1BFF;
	s21 =	sshll.u32 s5, $0x1;
	s2 =	sadd.s32 s19, s18  }
0x9c: {  	s6 =	simm.s32 $0x0;
	s20 =	sshll.u32 s4, $0x1;
	s4 =	sadd.s32 s21, s2  }
0x9d: {  	[timem:s6], [sflag:s22] =	dma.local [hbm:s4], s20  }
0x9e: {  	_ =	swait.ge [sflag:s22], s20  }
0x9f: {  	s3 =	ssub.s32 $0x0, s20;
	[sflag:s22] =	ssyncset.done $0x0  }
0xa0: {  	[sflag:s22] =	ssyncadd.s32 s3;
	_ =	sdelay $0x1  }
0xa1: {  	s23 =	simm.s32 $0x1B8B  }
0xa2: {  	_ =	swait.ge [sflag:s23], $0x1  }
0xa3: {  	[sflag:s23] =	ssyncset.done $0x0  }
0xa4: {  	s25 =	simm.s32 $0x1B8E;
	s24 =	sld [smem:$0x3FFE];
	[sflag:s23] =	ssyncadd.s32 $0xFFFFFFFF  }
0xa5: {  	s26 =	simm.s32 $execute0_lowered;
	[smem:$0x3FD2] =	sst s25  }
0xa6: {  	s4 =	sshll.u32 s26, $0x1;
	_ =	strace $0x8000004F;
	[dreg:$0x1] =	wrdreg $0xFFFFFFFF  }
0xa7: {  	s28 =	simm.s32 $_size_execute0_lowered;
	s2 =	sadd.s32 s2, s4;
	[dreg:$0x0] =	wrdreg $0x0  }
0xa8: {  	s4 =	sshll.u32 s28, $0x1;
	[dreg:$0x2] =	wrdreg s2  }
0xa9: {  	[dreg:$0x3] =	wrdreg s4  }
0xaa: {  	[dreg:$0x4] =	wrdreg $0xC0  }
0xab: {  	_ =	task [dreg:s6], $0x5FFFF  }
0xac: {  	[dreg:$0x1] =	wrdreg $0xFFFFFFFF  }
0xad: {  	[dreg:$0x0] =	wrdreg $0x60  }
0xae: {  	[dreg:$0x2] =	wrdreg s24  }
0xaf: {  	[dreg:$0x3] =	wrdreg $0xA8000  }
0xb0: {  	[dreg:$0x4] =	wrdreg $0x9  }
0xb1: {  	_ =	task.clear_ibuf [dreg:s6], $0x5FFFF;
	_ =	strace $0x9000004F  }
0xb2: {  	s29 =	simm.s32 $0x9;
	_ =	strace $0x80000051  }
0xb3: {  	_ =	swait.ge [sflag:s29], $0x1  }
0xb4: {  	[sflag:s29] =	ssyncadd.s32 $0xFFFFFFFF  }
0xb5: {  	_ =	strace $0x90000051  }
0xb6: {  	_ =	sfence  }
0xb7: {  	s30 =	sld [smem:$0x0];
	_ =	sdelay $0x2  }
0xb8: {  	s31 =	sshll.u32 s1, $0xD;
	s1 =	sshrl.u32 s1, $0x2  }
0xb9: {  	s3 =	sand.u32 $0x4000, s31;
	s1 =	sadd.s32 s1, s30  }
0xba: {  	s0 =	sor.u32 s3, s0;
	s1 =	sshll.u32 s1, $0x11  }
0xbb: {  	s0 =	sor.u32 s1, s0  }
0xbc: {  	s0 =	sadd.s32 $0x8F2B, s0  }
0xbd: {  	[sflag:s0] =	ssyncadd.remote.s32 $0x1  }
0xbe: {  	_ =	sfence.sel $0xFFFF  }
0xbf: {  	[dreg:$0x0] =	wrdreg $0xFFFFFFFF;
	(pc) =	sbr.abs _section_cstart, $3  }
0xc0: {  	[dreg:$0x1] =	wrdreg $0xFFFFFFFF  }
0xc1: {  	_ =	task.clear_ibuf [dreg:s6], $0x2FFFF;
	_ =	strace $0x9FFFFFFF  }
0xc2: {  	(tm) =	ssettm $0x7FFFFFFF  }
0xc3: {  	_ =	shalt  }
tec
execute0_lowered:
.L_overlay_start_1:
0x0: {  	(tag) =	ssettag $0x1  }
0x1: {  	s5 =	rddreg [dreg:$0x0]  }
0x2: {  	s2 =	rddreg [dreg:$0x1]  }
0x3: {  	s0 =	rddreg [dreg:$0x2]  }
0x4: {  	s3 =	simm.s32 $0x0;
	s1 =	stileid.u32;
	s7 =	srdreg.scid  }
0x5: {  	s18 =	simm.s32 $0x2800;
	s19 =	simm.s32 $0x6800;
	s20 =	simm.s32 $0x1  }
0x6: {  	s21 =	simm.s32 $0x2;
	s22 =	simm.s32 $0x2700;
	s23 =	simm.s32 $0x2780  }
0x7: {  	[smem:$0x7FF] =	sst s3;
	s4 =	sadd.s32 $0x42C00, s5;
	s6 =	smul.u32 $0x2780, s1  }
0x8: {  	s9 =	sadd.s32 $0x11400, s5;
	s10 =	sadd.s32 $0x7400, s5;
	s8 =	smul.u32 $0x4F000, s1  }
0x9: {  	s7 =	sand.u32 $0x1, s7;
	s12 =	sadd.s32 $0x69E00, s5;
	s16 =	smul.u32 $0x13800, s1  }
0xa: {  	s26 =	sshll.u32 s1, $0x6;
	s17 =	smul.u32 $0x4E000, s1;
	p0 =	seq.s32 s1, $0xF  }
0xb: {  	_ =	strace $0x80000050;
	s24 =	ssub.s32 $0x2, s7;
	s11 =	sshll.u32 s7, $0x4  }
0xc: {  	s28 =	smul.u32 $0x138800, s7;
	s6 =	sadd.s32 s6, s5;
	s13 =	sshrl.u32 s24, $0x1  }
0xd: {  	s8 =	sshrl.u32 s8, $0x2;
	s11 =	sor.u32 s1, s11;
	s31 =	sshrl.u32 s17, $0x2  }
0xe: {  	s17 =	simm.s32 $0x80;
	s13 =	ssub.s32 s24, s13;
	s14 =	sadd.s32 s8, s2  }
0xf: {  	s25 =	smul.u32 $0x2800, s11;
	s5 =	sadd.s32 $0x1B400, s6;
	s6 =	sor.u32 $0x1C03, s26  }
0x10: {  	s16 =	sadd.s32 s16, s28;
	s30 =	sshrl.u32 s28, $0x3;
	s24 =	sadd.s32 $0x124800, s2  }
0x11: {  	s26 =	simm.s32 $0x0;
	s29 =	sshrl.u32 s16, $0x3;
	s13 =	smax.u32 s13, $0x1  }
0x12: {  	s14 =	sshrl.u32 s14, $0x3;
	s16 =	simm.s32 $0x1400;
	s24 =	sshrl.u32 @p0 s24, $0x3  }
0x13: {  	s15 =	sshrl.u32 s25, $0x3;
	s11 =	sadd.s32 s12, s29;
	s12 =	sadd.s32 s12, s30  }
0x14: {  	s25 =	sadd.s32 s31, s2;
	s7 =	sadd.s32 s9, s15;
	s8 =	sadd.s32 s10, s15  }
0x15: {  	s15 =	sadd.s32 $0x280, s15;
	s12 =	sadd.s32 $0x24900, s12;
	s25 =	sshrl.u32 @!p0 s25, $0x3  }
0x16: {  	s9 =	sadd.s32 s9, s15;
	s10 =	sadd.s32 s10, s15;
	s15 =	simm.s32 $0x3  }
.LBB2_1:
0x17: {  	[spmem:s14], [sflag:s6] =	dma.local [hbm:s5], $0x2780  }
0x18: {  	_ =	swait.ge [sflag:s15], $0x2780  }
0x19: {  	[sflag:s15] =	ssyncset.done $0x0  }
0x1a: {  	[sflag:s15] =	ssyncadd.s32 $0xFFFFD880  }
0x1b: {  	[bflag:$0x0] =	sbarrier.arrive $0xFFFF  }
0x1c: {  	[tilespmem:s3], [sflag:$0x3] =	stream.linear.gather [hbm4b:s7+s3], $0x1400, $0x38;
	[tilespmem:$0x1E400] =	vst v63  }
0x1d: {  	_ =	swait.ge [sflag:s15], $0x1400  }
0x1e: {  	[sflag:s15] =	ssyncset.done $0x0  }
0x1f: {  	[sflag:s15] =	ssyncadd.s32 $0xFFFFEC00  }
0x20: {  	[tilespmem:s16], [sflag:$0x3] =	stream.linear.gather [hbm4b:s8+s3], $0x1400, $0x38;
	[tilespmem:$0x1E400] =	vst v63  }
0x21: {  	_ =	swait.ge [sflag:s15], $0x1400  }
0x22: {  	[sflag:s15] =	ssyncset.done $0x0  }
0x23: {  	[sflag:s15] =	ssyncadd.s32 $0xFFFFEC00  }
0x24: {  	[tilespmem:s18], [sflag:$0x1] =	stream.indirect.gather [hbm4b:s4+s17], $0x80, s3, s17, $0xb8;
	[tilespmem:$0x1E400] =	vst v63  }
0x25: {  	_ = 	snop  }
0x26: {  	[tilespmem:s19], [sflag:$0x2] =	stream.indirect.gather [hbm4b:s4+s17], $0x80, s17, s17, $0xb8;
	[tilespmem:$0x1E400] =	vst v63  }
0x27: {  	_ =	swait.ge [sflag:s20], $0x4000  }
0x28: {  	[sflag:s20] =	ssyncset.done $0x0  }
0x29: {  	s28 =	simm.s32 $0x1400;
	[sflag:s20] =	ssyncadd.s32 $0xFFFFC000  }
0x2a: {  	[spmem:s2] =	stream.indirect.scatter.add.f32 [tilespmem:s18], [sflag:$0x3], $0x80, s28, s17, $0xb8;
	[tilespmem:$0x1E400] =	vst v63  }
0x2b: {  	_ =	swait.ge [sflag:s15], $0x4000  }
0x2c: {  	[sflag:s15] =	ssyncset.done $0x0  }
0x2d: {  	s28 =	simm.s32 $0x100;
	[sflag:s15] =	ssyncadd.s32 $0xFFFFC000  }
0x2e: {  	[tilespmem:s18], [sflag:$0x1] =	stream.indirect.gather [hbm4b:s4+s17], $0x80, s28, s17, $0xb8;
	[tilespmem:$0x1E400] =	vst v63  }
0x2f: {  	_ =	swait.ge [sflag:s21], $0x4000  }
0x30: {  	[sflag:s21] =	ssyncset.done $0x0  }
0x31: {  	s28 =	simm.s32 $0x1480;
	[sflag:s21] =	ssyncadd.s32 $0xFFFFC000  }
0x32: {  	[spmem:s2] =	stream.indirect.scatter.add.f32 [tilespmem:s19], [sflag:$0x3], $0x80, s28, s17, $0xb8;
	[tilespmem:$0x1E400] =	vst v63  }
0x33: {  	_ =	swait.ge [sflag:s15], $0x4000  }
0x34: {  	[sflag:s15] =	ssyncset.done $0x0  }
0x35: {  	s29 =	simm.s32 $0x180;
	s28 =	simm.s32 $0x400;
	[sflag:s15] =	ssyncadd.s32 $0xFFFFC000  }
.LBB2_2:
0x36: {  	[tilespmem:s19], [sflag:$0x2] =	stream.indirect.gather [hbm4b:s4+s17], $0x80, s29, s17, $0xb8;
	[tilespmem:$0x1E400] =	vst v63  }
0x37: {  	s29 =	smov.u32 s28  }
0x38: {  	p1 =	sne.s32 s28, $0x4800;
	s28 =	sadd.s32 $0x400, s28;
	_ =	swait.ge [sflag:s20], $0x4000  }
0x39: {  	s29 =	sshra.s32 s29, $0x2;
	[sflag:s20] =	ssyncset.done $0x0  }
0x3a: {  	s30 =	sadd.s32 $0x1400, s29;
	[sflag:s20] =	ssyncadd.s32 $0xFFFFC000  }
0x3b: {  	[spmem:s2] =	stream.indirect.scatter.add.f32 [tilespmem:s18], [sflag:$0x3], $0x80, s30, s17, $0xb8;
	[tilespmem:$0x1E400] =	vst v63  }
0x3c: {  	_ =	swait.ge [sflag:s15], $0x4000  }
0x3d: {  	[sflag:s15] =	ssyncset.done $0x0  }
0x3e: {  	s30 =	sadd.s32 $0x100, s29;
	[sflag:s15] =	ssyncadd.s32 $0xFFFFC000  }
0x3f: {  	[tilespmem:s18], [sflag:$0x1] =	stream.indirect.gather [hbm4b:s4+s17], $0x80, s30, s17, $0xb8;
	[tilespmem:$0x1E400] =	vst v63  }
0x40: {  	_ =	swait.ge [sflag:s21], $0x4000  }
0x41: {  	[sflag:s21] =	ssyncset.done $0x0  }
.Ltmp0:
0x42: {  	s30 =	sadd.s32 $0x1480, s29;
	[sflag:s21] =	ssyncadd.s32 $0xFFFFC000;
	(pc) =	sbr.rel @p1 .LBB2_2-.Ltmp0, $4  }
0x43: {  	[spmem:s2] =	stream.indirect.scatter.add.f32 [tilespmem:s19], [sflag:$0x3], $0x80, s30, s17, $0xb8;
	[tilespmem:$0x1E400] =	vst v63  }
0x44: {  	_ =	swait.ge [sflag:s15], $0x4000  }
0x45: {  	[sflag:s15] =	ssyncset.done $0x0  }
0x46: {  	s29 =	sadd.s32 $0x180, s29;
	[sflag:s15] =	ssyncadd.s32 $0xFFFFC000  }
0x47: {  	[tilespmem:s19], [sflag:$0x2] =	stream.indirect.gather [hbm4b:s4+s17], $0x80, s29, s17, $0xb8;
	[tilespmem:$0x1E400] =	vst v63  }
0x48: {  	_ =	swait.ge [sflag:s20], $0x4000  }
0x49: {  	[sflag:s20] =	ssyncset.done $0x0  }
0x4a: {  	[sflag:s20] =	ssyncadd.s32 $0xFFFFC000  }
0x4b: {  	[spmem:s2] =	stream.indirect.scatter.add.f32 [tilespmem:s18], [sflag:$0x3], $0x80, s22, s17, $0xb8;
	[tilespmem:$0x1E400] =	vst v63  }
0x4c: {  	_ =	swait.ge [sflag:s15], $0x4000  }
0x4d: {  	[sflag:s15] =	ssyncset.done $0x0  }
0x4e: {  	[sflag:s15] =	ssyncadd.s32 $0xFFFFC000  }
0x4f: {  	_ =	swait.ge [sflag:s21], $0x4000  }
0x50: {  	[sflag:s21] =	ssyncset.done $0x0  }
0x51: {  	[sflag:s21] =	ssyncadd.s32 $0xFFFFC000  }
0x52: {  	[spmem:s2] =	stream.indirect.scatter.add.f32 [tilespmem:s19], [sflag:$0x3], $0x80, s23, s17, $0xb8;
	[tilespmem:$0x1E400] =	vst v63  }
0x53: {  	_ =	swait.ge [sflag:s15], $0x4000  }
0x54: {  	[sflag:s15] =	ssyncset.done $0x0  }
0x55: {  	s28 =	simm.s32 $0x0;
	[sflag:s15] =	ssyncadd.s32 $0xFFFFC000  }
0x56: {  	[tilespmem:s28], [sflag:$0x3] =	stream.linear.gather [hbm4b:s9+s28], $0x1400, $0x38;
	[tilespmem:$0x1E400] =	vst v63  }
0x57: {  	_ =	swait.ge [sflag:s15], $0x1400  }
0x58: {  	[sflag:s15] =	ssyncset.done $0x0  }
0x59: {  	[sflag:s15] =	ssyncadd.s32 $0xFFFFEC00  }
0x5a: {  	[tilespmem:s16], [sflag:$0x3] =	stream.linear.gather [hbm4b:s10+s28], $0x1400, $0x38;
	[tilespmem:$0x1E400] =	vst v63  }
0x5b: {  	_ =	swait.ge [sflag:s15], $0x1400  }
0x5c: {  	[sflag:s15] =	ssyncset.done $0x0  }
0x5d: {  	[sflag:s15] =	ssyncadd.s32 $0xFFFFEC00  }
0x5e: {  	[tilespmem:s18], [sflag:$0x1] =	stream.indirect.gather [hbm4b:s4+s17], $0x80, s28, s17, $0xb8;
	[tilespmem:$0x1E400] =	vst v63  }
0x5f: {  	_ = 	snop  }
0x60: {  	[tilespmem:s19], [sflag:$0x2] =	stream.indirect.gather [hbm4b:s4+s17], $0x80, s17, s17, $0xb8;
	[tilespmem:$0x1E400] =	vst v63  }
0x61: {  	_ =	swait.ge [sflag:s20], $0x4000  }
0x62: {  	[sflag:s20] =	ssyncset.done $0x0  }
0x63: {  	s28 =	simm.s32 $0x1400;
	[sflag:s20] =	ssyncadd.s32 $0xFFFFC000  }
0x64: {  	[spmem:s2] =	stream.indirect.scatter.add.f32 [tilespmem:s18], [sflag:$0x3], $0x80, s28, s17, $0xb8;
	[tilespmem:$0x1E400] =	vst v63  }
0x65: {  	_ =	swait.ge [sflag:s15], $0x4000  }
0x66: {  	[sflag:s15] =	ssyncset.done $0x0  }
0x67: {  	s28 =	simm.s32 $0x100;
	[sflag:s15] =	ssyncadd.s32 $0xFFFFC000  }
0x68: {  	[tilespmem:s18], [sflag:$0x1] =	stream.indirect.gather [hbm4b:s4+s17], $0x80, s28, s17, $0xb8;
	[tilespmem:$0x1E400] =	vst v63  }
0x69: {  	_ =	swait.ge [sflag:s21], $0x4000  }
0x6a: {  	[sflag:s21] =	ssyncset.done $0x0  }
0x6b: {  	s28 =	simm.s32 $0x1480;
	[sflag:s21] =	ssyncadd.s32 $0xFFFFC000  }
0x6c: {  	[spmem:s2] =	stream.indirect.scatter.add.f32 [tilespmem:s19], [sflag:$0x3], $0x80, s28, s17, $0xb8;
	[tilespmem:$0x1E400] =	vst v63  }
0x6d: {  	_ =	swait.ge [sflag:s15], $0x4000  }
0x6e: {  	[sflag:s15] =	ssyncset.done $0x0  }
0x6f: {  	s29 =	simm.s32 $0x180;
	s28 =	simm.s32 $0x400;
	[sflag:s15] =	ssyncadd.s32 $0xFFFFC000  }
.LBB2_4:
0x70: {  	[tilespmem:s19], [sflag:$0x2] =	stream.indirect.gather [hbm4b:s4+s17], $0x80, s29, s17, $0xb8;
	[tilespmem:$0x1E400] =	vst v63  }
0x71: {  	s29 =	smov.u32 s28  }
0x72: {  	p1 =	sne.s32 s28, $0x4800;
	s28 =	sadd.s32 $0x400, s28;
	_ =	swait.ge [sflag:s20], $0x4000  }
0x73: {  	s29 =	sshra.s32 s29, $0x2;
	[sflag:s20] =	ssyncset.done $0x0  }
0x74: {  	s30 =	sadd.s32 $0x1400, s29;
	[sflag:s20] =	ssyncadd.s32 $0xFFFFC000  }
0x75: {  	[spmem:s2] =	stream.indirect.scatter.add.f32 [tilespmem:s18], [sflag:$0x3], $0x80, s30, s17, $0xb8;
	[tilespmem:$0x1E400] =	vst v63  }
0x76: {  	_ =	swait.ge [sflag:s15], $0x4000  }
0x77: {  	[sflag:s15] =	ssyncset.done $0x0  }
0x78: {  	s30 =	sadd.s32 $0x100, s29;
	[sflag:s15] =	ssyncadd.s32 $0xFFFFC000  }
0x79: {  	[tilespmem:s18], [sflag:$0x1] =	stream.indirect.gather [hbm4b:s4+s17], $0x80, s30, s17, $0xb8;
	[tilespmem:$0x1E400] =	vst v63  }
0x7a: {  	_ =	swait.ge [sflag:s21], $0x4000  }
0x7b: {  	[sflag:s21] =	ssyncset.done $0x0  }
.Ltmp1:
0x7c: {  	s30 =	sadd.s32 $0x1480, s29;
	[sflag:s21] =	ssyncadd.s32 $0xFFFFC000;
	(pc) =	sbr.rel @p1 .LBB2_4-.Ltmp1, $4  }
0x7d: {  	[spmem:s2] =	stream.indirect.scatter.add.f32 [tilespmem:s19], [sflag:$0x3], $0x80, s30, s17, $0xb8;
	[tilespmem:$0x1E400] =	vst v63  }
0x7e: {  	_ =	swait.ge [sflag:s15], $0x4000  }
0x7f: {  	[sflag:s15] =	ssyncset.done $0x0  }
0x80: {  	s29 =	sadd.s32 $0x180, s29;
	[sflag:s15] =	ssyncadd.s32 $0xFFFFC000  }
0x81: {  	[tilespmem:s19], [sflag:$0x2] =	stream.indirect.gather [hbm4b:s4+s17], $0x80, s29, s17, $0xb8;
	[tilespmem:$0x1E400] =	vst v63  }
0x82: {  	_ =	swait.ge [sflag:s20], $0x4000  }
0x83: {  	[sflag:s20] =	ssyncset.done $0x0  }
0x84: {  	[sflag:s20] =	ssyncadd.s32 $0xFFFFC000  }
0x85: {  	[spmem:s2] =	stream.indirect.scatter.add.f32 [tilespmem:s18], [sflag:$0x3], $0x80, s22, s17, $0xb8;
	[tilespmem:$0x1E400] =	vst v63  }
0x86: {  	_ =	swait.ge [sflag:s15], $0x4000  }
0x87: {  	[sflag:s15] =	ssyncset.done $0x0  }
0x88: {  	[sflag:s15] =	ssyncadd.s32 $0xFFFFC000  }
0x89: {  	_ =	swait.ge [sflag:s21], $0x4000  }
0x8a: {  	[sflag:s21] =	ssyncset.done $0x0  }
0x8b: {  	[sflag:s21] =	ssyncadd.s32 $0xFFFFC000  }
0x8c: {  	[spmem:s2] =	stream.indirect.scatter.add.f32 [tilespmem:s19], [sflag:$0x3], $0x80, s23, s17, $0xb8;
	[tilespmem:$0x1E400] =	vst v63  }
0x8d: {  	_ =	swait.ge [sflag:s15], $0x4000  }
0x8e: {  	[sflag:s15] =	ssyncset.done $0x0  }
0x8f: {  	[sflag:s15] =	ssyncadd.s32 $0xFFFFC000  }
0x90: {  	s28 =	simm.s32 @p0 $0x3;
	[bflag:$0x0] =	sbarrier.arrive $0xFFFF  }
0x91: {  	[hbm:s12], [sflag:s6] =	dma.local @p0 [spmem:s24], $0x2800  }
0x92: {  	s26 =	sadd.s32 $0x1, s26;
	_ =	swait.ge @p0 [sflag:s28], $0x2800  }
0x93: {  	p1 =	sne.s32 s26, s13;
	[sflag:s28] =	ssyncset.done @p0 $0x0  }
.Ltmp2:
0x94: {  	[sflag:s28] =	ssyncadd.s32 @p0 $0xFFFFD800;
	s28 =	simm.s32 @!p0 $0x3;
	(pc) =	sbr.rel @p1 .LBB2_1-.Ltmp2, $4  }
0x95: {  	[hbm:s11], [sflag:s6] =	dma.local @!p0 [spmem:s25], $0x2700  }
0x96: {  	_ =	swait.ge @!p0 [sflag:s28], $0x2700  }
0x97: {  	[sflag:s28] =	ssyncset.done @!p0 $0x0  }
0x98: {  	[sflag:s28] =	ssyncadd.s32 @!p0 $0xFFFFD900  }
0x99: {  	_ =	sfence.sel $0x180000  }
0x9a: {  	[bflag:$0x0] =	sbarrier.arrive $0xFFFF  }
0x9b: {  	p0 =	sne.s32 s1, $0x0;
	_ =	strace $0x90000050  }
0x9c: {  	s0 =	sadd.s32 @!p0 $0x100000, s0;
	[bflag:$0x2] =	sbarrier.arrive $0xFFFF  }
0x9d: {  	[sflag:s0] =	ssyncadd.tile.s32 @!p0 $0x1;
	_ =	shalt  }
.Lfunc_end2:
_tile_overlayer_lowered:
.L_overlay_start_2:
0x9e: {  	(tag) =	ssettag $0x2  }
0x9f: {  	s0 =	rddreg [dreg:$0x0];
	s2 =	stileid.u32  }
0xa0: {  	s1 =	rddreg [dreg:$0x1];
	p0 =	sne.s32 s2, $0x0  }
0xa1: {  	s3 =	rddreg [dreg:$0x2];
	[bflag:$0x3] =	sbarrier.arrive $0xFFFF;
	s2 =	simm.s32 @!p0 $0x1C03  }
0xa2: {  	[timem:s3], [sflag:s2] =	dma.local @!p0 [hbm:s0], s1  }
0xa3: {  	s0 =	simm.s32 @!p0 $0x3  }
0xa4: {  	_ =	swait.ge @!p0 [sflag:s0], s1  }
0xa5: {  	s1 =	ssub.s32 @!p0 $0x0, s1;
	[sflag:s0] =	ssyncset.done @!p0 $0x0  }
0xa6: {  	[sflag:s0] =	ssyncadd.s32 @!p0 s1  }
0xa7: {  	[bflag:$0x3] =	sbarrier.arrive $0xFFFF  }
0xa8: {  	_ =	shalt  }

// kernel: kernel.25.cloned.1.call-start
scs
__scs_entry_jumppad:
0x0: {  	(pc) =	sbr.rel $0x88, $3  }
0x1: {  	(tag) =	ssettag $0x0;
	lr =	simm.s32 $0x1  }
0x2: {  	[smem:$0x3F7C] =	sst lr;
	_ =	strace $0xD0000000  }
0x3: {  	_ = 	snop  }
0x4: {  	_ = 	snop  }
0x5: {  	_ = 	snop  }
0x6: {  	_ = 	snop  }
0x7: {  	_ = 	snop  }
__scs_overlays_trampoline_lowered:
0x8: {  	[smem:$0x3F8B] =	sst s0  }
0x9: {  	[smem:$0x3F8C] =	sst s1  }
0xa: {  	[smem:$0x3F8D] =	sst s2  }
0xb: {  	[smem:$0x3F8E] =	sst s3  }
0xc: {  	[smem:$0x3F8F] =	sst s4  }
0xd: {  	[smem:$0x3F90] =	sst s5  }
0xe: {  	[smem:$0x3F91] =	sst s6  }
0xf: {  	[smem:$0x3F92] =	sst s7  }
0x10: {  	[smem:$0x3F93] =	sst s8  }
0x11: {  	[smem:$0x3F94] =	sst s9;
	s0 =	simm.s32 @!p0 $0x0  }
0x12: {  	s1 =	sld [smem:$0x3F7A];
	s0 =	simm.s32 @p0 $0x1  }
0x13: {  	[smem:$0x3F95] =	sst s0;
	s0 =	simm.s32 @!p1 $0x0  }
0x14: {  	s2 =	sld [smem:$0x3F79];
	s0 =	simm.s32 @p1 $0x1  }
0x15: {  	[smem:$0x3F96] =	sst s0;
	s0 =	simm.s32 @!p2 $0x0  }
0x16: {  	s3 =	sld [smem:$0x3FDB];
	s0 =	simm.s32 @p2 $0x1  }
0x17: {  	s4 =	simm.s32 $0x1BF5;
	[smem:$0x3F98] =	sst s0  }
0x18: {  	s0 =	sld [smem:$0x3F7B];
	_ =	swait.ge [sflag:s4], $0x0  }
0x19: {  	s7 =	sld [smem:$0x3F7C]  }
0x1a: {  	s8 =	sadd.s32 $0xFFFFE003, lr  }
0x1b: {  	s9 =	sadd.s32 $0xFFFFFEF7, lr;
	s5 =	simm.s32 $0xFFFFFFFF;
	p2 =	slt.u32 s8, $0xFFFFF086  }
0x1c: {  	p1 =	slt.u32 s9, $0xF7A;
	s5 =	simm.s32 @!p2 $0x0  }
0x1d: {  	s5 =	simm.s32 @p1 $0x1;
	p0 =	seq.s32 s7, s2  }
0x1e: {  	s7 =	smul.u32 @!p0 $0xF7A, s2;
	p2 =	seq.s32 @!p0 s5, $0x0  }
0x1f: {  	s9 =	smul.u32 $0xF7A, s1;
	s8 =	simm.s32 @!p0 $0x1BF5;
	p2 =	por !p2, p0  }
0x20: {  	[sflag:s8] =	ssyncset.s32 @!p0 $0xFFFFF086;
	s6 =	sadd.s32 @!p0 s3, s7;
	s7 =	simm.s32 @!p0 $0x108  }
0x21: {  	s3 =	sadd.s32 s3, s9;
	s6 =	sadd.s32 @!p0 $0x88, s6;
	s7 =	simm.s32 @p2 $0x1082  }
0x22: {  	[simem:s7], [sflag:s8] =	dma.local @!p0 [hbm:s6], $0xF7A  }
0x23: {  	s9 =	sor.u32 $0xD0000000, s2;
	s6 =	simm.s32 $0x108;
	_ =	swait.ge @!p0 [sflag:s8], $0x0  }
0x24: {  	s3 =	sadd.s32 $0x88, s3;
	s6 =	simm.s32 @!p1 $0x1082;
	[sflag:s4] =	ssyncset.s32 $0xFFFFF086  }
0x25: {  	[simem:s6], [sflag:s4] =	dma.local [hbm:s3], $0xF7A  }
0x26: {  	[smem:$0x3F7C] =	sst s1;
	(tag) =	ssettag s2;
	_ =	strace s9  }
0x27: {  	s1 =	sld [smem:$0x3F8C]  }
0x28: {  	s2 =	sld [smem:$0x3F8D]  }
0x29: {  	s4 =	sld [smem:$0x3F8F]  }
0x2a: {  	p0 =	seq.s32 s5, $0x0;
	s5 =	sld [smem:$0x3F90]  }
0x2b: {  	s6 =	sld [smem:$0x3F91]  }
0x2c: {  	s7 =	sld [smem:$0x3F92]  }
0x2d: {  	s3 =	simm.s32 $0x108;
	s8 =	sld [smem:$0x3F93]  }
0x2e: {  	s3 =	simm.s32 @!p0 $0x1082;
	s9 =	sld [smem:$0x3F94]  }
0x2f: {  	lr =	sadd.s32 s0, s3;
	s0 =	sld [smem:$0x3F8B]  }
0x30: {  	s3 =	sld [smem:$0x3F8E]  }
0x31: {  	[smem:$0x3F97] =	sst s10  }
0x32: {  	s10 =	sld [smem:$0x3F95];
	_ =	sdelay $0x3  }
0x33: {  	p0 =	seq.s32 s10, $0x1;
	s10 =	sld [smem:$0x3F97];
	_ =	sdelay $0x3  }
0x34: {  	[smem:$0x3F97] =	sst s10  }
0x35: {  	s10 =	sld [smem:$0x3F96];
	_ =	sdelay $0x3  }
0x36: {  	p1 =	seq.s32 s10, $0x1;
	s10 =	sld [smem:$0x3F97];
	_ =	sdelay $0x3  }
0x37: {  	[smem:$0x3F97] =	sst s10  }
0x38: {  	s10 =	sld [smem:$0x3F98]  }
0x39: {  	_ = 	snop;
	(pc) =	sbr.ind lr, $3  }
0x3a: {  	_ = 	snop  }
0x3b: {  	_ = 	snop  }
0x3c: {  	p2 =	seq.s32 s10, $0x1;
	s10 =	sld [smem:$0x3F97]  }
0x3d: {  	_ =	shalt  }
0x3e: {  	_ =	shalt  }
0x3f: {  	_ =	shalt  }
0x40: {  	_ =	shalt  }
0x41: {  	_ =	shalt  }
0x42: {  	_ =	shalt  }
0x43: {  	_ =	shalt  }
0x44: {  	_ =	shalt  }
0x45: {  	_ =	shalt  }
0x46: {  	_ =	shalt  }
0x47: {  	_ =	shalt  }
0x48: {  	_ =	shalt  }
0x49: {  	_ =	shalt  }
0x4a: {  	_ =	shalt  }
0x4b: {  	_ =	shalt  }
0x4c: {  	_ =	shalt  }
0x4d: {  	_ =	shalt  }
0x4e: {  	_ =	shalt  }
0x4f: {  	_ =	shalt  }
0x50: {  	_ =	shalt  }
0x51: {  	_ =	shalt  }
0x52: {  	_ =	shalt  }
0x53: {  	_ =	shalt  }
0x54: {  	_ =	shalt  }
0x55: {  	_ =	shalt  }
0x56: {  	_ =	shalt  }
0x57: {  	_ =	shalt  }
0x58: {  	_ =	shalt  }
0x59: {  	_ =	shalt  }
0x5a: {  	_ =	shalt  }
0x5b: {  	_ =	shalt  }
0x5c: {  	_ =	shalt  }
0x5d: {  	_ =	shalt  }
0x5e: {  	_ =	shalt  }
0x5f: {  	_ =	shalt  }
0x60: {  	_ =	shalt  }
0x61: {  	_ =	shalt  }
0x62: {  	_ =	shalt  }
0x63: {  	_ =	shalt  }
0x64: {  	_ =	shalt  }
0x65: {  	_ =	shalt  }
0x66: {  	_ =	shalt  }
0x67: {  	_ =	shalt  }
0x68: {  	_ =	shalt  }
0x69: {  	_ =	shalt  }
0x6a: {  	_ =	shalt  }
0x6b: {  	_ =	shalt  }
0x6c: {  	_ =	shalt  }
0x6d: {  	_ =	shalt  }
0x6e: {  	_ =	shalt  }
0x6f: {  	_ =	shalt  }
0x70: {  	_ =	shalt  }
0x71: {  	_ =	shalt  }
0x72: {  	_ =	shalt  }
0x73: {  	_ =	shalt  }
0x74: {  	_ =	shalt  }
0x75: {  	_ =	shalt  }
0x76: {  	_ =	shalt  }
0x77: {  	_ =	shalt  }
0x78: {  	_ =	shalt  }
0x79: {  	_ =	shalt  }
0x7a: {  	_ =	shalt  }
0x7b: {  	_ =	shalt  }
0x7c: {  	_ =	shalt  }
0x7d: {  	_ =	shalt  }
0x7e: {  	_ =	shalt  }
0x7f: {  	_ =	shalt  }
0x80: {  	_ =	shalt  }
0x81: {  	_ =	shalt  }
0x82: {  	_ =	shalt  }
0x83: {  	_ =	shalt  }
0x84: {  	_ =	shalt  }
0x85: {  	_ =	shalt  }
0x86: {  	_ =	shalt  }
0x87: {  	_ =	shalt  }
.Lfunc_end0:
.L_simem_size_0:
called_computation.4_lowered:
.L_overlay_start_0:
0x88: {  	s2 =	sld [smem:$0x3FD9]  }
0x89: {  	s3 =	sld [smem:$0x3FFE];
	_ =	sdelay $0x1  }
0x8a: {  	s1 =	srdreg.scid  }
0x8b: {  	s0 =	sand.u32 $0x1, s1  }
0x8c: {  	s16 =	sshll.u32 s0, $0xA;
	s2 =	sadd.s32 s3, s2  }
0x8d: {  	s2 =	sadd.s32 s2, s16  }
0x8e: {  	[smem:$0x3FA3] =	sst s2  }
0x8f: {  	_ = 	snop  }
0x90: {  	(tm) =	ssettm $0x1  }
0x91: {  	s17 =	sld [smem:$0x3FFB];
	_ =	sdelay $0x3  }
0x92: {  	_ =	strace s17  }
0x93: {  	s2 =	sld [smem:$0x3FFC];
	_ =	sdelay $0x3  }
0x94: {  	_ =	strace s2  }
0x95: {  	s2 =	sld [smem:$0x3FFD];
	_ =	sdelay $0x3  }
0x96: {  	_ =	strace s2  }
0x97: {  	_ =	strace $0x8FFFFFFF  }
0x98: {  	s18 =	sld [smem:$0x3FDB];
	_ =	sdelay $0x1  }
0x99: {  	s19 =	simm.s32 $_scs_section_size  }
0x9a: {  	s4 =	simm.s32 $_size__tile_overlayer_lowered;
	s5 =	simm.s32 $_tile_overlayer_lowered  }
0x9b: {  	s22 =	simm.s32 $0x1BFF;
	s21 =	sshll.u32 s5, $0x1;
	s2 =	sadd.s32 s19, s18  }
0x9c: {  	s6 =	simm.s32 $0x0;
	s20 =	sshll.u32 s4, $0x1;
	s4 =	sadd.s32 s21, s2  }
0x9d: {  	[timem:s6], [sflag:s22] =	dma.local [hbm:s4], s20  }
0x9e: {  	_ =	swait.ge [sflag:s22], s20  }
0x9f: {  	s3 =	ssub.s32 $0x0, s20;
	[sflag:s22] =	ssyncset.done $0x0  }
0xa0: {  	[sflag:s22] =	ssyncadd.s32 s3;
	_ =	sdelay $0x1  }
0xa1: {  	s23 =	simm.s32 $0x1B8B  }
0xa2: {  	_ =	swait.ge [sflag:s23], $0x1  }
0xa3: {  	[sflag:s23] =	ssyncset.done $0x0  }
0xa4: {  	s25 =	simm.s32 $0x1B8E;
	s24 =	sld [smem:$0x3FFE];
	[sflag:s23] =	ssyncadd.s32 $0xFFFFFFFF  }
0xa5: {  	s26 =	simm.s32 $execute0_lowered;
	[smem:$0x3FD2] =	sst s25  }
0xa6: {  	s4 =	sshll.u32 s26, $0x1;
	_ =	strace $0x80000052;
	[dreg:$0x1] =	wrdreg $0xFFFFFFFF  }
0xa7: {  	s28 =	simm.s32 $_size_execute0_lowered;
	s2 =	sadd.s32 s2, s4;
	[dreg:$0x0] =	wrdreg $0x0  }
0xa8: {  	s4 =	sshll.u32 s28, $0x1;
	[dreg:$0x2] =	wrdreg s2  }
0xa9: {  	[dreg:$0x3] =	wrdreg s4  }
0xaa: {  	[dreg:$0x4] =	wrdreg $0xC0  }
0xab: {  	_ =	task [dreg:s6], $0x5FFFF  }
0xac: {  	[dreg:$0x1] =	wrdreg $0xFFFFFFFF  }
0xad: {  	[dreg:$0x0] =	wrdreg $0x60  }
0xae: {  	[dreg:$0x2] =	wrdreg s24  }
0xaf: {  	[dreg:$0x3] =	wrdreg $0xA8000  }
0xb0: {  	[dreg:$0x4] =	wrdreg $0x9  }
0xb1: {  	_ =	task.clear_ibuf [dreg:s6], $0x5FFFF;
	_ =	strace $0x90000052  }
0xb2: {  	s29 =	simm.s32 $0x9;
	_ =	strace $0x80000054  }
0xb3: {  	_ =	swait.ge [sflag:s29], $0x1  }
0xb4: {  	[sflag:s29] =	ssyncadd.s32 $0xFFFFFFFF  }
0xb5: {  	_ =	strace $0x90000054  }
0xb6: {  	_ =	sfence  }
0xb7: {  	s30 =	sld [smem:$0x0];
	_ =	sdelay $0x2  }
0xb8: {  	s31 =	sshll.u32 s1, $0xD;
	s1 =	sshrl.u32 s1, $0x2  }
0xb9: {  	s3 =	sand.u32 $0x4000, s31;
	s1 =	sadd.s32 s1, s30  }
0xba: {  	s0 =	sor.u32 s3, s0;
	s1 =	sshll.u32 s1, $0x11  }
0xbb: {  	s0 =	sor.u32 s1, s0  }
0xbc: {  	s0 =	sadd.s32 $0x8F2B, s0  }
0xbd: {  	[sflag:s0] =	ssyncadd.remote.s32 $0x1  }
0xbe: {  	_ =	sfence.sel $0xFFFF  }
0xbf: {  	[dreg:$0x0] =	wrdreg $0xFFFFFFFF;
	(pc) =	sbr.abs _section_cstart, $3  }
0xc0: {  	[dreg:$0x1] =	wrdreg $0xFFFFFFFF  }
0xc1: {  	_ =	task.clear_ibuf [dreg:s6], $0x2FFFF;
	_ =	strace $0x9FFFFFFF  }
0xc2: {  	(tm) =	ssettm $0x7FFFFFFF  }
0xc3: {  	_ =	shalt  }
tec
execute0_lowered:
.L_overlay_start_1:
0x0: {  	(tag) =	ssettag $0x1  }
0x1: {  	s5 =	rddreg [dreg:$0x0]  }
0x2: {  	s2 =	rddreg [dreg:$0x1]  }
0x3: {  	s0 =	rddreg [dreg:$0x2]  }
0x4: {  	s3 =	simm.s32 $0x0;
	s1 =	stileid.u32;
	s7 =	srdreg.scid  }
0x5: {  	s18 =	simm.s32 $0x2800;
	s19 =	simm.s32 $0x6800;
	s20 =	simm.s32 $0x1  }
0x6: {  	s21 =	simm.s32 $0x2;
	s22 =	simm.s32 $0x2700;
	s23 =	simm.s32 $0x2780  }
0x7: {  	[smem:$0x7FF] =	sst s3;
	s4 =	sadd.s32 $0x42C00, s5;
	s6 =	smul.u32 $0x2780, s1  }
0x8: {  	s9 =	sadd.s32 $0x11400, s5;
	s10 =	sadd.s32 $0x7400, s5;
	s8 =	smul.u32 $0x4F000, s1  }
0x9: {  	s7 =	sand.u32 $0x1, s7;
	s12 =	sadd.s32 $0x69E00, s5;
	s16 =	smul.u32 $0x13800, s1  }
0xa: {  	s26 =	sshll.u32 s1, $0x6;
	s17 =	smul.u32 $0x4E000, s1;
	p0 =	seq.s32 s1, $0xF  }
0xb: {  	_ =	strace $0x80000053;
	s24 =	ssub.s32 $0x2, s7;
	s11 =	sshll.u32 s7, $0x4  }
0xc: {  	s28 =	smul.u32 $0x138800, s7;
	s6 =	sadd.s32 s6, s5;
	s13 =	sshrl.u32 s24, $0x1  }
0xd: {  	s8 =	sshrl.u32 s8, $0x2;
	s11 =	sor.u32 s1, s11;
	s31 =	sshrl.u32 s17, $0x2  }
0xe: {  	s17 =	simm.s32 $0x80;
	s13 =	ssub.s32 s24, s13;
	s14 =	sadd.s32 s8, s2  }
0xf: {  	s25 =	smul.u32 $0x2800, s11;
	s5 =	sadd.s32 $0x1B400, s6;
	s6 =	sor.u32 $0x1C03, s26  }
0x10: {  	s16 =	sadd.s32 s16, s28;
	s30 =	sshrl.u32 s28, $0x3;
	s24 =	sadd.s32 $0x124800, s2  }
0x11: {  	s26 =	simm.s32 $0x0;
	s29 =	sshrl.u32 s16, $0x3;
	s13 =	smax.u32 s13, $0x1  }
0x12: {  	s14 =	sshrl.u32 s14, $0x3;
	s16 =	simm.s32 $0x1400;
	s24 =	sshrl.u32 @p0 s24, $0x3  }
0x13: {  	s15 =	sshrl.u32 s25, $0x3;
	s11 =	sadd.s32 s12, s29;
	s12 =	sadd.s32 s12, s30  }
0x14: {  	s25 =	sadd.s32 s31, s2;
	s7 =	sadd.s32 s9, s15;
	s8 =	sadd.s32 s10, s15  }
0x15: {  	s15 =	sadd.s32 $0x280, s15;
	s12 =	sadd.s32 $0x24900, s12;
	s25 =	sshrl.u32 @!p0 s25, $0x3  }
0x16: {  	s9 =	sadd.s32 s9, s15;
	s10 =	sadd.s32 s10, s15;
	s15 =	simm.s32 $0x3  }
.LBB2_1:
0x17: {  	[spmem:s14], [sflag:s6] =	dma.local [hbm:s5], $0x2780  }
0x18: {  	_ =	swait.ge [sflag:s15], $0x2780  }
0x19: {  	[sflag:s15] =	ssyncset.done $0x0  }
0x1a: {  	[sflag:s15] =	ssyncadd.s32 $0xFFFFD880  }
0x1b: {  	[bflag:$0x0] =	sbarrier.arrive $0xFFFF  }
0x1c: {  	[tilespmem:s3], [sflag:$0x3] =	stream.linear.gather [hbm4b:s7+s3], $0x1400, $0x38;
	[tilespmem:$0x1E400] =	vst v63  }
0x1d: {  	_ =	swait.ge [sflag:s15], $0x1400  }
0x1e: {  	[sflag:s15] =	ssyncset.done $0x0  }
0x1f: {  	[sflag:s15] =	ssyncadd.s32 $0xFFFFEC00  }
0x20: {  	[tilespmem:s16], [sflag:$0x3] =	stream.linear.gather [hbm4b:s8+s3], $0x1400, $0x38;
	[tilespmem:$0x1E400] =	vst v63  }
0x21: {  	_ =	swait.ge [sflag:s15], $0x1400  }
0x22: {  	[sflag:s15] =	ssyncset.done $0x0  }
0x23: {  	[sflag:s15] =	ssyncadd.s32 $0xFFFFEC00  }
0x24: {  	[tilespmem:s18], [sflag:$0x1] =	stream.indirect.gather [hbm4b:s4+s17], $0x80, s3, s17, $0xb8;
	[tilespmem:$0x1E400] =	vst v63  }
0x25: {  	_ = 	snop  }
0x26: {  	[tilespmem:s19], [sflag:$0x2] =	stream.indirect.gather [hbm4b:s4+s17], $0x80, s17, s17, $0xb8;
	[tilespmem:$0x1E400] =	vst v63  }
0x27: {  	_ =	swait.ge [sflag:s20], $0x4000  }
0x28: {  	[sflag:s20] =	ssyncset.done $0x0  }
0x29: {  	s28 =	simm.s32 $0x1400;
	[sflag:s20] =	ssyncadd.s32 $0xFFFFC000  }
0x2a: {  	[spmem:s2] =	stream.indirect.scatter.add.f32 [tilespmem:s18], [sflag:$0x3], $0x80, s28, s17, $0xb8;
	[tilespmem:$0x1E400] =	vst v63  }
0x2b: {  	_ =	swait.ge [sflag:s15], $0x4000  }
0x2c: {  	[sflag:s15] =	ssyncset.done $0x0  }
0x2d: {  	s28 =	simm.s32 $0x100;
	[sflag:s15] =	ssyncadd.s32 $0xFFFFC000  }
0x2e: {  	[tilespmem:s18], [sflag:$0x1] =	stream.indirect.gather [hbm4b:s4+s17], $0x80, s28, s17, $0xb8;
	[tilespmem:$0x1E400] =	vst v63  }
0x2f: {  	_ =	swait.ge [sflag:s21], $0x4000  }
0x30: {  	[sflag:s21] =	ssyncset.done $0x0  }
0x31: {  	s28 =	simm.s32 $0x1480;
	[sflag:s21] =	ssyncadd.s32 $0xFFFFC000  }
0x32: {  	[spmem:s2] =	stream.indirect.scatter.add.f32 [tilespmem:s19], [sflag:$0x3], $0x80, s28, s17, $0xb8;
	[tilespmem:$0x1E400] =	vst v63  }
0x33: {  	_ =	swait.ge [sflag:s15], $0x4000  }
0x34: {  	[sflag:s15] =	ssyncset.done $0x0  }
0x35: {  	s29 =	simm.s32 $0x180;
	s28 =	simm.s32 $0x400;
	[sflag:s15] =	ssyncadd.s32 $0xFFFFC000  }
.LBB2_2:
0x36: {  	[tilespmem:s19], [sflag:$0x2] =	stream.indirect.gather [hbm4b:s4+s17], $0x80, s29, s17, $0xb8;
	[tilespmem:$0x1E400] =	vst v63  }
0x37: {  	s29 =	smov.u32 s28  }
0x38: {  	p1 =	sne.s32 s28, $0x4800;
	s28 =	sadd.s32 $0x400, s28;
	_ =	swait.ge [sflag:s20], $0x4000  }
0x39: {  	s29 =	sshra.s32 s29, $0x2;
	[sflag:s20] =	ssyncset.done $0x0  }
0x3a: {  	s30 =	sadd.s32 $0x1400, s29;
	[sflag:s20] =	ssyncadd.s32 $0xFFFFC000  }
0x3b: {  	[spmem:s2] =	stream.indirect.scatter.add.f32 [tilespmem:s18], [sflag:$0x3], $0x80, s30, s17, $0xb8;
	[tilespmem:$0x1E400] =	vst v63  }
0x3c: {  	_ =	swait.ge [sflag:s15], $0x4000  }
0x3d: {  	[sflag:s15] =	ssyncset.done $0x0  }
0x3e: {  	s30 =	sadd.s32 $0x100, s29;
	[sflag:s15] =	ssyncadd.s32 $0xFFFFC000  }
0x3f: {  	[tilespmem:s18], [sflag:$0x1] =	stream.indirect.gather [hbm4b:s4+s17], $0x80, s30, s17, $0xb8;
	[tilespmem:$0x1E400] =	vst v63  }
0x40: {  	_ =	swait.ge [sflag:s21], $0x4000  }
0x41: {  	[sflag:s21] =	ssyncset.done $0x0  }
.Ltmp0:
0x42: {  	s30 =	sadd.s32 $0x1480, s29;
	[sflag:s21] =	ssyncadd.s32 $0xFFFFC000;
	(pc) =	sbr.rel @p1 .LBB2_2-.Ltmp0, $4  }
0x43: {  	[spmem:s2] =	stream.indirect.scatter.add.f32 [tilespmem:s19], [sflag:$0x3], $0x80, s30, s17, $0xb8;
	[tilespmem:$0x1E400] =	vst v63  }
0x44: {  	_ =	swait.ge [sflag:s15], $0x4000  }
0x45: {  	[sflag:s15] =	ssyncset.done $0x0  }
0x46: {  	s29 =	sadd.s32 $0x180, s29;
	[sflag:s15] =	ssyncadd.s32 $0xFFFFC000  }
0x47: {  	[tilespmem:s19], [sflag:$0x2] =	stream.indirect.gather [hbm4b:s4+s17], $0x80, s29, s17, $0xb8;
	[tilespmem:$0x1E400] =	vst v63  }
0x48: {  	_ =	swait.ge [sflag:s20], $0x4000  }
0x49: {  	[sflag:s20] =	ssyncset.done $0x0  }
0x4a: {  	[sflag:s20] =	ssyncadd.s32 $0xFFFFC000  }
0x4b: {  	[spmem:s2] =	stream.indirect.scatter.add.f32 [tilespmem:s18], [sflag:$0x3], $0x80, s22, s17, $0xb8;
	[tilespmem:$0x1E400] =	vst v63  }
0x4c: {  	_ =	swait.ge [sflag:s15], $0x4000  }
0x4d: {  	[sflag:s15] =	ssyncset.done $0x0  }
0x4e: {  	[sflag:s15] =	ssyncadd.s32 $0xFFFFC000  }
0x4f: {  	_ =	swait.ge [sflag:s21], $0x4000  }
0x50: {  	[sflag:s21] =	ssyncset.done $0x0  }
0x51: {  	[sflag:s21] =	ssyncadd.s32 $0xFFFFC000  }
0x52: {  	[spmem:s2] =	stream.indirect.scatter.add.f32 [tilespmem:s19], [sflag:$0x3], $0x80, s23, s17, $0xb8;
	[tilespmem:$0x1E400] =	vst v63  }
0x53: {  	_ =	swait.ge [sflag:s15], $0x4000  }
0x54: {  	[sflag:s15] =	ssyncset.done $0x0  }
0x55: {  	s28 =	simm.s32 $0x0;
	[sflag:s15] =	ssyncadd.s32 $0xFFFFC000  }
0x56: {  	[tilespmem:s28], [sflag:$0x3] =	stream.linear.gather [hbm4b:s9+s28], $0x1400, $0x38;
	[tilespmem:$0x1E400] =	vst v63  }
0x57: {  	_ =	swait.ge [sflag:s15], $0x1400  }
0x58: {  	[sflag:s15] =	ssyncset.done $0x0  }
0x59: {  	[sflag:s15] =	ssyncadd.s32 $0xFFFFEC00  }
0x5a: {  	[tilespmem:s16], [sflag:$0x3] =	stream.linear.gather [hbm4b:s10+s28], $0x1400, $0x38;
	[tilespmem:$0x1E400] =	vst v63  }
0x5b: {  	_ =	swait.ge [sflag:s15], $0x1400  }
0x5c: {  	[sflag:s15] =	ssyncset.done $0x0  }
0x5d: {  	[sflag:s15] =	ssyncadd.s32 $0xFFFFEC00  }
0x5e: {  	[tilespmem:s18], [sflag:$0x1] =	stream.indirect.gather [hbm4b:s4+s17], $0x80, s28, s17, $0xb8;
	[tilespmem:$0x1E400] =	vst v63  }
0x5f: {  	_ = 	snop  }
0x60: {  	[tilespmem:s19], [sflag:$0x2] =	stream.indirect.gather [hbm4b:s4+s17], $0x80, s17, s17, $0xb8;
	[tilespmem:$0x1E400] =	vst v63  }
0x61: {  	_ =	swait.ge [sflag:s20], $0x4000  }
0x62: {  	[sflag:s20] =	ssyncset.done $0x0  }
0x63: {  	s28 =	simm.s32 $0x1400;
	[sflag:s20] =	ssyncadd.s32 $0xFFFFC000  }
0x64: {  	[spmem:s2] =	stream.indirect.scatter.add.f32 [tilespmem:s18], [sflag:$0x3], $0x80, s28, s17, $0xb8;
	[tilespmem:$0x1E400] =	vst v63  }
0x65: {  	_ =	swait.ge [sflag:s15], $0x4000  }
0x66: {  	[sflag:s15] =	ssyncset.done $0x0  }
0x67: {  	s28 =	simm.s32 $0x100;
	[sflag:s15] =	ssyncadd.s32 $0xFFFFC000  }
0x68: {  	[tilespmem:s18], [sflag:$0x1] =	stream.indirect.gather [hbm4b:s4+s17], $0x80, s28, s17, $0xb8;
	[tilespmem:$0x1E400] =	vst v63  }
0x69: {  	_ =	swait.ge [sflag:s21], $0x4000  }
0x6a: {  	[sflag:s21] =	ssyncset.done $0x0  }
0x6b: {  	s28 =	simm.s32 $0x1480;
	[sflag:s21] =	ssyncadd.s32 $0xFFFFC000  }
0x6c: {  	[spmem:s2] =	stream.indirect.scatter.add.f32 [tilespmem:s19], [sflag:$0x3], $0x80, s28, s17, $0xb8;
	[tilespmem:$0x1E400] =	vst v63  }
0x6d: {  	_ =	swait.ge [sflag:s15], $0x4000  }
0x6e: {  	[sflag:s15] =	ssyncset.done $0x0  }
0x6f: {  	s29 =	simm.s32 $0x180;
	s28 =	simm.s32 $0x400;
	[sflag:s15] =	ssyncadd.s32 $0xFFFFC000  }
.LBB2_4:
0x70: {  	[tilespmem:s19], [sflag:$0x2] =	stream.indirect.gather [hbm4b:s4+s17], $0x80, s29, s17, $0xb8;
	[tilespmem:$0x1E400] =	vst v63  }
0x71: {  	s29 =	smov.u32 s28  }
0x72: {  	p1 =	sne.s32 s28, $0x4800;
	s28 =	sadd.s32 $0x400, s28;
	_ =	swait.ge [sflag:s20], $0x4000  }
0x73: {  	s29 =	sshra.s32 s29, $0x2;
	[sflag:s20] =	ssyncset.done $0x0  }
0x74: {  	s30 =	sadd.s32 $0x1400, s29;
	[sflag:s20] =	ssyncadd.s32 $0xFFFFC000  }
0x75: {  	[spmem:s2] =	stream.indirect.scatter.add.f32 [tilespmem:s18], [sflag:$0x3], $0x80, s30, s17, $0xb8;
	[tilespmem:$0x1E400] =	vst v63  }
0x76: {  	_ =	swait.ge [sflag:s15], $0x4000  }
0x77: {  	[sflag:s15] =	ssyncset.done $0x0  }
0x78: {  	s30 =	sadd.s32 $0x100, s29;
	[sflag:s15] =	ssyncadd.s32 $0xFFFFC000  }
0x79: {  	[tilespmem:s18], [sflag:$0x1] =	stream.indirect.gather [hbm4b:s4+s17], $0x80, s30, s17, $0xb8;
	[tilespmem:$0x1E400] =	vst v63  }
0x7a: {  	_ =	swait.ge [sflag:s21], $0x4000  }
0x7b: {  	[sflag:s21] =	ssyncset.done $0x0  }
.Ltmp1:
0x7c: {  	s30 =	sadd.s32 $0x1480, s29;
	[sflag:s21] =	ssyncadd.s32 $0xFFFFC000;
	(pc) =	sbr.rel @p1 .LBB2_4-.Ltmp1, $4  }
0x7d: {  	[spmem:s2] =	stream.indirect.scatter.add.f32 [tilespmem:s19], [sflag:$0x3], $0x80, s30, s17, $0xb8;
	[tilespmem:$0x1E400] =	vst v63  }
0x7e: {  	_ =	swait.ge [sflag:s15], $0x4000  }
0x7f: {  	[sflag:s15] =	ssyncset.done $0x0  }
0x80: {  	s29 =	sadd.s32 $0x180, s29;
	[sflag:s15] =	ssyncadd.s32 $0xFFFFC000  }
0x81: {  	[tilespmem:s19], [sflag:$0x2] =	stream.indirect.gather [hbm4b:s4+s17], $0x80, s29, s17, $0xb8;
	[tilespmem:$0x1E400] =	vst v63  }
0x82: {  	_ =	swait.ge [sflag:s20], $0x4000  }
0x83: {  	[sflag:s20] =	ssyncset.done $0x0  }
0x84: {  	[sflag:s20] =	ssyncadd.s32 $0xFFFFC000  }
0x85: {  	[spmem:s2] =	stream.indirect.scatter.add.f32 [tilespmem:s18], [sflag:$0x3], $0x80, s22, s17, $0xb8;
	[tilespmem:$0x1E400] =	vst v63  }
0x86: {  	_ =	swait.ge [sflag:s15], $0x4000  }
0x87: {  	[sflag:s15] =	ssyncset.done $0x0  }
0x88: {  	[sflag:s15] =	ssyncadd.s32 $0xFFFFC000  }
0x89: {  	_ =	swait.ge [sflag:s21], $0x4000  }
0x8a: {  	[sflag:s21] =	ssyncset.done $0x0  }
0x8b: {  	[sflag:s21] =	ssyncadd.s32 $0xFFFFC000  }
0x8c: {  	[spmem:s2] =	stream.indirect.scatter.add.f32 [tilespmem:s19], [sflag:$0x3], $0x80, s23, s17, $0xb8;
	[tilespmem:$0x1E400] =	vst v63  }
0x8d: {  	_ =	swait.ge [sflag:s15], $0x4000  }
0x8e: {  	[sflag:s15] =	ssyncset.done $0x0  }
0x8f: {  	[sflag:s15] =	ssyncadd.s32 $0xFFFFC000  }
0x90: {  	s28 =	simm.s32 @p0 $0x3;
	[bflag:$0x0] =	sbarrier.arrive $0xFFFF  }
0x91: {  	[hbm:s12], [sflag:s6] =	dma.local @p0 [spmem:s24], $0x2800  }
0x92: {  	s26 =	sadd.s32 $0x1, s26;
	_ =	swait.ge @p0 [sflag:s28], $0x2800  }
0x93: {  	p1 =	sne.s32 s26, s13;
	[sflag:s28] =	ssyncset.done @p0 $0x0  }
.Ltmp2:
0x94: {  	[sflag:s28] =	ssyncadd.s32 @p0 $0xFFFFD800;
	s28 =	simm.s32 @!p0 $0x3;
	(pc) =	sbr.rel @p1 .LBB2_1-.Ltmp2, $4  }
0x95: {  	[hbm:s11], [sflag:s6] =	dma.local @!p0 [spmem:s25], $0x2700  }
0x96: {  	_ =	swait.ge @!p0 [sflag:s28], $0x2700  }
0x97: {  	[sflag:s28] =	ssyncset.done @!p0 $0x0  }
0x98: {  	[sflag:s28] =	ssyncadd.s32 @!p0 $0xFFFFD900  }
0x99: {  	_ =	sfence.sel $0x180000  }
0x9a: {  	[bflag:$0x0] =	sbarrier.arrive $0xFFFF  }
0x9b: {  	p0 =	sne.s32 s1, $0x0;
	_ =	strace $0x90000053  }
0x9c: {  	s0 =	sadd.s32 @!p0 $0x100000, s0;
	[bflag:$0x2] =	sbarrier.arrive $0xFFFF  }
0x9d: {  	[sflag:s0] =	ssyncadd.tile.s32 @!p0 $0x1;
	_ =	shalt  }
.Lfunc_end2:
_tile_overlayer_lowered:
.L_overlay_start_2:
0x9e: {  	(tag) =	ssettag $0x2  }
0x9f: {  	s0 =	rddreg [dreg:$0x0];
	s2 =	stileid.u32  }
0xa0: {  	s1 =	rddreg [dreg:$0x1];
	p0 =	sne.s32 s2, $0x0  }
0xa1: {  	s3 =	rddreg [dreg:$0x2];
	[bflag:$0x3] =	sbarrier.arrive $0xFFFF;
	s2 =	simm.s32 @!p0 $0x1C03  }
0xa2: {  	[timem:s3], [sflag:s2] =	dma.local @!p0 [hbm:s0], s1  }
0xa3: {  	s0 =	simm.s32 @!p0 $0x3  }
0xa4: {  	_ =	swait.ge @!p0 [sflag:s0], s1  }
0xa5: {  	s1 =	ssub.s32 @!p0 $0x0, s1;
	[sflag:s0] =	ssyncset.done @!p0 $0x0  }
0xa6: {  	[sflag:s0] =	ssyncadd.s32 @!p0 s1  }
0xa7: {  	[bflag:$0x3] =	sbarrier.arrive $0xFFFF  }
0xa8: {  	_ =	shalt  }

</sc_bundles>
